<compile_context>
chip_gen: v7x
topology: tpu7x:2x2x1
jax: 0.10.2.dev20260603
libtpu: 0.0.44.dev20260713+nightly
codegen_flags: <defaults>
</compile_context>

<pallas_src>
import jax
import jax.numpy as jnp
from jax import lax
from jax.experimental import pallas as pl
from jax.experimental.pallas import tpu as pltpu
from jax.experimental.pallas import tpu_sc as plsc

NC = 2
NS = 16
NW = NC * NS



def _gather_body(cidx_hbm, mem_hbm, proto_hbm, gmem_hbm, gproto_hbm,
                 idx_v, membuf, protobuf, sem):
    c = lax.axis_index("c")
    s = lax.axis_index("s")
    w = s * NC + c
    per_w = idx_v.shape[0] * idx_v.shape[1]
    ch_n = idx_v.shape[0]
    base = w * per_w
    pltpu.sync_copy(cidx_hbm.at[w], idx_v)
    for ch in range(ch_n):
        row0 = base + ch * idx_v.shape[1]
        pltpu.async_copy(mem_hbm.at[idx_v.at[ch]], membuf, sem).wait()
        pltpu.sync_copy(membuf, gmem_hbm.at[pl.ds(row0, idx_v.shape[1])])
        pltpu.async_copy(proto_hbm.at[idx_v.at[ch]], protobuf, sem).wait()
        pltpu.sync_copy(protobuf, gproto_hbm.at[pl.ds(row0, idx_v.shape[1])])


def _sc_gather(c_idx, raw_memory, proto2d):
    twoB = c_idx.shape[0]
    N, D = raw_memory.shape
    KD = proto2d.shape[1]
    per_w = twoB // NW
    cidx3 = c_idx.reshape(NW, per_w // 128, 128)
    mesh = plsc.VectorSubcoreMesh(core_axis_name="c", subcore_axis_name="s")
    return pl.kernel(
        _gather_body,
        name="scgather",
        out_type=(jax.ShapeDtypeStruct((twoB, D), jnp.float32),
                  jax.ShapeDtypeStruct((twoB, KD), jnp.float32)),
        mesh=mesh,
        scratch_types=[
            pltpu.VMEM((per_w // 128, 128), jnp.int32),
            pltpu.VMEM((128, D), jnp.float32),
            pltpu.VMEM((128, KD), jnp.float32),
            pltpu.SemaphoreType.DMA,
        ],
    )(cidx3, raw_memory, proto2d)



def _ln(x, g, b):
    m = jnp.mean(x, axis=-1, keepdims=True)
    v = jnp.mean((x - m) ** 2, axis=-1, keepdims=True)
    return (x - m) / jnp.sqrt(v + 1e-5) * g + b


def _dense_body(edge_ref, time_ref, gmem_ref, gproto_ref, WeT_ref, be_ref,
                tw_ref, tb_ref, WqmT_ref, WqeT_ref, WqtT_ref, bq_ref,
                wgm_ref, wgc_ref, wgt_ref, bg_ref, temp_ref,
                lng_ref, lnb_ref, plng_ref, plnb_ref, u_ref):
    D = gmem_ref.shape[-1]
    K = gproto_ref.shape[-1] // D

    t = time_ref[...]
    te = jnp.cos(t * tw_ref[...] + tb_ref[...])

    ep = lax.dot(edge_ref[...], WeT_ref[...],
                 precision=lax.Precision.HIGHEST,
                 preferred_element_type=jnp.float32) + be_ref[...]
    nrm = jnp.sqrt(jnp.sum(ep * ep, axis=-1, keepdims=True))
    ep = ep / (nrm + 1e-8) * 10.0
    ep = jnp.clip(ep, -10.0, 10.0)

    ep_q = lax.dot(ep, WqeT_ref[...], precision=lax.Precision.HIGHEST,
                   preferred_element_type=jnp.float32)
    te_q = lax.dot(te, WqtT_ref[...], precision=lax.Precision.HIGHEST,
                   preferred_element_type=jnp.float32)
    te_g = jnp.sum(te * wgt_ref[...], axis=-1, keepdims=True)

    lng, lnb = lng_ref[...], lnb_ref[...]
    temp = jnp.clip(temp_ref[0, 0], 0.05, 2.0) + 1e-6

    for side in range(2):
        mem = gmem_ref[side]
        proto = gproto_ref[side]

        qi = (lax.dot(mem, WqmT_ref[...], precision=lax.Precision.HIGHEST,
                      preferred_element_type=jnp.float32)
              + ep_q + te_q + bq_ref[...])
        q = jnp.tanh(_ln(qi, lng, lnb))
        qn = q / jnp.maximum(
            jnp.sqrt(jnp.sum(q * q, axis=-1, keepdims=True)), 1e-12)

        sims = []
        pks = []
        for k in range(K):
            pk = _ln(proto[:, k * D:(k + 1) * D], plng_ref[...], plnb_ref[...])
            pks.append(pk)
            pn = pk / jnp.maximum(
                jnp.sqrt(jnp.sum(pk * pk, axis=-1, keepdims=True)), 1e-12)
            sims.append(jnp.sum(qn * pn, axis=-1, keepdims=True))
        sim = jnp.concatenate(sims, axis=-1) / temp
        sim = sim - jnp.max(sim, axis=-1, keepdims=True)
        e = jnp.exp(sim)
        attn = e / jnp.sum(e, axis=-1, keepdims=True)

        cand = attn[:, 0:1] * pks[0]
        for k in range(1, K):
            cand = cand + attn[:, k:k + 1] * pks[k]
        cand = jnp.clip(cand, -5.0, 5.0)

        g = (jnp.sum(jnp.clip(mem, -100.0, 100.0) * wgm_ref[...],
                     axis=-1, keepdims=True)
             + jnp.sum(cand * wgc_ref[...], axis=-1, keepdims=True)
             + te_g + bg_ref[0, 0])
        gate = 1.0 / (1.0 + jnp.exp(-g))

        upd = (1.0 - gate) * mem + gate * cand
        u_ref[side] = jnp.clip(_ln(upd, lng, lnb), -50.0, 50.0)


def _dense_phase(edge_features, time2d, gmem, gproto, WeT, be, tw, tb,
                 WqmT, WqeT, WqtT, bq, wgm, wgc, wgt, bg, temperature,
                 ln_g, ln_b, pln_g, pln_b, R=512):
    Bp = edge_features.shape[0]
    D = gmem.shape[-1]
    KD = gproto.shape[-1]
    grid = Bp // R
    full = lambda shape: pl.BlockSpec(shape, lambda i: (0,) * len(shape))
    return pl.pallas_call(
        _dense_body,
        grid=(grid,),
        in_specs=[
            pl.BlockSpec((R, edge_features.shape[1]), lambda i: (i, 0)),
            pl.BlockSpec((R, 1), lambda i: (i, 0)),
            pl.BlockSpec((2, R, D), lambda i: (0, i, 0)),
            pl.BlockSpec((2, R, KD), lambda i: (0, i, 0)),
            full((64, 128)), full((1, 128)), full((1, 64)), full((1, 64)),
            full((128, 128)), full((128, 128)), full((64, 128)),
            full((1, 128)), full((1, 128)), full((1, 128)), full((1, 64)),
            full((1, 1)), full((1, 1)),
            full((1, 128)), full((1, 128)), full((1, 128)), full((1, 128)),
        ],
        out_specs=pl.BlockSpec((2, R, D), lambda i: (0, i, 0)),
        out_shape=jax.ShapeDtypeStruct((2, Bp, D), jnp.float32),
    )(edge_features, time2d, gmem, gproto, WeT, be, tw, tb,
      WqmT, WqeT, WqtT, bq, wgm, wgc, wgt, bg, temperature,
      ln_g, ln_b, pln_g, pln_b)



def _scatter_body(raw_hbm, u_hbm, cidx_hbm, jg_hbm, out_hbm,
                  cidx_sc, cidx_sc2, jg_sc, lcid, lj, idxbuf, jbuf,
                  rowbuf, sem):
    N = raw_hbm.shape[0]
    c = lax.axis_index("c")
    s = lax.axis_index("s")
    half = N // NC
    half_lo = c * half
    n_copy_chunks = half // 200
    n_vregs = 2 * cidx_sc.shape[0] * (cidx_sc.shape[1] // 16)

    for k in range(8):
        cid = s + NS * k

        @pl.when(cid < n_copy_chunks)
        def _():
            r0 = half_lo + cid * 200
            pltpu.sync_copy(raw_hbm.at[pl.ds(r0, 200)],
                            out_hbm.at[pl.ds(r0, 200)])
    plsc.subcore_barrier()

    pltpu.sync_copy(cidx_hbm.at[s * 2], cidx_sc)
    pltpu.sync_copy(cidx_hbm.at[s * 2 + 1], cidx_sc2)
    pltpu.sync_copy(jg_hbm.at[s], jg_sc)

    def scan_body(i, off):
        r = i // 8
        col = (i % 8) * 16
        cv = jnp.where(r < 8, cidx_sc.at[r % 8][pl.ds(col, 16)],
                       cidx_sc2.at[r % 8][pl.ds(col, 16)])
        jv = jg_sc.at[r][pl.ds(col, 16)]
        m = (cv >= half_lo) & (cv < half_lo + half)
        cnt = jnp.sum(m.astype(jnp.int32), axis=0)
        plsc.store_compressed(lcid.at[pl.ds(off, 16)], cv, mask=m)
        plsc.store_compressed(lj.at[pl.ds(off, 16)], jv, mask=m)
        return off + cnt

    count = lax.fori_loop(0, n_vregs, scan_body, jnp.int32(0))

    @pl.when(count > 0)
    def _():
        zeros16 = jnp.zeros((16,), jnp.int32)
        bc_c = lcid[pl.ds(0, 16)][zeros16]
        bc_j = lj[pl.ds(0, 16)][zeros16]
        lanes = lax.iota(jnp.int32, 16)
        nch = (count + 127) // 128

        def sc_chunk(ch, _):
            for v in range(8):
                off = ch * 128 + v * 16
                valid = (off + lanes) < count
                cv = jnp.where(valid, lcid[pl.ds(off, 16)], bc_c)
                jv = jnp.where(valid, lj[pl.ds(off, 16)], bc_j)
                idxbuf[pl.ds(v * 16, 16)] = cv
                jbuf[pl.ds(v * 16, 16)] = jv
            pltpu.async_copy(u_hbm.at[jbuf], rowbuf, sem).wait()
            pltpu.async_copy(rowbuf, out_hbm.at[idxbuf], sem).wait()
            return 0

        lax.fori_loop(0, nch, sc_chunk, 0)


def _sc_scatter(raw_memory, u_flat, c_idx, jgather):
    N, D = raw_memory.shape
    twoB = c_idx.shape[0]
    per_s = twoB // NS
    cap = twoB + 16
    mesh = plsc.VectorSubcoreMesh(core_axis_name="c", subcore_axis_name="s")
    return pl.kernel(
        _scatter_body,
        name="scscatter",
        out_type=jax.ShapeDtypeStruct((N, D), jnp.float32),
        mesh=mesh,
        compiler_params=pltpu.CompilerParams(needs_layout_passes=False),
        scratch_types=[
            pltpu.VMEM((per_s // 256, 128), jnp.int32),
            pltpu.VMEM((per_s // 256, 128), jnp.int32),
            pltpu.VMEM((per_s // 128, 128), jnp.int32),
            pltpu.VMEM((cap,), jnp.int32),
            pltpu.VMEM((cap,), jnp.int32),
            pltpu.VMEM((128,), jnp.int32),
            pltpu.VMEM((128,), jnp.int32),
            pltpu.VMEM((128, D), jnp.float32),
            pltpu.SemaphoreType.DMA,
        ],
    )(raw_memory, u_flat, c_idx.reshape(2 * NS, per_s // 256, 128),
      jgather.reshape(NS, per_s // 128, 128))



def kernel(source_nodes, target_nodes, edge_features, current_time,
           raw_memory, all_prototypes, We, be, tw, tb, Wq, bq, Wg, bg,
           temperature, ln_g, ln_b, pln_g, pln_b):
    N, D = raw_memory.shape
    B = source_nodes.shape[0]
    K = all_prototypes.shape[1]
    TD = tw.shape[0]

    c_idx = jnp.concatenate([source_nodes, target_nodes]).astype(jnp.int32)
    order = jnp.arange(2 * B, dtype=jnp.int32)
    ticket = jnp.zeros((N,), jnp.int32).at[c_idx].max(order)
    jgather = ticket[c_idx]

    proto2d = all_prototypes.reshape(N, K * D)
    gmem, gproto = _sc_gather(c_idx, raw_memory, proto2d)

    WeT = We.T
    WqmT = Wq[:, :D].T
    WqeT = Wq[:, D:2 * D].T
    WqtT = Wq[:, 2 * D:].T
    wgm = Wg[0, :D].reshape(1, D)
    wgc = Wg[0, D:2 * D].reshape(1, D)
    wgt = Wg[0, 2 * D:].reshape(1, TD)

    u = _dense_phase(
        edge_features, current_time.reshape(B, 1),
        gmem.reshape(2, B, D), gproto.reshape(2, B, K * D),
        WeT, be.reshape(1, D), tw.reshape(1, TD), tb.reshape(1, TD),
        WqmT, WqeT, WqtT, bq.reshape(1, D),
        wgm, wgc, wgt, bg.reshape(1, 1), temperature.reshape(1, 1),
        ln_g.reshape(1, D), ln_b.reshape(1, D),
        pln_g.reshape(1, D), pln_b.reshape(1, D))

    return _sc_scatter(raw_memory, u.reshape(2 * B, D), c_idx, jgather)

# --- scband reference (transcript-rebuilt; emitter-appended) ---
"""Pipeline reference for scband-stability-augmented-memory-12275016532654 (READ-ONLY COPY).

The authoritative reference and input builder live on the scoring server;
editing this copy changes nothing except your own understanding.
"""

import jax, jax.numpy as jnp
import numpy as np

N = 50000
D = 128
EF = 64
TD = 64
K = 5
B = 16384


def _ln(x, g, b):
    m = jnp.mean(x, axis=-1, keepdims=True)
    v = jnp.var(x, axis=-1, keepdims=True)
    return (x - m) / jnp.sqrt(v + 1e-5) * g + b


def setup_inputs(seed: int = 0):
    key = jax.random.key(seed)
    ks = jax.random.split(key, 20)
    inp = {}
    inp['source_nodes'] = jax.random.randint(ks[0], (B,), 0, N)
    inp['target_nodes'] = jax.random.randint(ks[1], (B,), 0, N)
    inp['edge_features'] = jax.random.normal(ks[2], (B, EF), dtype=jnp.float32)
    inp['current_time'] = jax.random.uniform(ks[3], (B,), dtype=jnp.float32) * 1000.0
    inp['raw_memory'] = jax.random.normal(ks[4], (N, D), dtype=jnp.float32) * 0.01
    inp['all_prototypes'] = jax.random.normal(ks[5], (N, K, D), dtype=jnp.float32) * 0.02
    inp['We'] = jax.random.normal(ks[6], (D, EF), dtype=jnp.float32) * (1.0 / np.sqrt(EF))
    inp['be'] = jnp.zeros((D,), jnp.float32)
    inp['tw'] = jax.random.normal(ks[7], (TD,), dtype=jnp.float32)
    inp['tb'] = jnp.zeros((TD,), jnp.float32)
    q_in = D + D + TD
    inp['Wq'] = jax.random.normal(ks[8], (D, q_in), dtype=jnp.float32) * (1.0 / np.sqrt(q_in))
    inp['bq'] = jnp.zeros((D,), jnp.float32)
    g_in = 2 * D + TD
    inp['Wg'] = jax.random.normal(ks[9], (1, g_in), dtype=jnp.float32) * (1.0 / np.sqrt(g_in))
    inp['bg'] = jnp.ones((1,), jnp.float32)
    inp['temperature'] = jnp.ones((1,), jnp.float32) * 0.1
    inp['ln_g'] = jnp.ones((D,), jnp.float32)
    inp['ln_b'] = jnp.zeros((D,), jnp.float32)
    inp['pln_g'] = jnp.ones((D,), jnp.float32)
    inp['pln_b'] = jnp.zeros((D,), jnp.float32)
    return inp


def _forward(source_nodes, target_nodes, edge_features, current_time, raw_memory, all_prototypes, We, be, tw, tb, Wq, bq, Wg, bg, temperature, ln_g, ln_b, pln_g, pln_b):
    # edge projection with norm rescale + clamp
    ep = edge_features @ We.T + be
    ep = ep / (jnp.linalg.norm(ep, axis=-1, keepdims=True) + 1e-8) * 10.0
    ep = jnp.clip(ep, -10.0, 10.0)
    # time encoding: cos(t*w + b)
    te = jnp.cos(current_time[:, None] * tw[None, :] + tb[None, :])

    def cell(mem, proto):
        qi = jnp.concatenate([mem, ep, te], axis=-1)
        q = jnp.tanh(_ln(qi @ Wq.T + bq, ln_g, ln_b))
        qn = q / jnp.maximum(jnp.linalg.norm(q, axis=-1, keepdims=True), 1e-12)
        pn = proto / jnp.maximum(jnp.linalg.norm(proto, axis=-1, keepdims=True), 1e-12)
        sim = jnp.einsum('bd,bkd->bk', qn, pn)
        temp = jnp.clip(temperature, 0.05, 2.0)
        sim = sim / (temp + 1e-6)
        attn = jax.nn.softmax(sim, axis=-1)
        cand = jnp.clip(jnp.einsum('bk,bkd->bd', attn, proto), -5.0, 5.0)
        gi = jnp.clip(jnp.concatenate([mem, cand, te], axis=-1), -100.0, 100.0)
        gate = jax.nn.sigmoid(gi @ Wg.T + bg)
        upd = (1.0 - gate) * mem + gate * cand
        return jnp.clip(_ln(upd, ln_g, ln_b), -50.0, 50.0)

    src_mem = raw_memory[source_nodes]
    tgt_mem = raw_memory[target_nodes]
    src_p = _ln(all_prototypes[source_nodes], pln_g, pln_b)
    tgt_p = _ln(all_prototypes[target_nodes], pln_g, pln_b)
    u_src = cell(src_mem, src_p)
    u_tgt = cell(tgt_mem, tgt_p)
    new_mem = raw_memory.at[source_nodes].set(u_src).at[target_nodes].set(u_tgt)
    return new_mem


def reference(source_nodes, target_nodes, edge_features, current_time, raw_memory, all_prototypes, We, be, tw, tb, Wq, bq, Wg, bg, temperature, ln_g, ln_b, pln_g, pln_b):
    return _forward(source_nodes, target_nodes, edge_features, current_time, raw_memory, all_prototypes, We, be, tw, tb, Wq, bq, Wg, bg, temperature, ln_g, ln_b, pln_g, pln_b)

if __name__ == "__main__":
    import jax
    _d = setup_inputs()
    print(jax.jit(kernel)(*tuple(_d.values())))

</pallas_src>

<mosaic_0001>
#map = affine_map<(d0, d1) -> (0, 0, 0)>
#map1 = affine_map<(d0, d1) -> (0, 0)>
module attributes {stable_mosaic.version = 14 : i64} {
  func.func @scgather(%arg0: i32, %arg1: i32, %arg2: memref<32x8x128xi32, #tpu.memory_space<hbm>>, %arg3: memref<50000x128xf32, #tpu.memory_space<hbm>>, %arg4: memref<50000x640xf32, #tpu.memory_space<hbm>>, %arg5: memref<32768x128xf32, #tpu.memory_space<hbm>>, %arg6: memref<32768x640xf32, #tpu.memory_space<hbm>>, %arg7: memref<8x128xi32, #tpu.memory_space<vmem>>, %arg8: memref<128x128xf32, #tpu.memory_space<vmem>>, %arg9: memref<128x640xf32, #tpu.memory_space<vmem>>, %arg10: memref<!tpu.dma_semaphore, #tpu.memory_space<semaphore_mem>>) attributes {dimension_semantics = [#tpu.dimension_semantics<core_parallel>, #tpu.dimension_semantics<subcore_parallel>], iteration_bounds = array<i64: 2, 16>, scalar_prefetch = 0 : i64, scratch_operands = 4 : i64, tpu.core_type = #tpu.core_type<sc_vector_subcore>, window_params = [{transform_indices = #map}, {transform_indices = #map1}, {transform_indices = #map1}, {transform_indices = #map1}, {transform_indices = #map1}]} {
    %mul3A = arith.constant 2 : i32
    %mul3A_0 = arith.muli %arg1, %mul3A : i32
    %add3A = arith.addi %mul3A_0, %arg0 : i32
    %mul3A_1 = arith.constant 1024 : i32
    %mul3A_2 = arith.muli %add3A, %mul3A_1 : i32
    "tpu.region"() ({
      %run_scoped3A = tpu.sem_alloc : memref<!tpu.dma_semaphore, #tpu.memory_space<semaphore_mem>>
      %dma_start3A_241 = arith.constant 0 : i32
      %dma_start3A_242 = arith.constant 0 : i32
      %dma_start3A_243 = tpu.memref_slice %arg2[%add3A, %dma_start3A_241, %dma_start3A_242] : memref<32x8x128xi32, #tpu.memory_space<hbm>> -> memref<1x8x128xi32, #tpu.memory_space<hbm>>
      %dma_start3A_244 = tpu.memref_squeeze %dma_start3A_243 : memref<1x8x128xi32, #tpu.memory_space<hbm>> -> memref<8x128xi32, #tpu.memory_space<hbm>>
      %dma_start3A_245 = arith.constant 0 : i32
      %dma_start3A_246 = arith.constant 0 : i32
      %dma_start3A_247 = tpu.memref_slice %arg2[%add3A, %dma_start3A_245, %dma_start3A_246] : memref<32x8x128xi32, #tpu.memory_space<hbm>> -> memref<1x8x128xi32, #tpu.memory_space<hbm>>
      %dma_start3A_248 = tpu.memref_squeeze %dma_start3A_247 : memref<1x8x128xi32, #tpu.memory_space<hbm>> -> memref<8x128xi32, #tpu.memory_space<hbm>>
      tpu.enqueue_dma source(%dma_start3A_248 : memref<8x128xi32, #tpu.memory_space<hbm>>) target(%arg7 : memref<8x128xi32, #tpu.memory_space<vmem>>) target_semaphore(%run_scoped3A : memref<!tpu.dma_semaphore, #tpu.memory_space<semaphore_mem>>)
      %dma_wait3A_249 = arith.constant 0 : i32
      %dma_wait3A_250 = arith.constant 0 : i32
      %dma_wait3A_251 = tpu.memref_slice %arg2[%add3A, %dma_wait3A_249, %dma_wait3A_250] : memref<32x8x128xi32, #tpu.memory_space<hbm>> -> memref<1x8x128xi32, #tpu.memory_space<hbm>>
      %dma_wait3A_252 = tpu.memref_squeeze %dma_wait3A_251 : memref<1x8x128xi32, #tpu.memory_space<hbm>> -> memref<8x128xi32, #tpu.memory_space<hbm>>
      %dma_wait3A_253 = arith.constant 0 : i32
      %dma_wait3A_254 = arith.constant 0 : i32
      %dma_wait3A_255 = tpu.memref_slice %arg2[%add3A, %dma_wait3A_253, %dma_wait3A_254] : memref<32x8x128xi32, #tpu.memory_space<hbm>> -> memref<1x8x128xi32, #tpu.memory_space<hbm>>
      %dma_wait3A_256 = tpu.memref_squeeze %dma_wait3A_255 : memref<1x8x128xi32, #tpu.memory_space<hbm>> -> memref<8x128xi32, #tpu.memory_space<hbm>>
      tpu.wait_dma2 semaphore(%run_scoped3A : memref<!tpu.dma_semaphore, #tpu.memory_space<semaphore_mem>>) src(%dma_wait3A_256 : memref<8x128xi32, #tpu.memory_space<hbm>>) dst(%arg7 : memref<8x128xi32, #tpu.memory_space<vmem>>)
      tpu.yield
    }) : () -> ()
    %add3A_3 = arith.constant 0 : i32
    %add3A_4 = arith.addi %mul3A_2, %add3A_3 : i32
    %dma_start3A = arith.constant 0 : i32
    %dma_start3A_5 = arith.constant 0 : i32
    %dma_start3A_6 = tpu.memref_slice %arg7[%dma_start3A, %dma_start3A_5] : memref<8x128xi32, #tpu.memory_space<vmem>> -> memref<1x128xi32, #tpu.memory_space<vmem>>
    %dma_start3A_7 = tpu.memref_squeeze %dma_start3A_6 : memref<1x128xi32, #tpu.memory_space<vmem>> -> memref<128xi32, #tpu.memory_space<vmem>>
    %dma_start3A_8 = arith.constant 0 : i32
    %dma_start3A_9 = arith.constant 0 : i32
    %dma_start3A_10 = tpu.memref_slice %arg3[%dma_start3A_8, %dma_start3A_9] : memref<50000x128xf32, #tpu.memory_space<hbm>> -> memref<50000x128xf32, #tpu.memory_space<hbm>>
    tpu.enqueue_indirect_dma source(%dma_start3A_10 : memref<50000x128xf32, #tpu.memory_space<hbm>>) target(%arg8 : memref<128x128xf32, #tpu.memory_space<vmem>>) offsets(%dma_start3A_7 : memref<128xi32, #tpu.memory_space<vmem>>) semaphore(%arg10 : memref<!tpu.dma_semaphore, #tpu.memory_space<semaphore_mem>>)
    %dma_wait3A = arith.constant 0 : i32
    %dma_wait3A_11 = arith.constant 0 : i32
    %dma_wait3A_12 = tpu.memref_slice %arg7[%dma_wait3A, %dma_wait3A_11] : memref<8x128xi32, #tpu.memory_space<vmem>> -> memref<1x128xi32, #tpu.memory_space<vmem>>
    %dma_wait3A_13 = tpu.memref_squeeze %dma_wait3A_12 : memref<1x128xi32, #tpu.memory_space<vmem>> -> memref<128xi32, #tpu.memory_space<vmem>>
    %dma_wait3A_14 = arith.constant 0 : i32
    %dma_wait3A_15 = arith.constant 0 : i32
    %dma_wait3A_16 = tpu.memref_slice %arg3[%dma_wait3A_14, %dma_wait3A_15] : memref<50000x128xf32, #tpu.memory_space<hbm>> -> memref<50000x128xf32, #tpu.memory_space<hbm>>
    tpu.wait_indirect_dma semaphore(%arg10 : memref<!tpu.dma_semaphore, #tpu.memory_space<semaphore_mem>>) src(%dma_wait3A_16 : memref<50000x128xf32, #tpu.memory_space<hbm>>) dst(%arg8 : memref<128x128xf32, #tpu.memory_space<vmem>>)
    "tpu.region"() ({
      %run_scoped3A = tpu.sem_alloc : memref<!tpu.dma_semaphore, #tpu.memory_space<semaphore_mem>>
      %dma_start3A_241 = arith.constant 0 : i32
      %dma_start3A_242 = tpu.memref_slice %arg5[%add3A_4, %dma_start3A_241] : memref<32768x128xf32, #tpu.memory_space<hbm>> -> memref<128x128xf32, #tpu.memory_space<hbm>>
      %dma_start3A_243 = arith.constant 0 : i32
      %dma_start3A_244 = tpu.memref_slice %arg5[%add3A_4, %dma_start3A_243] : memref<32768x128xf32, #tpu.memory_space<hbm>> -> memref<128x128xf32, #tpu.memory_space<hbm>>
      tpu.enqueue_dma source(%arg8 : memref<128x128xf32, #tpu.memory_space<vmem>>) target(%dma_start3A_244 : memref<128x128xf32, #tpu.memory_space<hbm>>) target_semaphore(%run_scoped3A : memref<!tpu.dma_semaphore, #tpu.memory_space<semaphore_mem>>)
      %dma_wait3A_245 = arith.constant 0 : i32
      %dma_wait3A_246 = tpu.memref_slice %arg5[%add3A_4, %dma_wait3A_245] : memref<32768x128xf32, #tpu.memory_space<hbm>> -> memref<128x128xf32, #tpu.memory_space<hbm>>
      %dma_wait3A_247 = arith.constant 0 : i32
      %dma_wait3A_248 = tpu.memref_slice %arg5[%add3A_4, %dma_wait3A_247] : memref<32768x128xf32, #tpu.memory_space<hbm>> -> memref<128x128xf32, #tpu.memory_space<hbm>>
      tpu.wait_dma2 semaphore(%run_scoped3A : memref<!tpu.dma_semaphore, #tpu.memory_space<semaphore_mem>>) src(%arg8 : memref<128x128xf32, #tpu.memory_space<vmem>>) dst(%dma_wait3A_248 : memref<128x128xf32, #tpu.memory_space<hbm>>)
      tpu.yield
    }) : () -> ()
    %dma_start3A_17 = arith.constant 0 : i32
    %dma_start3A_18 = arith.constant 0 : i32
    %dma_start3A_19 = tpu.memref_slice %arg7[%dma_start3A_17, %dma_start3A_18] : memref<8x128xi32, #tpu.memory_space<vmem>> -> memref<1x128xi32, #tpu.memory_space<vmem>>
    %dma_start3A_20 = tpu.memref_squeeze %dma_start3A_19 : memref<1x128xi32, #tpu.memory_space<vmem>> -> memref<128xi32, #tpu.memory_space<vmem>>
    %dma_start3A_21 = arith.constant 0 : i32
    %dma_start3A_22 = arith.constant 0 : i32
    %dma_start3A_23 = tpu.memref_slice %arg4[%dma_start3A_21, %dma_start3A_22] : memref<50000x640xf32, #tpu.memory_space<hbm>> -> memref<50000x640xf32, #tpu.memory_space<hbm>>
    tpu.enqueue_indirect_dma source(%dma_start3A_23 : memref<50000x640xf32, #tpu.memory_space<hbm>>) target(%arg9 : memref<128x640xf32, #tpu.memory_space<vmem>>) offsets(%dma_start3A_20 : memref<128xi32, #tpu.memory_space<vmem>>) semaphore(%arg10 : memref<!tpu.dma_semaphore, #tpu.memory_space<semaphore_mem>>)
    %dma_wait3A_24 = arith.constant 0 : i32
    %dma_wait3A_25 = arith.constant 0 : i32
    %dma_wait3A_26 = tpu.memref_slice %arg7[%dma_wait3A_24, %dma_wait3A_25] : memref<8x128xi32, #tpu.memory_space<vmem>> -> memref<1x128xi32, #tpu.memory_space<vmem>>
    %dma_wait3A_27 = tpu.memref_squeeze %dma_wait3A_26 : memref<1x128xi32, #tpu.memory_space<vmem>> -> memref<128xi32, #tpu.memory_space<vmem>>
    %dma_wait3A_28 = arith.constant 0 : i32
    %dma_wait3A_29 = arith.constant 0 : i32
    %dma_wait3A_30 = tpu.memref_slice %arg4[%dma_wait3A_28, %dma_wait3A_29] : memref<50000x640xf32, #tpu.memory_space<hbm>> -> memref<50000x640xf32, #tpu.memory_space<hbm>>
    tpu.wait_indirect_dma semaphore(%arg10 : memref<!tpu.dma_semaphore, #tpu.memory_space<semaphore_mem>>) src(%dma_wait3A_30 : memref<50000x640xf32, #tpu.memory_space<hbm>>) dst(%arg9 : memref<128x640xf32, #tpu.memory_space<vmem>>)
    "tpu.region"() ({
      %run_scoped3A = tpu.sem_alloc : memref<!tpu.dma_semaphore, #tpu.memory_space<semaphore_mem>>
      %dma_start3A_241 = arith.constant 0 : i32
      %dma_start3A_242 = tpu.memref_slice %arg6[%add3A_4, %dma_start3A_241] : memref<32768x640xf32, #tpu.memory_space<hbm>> -> memref<128x640xf32, #tpu.memory_space<hbm>>
      %dma_start3A_243 = arith.constant 0 : i32
      %dma_start3A_244 = tpu.memref_slice %arg6[%add3A_4, %dma_start3A_243] : memref<32768x640xf32, #tpu.memory_space<hbm>> -> memref<128x640xf32, #tpu.memory_space<hbm>>
      tpu.enqueue_dma source(%arg9 : memref<128x640xf32, #tpu.memory_space<vmem>>) target(%dma_start3A_244 : memref<128x640xf32, #tpu.memory_space<hbm>>) target_semaphore(%run_scoped3A : memref<!tpu.dma_semaphore, #tpu.memory_space<semaphore_mem>>)
      %dma_wait3A_245 = arith.constant 0 : i32
      %dma_wait3A_246 = tpu.memref_slice %arg6[%add3A_4, %dma_wait3A_245] : memref<32768x640xf32, #tpu.memory_space<hbm>> -> memref<128x640xf32, #tpu.memory_space<hbm>>
      %dma_wait3A_247 = arith.constant 0 : i32
      %dma_wait3A_248 = tpu.memref_slice %arg6[%add3A_4, %dma_wait3A_247] : memref<32768x640xf32, #tpu.memory_space<hbm>> -> memref<128x640xf32, #tpu.memory_space<hbm>>
      tpu.wait_dma2 semaphore(%run_scoped3A : memref<!tpu.dma_semaphore, #tpu.memory_space<semaphore_mem>>) src(%arg9 : memref<128x640xf32, #tpu.memory_space<vmem>>) dst(%dma_wait3A_248 : memref<128x640xf32, #tpu.memory_space<hbm>>)
      tpu.yield
    }) : () -> ()
    %add3A_31 = arith.constant 128 : i32
    %add3A_32 = arith.addi %mul3A_2, %add3A_31 : i32
    %dma_start3A_33 = arith.constant 1 : i32
    %dma_start3A_34 = arith.constant 0 : i32
    %dma_start3A_35 = tpu.memref_slice %arg7[%dma_start3A_33, %dma_start3A_34] : memref<8x128xi32, #tpu.memory_space<vmem>> -> memref<1x128xi32, #tpu.memory_space<vmem>>
    %dma_start3A_36 = tpu.memref_squeeze %dma_start3A_35 : memref<1x128xi32, #tpu.memory_space<vmem>> -> memref<128xi32, #tpu.memory_space<vmem>>
    %dma_start3A_37 = arith.constant 0 : i32
    %dma_start3A_38 = arith.constant 0 : i32
    %dma_start3A_39 = tpu.memref_slice %arg3[%dma_start3A_37, %dma_start3A_38] : memref<50000x128xf32, #tpu.memory_space<hbm>> -> memref<50000x128xf32, #tpu.memory_space<hbm>>
    tpu.enqueue_indirect_dma source(%dma_start3A_39 : memref<50000x128xf32, #tpu.memory_space<hbm>>) target(%arg8 : memref<128x128xf32, #tpu.memory_space<vmem>>) offsets(%dma_start3A_36 : memref<128xi32, #tpu.memory_space<vmem>>) semaphore(%arg10 : memref<!tpu.dma_semaphore, #tpu.memory_space<semaphore_mem>>)
    %dma_wait3A_40 = arith.constant 1 : i32
    %dma_wait3A_41 = arith.constant 0 : i32
    %dma_wait3A_42 = tpu.memref_slice %arg7[%dma_wait3A_40, %dma_wait3A_41] : memref<8x128xi32, #tpu.memory_space<vmem>> -> memref<1x128xi32, #tpu.memory_space<vmem>>
    %dma_wait3A_43 = tpu.memref_squeeze %dma_wait3A_42 : memref<1x128xi32, #tpu.memory_space<vmem>> -> memref<128xi32, #tpu.memory_space<vmem>>
    %dma_wait3A_44 = arith.constant 0 : i32
    %dma_wait3A_45 = arith.constant 0 : i32
    %dma_wait3A_46 = tpu.memref_slice %arg3[%dma_wait3A_44, %dma_wait3A_45] : memref<50000x128xf32, #tpu.memory_space<hbm>> -> memref<50000x128xf32, #tpu.memory_space<hbm>>
    tpu.wait_indirect_dma semaphore(%arg10 : memref<!tpu.dma_semaphore, #tpu.memory_space<semaphore_mem>>) src(%dma_wait3A_46 : memref<50000x128xf32, #tpu.memory_space<hbm>>) dst(%arg8 : memref<128x128xf32, #tpu.memory_space<vmem>>)
    "tpu.region"() ({
      %run_scoped3A = tpu.sem_alloc : memref<!tpu.dma_semaphore, #tpu.memory_space<semaphore_mem>>
      %dma_start3A_241 = arith.constant 0 : i32
      %dma_start3A_242 = tpu.memref_slice %arg5[%add3A_32, %dma_start3A_241] : memref<32768x128xf32, #tpu.memory_space<hbm>> -> memref<128x128xf32, #tpu.memory_space<hbm>>
      %dma_start3A_243 = arith.constant 0 : i32
      %dma_start3A_244 = tpu.memref_slice %arg5[%add3A_32, %dma_start3A_243] : memref<32768x128xf32, #tpu.memory_space<hbm>> -> memref<128x128xf32, #tpu.memory_space<hbm>>
      tpu.enqueue_dma source(%arg8 : memref<128x128xf32, #tpu.memory_space<vmem>>) target(%dma_start3A_244 : memref<128x128xf32, #tpu.memory_space<hbm>>) target_semaphore(%run_scoped3A : memref<!tpu.dma_semaphore, #tpu.memory_space<semaphore_mem>>)
      %dma_wait3A_245 = arith.constant 0 : i32
      %dma_wait3A_246 = tpu.memref_slice %arg5[%add3A_32, %dma_wait3A_245] : memref<32768x128xf32, #tpu.memory_space<hbm>> -> memref<128x128xf32, #tpu.memory_space<hbm>>
      %dma_wait3A_247 = arith.constant 0 : i32
      %dma_wait3A_248 = tpu.memref_slice %arg5[%add3A_32, %dma_wait3A_247] : memref<32768x128xf32, #tpu.memory_space<hbm>> -> memref<128x128xf32, #tpu.memory_space<hbm>>
      tpu.wait_dma2 semaphore(%run_scoped3A : memref<!tpu.dma_semaphore, #tpu.memory_space<semaphore_mem>>) src(%arg8 : memref<128x128xf32, #tpu.memory_space<vmem>>) dst(%dma_wait3A_248 : memref<128x128xf32, #tpu.memory_space<hbm>>)
      tpu.yield
    }) : () -> ()
    %dma_start3A_47 = arith.constant 1 : i32
    %dma_start3A_48 = arith.constant 0 : i32
    %dma_start3A_49 = tpu.memref_slice %arg7[%dma_start3A_47, %dma_start3A_48] : memref<8x128xi32, #tpu.memory_space<vmem>> -> memref<1x128xi32, #tpu.memory_space<vmem>>
    %dma_start3A_50 = tpu.memref_squeeze %dma_start3A_49 : memref<1x128xi32, #tpu.memory_space<vmem>> -> memref<128xi32, #tpu.memory_space<vmem>>
    %dma_start3A_51 = arith.constant 0 : i32
    %dma_start3A_52 = arith.constant 0 : i32
    %dma_start3A_53 = tpu.memref_slice %arg4[%dma_start3A_51, %dma_start3A_52] : memref<50000x640xf32, #tpu.memory_space<hbm>> -> memref<50000x640xf32, #tpu.memory_space<hbm>>
    tpu.enqueue_indirect_dma source(%dma_start3A_53 : memref<50000x640xf32, #tpu.memory_space<hbm>>) target(%arg9 : memref<128x640xf32, #tpu.memory_space<vmem>>) offsets(%dma_start3A_50 : memref<128xi32, #tpu.memory_space<vmem>>) semaphore(%arg10 : memref<!tpu.dma_semaphore, #tpu.memory_space<semaphore_mem>>)
    %dma_wait3A_54 = arith.constant 1 : i32
    %dma_wait3A_55 = arith.constant 0 : i32
    %dma_wait3A_56 = tpu.memref_slice %arg7[%dma_wait3A_54, %dma_wait3A_55] : memref<8x128xi32, #tpu.memory_space<vmem>> -> memref<1x128xi32, #tpu.memory_space<vmem>>
    %dma_wait3A_57 = tpu.memref_squeeze %dma_wait3A_56 : memref<1x128xi32, #tpu.memory_space<vmem>> -> memref<128xi32, #tpu.memory_space<vmem>>
    %dma_wait3A_58 = arith.constant 0 : i32
    %dma_wait3A_59 = arith.constant 0 : i32
    %dma_wait3A_60 = tpu.memref_slice %arg4[%dma_wait3A_58, %dma_wait3A_59] : memref<50000x640xf32, #tpu.memory_space<hbm>> -> memref<50000x640xf32, #tpu.memory_space<hbm>>
    tpu.wait_indirect_dma semaphore(%arg10 : memref<!tpu.dma_semaphore, #tpu.memory_space<semaphore_mem>>) src(%dma_wait3A_60 : memref<50000x640xf32, #tpu.memory_space<hbm>>) dst(%arg9 : memref<128x640xf32, #tpu.memory_space<vmem>>)
    "tpu.region"() ({
      %run_scoped3A = tpu.sem_alloc : memref<!tpu.dma_semaphore, #tpu.memory_space<semaphore_mem>>
      %dma_start3A_241 = arith.constant 0 : i32
      %dma_start3A_242 = tpu.memref_slice %arg6[%add3A_32, %dma_start3A_241] : memref<32768x640xf32, #tpu.memory_space<hbm>> -> memref<128x640xf32, #tpu.memory_space<hbm>>
      %dma_start3A_243 = arith.constant 0 : i32
      %dma_start3A_244 = tpu.memref_slice %arg6[%add3A_32, %dma_start3A_243] : memref<32768x640xf32, #tpu.memory_space<hbm>> -> memref<128x640xf32, #tpu.memory_space<hbm>>
      tpu.enqueue_dma source(%arg9 : memref<128x640xf32, #tpu.memory_space<vmem>>) target(%dma_start3A_244 : memref<128x640xf32, #tpu.memory_space<hbm>>) target_semaphore(%run_scoped3A : memref<!tpu.dma_semaphore, #tpu.memory_space<semaphore_mem>>)
      %dma_wait3A_245 = arith.constant 0 : i32
      %dma_wait3A_246 = tpu.memref_slice %arg6[%add3A_32, %dma_wait3A_245] : memref<32768x640xf32, #tpu.memory_space<hbm>> -> memref<128x640xf32, #tpu.memory_space<hbm>>
      %dma_wait3A_247 = arith.constant 0 : i32
      %dma_wait3A_248 = tpu.memref_slice %arg6[%add3A_32, %dma_wait3A_247] : memref<32768x640xf32, #tpu.memory_space<hbm>> -> memref<128x640xf32, #tpu.memory_space<hbm>>
      tpu.wait_dma2 semaphore(%run_scoped3A : memref<!tpu.dma_semaphore, #tpu.memory_space<semaphore_mem>>) src(%arg9 : memref<128x640xf32, #tpu.memory_space<vmem>>) dst(%dma_wait3A_248 : memref<128x640xf32, #tpu.memory_space<hbm>>)
      tpu.yield
    }) : () -> ()
    %add3A_61 = arith.constant 256 : i32
    %add3A_62 = arith.addi %mul3A_2, %add3A_61 : i32
    %dma_start3A_63 = arith.constant 2 : i32
    %dma_start3A_64 = arith.constant 0 : i32
    %dma_start3A_65 = tpu.memref_slice %arg7[%dma_start3A_63, %dma_start3A_64] : memref<8x128xi32, #tpu.memory_space<vmem>> -> memref<1x128xi32, #tpu.memory_space<vmem>>
    %dma_start3A_66 = tpu.memref_squeeze %dma_start3A_65 : memref<1x128xi32, #tpu.memory_space<vmem>> -> memref<128xi32, #tpu.memory_space<vmem>>
    %dma_start3A_67 = arith.constant 0 : i32
    %dma_start3A_68 = arith.constant 0 : i32
    %dma_start3A_69 = tpu.memref_slice %arg3[%dma_start3A_67, %dma_start3A_68] : memref<50000x128xf32, #tpu.memory_space<hbm>> -> memref<50000x128xf32, #tpu.memory_space<hbm>>
    tpu.enqueue_indirect_dma source(%dma_start3A_69 : memref<50000x128xf32, #tpu.memory_space<hbm>>) target(%arg8 : memref<128x128xf32, #tpu.memory_space<vmem>>) offsets(%dma_start3A_66 : memref<128xi32, #tpu.memory_space<vmem>>) semaphore(%arg10 : memref<!tpu.dma_semaphore, #tpu.memory_space<semaphore_mem>>)
    %dma_wait3A_70 = arith.constant 2 : i32
    %dma_wait3A_71 = arith.constant 0 : i32
    %dma_wait3A_72 = tpu.memref_slice %arg7[%dma_wait3A_70, %dma_wait3A_71] : memref<8x128xi32, #tpu.memory_space<vmem>> -> memref<1x128xi32, #tpu.memory_space<vmem>>
    %dma_wait3A_73 = tpu.memref_squeeze %dma_wait3A_72 : memref<1x128xi32, #tpu.memory_space<vmem>> -> memref<128xi32, #tpu.memory_space<vmem>>
    %dma_wait3A_74 = arith.constant 0 : i32
    %dma_wait3A_75 = arith.constant 0 : i32
    %dma_wait3A_76 = tpu.memref_slice %arg3[%dma_wait3A_74, %dma_wait3A_75] : memref<50000x128xf32, #tpu.memory_space<hbm>> -> memref<50000x128xf32, #tpu.memory_space<hbm>>
    tpu.wait_indirect_dma semaphore(%arg10 : memref<!tpu.dma_semaphore, #tpu.memory_space<semaphore_mem>>) src(%dma_wait3A_76 : memref<50000x128xf32, #tpu.memory_space<hbm>>) dst(%arg8 : memref<128x128xf32, #tpu.memory_space<vmem>>)
    "tpu.region"() ({
      %run_scoped3A = tpu.sem_alloc : memref<!tpu.dma_semaphore, #tpu.memory_space<semaphore_mem>>
      %dma_start3A_241 = arith.constant 0 : i32
      %dma_start3A_242 = tpu.memref_slice %arg5[%add3A_62, %dma_start3A_241] : memref<32768x128xf32, #tpu.memory_space<hbm>> -> memref<128x128xf32, #tpu.memory_space<hbm>>
      %dma_start3A_243 = arith.constant 0 : i32
      %dma_start3A_244 = tpu.memref_slice %arg5[%add3A_62, %dma_start3A_243] : memref<32768x128xf32, #tpu.memory_space<hbm>> -> memref<128x128xf32, #tpu.memory_space<hbm>>
      tpu.enqueue_dma source(%arg8 : memref<128x128xf32, #tpu.memory_space<vmem>>) target(%dma_start3A_244 : memref<128x128xf32, #tpu.memory_space<hbm>>) target_semaphore(%run_scoped3A : memref<!tpu.dma_semaphore, #tpu.memory_space<semaphore_mem>>)
      %dma_wait3A_245 = arith.constant 0 : i32
      %dma_wait3A_246 = tpu.memref_slice %arg5[%add3A_62, %dma_wait3A_245] : memref<32768x128xf32, #tpu.memory_space<hbm>> -> memref<128x128xf32, #tpu.memory_space<hbm>>
      %dma_wait3A_247 = arith.constant 0 : i32
      %dma_wait3A_248 = tpu.memref_slice %arg5[%add3A_62, %dma_wait3A_247] : memref<32768x128xf32, #tpu.memory_space<hbm>> -> memref<128x128xf32, #tpu.memory_space<hbm>>
      tpu.wait_dma2 semaphore(%run_scoped3A : memref<!tpu.dma_semaphore, #tpu.memory_space<semaphore_mem>>) src(%arg8 : memref<128x128xf32, #tpu.memory_space<vmem>>) dst(%dma_wait3A_248 : memref<128x128xf32, #tpu.memory_space<hbm>>)
      tpu.yield
    }) : () -> ()
    %dma_start3A_77 = arith.constant 2 : i32
    %dma_start3A_78 = arith.constant 0 : i32
    %dma_start3A_79 = tpu.memref_slice %arg7[%dma_start3A_77, %dma_start3A_78] : memref<8x128xi32, #tpu.memory_space<vmem>> -> memref<1x128xi32, #tpu.memory_space<vmem>>
    %dma_start3A_80 = tpu.memref_squeeze %dma_start3A_79 : memref<1x128xi32, #tpu.memory_space<vmem>> -> memref<128xi32, #tpu.memory_space<vmem>>
    %dma_start3A_81 = arith.constant 0 : i32
    %dma_start3A_82 = arith.constant 0 : i32
    %dma_start3A_83 = tpu.memref_slice %arg4[%dma_start3A_81, %dma_start3A_82] : memref<50000x640xf32, #tpu.memory_space<hbm>> -> memref<50000x640xf32, #tpu.memory_space<hbm>>
    tpu.enqueue_indirect_dma source(%dma_start3A_83 : memref<50000x640xf32, #tpu.memory_space<hbm>>) target(%arg9 : memref<128x640xf32, #tpu.memory_space<vmem>>) offsets(%dma_start3A_80 : memref<128xi32, #tpu.memory_space<vmem>>) semaphore(%arg10 : memref<!tpu.dma_semaphore, #tpu.memory_space<semaphore_mem>>)
    %dma_wait3A_84 = arith.constant 2 : i32
    %dma_wait3A_85 = arith.constant 0 : i32
    %dma_wait3A_86 = tpu.memref_slice %arg7[%dma_wait3A_84, %dma_wait3A_85] : memref<8x128xi32, #tpu.memory_space<vmem>> -> memref<1x128xi32, #tpu.memory_space<vmem>>
    %dma_wait3A_87 = tpu.memref_squeeze %dma_wait3A_86 : memref<1x128xi32, #tpu.memory_space<vmem>> -> memref<128xi32, #tpu.memory_space<vmem>>
    %dma_wait3A_88 = arith.constant 0 : i32
    %dma_wait3A_89 = arith.constant 0 : i32
    %dma_wait3A_90 = tpu.memref_slice %arg4[%dma_wait3A_88, %dma_wait3A_89] : memref<50000x640xf32, #tpu.memory_space<hbm>> -> memref<50000x640xf32, #tpu.memory_space<hbm>>
    tpu.wait_indirect_dma semaphore(%arg10 : memref<!tpu.dma_semaphore, #tpu.memory_space<semaphore_mem>>) src(%dma_wait3A_90 : memref<50000x640xf32, #tpu.memory_space<hbm>>) dst(%arg9 : memref<128x640xf32, #tpu.memory_space<vmem>>)
    "tpu.region"() ({
      %run_scoped3A = tpu.sem_alloc : memref<!tpu.dma_semaphore, #tpu.memory_space<semaphore_mem>>
      %dma_start3A_241 = arith.constant 0 : i32
      %dma_start3A_242 = tpu.memref_slice %arg6[%add3A_62, %dma_start3A_241] : memref<32768x640xf32, #tpu.memory_space<hbm>> -> memref<128x640xf32, #tpu.memory_space<hbm>>
      %dma_start3A_243 = arith.constant 0 : i32
      %dma_start3A_244 = tpu.memref_slice %arg6[%add3A_62, %dma_start3A_243] : memref<32768x640xf32, #tpu.memory_space<hbm>> -> memref<128x640xf32, #tpu.memory_space<hbm>>
      tpu.enqueue_dma source(%arg9 : memref<128x640xf32, #tpu.memory_space<vmem>>) target(%dma_start3A_244 : memref<128x640xf32, #tpu.memory_space<hbm>>) target_semaphore(%run_scoped3A : memref<!tpu.dma_semaphore, #tpu.memory_space<semaphore_mem>>)
      %dma_wait3A_245 = arith.constant 0 : i32
      %dma_wait3A_246 = tpu.memref_slice %arg6[%add3A_62, %dma_wait3A_245] : memref<32768x640xf32, #tpu.memory_space<hbm>> -> memref<128x640xf32, #tpu.memory_space<hbm>>
      %dma_wait3A_247 = arith.constant 0 : i32
      %dma_wait3A_248 = tpu.memref_slice %arg6[%add3A_62, %dma_wait3A_247] : memref<32768x640xf32, #tpu.memory_space<hbm>> -> memref<128x640xf32, #tpu.memory_space<hbm>>
      tpu.wait_dma2 semaphore(%run_scoped3A : memref<!tpu.dma_semaphore, #tpu.memory_space<semaphore_mem>>) src(%arg9 : memref<128x640xf32, #tpu.memory_space<vmem>>) dst(%dma_wait3A_248 : memref<128x640xf32, #tpu.memory_space<hbm>>)
      tpu.yield
    }) : () -> ()
    %add3A_91 = arith.constant 384 : i32
    %add3A_92 = arith.addi %mul3A_2, %add3A_91 : i32
    %dma_start3A_93 = arith.constant 3 : i32
    %dma_start3A_94 = arith.constant 0 : i32
    %dma_start3A_95 = tpu.memref_slice %arg7[%dma_start3A_93, %dma_start3A_94] : memref<8x128xi32, #tpu.memory_space<vmem>> -> memref<1x128xi32, #tpu.memory_space<vmem>>
    %dma_start3A_96 = tpu.memref_squeeze %dma_start3A_95 : memref<1x128xi32, #tpu.memory_space<vmem>> -> memref<128xi32, #tpu.memory_space<vmem>>
    %dma_start3A_97 = arith.constant 0 : i32
    %dma_start3A_98 = arith.constant 0 : i32
    %dma_start3A_99 = tpu.memref_slice %arg3[%dma_start3A_97, %dma_start3A_98] : memref<50000x128xf32, #tpu.memory_space<hbm>> -> memref<50000x128xf32, #tpu.memory_space<hbm>>
    tpu.enqueue_indirect_dma source(%dma_start3A_99 : memref<50000x128xf32, #tpu.memory_space<hbm>>) target(%arg8 : memref<128x128xf32, #tpu.memory_space<vmem>>) offsets(%dma_start3A_96 : memref<128xi32, #tpu.memory_space<vmem>>) semaphore(%arg10 : memref<!tpu.dma_semaphore, #tpu.memory_space<semaphore_mem>>)
    %dma_wait3A_100 = arith.constant 3 : i32
    %dma_wait3A_101 = arith.constant 0 : i32
    %dma_wait3A_102 = tpu.memref_slice %arg7[%dma_wait3A_100, %dma_wait3A_101] : memref<8x128xi32, #tpu.memory_space<vmem>> -> memref<1x128xi32, #tpu.memory_space<vmem>>
    %dma_wait3A_103 = tpu.memref_squeeze %dma_wait3A_102 : memref<1x128xi32, #tpu.memory_space<vmem>> -> memref<128xi32, #tpu.memory_space<vmem>>
    %dma_wait3A_104 = arith.constant 0 : i32
    %dma_wait3A_105 = arith.constant 0 : i32
    %dma_wait3A_106 = tpu.memref_slice %arg3[%dma_wait3A_104, %dma_wait3A_105] : memref<50000x128xf32, #tpu.memory_space<hbm>> -> memref<50000x128xf32, #tpu.memory_space<hbm>>
    tpu.wait_indirect_dma semaphore(%arg10 : memref<!tpu.dma_semaphore, #tpu.memory_space<semaphore_mem>>) src(%dma_wait3A_106 : memref<50000x128xf32, #tpu.memory_space<hbm>>) dst(%arg8 : memref<128x128xf32, #tpu.memory_space<vmem>>)
    "tpu.region"() ({
      %run_scoped3A = tpu.sem_alloc : memref<!tpu.dma_semaphore, #tpu.memory_space<semaphore_mem>>
      %dma_start3A_241 = arith.constant 0 : i32
      %dma_start3A_242 = tpu.memref_slice %arg5[%add3A_92, %dma_start3A_241] : memref<32768x128xf32, #tpu.memory_space<hbm>> -> memref<128x128xf32, #tpu.memory_space<hbm>>
      %dma_start3A_243 = arith.constant 0 : i32
      %dma_start3A_244 = tpu.memref_slice %arg5[%add3A_92, %dma_start3A_243] : memref<32768x128xf32, #tpu.memory_space<hbm>> -> memref<128x128xf32, #tpu.memory_space<hbm>>
      tpu.enqueue_dma source(%arg8 : memref<128x128xf32, #tpu.memory_space<vmem>>) target(%dma_start3A_244 : memref<128x128xf32, #tpu.memory_space<hbm>>) target_semaphore(%run_scoped3A : memref<!tpu.dma_semaphore, #tpu.memory_space<semaphore_mem>>)
      %dma_wait3A_245 = arith.constant 0 : i32
      %dma_wait3A_246 = tpu.memref_slice %arg5[%add3A_92, %dma_wait3A_245] : memref<32768x128xf32, #tpu.memory_space<hbm>> -> memref<128x128xf32, #tpu.memory_space<hbm>>
      %dma_wait3A_247 = arith.constant 0 : i32
      %dma_wait3A_248 = tpu.memref_slice %arg5[%add3A_92, %dma_wait3A_247] : memref<32768x128xf32, #tpu.memory_space<hbm>> -> memref<128x128xf32, #tpu.memory_space<hbm>>
      tpu.wait_dma2 semaphore(%run_scoped3A : memref<!tpu.dma_semaphore, #tpu.memory_space<semaphore_mem>>) src(%arg8 : memref<128x128xf32, #tpu.memory_space<vmem>>) dst(%dma_wait3A_248 : memref<128x128xf32, #tpu.memory_space<hbm>>)
      tpu.yield
    }) : () -> ()
    %dma_start3A_107 = arith.constant 3 : i32
    %dma_start3A_108 = arith.constant 0 : i32
    %dma_start3A_109 = tpu.memref_slice %arg7[%dma_start3A_107, %dma_start3A_108] : memref<8x128xi32, #tpu.memory_space<vmem>> -> memref<1x128xi32, #tpu.memory_space<vmem>>
    %dma_start3A_110 = tpu.memref_squeeze %dma_start3A_109 : memref<1x128xi32, #tpu.memory_space<vmem>> -> memref<128xi32, #tpu.memory_space<vmem>>
    %dma_start3A_111 = arith.constant 0 : i32
    %dma_start3A_112 = arith.constant 0 : i32
    %dma_start3A_113 = tpu.memref_slice %arg4[%dma_start3A_111, %dma_start3A_112] : memref<50000x640xf32, #tpu.memory_space<hbm>> -> memref<50000x640xf32, #tpu.memory_space<hbm>>
    tpu.enqueue_indirect_dma source(%dma_start3A_113 : memref<50000x640xf32, #tpu.memory_space<hbm>>) target(%arg9 : memref<128x640xf32, #tpu.memory_space<vmem>>) offsets(%dma_start3A_110 : memref<128xi32, #tpu.memory_space<vmem>>) semaphore(%arg10 : memref<!tpu.dma_semaphore, #tpu.memory_space<semaphore_mem>>)
    %dma_wait3A_114 = arith.constant 3 : i32
    %dma_wait3A_115 = arith.constant 0 : i32
    %dma_wait3A_116 = tpu.memref_slice %arg7[%dma_wait3A_114, %dma_wait3A_115] : memref<8x128xi32, #tpu.memory_space<vmem>> -> memref<1x128xi32, #tpu.memory_space<vmem>>
    %dma_wait3A_117 = tpu.memref_squeeze %dma_wait3A_116 : memref<1x128xi32, #tpu.memory_space<vmem>> -> memref<128xi32, #tpu.memory_space<vmem>>
    %dma_wait3A_118 = arith.constant 0 : i32
    %dma_wait3A_119 = arith.constant 0 : i32
    %dma_wait3A_120 = tpu.memref_slice %arg4[%dma_wait3A_118, %dma_wait3A_119] : memref<50000x640xf32, #tpu.memory_space<hbm>> -> memref<50000x640xf32, #tpu.memory_space<hbm>>
    tpu.wait_indirect_dma semaphore(%arg10 : memref<!tpu.dma_semaphore, #tpu.memory_space<semaphore_mem>>) src(%dma_wait3A_120 : memref<50000x640xf32, #tpu.memory_space<hbm>>) dst(%arg9 : memref<128x640xf32, #tpu.memory_space<vmem>>)
    "tpu.region"() ({
      %run_scoped3A = tpu.sem_alloc : memref<!tpu.dma_semaphore, #tpu.memory_space<semaphore_mem>>
      %dma_start3A_241 = arith.constant 0 : i32
      %dma_start3A_242 = tpu.memref_slice %arg6[%add3A_92, %dma_start3A_241] : memref<32768x640xf32, #tpu.memory_space<hbm>> -> memref<128x640xf32, #tpu.memory_space<hbm>>
      %dma_start3A_243 = arith.constant 0 : i32
      %dma_start3A_244 = tpu.memref_slice %arg6[%add3A_92, %dma_start3A_243] : memref<32768x640xf32, #tpu.memory_space<hbm>> -> memref<128x640xf32, #tpu.memory_space<hbm>>
      tpu.enqueue_dma source(%arg9 : memref<128x640xf32, #tpu.memory_space<vmem>>) target(%dma_start3A_244 : memref<128x640xf32, #tpu.memory_space<hbm>>) target_semaphore(%run_scoped3A : memref<!tpu.dma_semaphore, #tpu.memory_space<semaphore_mem>>)
      %dma_wait3A_245 = arith.constant 0 : i32
      %dma_wait3A_246 = tpu.memref_slice %arg6[%add3A_92, %dma_wait3A_245] : memref<32768x640xf32, #tpu.memory_space<hbm>> -> memref<128x640xf32, #tpu.memory_space<hbm>>
      %dma_wait3A_247 = arith.constant 0 : i32
      %dma_wait3A_248 = tpu.memref_slice %arg6[%add3A_92, %dma_wait3A_247] : memref<32768x640xf32, #tpu.memory_space<hbm>> -> memref<128x640xf32, #tpu.memory_space<hbm>>
      tpu.wait_dma2 semaphore(%run_scoped3A : memref<!tpu.dma_semaphore, #tpu.memory_space<semaphore_mem>>) src(%arg9 : memref<128x640xf32, #tpu.memory_space<vmem>>) dst(%dma_wait3A_248 : memref<128x640xf32, #tpu.memory_space<hbm>>)
      tpu.yield
    }) : () -> ()
    %add3A_121 = arith.constant 512 : i32
    %add3A_122 = arith.addi %mul3A_2, %add3A_121 : i32
    %dma_start3A_123 = arith.constant 4 : i32
    %dma_start3A_124 = arith.constant 0 : i32
    %dma_start3A_125 = tpu.memref_slice %arg7[%dma_start3A_123, %dma_start3A_124] : memref<8x128xi32, #tpu.memory_space<vmem>> -> memref<1x128xi32, #tpu.memory_space<vmem>>
    %dma_start3A_126 = tpu.memref_squeeze %dma_start3A_125 : memref<1x128xi32, #tpu.memory_space<vmem>> -> memref<128xi32, #tpu.memory_space<vmem>>
    %dma_start3A_127 = arith.constant 0 : i32
    %dma_start3A_128 = arith.constant 0 : i32
    %dma_start3A_129 = tpu.memref_slice %arg3[%dma_start3A_127, %dma_start3A_128] : memref<50000x128xf32, #tpu.memory_space<hbm>> -> memref<50000x128xf32, #tpu.memory_space<hbm>>
    tpu.enqueue_indirect_dma source(%dma_start3A_129 : memref<50000x128xf32, #tpu.memory_space<hbm>>) target(%arg8 : memref<128x128xf32, #tpu.memory_space<vmem>>) offsets(%dma_start3A_126 : memref<128xi32, #tpu.memory_space<vmem>>) semaphore(%arg10 : memref<!tpu.dma_semaphore, #tpu.memory_space<semaphore_mem>>)
    %dma_wait3A_130 = arith.constant 4 : i32
    %dma_wait3A_131 = arith.constant 0 : i32
    %dma_wait3A_132 = tpu.memref_slice %arg7[%dma_wait3A_130, %dma_wait3A_131] : memref<8x128xi32, #tpu.memory_space<vmem>> -> memref<1x128xi32, #tpu.memory_space<vmem>>
    %dma_wait3A_133 = tpu.memref_squeeze %dma_wait3A_132 : memref<1x128xi32, #tpu.memory_space<vmem>> -> memref<128xi32, #tpu.memory_space<vmem>>
    %dma_wait3A_134 = arith.constant 0 : i32
    %dma_wait3A_135 = arith.constant 0 : i32
    %dma_wait3A_136 = tpu.memref_slice %arg3[%dma_wait3A_134, %dma_wait3A_135] : memref<50000x128xf32, #tpu.memory_space<hbm>> -> memref<50000x128xf32, #tpu.memory_space<hbm>>
    tpu.wait_indirect_dma semaphore(%arg10 : memref<!tpu.dma_semaphore, #tpu.memory_space<semaphore_mem>>) src(%dma_wait3A_136 : memref<50000x128xf32, #tpu.memory_space<hbm>>) dst(%arg8 : memref<128x128xf32, #tpu.memory_space<vmem>>)
    "tpu.region"() ({
      %run_scoped3A = tpu.sem_alloc : memref<!tpu.dma_semaphore, #tpu.memory_space<semaphore_mem>>
      %dma_start3A_241 = arith.constant 0 : i32
      %dma_start3A_242 = tpu.memref_slice %arg5[%add3A_122, %dma_start3A_241] : memref<32768x128xf32, #tpu.memory_space<hbm>> -> memref<128x128xf32, #tpu.memory_space<hbm>>
      %dma_start3A_243 = arith.constant 0 : i32
      %dma_start3A_244 = tpu.memref_slice %arg5[%add3A_122, %dma_start3A_243] : memref<32768x128xf32, #tpu.memory_space<hbm>> -> memref<128x128xf32, #tpu.memory_space<hbm>>
      tpu.enqueue_dma source(%arg8 : memref<128x128xf32, #tpu.memory_space<vmem>>) target(%dma_start3A_244 : memref<128x128xf32, #tpu.memory_space<hbm>>) target_semaphore(%run_scoped3A : memref<!tpu.dma_semaphore, #tpu.memory_space<semaphore_mem>>)
      %dma_wait3A_245 = arith.constant 0 : i32
      %dma_wait3A_246 = tpu.memref_slice %arg5[%add3A_122, %dma_wait3A_245] : memref<32768x128xf32, #tpu.memory_space<hbm>> -> memref<128x128xf32, #tpu.memory_space<hbm>>
      %dma_wait3A_247 = arith.constant 0 : i32
      %dma_wait3A_248 = tpu.memref_slice %arg5[%add3A_122, %dma_wait3A_247] : memref<32768x128xf32, #tpu.memory_space<hbm>> -> memref<128x128xf32, #tpu.memory_space<hbm>>
      tpu.wait_dma2 semaphore(%run_scoped3A : memref<!tpu.dma_semaphore, #tpu.memory_space<semaphore_mem>>) src(%arg8 : memref<128x128xf32, #tpu.memory_space<vmem>>) dst(%dma_wait3A_248 : memref<128x128xf32, #tpu.memory_space<hbm>>)
      tpu.yield
    }) : () -> ()
    %dma_start3A_137 = arith.constant 4 : i32
    %dma_start3A_138 = arith.constant 0 : i32
    %dma_start3A_139 = tpu.memref_slice %arg7[%dma_start3A_137, %dma_start3A_138] : memref<8x128xi32, #tpu.memory_space<vmem>> -> memref<1x128xi32, #tpu.memory_space<vmem>>
    %dma_start3A_140 = tpu.memref_squeeze %dma_start3A_139 : memref<1x128xi32, #tpu.memory_space<vmem>> -> memref<128xi32, #tpu.memory_space<vmem>>
    %dma_start3A_141 = arith.constant 0 : i32
    %dma_start3A_142 = arith.constant 0 : i32
    %dma_start3A_143 = tpu.memref_slice %arg4[%dma_start3A_141, %dma_start3A_142] : memref<50000x640xf32, #tpu.memory_space<hbm>> -> memref<50000x640xf32, #tpu.memory_space<hbm>>
    tpu.enqueue_indirect_dma source(%dma_start3A_143 : memref<50000x640xf32, #tpu.memory_space<hbm>>) target(%arg9 : memref<128x640xf32, #tpu.memory_space<vmem>>) offsets(%dma_start3A_140 : memref<128xi32, #tpu.memory_space<vmem>>) semaphore(%arg10 : memref<!tpu.dma_semaphore, #tpu.memory_space<semaphore_mem>>)
    %dma_wait3A_144 = arith.constant 4 : i32
    %dma_wait3A_145 = arith.constant 0 : i32
    %dma_wait3A_146 = tpu.memref_slice %arg7[%dma_wait3A_144, %dma_wait3A_145] : memref<8x128xi32, #tpu.memory_space<vmem>> -> memref<1x128xi32, #tpu.memory_space<vmem>>
    %dma_wait3A_147 = tpu.memref_squeeze %dma_wait3A_146 : memref<1x128xi32, #tpu.memory_space<vmem>> -> memref<128xi32, #tpu.memory_space<vmem>>
    %dma_wait3A_148 = arith.constant 0 : i32
    %dma_wait3A_149 = arith.constant 0 : i32
    %dma_wait3A_150 = tpu.memref_slice %arg4[%dma_wait3A_148, %dma_wait3A_149] : memref<50000x640xf32, #tpu.memory_space<hbm>> -> memref<50000x640xf32, #tpu.memory_space<hbm>>
    tpu.wait_indirect_dma semaphore(%arg10 : memref<!tpu.dma_semaphore, #tpu.memory_space<semaphore_mem>>) src(%dma_wait3A_150 : memref<50000x640xf32, #tpu.memory_space<hbm>>) dst(%arg9 : memref<128x640xf32, #tpu.memory_space<vmem>>)
    "tpu.region"() ({
      %run_scoped3A = tpu.sem_alloc : memref<!tpu.dma_semaphore, #tpu.memory_space<semaphore_mem>>
      %dma_start3A_241 = arith.constant 0 : i32
      %dma_start3A_242 = tpu.memref_slice %arg6[%add3A_122, %dma_start3A_241] : memref<32768x640xf32, #tpu.memory_space<hbm>> -> memref<128x640xf32, #tpu.memory_space<hbm>>
      %dma_start3A_243 = arith.constant 0 : i32
      %dma_start3A_244 = tpu.memref_slice %arg6[%add3A_122, %dma_start3A_243] : memref<32768x640xf32, #tpu.memory_space<hbm>> -> memref<128x640xf32, #tpu.memory_space<hbm>>
      tpu.enqueue_dma source(%arg9 : memref<128x640xf32, #tpu.memory_space<vmem>>) target(%dma_start3A_244 : memref<128x640xf32, #tpu.memory_space<hbm>>) target_semaphore(%run_scoped3A : memref<!tpu.dma_semaphore, #tpu.memory_space<semaphore_mem>>)
      %dma_wait3A_245 = arith.constant 0 : i32
      %dma_wait3A_246 = tpu.memref_slice %arg6[%add3A_122, %dma_wait3A_245] : memref<32768x640xf32, #tpu.memory_space<hbm>> -> memref<128x640xf32, #tpu.memory_space<hbm>>
      %dma_wait3A_247 = arith.constant 0 : i32
      %dma_wait3A_248 = tpu.memref_slice %arg6[%add3A_122, %dma_wait3A_247] : memref<32768x640xf32, #tpu.memory_space<hbm>> -> memref<128x640xf32, #tpu.memory_space<hbm>>
      tpu.wait_dma2 semaphore(%run_scoped3A : memref<!tpu.dma_semaphore, #tpu.memory_space<semaphore_mem>>) src(%arg9 : memref<128x640xf32, #tpu.memory_space<vmem>>) dst(%dma_wait3A_248 : memref<128x640xf32, #tpu.memory_space<hbm>>)
      tpu.yield
    }) : () -> ()
    %add3A_151 = arith.constant 640 : i32
    %add3A_152 = arith.addi %mul3A_2, %add3A_151 : i32
    %dma_start3A_153 = arith.constant 5 : i32
    %dma_start3A_154 = arith.constant 0 : i32
    %dma_start3A_155 = tpu.memref_slice %arg7[%dma_start3A_153, %dma_start3A_154] : memref<8x128xi32, #tpu.memory_space<vmem>> -> memref<1x128xi32, #tpu.memory_space<vmem>>
    %dma_start3A_156 = tpu.memref_squeeze %dma_start3A_155 : memref<1x128xi32, #tpu.memory_space<vmem>> -> memref<128xi32, #tpu.memory_space<vmem>>
    %dma_start3A_157 = arith.constant 0 : i32
    %dma_start3A_158 = arith.constant 0 : i32
    %dma_start3A_159 = tpu.memref_slice %arg3[%dma_start3A_157, %dma_start3A_158] : memref<50000x128xf32, #tpu.memory_space<hbm>> -> memref<50000x128xf32, #tpu.memory_space<hbm>>
    tpu.enqueue_indirect_dma source(%dma_start3A_159 : memref<50000x128xf32, #tpu.memory_space<hbm>>) target(%arg8 : memref<128x128xf32, #tpu.memory_space<vmem>>) offsets(%dma_start3A_156 : memref<128xi32, #tpu.memory_space<vmem>>) semaphore(%arg10 : memref<!tpu.dma_semaphore, #tpu.memory_space<semaphore_mem>>)
    %dma_wait3A_160 = arith.constant 5 : i32
    %dma_wait3A_161 = arith.constant 0 : i32
    %dma_wait3A_162 = tpu.memref_slice %arg7[%dma_wait3A_160, %dma_wait3A_161] : memref<8x128xi32, #tpu.memory_space<vmem>> -> memref<1x128xi32, #tpu.memory_space<vmem>>
    %dma_wait3A_163 = tpu.memref_squeeze %dma_wait3A_162 : memref<1x128xi32, #tpu.memory_space<vmem>> -> memref<128xi32, #tpu.memory_space<vmem>>
    %dma_wait3A_164 = arith.constant 0 : i32
    %dma_wait3A_165 = arith.constant 0 : i32
    %dma_wait3A_166 = tpu.memref_slice %arg3[%dma_wait3A_164, %dma_wait3A_165] : memref<50000x128xf32, #tpu.memory_space<hbm>> -> memref<50000x128xf32, #tpu.memory_space<hbm>>
    tpu.wait_indirect_dma semaphore(%arg10 : memref<!tpu.dma_semaphore, #tpu.memory_space<semaphore_mem>>) src(%dma_wait3A_166 : memref<50000x128xf32, #tpu.memory_space<hbm>>) dst(%arg8 : memref<128x128xf32, #tpu.memory_space<vmem>>)
    "tpu.region"() ({
      %run_scoped3A = tpu.sem_alloc : memref<!tpu.dma_semaphore, #tpu.memory_space<semaphore_mem>>
      %dma_start3A_241 = arith.constant 0 : i32
      %dma_start3A_242 = tpu.memref_slice %arg5[%add3A_152, %dma_start3A_241] : memref<32768x128xf32, #tpu.memory_space<hbm>> -> memref<128x128xf32, #tpu.memory_space<hbm>>
      %dma_start3A_243 = arith.constant 0 : i32
      %dma_start3A_244 = tpu.memref_slice %arg5[%add3A_152, %dma_start3A_243] : memref<32768x128xf32, #tpu.memory_space<hbm>> -> memref<128x128xf32, #tpu.memory_space<hbm>>
      tpu.enqueue_dma source(%arg8 : memref<128x128xf32, #tpu.memory_space<vmem>>) target(%dma_start3A_244 : memref<128x128xf32, #tpu.memory_space<hbm>>) target_semaphore(%run_scoped3A : memref<!tpu.dma_semaphore, #tpu.memory_space<semaphore_mem>>)
      %dma_wait3A_245 = arith.constant 0 : i32
      %dma_wait3A_246 = tpu.memref_slice %arg5[%add3A_152, %dma_wait3A_245] : memref<32768x128xf32, #tpu.memory_space<hbm>> -> memref<128x128xf32, #tpu.memory_space<hbm>>
      %dma_wait3A_247 = arith.constant 0 : i32
      %dma_wait3A_248 = tpu.memref_slice %arg5[%add3A_152, %dma_wait3A_247] : memref<32768x128xf32, #tpu.memory_space<hbm>> -> memref<128x128xf32, #tpu.memory_space<hbm>>
      tpu.wait_dma2 semaphore(%run_scoped3A : memref<!tpu.dma_semaphore, #tpu.memory_space<semaphore_mem>>) src(%arg8 : memref<128x128xf32, #tpu.memory_space<vmem>>) dst(%dma_wait3A_248 : memref<128x128xf32, #tpu.memory_space<hbm>>)
      tpu.yield
    }) : () -> ()
    %dma_start3A_167 = arith.constant 5 : i32
    %dma_start3A_168 = arith.constant 0 : i32
    %dma_start3A_169 = tpu.memref_slice %arg7[%dma_start3A_167, %dma_start3A_168] : memref<8x128xi32, #tpu.memory_space<vmem>> -> memref<1x128xi32, #tpu.memory_space<vmem>>
    %dma_start3A_170 = tpu.memref_squeeze %dma_start3A_169 : memref<1x128xi32, #tpu.memory_space<vmem>> -> memref<128xi32, #tpu.memory_space<vmem>>
    %dma_start3A_171 = arith.constant 0 : i32
    %dma_start3A_172 = arith.constant 0 : i32
    %dma_start3A_173 = tpu.memref_slice %arg4[%dma_start3A_171, %dma_start3A_172] : memref<50000x640xf32, #tpu.memory_space<hbm>> -> memref<50000x640xf32, #tpu.memory_space<hbm>>
    tpu.enqueue_indirect_dma source(%dma_start3A_173 : memref<50000x640xf32, #tpu.memory_space<hbm>>) target(%arg9 : memref<128x640xf32, #tpu.memory_space<vmem>>) offsets(%dma_start3A_170 : memref<128xi32, #tpu.memory_space<vmem>>) semaphore(%arg10 : memref<!tpu.dma_semaphore, #tpu.memory_space<semaphore_mem>>)
    %dma_wait3A_174 = arith.constant 5 : i32
    %dma_wait3A_175 = arith.constant 0 : i32
    %dma_wait3A_176 = tpu.memref_slice %arg7[%dma_wait3A_174, %dma_wait3A_175] : memref<8x128xi32, #tpu.memory_space<vmem>> -> memref<1x128xi32, #tpu.memory_space<vmem>>
    %dma_wait3A_177 = tpu.memref_squeeze %dma_wait3A_176 : memref<1x128xi32, #tpu.memory_space<vmem>> -> memref<128xi32, #tpu.memory_space<vmem>>
    %dma_wait3A_178 = arith.constant 0 : i32
    %dma_wait3A_179 = arith.constant 0 : i32
    %dma_wait3A_180 = tpu.memref_slice %arg4[%dma_wait3A_178, %dma_wait3A_179] : memref<50000x640xf32, #tpu.memory_space<hbm>> -> memref<50000x640xf32, #tpu.memory_space<hbm>>
    tpu.wait_indirect_dma semaphore(%arg10 : memref<!tpu.dma_semaphore, #tpu.memory_space<semaphore_mem>>) src(%dma_wait3A_180 : memref<50000x640xf32, #tpu.memory_space<hbm>>) dst(%arg9 : memref<128x640xf32, #tpu.memory_space<vmem>>)
    "tpu.region"() ({
      %run_scoped3A = tpu.sem_alloc : memref<!tpu.dma_semaphore, #tpu.memory_space<semaphore_mem>>
      %dma_start3A_241 = arith.constant 0 : i32
      %dma_start3A_242 = tpu.memref_slice %arg6[%add3A_152, %dma_start3A_241] : memref<32768x640xf32, #tpu.memory_space<hbm>> -> memref<128x640xf32, #tpu.memory_space<hbm>>
      %dma_start3A_243 = arith.constant 0 : i32
      %dma_start3A_244 = tpu.memref_slice %arg6[%add3A_152, %dma_start3A_243] : memref<32768x640xf32, #tpu.memory_space<hbm>> -> memref<128x640xf32, #tpu.memory_space<hbm>>
      tpu.enqueue_dma source(%arg9 : memref<128x640xf32, #tpu.memory_space<vmem>>) target(%dma_start3A_244 : memref<128x640xf32, #tpu.memory_space<hbm>>) target_semaphore(%run_scoped3A : memref<!tpu.dma_semaphore, #tpu.memory_space<semaphore_mem>>)
      %dma_wait3A_245 = arith.constant 0 : i32
      %dma_wait3A_246 = tpu.memref_slice %arg6[%add3A_152, %dma_wait3A_245] : memref<32768x640xf32, #tpu.memory_space<hbm>> -> memref<128x640xf32, #tpu.memory_space<hbm>>
      %dma_wait3A_247 = arith.constant 0 : i32
      %dma_wait3A_248 = tpu.memref_slice %arg6[%add3A_152, %dma_wait3A_247] : memref<32768x640xf32, #tpu.memory_space<hbm>> -> memref<128x640xf32, #tpu.memory_space<hbm>>
      tpu.wait_dma2 semaphore(%run_scoped3A : memref<!tpu.dma_semaphore, #tpu.memory_space<semaphore_mem>>) src(%arg9 : memref<128x640xf32, #tpu.memory_space<vmem>>) dst(%dma_wait3A_248 : memref<128x640xf32, #tpu.memory_space<hbm>>)
      tpu.yield
    }) : () -> ()
    %add3A_181 = arith.constant 768 : i32
    %add3A_182 = arith.addi %mul3A_2, %add3A_181 : i32
    %dma_start3A_183 = arith.constant 6 : i32
    %dma_start3A_184 = arith.constant 0 : i32
    %dma_start3A_185 = tpu.memref_slice %arg7[%dma_start3A_183, %dma_start3A_184] : memref<8x128xi32, #tpu.memory_space<vmem>> -> memref<1x128xi32, #tpu.memory_space<vmem>>
    %dma_start3A_186 = tpu.memref_squeeze %dma_start3A_185 : memref<1x128xi32, #tpu.memory_space<vmem>> -> memref<128xi32, #tpu.memory_space<vmem>>
    %dma_start3A_187 = arith.constant 0 : i32
    %dma_start3A_188 = arith.constant 0 : i32
    %dma_start3A_189 = tpu.memref_slice %arg3[%dma_start3A_187, %dma_start3A_188] : memref<50000x128xf32, #tpu.memory_space<hbm>> -> memref<50000x128xf32, #tpu.memory_space<hbm>>
    tpu.enqueue_indirect_dma source(%dma_start3A_189 : memref<50000x128xf32, #tpu.memory_space<hbm>>) target(%arg8 : memref<128x128xf32, #tpu.memory_space<vmem>>) offsets(%dma_start3A_186 : memref<128xi32, #tpu.memory_space<vmem>>) semaphore(%arg10 : memref<!tpu.dma_semaphore, #tpu.memory_space<semaphore_mem>>)
    %dma_wait3A_190 = arith.constant 6 : i32
    %dma_wait3A_191 = arith.constant 0 : i32
    %dma_wait3A_192 = tpu.memref_slice %arg7[%dma_wait3A_190, %dma_wait3A_191] : memref<8x128xi32, #tpu.memory_space<vmem>> -> memref<1x128xi32, #tpu.memory_space<vmem>>
    %dma_wait3A_193 = tpu.memref_squeeze %dma_wait3A_192 : memref<1x128xi32, #tpu.memory_space<vmem>> -> memref<128xi32, #tpu.memory_space<vmem>>
    %dma_wait3A_194 = arith.constant 0 : i32
    %dma_wait3A_195 = arith.constant 0 : i32
    %dma_wait3A_196 = tpu.memref_slice %arg3[%dma_wait3A_194, %dma_wait3A_195] : memref<50000x128xf32, #tpu.memory_space<hbm>> -> memref<50000x128xf32, #tpu.memory_space<hbm>>
    tpu.wait_indirect_dma semaphore(%arg10 : memref<!tpu.dma_semaphore, #tpu.memory_space<semaphore_mem>>) src(%dma_wait3A_196 : memref<50000x128xf32, #tpu.memory_space<hbm>>) dst(%arg8 : memref<128x128xf32, #tpu.memory_space<vmem>>)
    "tpu.region"() ({
      %run_scoped3A = tpu.sem_alloc : memref<!tpu.dma_semaphore, #tpu.memory_space<semaphore_mem>>
      %dma_start3A_241 = arith.constant 0 : i32
      %dma_start3A_242 = tpu.memref_slice %arg5[%add3A_182, %dma_start3A_241] : memref<32768x128xf32, #tpu.memory_space<hbm>> -> memref<128x128xf32, #tpu.memory_space<hbm>>
      %dma_start3A_243 = arith.constant 0 : i32
      %dma_start3A_244 = tpu.memref_slice %arg5[%add3A_182, %dma_start3A_243] : memref<32768x128xf32, #tpu.memory_space<hbm>> -> memref<128x128xf32, #tpu.memory_space<hbm>>
      tpu.enqueue_dma source(%arg8 : memref<128x128xf32, #tpu.memory_space<vmem>>) target(%dma_start3A_244 : memref<128x128xf32, #tpu.memory_space<hbm>>) target_semaphore(%run_scoped3A : memref<!tpu.dma_semaphore, #tpu.memory_space<semaphore_mem>>)
      %dma_wait3A_245 = arith.constant 0 : i32
      %dma_wait3A_246 = tpu.memref_slice %arg5[%add3A_182, %dma_wait3A_245] : memref<32768x128xf32, #tpu.memory_space<hbm>> -> memref<128x128xf32, #tpu.memory_space<hbm>>
      %dma_wait3A_247 = arith.constant 0 : i32
      %dma_wait3A_248 = tpu.memref_slice %arg5[%add3A_182, %dma_wait3A_247] : memref<32768x128xf32, #tpu.memory_space<hbm>> -> memref<128x128xf32, #tpu.memory_space<hbm>>
      tpu.wait_dma2 semaphore(%run_scoped3A : memref<!tpu.dma_semaphore, #tpu.memory_space<semaphore_mem>>) src(%arg8 : memref<128x128xf32, #tpu.memory_space<vmem>>) dst(%dma_wait3A_248 : memref<128x128xf32, #tpu.memory_space<hbm>>)
      tpu.yield
    }) : () -> ()
    %dma_start3A_197 = arith.constant 6 : i32
    %dma_start3A_198 = arith.constant 0 : i32
    %dma_start3A_199 = tpu.memref_slice %arg7[%dma_start3A_197, %dma_start3A_198] : memref<8x128xi32, #tpu.memory_space<vmem>> -> memref<1x128xi32, #tpu.memory_space<vmem>>
    %dma_start3A_200 = tpu.memref_squeeze %dma_start3A_199 : memref<1x128xi32, #tpu.memory_space<vmem>> -> memref<128xi32, #tpu.memory_space<vmem>>
    %dma_start3A_201 = arith.constant 0 : i32
    %dma_start3A_202 = arith.constant 0 : i32
    %dma_start3A_203 = tpu.memref_slice %arg4[%dma_start3A_201, %dma_start3A_202] : memref<50000x640xf32, #tpu.memory_space<hbm>> -> memref<50000x640xf32, #tpu.memory_space<hbm>>
    tpu.enqueue_indirect_dma source(%dma_start3A_203 : memref<50000x640xf32, #tpu.memory_space<hbm>>) target(%arg9 : memref<128x640xf32, #tpu.memory_space<vmem>>) offsets(%dma_start3A_200 : memref<128xi32, #tpu.memory_space<vmem>>) semaphore(%arg10 : memref<!tpu.dma_semaphore, #tpu.memory_space<semaphore_mem>>)
    %dma_wait3A_204 = arith.constant 6 : i32
    %dma_wait3A_205 = arith.constant 0 : i32
    %dma_wait3A_206 = tpu.memref_slice %arg7[%dma_wait3A_204, %dma_wait3A_205] : memref<8x128xi32, #tpu.memory_space<vmem>> -> memref<1x128xi32, #tpu.memory_space<vmem>>
    %dma_wait3A_207 = tpu.memref_squeeze %dma_wait3A_206 : memref<1x128xi32, #tpu.memory_space<vmem>> -> memref<128xi32, #tpu.memory_space<vmem>>
    %dma_wait3A_208 = arith.constant 0 : i32
    %dma_wait3A_209 = arith.constant 0 : i32
    %dma_wait3A_210 = tpu.memref_slice %arg4[%dma_wait3A_208, %dma_wait3A_209] : memref<50000x640xf32, #tpu.memory_space<hbm>> -> memref<50000x640xf32, #tpu.memory_space<hbm>>
    tpu.wait_indirect_dma semaphore(%arg10 : memref<!tpu.dma_semaphore, #tpu.memory_space<semaphore_mem>>) src(%dma_wait3A_210 : memref<50000x640xf32, #tpu.memory_space<hbm>>) dst(%arg9 : memref<128x640xf32, #tpu.memory_space<vmem>>)
    "tpu.region"() ({
      %run_scoped3A = tpu.sem_alloc : memref<!tpu.dma_semaphore, #tpu.memory_space<semaphore_mem>>
      %dma_start3A_241 = arith.constant 0 : i32
      %dma_start3A_242 = tpu.memref_slice %arg6[%add3A_182, %dma_start3A_241] : memref<32768x640xf32, #tpu.memory_space<hbm>> -> memref<128x640xf32, #tpu.memory_space<hbm>>
      %dma_start3A_243 = arith.constant 0 : i32
      %dma_start3A_244 = tpu.memref_slice %arg6[%add3A_182, %dma_start3A_243] : memref<32768x640xf32, #tpu.memory_space<hbm>> -> memref<128x640xf32, #tpu.memory_space<hbm>>
      tpu.enqueue_dma source(%arg9 : memref<128x640xf32, #tpu.memory_space<vmem>>) target(%dma_start3A_244 : memref<128x640xf32, #tpu.memory_space<hbm>>) target_semaphore(%run_scoped3A : memref<!tpu.dma_semaphore, #tpu.memory_space<semaphore_mem>>)
      %dma_wait3A_245 = arith.constant 0 : i32
      %dma_wait3A_246 = tpu.memref_slice %arg6[%add3A_182, %dma_wait3A_245] : memref<32768x640xf32, #tpu.memory_space<hbm>> -> memref<128x640xf32, #tpu.memory_space<hbm>>
      %dma_wait3A_247 = arith.constant 0 : i32
      %dma_wait3A_248 = tpu.memref_slice %arg6[%add3A_182, %dma_wait3A_247] : memref<32768x640xf32, #tpu.memory_space<hbm>> -> memref<128x640xf32, #tpu.memory_space<hbm>>
      tpu.wait_dma2 semaphore(%run_scoped3A : memref<!tpu.dma_semaphore, #tpu.memory_space<semaphore_mem>>) src(%arg9 : memref<128x640xf32, #tpu.memory_space<vmem>>) dst(%dma_wait3A_248 : memref<128x640xf32, #tpu.memory_space<hbm>>)
      tpu.yield
    }) : () -> ()
    %add3A_211 = arith.constant 896 : i32
    %add3A_212 = arith.addi %mul3A_2, %add3A_211 : i32
    %dma_start3A_213 = arith.constant 7 : i32
    %dma_start3A_214 = arith.constant 0 : i32
    %dma_start3A_215 = tpu.memref_slice %arg7[%dma_start3A_213, %dma_start3A_214] : memref<8x128xi32, #tpu.memory_space<vmem>> -> memref<1x128xi32, #tpu.memory_space<vmem>>
    %dma_start3A_216 = tpu.memref_squeeze %dma_start3A_215 : memref<1x128xi32, #tpu.memory_space<vmem>> -> memref<128xi32, #tpu.memory_space<vmem>>
    %dma_start3A_217 = arith.constant 0 : i32
    %dma_start3A_218 = arith.constant 0 : i32
    %dma_start3A_219 = tpu.memref_slice %arg3[%dma_start3A_217, %dma_start3A_218] : memref<50000x128xf32, #tpu.memory_space<hbm>> -> memref<50000x128xf32, #tpu.memory_space<hbm>>
    tpu.enqueue_indirect_dma source(%dma_start3A_219 : memref<50000x128xf32, #tpu.memory_space<hbm>>) target(%arg8 : memref<128x128xf32, #tpu.memory_space<vmem>>) offsets(%dma_start3A_216 : memref<128xi32, #tpu.memory_space<vmem>>) semaphore(%arg10 : memref<!tpu.dma_semaphore, #tpu.memory_space<semaphore_mem>>)
    %dma_wait3A_220 = arith.constant 7 : i32
    %dma_wait3A_221 = arith.constant 0 : i32
    %dma_wait3A_222 = tpu.memref_slice %arg7[%dma_wait3A_220, %dma_wait3A_221] : memref<8x128xi32, #tpu.memory_space<vmem>> -> memref<1x128xi32, #tpu.memory_space<vmem>>
    %dma_wait3A_223 = tpu.memref_squeeze %dma_wait3A_222 : memref<1x128xi32, #tpu.memory_space<vmem>> -> memref<128xi32, #tpu.memory_space<vmem>>
    %dma_wait3A_224 = arith.constant 0 : i32
    %dma_wait3A_225 = arith.constant 0 : i32
    %dma_wait3A_226 = tpu.memref_slice %arg3[%dma_wait3A_224, %dma_wait3A_225] : memref<50000x128xf32, #tpu.memory_space<hbm>> -> memref<50000x128xf32, #tpu.memory_space<hbm>>
    tpu.wait_indirect_dma semaphore(%arg10 : memref<!tpu.dma_semaphore, #tpu.memory_space<semaphore_mem>>) src(%dma_wait3A_226 : memref<50000x128xf32, #tpu.memory_space<hbm>>) dst(%arg8 : memref<128x128xf32, #tpu.memory_space<vmem>>)
    "tpu.region"() ({
      %run_scoped3A = tpu.sem_alloc : memref<!tpu.dma_semaphore, #tpu.memory_space<semaphore_mem>>
      %dma_start3A_241 = arith.constant 0 : i32
      %dma_start3A_242 = tpu.memref_slice %arg5[%add3A_212, %dma_start3A_241] : memref<32768x128xf32, #tpu.memory_space<hbm>> -> memref<128x128xf32, #tpu.memory_space<hbm>>
      %dma_start3A_243 = arith.constant 0 : i32
      %dma_start3A_244 = tpu.memref_slice %arg5[%add3A_212, %dma_start3A_243] : memref<32768x128xf32, #tpu.memory_space<hbm>> -> memref<128x128xf32, #tpu.memory_space<hbm>>
      tpu.enqueue_dma source(%arg8 : memref<128x128xf32, #tpu.memory_space<vmem>>) target(%dma_start3A_244 : memref<128x128xf32, #tpu.memory_space<hbm>>) target_semaphore(%run_scoped3A : memref<!tpu.dma_semaphore, #tpu.memory_space<semaphore_mem>>)
      %dma_wait3A_245 = arith.constant 0 : i32
      %dma_wait3A_246 = tpu.memref_slice %arg5[%add3A_212, %dma_wait3A_245] : memref<32768x128xf32, #tpu.memory_space<hbm>> -> memref<128x128xf32, #tpu.memory_space<hbm>>
      %dma_wait3A_247 = arith.constant 0 : i32
      %dma_wait3A_248 = tpu.memref_slice %arg5[%add3A_212, %dma_wait3A_247] : memref<32768x128xf32, #tpu.memory_space<hbm>> -> memref<128x128xf32, #tpu.memory_space<hbm>>
      tpu.wait_dma2 semaphore(%run_scoped3A : memref<!tpu.dma_semaphore, #tpu.memory_space<semaphore_mem>>) src(%arg8 : memref<128x128xf32, #tpu.memory_space<vmem>>) dst(%dma_wait3A_248 : memref<128x128xf32, #tpu.memory_space<hbm>>)
      tpu.yield
    }) : () -> ()
    %dma_start3A_227 = arith.constant 7 : i32
    %dma_start3A_228 = arith.constant 0 : i32
    %dma_start3A_229 = tpu.memref_slice %arg7[%dma_start3A_227, %dma_start3A_228] : memref<8x128xi32, #tpu.memory_space<vmem>> -> memref<1x128xi32, #tpu.memory_space<vmem>>
    %dma_start3A_230 = tpu.memref_squeeze %dma_start3A_229 : memref<1x128xi32, #tpu.memory_space<vmem>> -> memref<128xi32, #tpu.memory_space<vmem>>
    %dma_start3A_231 = arith.constant 0 : i32
    %dma_start3A_232 = arith.constant 0 : i32
    %dma_start3A_233 = tpu.memref_slice %arg4[%dma_start3A_231, %dma_start3A_232] : memref<50000x640xf32, #tpu.memory_space<hbm>> -> memref<50000x640xf32, #tpu.memory_space<hbm>>
    tpu.enqueue_indirect_dma source(%dma_start3A_233 : memref<50000x640xf32, #tpu.memory_space<hbm>>) target(%arg9 : memref<128x640xf32, #tpu.memory_space<vmem>>) offsets(%dma_start3A_230 : memref<128xi32, #tpu.memory_space<vmem>>) semaphore(%arg10 : memref<!tpu.dma_semaphore, #tpu.memory_space<semaphore_mem>>)
    %dma_wait3A_234 = arith.constant 7 : i32
    %dma_wait3A_235 = arith.constant 0 : i32
    %dma_wait3A_236 = tpu.memref_slice %arg7[%dma_wait3A_234, %dma_wait3A_235] : memref<8x128xi32, #tpu.memory_space<vmem>> -> memref<1x128xi32, #tpu.memory_space<vmem>>
    %dma_wait3A_237 = tpu.memref_squeeze %dma_wait3A_236 : memref<1x128xi32, #tpu.memory_space<vmem>> -> memref<128xi32, #tpu.memory_space<vmem>>
    %dma_wait3A_238 = arith.constant 0 : i32
    %dma_wait3A_239 = arith.constant 0 : i32
    %dma_wait3A_240 = tpu.memref_slice %arg4[%dma_wait3A_238, %dma_wait3A_239] : memref<50000x640xf32, #tpu.memory_space<hbm>> -> memref<50000x640xf32, #tpu.memory_space<hbm>>
    tpu.wait_indirect_dma semaphore(%arg10 : memref<!tpu.dma_semaphore, #tpu.memory_space<semaphore_mem>>) src(%dma_wait3A_240 : memref<50000x640xf32, #tpu.memory_space<hbm>>) dst(%arg9 : memref<128x640xf32, #tpu.memory_space<vmem>>)
    "tpu.region"() ({
      %run_scoped3A = tpu.sem_alloc : memref<!tpu.dma_semaphore, #tpu.memory_space<semaphore_mem>>
      %dma_start3A_241 = arith.constant 0 : i32
      %dma_start3A_242 = tpu.memref_slice %arg6[%add3A_212, %dma_start3A_241] : memref<32768x640xf32, #tpu.memory_space<hbm>> -> memref<128x640xf32, #tpu.memory_space<hbm>>
      %dma_start3A_243 = arith.constant 0 : i32
      %dma_start3A_244 = tpu.memref_slice %arg6[%add3A_212, %dma_start3A_243] : memref<32768x640xf32, #tpu.memory_space<hbm>> -> memref<128x640xf32, #tpu.memory_space<hbm>>
      tpu.enqueue_dma source(%arg9 : memref<128x640xf32, #tpu.memory_space<vmem>>) target(%dma_start3A_244 : memref<128x640xf32, #tpu.memory_space<hbm>>) target_semaphore(%run_scoped3A : memref<!tpu.dma_semaphore, #tpu.memory_space<semaphore_mem>>)
      %dma_wait3A_245 = arith.constant 0 : i32
      %dma_wait3A_246 = tpu.memref_slice %arg6[%add3A_212, %dma_wait3A_245] : memref<32768x640xf32, #tpu.memory_space<hbm>> -> memref<128x640xf32, #tpu.memory_space<hbm>>
      %dma_wait3A_247 = arith.constant 0 : i32
      %dma_wait3A_248 = tpu.memref_slice %arg6[%add3A_212, %dma_wait3A_247] : memref<32768x640xf32, #tpu.memory_space<hbm>> -> memref<128x640xf32, #tpu.memory_space<hbm>>
      tpu.wait_dma2 semaphore(%run_scoped3A : memref<!tpu.dma_semaphore, #tpu.memory_space<semaphore_mem>>) src(%arg9 : memref<128x640xf32, #tpu.memory_space<vmem>>) dst(%dma_wait3A_248 : memref<128x640xf32, #tpu.memory_space<hbm>>)
      tpu.yield
    }) : () -> ()
    return
  }
}

#map = affine_map<(d0, d1) -> (0, 0)>
#map1 = affine_map<(d0, d1) -> (0, 0, 0)>
module attributes {stable_mosaic.version = 14 : i64} {
  func.func @scscatter(%arg0: i32, %arg1: i32, %arg2: memref<50000x128xf32, #tpu.memory_space<hbm>>, %arg3: memref<32768x128xf32, #tpu.memory_space<hbm>>, %arg4: memref<32x8x128xi32, #tpu.memory_space<hbm>>, %arg5: memref<16x16x128xi32, #tpu.memory_space<hbm>>, %arg6: memref<50000x128xf32, #tpu.memory_space<hbm>>, %arg7: memref<8x128xi32, #tpu.memory_space<vmem>>, %arg8: memref<8x128xi32, #tpu.memory_space<vmem>>, %arg9: memref<16x128xi32, #tpu.memory_space<vmem>>, %arg10: memref<32784xi32, #tpu.memory_space<vmem>>, %arg11: memref<32784xi32, #tpu.memory_space<vmem>>, %arg12: memref<128xi32, #tpu.memory_space<vmem>>, %arg13: memref<128xi32, #tpu.memory_space<vmem>>, %arg14: memref<128x128xf32, #tpu.memory_space<vmem>>, %arg15: memref<!tpu.dma_semaphore, #tpu.memory_space<semaphore_mem>>) attributes {dimension_semantics = [#tpu.dimension_semantics<core_parallel>, #tpu.dimension_semantics<subcore_parallel>], iteration_bounds = array<i64: 2, 16>, scalar_prefetch = 0 : i64, scratch_operands = 9 : i64, tpu.core_type = #tpu.core_type<sc_vector_subcore>, window_params = [{transform_indices = #map}, {transform_indices = #map}, {transform_indices = #map1}, {transform_indices = #map1}, {transform_indices = #map}]} {
    %mul3A = arith.constant 25000 : i32
    %mul3A_0 = arith.muli %arg0, %mul3A : i32
    %add3A = arith.constant 0 : i32
    %add3A_1 = arith.addi %arg1, %add3A : i32
    %lt3A = arith.constant 125 : i32
    %lt3A_2 = arith.cmpi slt, %add3A_1, %lt3A : i32
    %convert_element_type3A = arith.extui %lt3A_2 : i1 to i32
    %cond3A = arith.constant 0 : i32
    %cond3A_3 = arith.cmpi ne, %convert_element_type3A, %cond3A : i32
    scf.if %cond3A_3 {
      %mul3A_69 = arith.constant 200 : i32
      %mul3A_70 = arith.muli %add3A_1, %mul3A_69 : i32
      %add3A_71 = arith.addi %mul3A_0, %mul3A_70 : i32
      "tpu.region"() ({
        %run_scoped3A = tpu.sem_alloc : memref<!tpu.dma_semaphore, #tpu.memory_space<semaphore_mem>>
        %dma_start3A = arith.constant 0 : i32
        %dma_start3A_72 = tpu.memref_slice %arg6[%add3A_71, %dma_start3A] : memref<50000x128xf32, #tpu.memory_space<hbm>> -> memref<200x128xf32, #tpu.memory_space<hbm>>
        %dma_start3A_73 = arith.constant 0 : i32
        %dma_start3A_74 = tpu.memref_slice %arg2[%add3A_71, %dma_start3A_73] : memref<50000x128xf32, #tpu.memory_space<hbm>> -> memref<200x128xf32, #tpu.memory_space<hbm>>
        tpu.enqueue_dma source(%dma_start3A_74 : memref<200x128xf32, #tpu.memory_space<hbm>>) target(%dma_start3A_72 : memref<200x128xf32, #tpu.memory_space<hbm>>) target_semaphore(%run_scoped3A : memref<!tpu.dma_semaphore, #tpu.memory_space<semaphore_mem>>)
        %dma_wait3A = arith.constant 0 : i32
        %dma_wait3A_75 = tpu.memref_slice %arg6[%add3A_71, %dma_wait3A] : memref<50000x128xf32, #tpu.memory_space<hbm>> -> memref<200x128xf32, #tpu.memory_space<hbm>>
        %dma_wait3A_76 = arith.constant 0 : i32
        %dma_wait3A_77 = tpu.memref_slice %arg2[%add3A_71, %dma_wait3A_76] : memref<50000x128xf32, #tpu.memory_space<hbm>> -> memref<200x128xf32, #tpu.memory_space<hbm>>
        tpu.wait_dma2 semaphore(%run_scoped3A : memref<!tpu.dma_semaphore, #tpu.memory_space<semaphore_mem>>) src(%dma_wait3A_77 : memref<200x128xf32, #tpu.memory_space<hbm>>) dst(%dma_wait3A_75 : memref<200x128xf32, #tpu.memory_space<hbm>>)
        tpu.yield
      }) : () -> ()
    } else {
    }
    %add3A_4 = arith.constant 16 : i32
    %add3A_5 = arith.addi %arg1, %add3A_4 : i32
    %lt3A_6 = arith.constant 125 : i32
    %lt3A_7 = arith.cmpi slt, %add3A_5, %lt3A_6 : i32
    %convert_element_type3A_8 = arith.extui %lt3A_7 : i1 to i32
    %cond3A_9 = arith.constant 0 : i32
    %cond3A_10 = arith.cmpi ne, %convert_element_type3A_8, %cond3A_9 : i32
    scf.if %cond3A_10 {
      %mul3A_69 = arith.constant 200 : i32
      %mul3A_70 = arith.muli %add3A_5, %mul3A_69 : i32
      %add3A_71 = arith.addi %mul3A_0, %mul3A_70 : i32
      "tpu.region"() ({
        %run_scoped3A = tpu.sem_alloc : memref<!tpu.dma_semaphore, #tpu.memory_space<semaphore_mem>>
        %dma_start3A = arith.constant 0 : i32
        %dma_start3A_72 = tpu.memref_slice %arg6[%add3A_71, %dma_start3A] : memref<50000x128xf32, #tpu.memory_space<hbm>> -> memref<200x128xf32, #tpu.memory_space<hbm>>
        %dma_start3A_73 = arith.constant 0 : i32
        %dma_start3A_74 = tpu.memref_slice %arg2[%add3A_71, %dma_start3A_73] : memref<50000x128xf32, #tpu.memory_space<hbm>> -> memref<200x128xf32, #tpu.memory_space<hbm>>
        tpu.enqueue_dma source(%dma_start3A_74 : memref<200x128xf32, #tpu.memory_space<hbm>>) target(%dma_start3A_72 : memref<200x128xf32, #tpu.memory_space<hbm>>) target_semaphore(%run_scoped3A : memref<!tpu.dma_semaphore, #tpu.memory_space<semaphore_mem>>)
        %dma_wait3A = arith.constant 0 : i32
        %dma_wait3A_75 = tpu.memref_slice %arg6[%add3A_71, %dma_wait3A] : memref<50000x128xf32, #tpu.memory_space<hbm>> -> memref<200x128xf32, #tpu.memory_space<hbm>>
        %dma_wait3A_76 = arith.constant 0 : i32
        %dma_wait3A_77 = tpu.memref_slice %arg2[%add3A_71, %dma_wait3A_76] : memref<50000x128xf32, #tpu.memory_space<hbm>> -> memref<200x128xf32, #tpu.memory_space<hbm>>
        tpu.wait_dma2 semaphore(%run_scoped3A : memref<!tpu.dma_semaphore, #tpu.memory_space<semaphore_mem>>) src(%dma_wait3A_77 : memref<200x128xf32, #tpu.memory_space<hbm>>) dst(%dma_wait3A_75 : memref<200x128xf32, #tpu.memory_space<hbm>>)
        tpu.yield
      }) : () -> ()
    } else {
    }
    %add3A_11 = arith.constant 32 : i32
    %add3A_12 = arith.addi %arg1, %add3A_11 : i32
    %lt3A_13 = arith.constant 125 : i32
    %lt3A_14 = arith.cmpi slt, %add3A_12, %lt3A_13 : i32
    %convert_element_type3A_15 = arith.extui %lt3A_14 : i1 to i32
    %cond3A_16 = arith.constant 0 : i32
    %cond3A_17 = arith.cmpi ne, %convert_element_type3A_15, %cond3A_16 : i32
    scf.if %cond3A_17 {
      %mul3A_69 = arith.constant 200 : i32
      %mul3A_70 = arith.muli %add3A_12, %mul3A_69 : i32
      %add3A_71 = arith.addi %mul3A_0, %mul3A_70 : i32
      "tpu.region"() ({
        %run_scoped3A = tpu.sem_alloc : memref<!tpu.dma_semaphore, #tpu.memory_space<semaphore_mem>>
        %dma_start3A = arith.constant 0 : i32
        %dma_start3A_72 = tpu.memref_slice %arg6[%add3A_71, %dma_start3A] : memref<50000x128xf32, #tpu.memory_space<hbm>> -> memref<200x128xf32, #tpu.memory_space<hbm>>
        %dma_start3A_73 = arith.constant 0 : i32
        %dma_start3A_74 = tpu.memref_slice %arg2[%add3A_71, %dma_start3A_73] : memref<50000x128xf32, #tpu.memory_space<hbm>> -> memref<200x128xf32, #tpu.memory_space<hbm>>
        tpu.enqueue_dma source(%dma_start3A_74 : memref<200x128xf32, #tpu.memory_space<hbm>>) target(%dma_start3A_72 : memref<200x128xf32, #tpu.memory_space<hbm>>) target_semaphore(%run_scoped3A : memref<!tpu.dma_semaphore, #tpu.memory_space<semaphore_mem>>)
        %dma_wait3A = arith.constant 0 : i32
        %dma_wait3A_75 = tpu.memref_slice %arg6[%add3A_71, %dma_wait3A] : memref<50000x128xf32, #tpu.memory_space<hbm>> -> memref<200x128xf32, #tpu.memory_space<hbm>>
        %dma_wait3A_76 = arith.constant 0 : i32
        %dma_wait3A_77 = tpu.memref_slice %arg2[%add3A_71, %dma_wait3A_76] : memref<50000x128xf32, #tpu.memory_space<hbm>> -> memref<200x128xf32, #tpu.memory_space<hbm>>
        tpu.wait_dma2 semaphore(%run_scoped3A : memref<!tpu.dma_semaphore, #tpu.memory_space<semaphore_mem>>) src(%dma_wait3A_77 : memref<200x128xf32, #tpu.memory_space<hbm>>) dst(%dma_wait3A_75 : memref<200x128xf32, #tpu.memory_space<hbm>>)
        tpu.yield
      }) : () -> ()
    } else {
    }
    %add3A_18 = arith.constant 48 : i32
    %add3A_19 = arith.addi %arg1, %add3A_18 : i32
    %lt3A_20 = arith.constant 125 : i32
    %lt3A_21 = arith.cmpi slt, %add3A_19, %lt3A_20 : i32
    %convert_element_type3A_22 = arith.extui %lt3A_21 : i1 to i32
    %cond3A_23 = arith.constant 0 : i32
    %cond3A_24 = arith.cmpi ne, %convert_element_type3A_22, %cond3A_23 : i32
    scf.if %cond3A_24 {
      %mul3A_69 = arith.constant 200 : i32
      %mul3A_70 = arith.muli %add3A_19, %mul3A_69 : i32
      %add3A_71 = arith.addi %mul3A_0, %mul3A_70 : i32
      "tpu.region"() ({
        %run_scoped3A = tpu.sem_alloc : memref<!tpu.dma_semaphore, #tpu.memory_space<semaphore_mem>>
        %dma_start3A = arith.constant 0 : i32
        %dma_start3A_72 = tpu.memref_slice %arg6[%add3A_71, %dma_start3A] : memref<50000x128xf32, #tpu.memory_space<hbm>> -> memref<200x128xf32, #tpu.memory_space<hbm>>
        %dma_start3A_73 = arith.constant 0 : i32
        %dma_start3A_74 = tpu.memref_slice %arg2[%add3A_71, %dma_start3A_73] : memref<50000x128xf32, #tpu.memory_space<hbm>> -> memref<200x128xf32, #tpu.memory_space<hbm>>
        tpu.enqueue_dma source(%dma_start3A_74 : memref<200x128xf32, #tpu.memory_space<hbm>>) target(%dma_start3A_72 : memref<200x128xf32, #tpu.memory_space<hbm>>) target_semaphore(%run_scoped3A : memref<!tpu.dma_semaphore, #tpu.memory_space<semaphore_mem>>)
        %dma_wait3A = arith.constant 0 : i32
        %dma_wait3A_75 = tpu.memref_slice %arg6[%add3A_71, %dma_wait3A] : memref<50000x128xf32, #tpu.memory_space<hbm>> -> memref<200x128xf32, #tpu.memory_space<hbm>>
        %dma_wait3A_76 = arith.constant 0 : i32
        %dma_wait3A_77 = tpu.memref_slice %arg2[%add3A_71, %dma_wait3A_76] : memref<50000x128xf32, #tpu.memory_space<hbm>> -> memref<200x128xf32, #tpu.memory_space<hbm>>
        tpu.wait_dma2 semaphore(%run_scoped3A : memref<!tpu.dma_semaphore, #tpu.memory_space<semaphore_mem>>) src(%dma_wait3A_77 : memref<200x128xf32, #tpu.memory_space<hbm>>) dst(%dma_wait3A_75 : memref<200x128xf32, #tpu.memory_space<hbm>>)
        tpu.yield
      }) : () -> ()
    } else {
    }
    %add3A_25 = arith.constant 64 : i32
    %add3A_26 = arith.addi %arg1, %add3A_25 : i32
    %lt3A_27 = arith.constant 125 : i32
    %lt3A_28 = arith.cmpi slt, %add3A_26, %lt3A_27 : i32
    %convert_element_type3A_29 = arith.extui %lt3A_28 : i1 to i32
    %cond3A_30 = arith.constant 0 : i32
    %cond3A_31 = arith.cmpi ne, %convert_element_type3A_29, %cond3A_30 : i32
    scf.if %cond3A_31 {
      %mul3A_69 = arith.constant 200 : i32
      %mul3A_70 = arith.muli %add3A_26, %mul3A_69 : i32
      %add3A_71 = arith.addi %mul3A_0, %mul3A_70 : i32
      "tpu.region"() ({
        %run_scoped3A = tpu.sem_alloc : memref<!tpu.dma_semaphore, #tpu.memory_space<semaphore_mem>>
        %dma_start3A = arith.constant 0 : i32
        %dma_start3A_72 = tpu.memref_slice %arg6[%add3A_71, %dma_start3A] : memref<50000x128xf32, #tpu.memory_space<hbm>> -> memref<200x128xf32, #tpu.memory_space<hbm>>
        %dma_start3A_73 = arith.constant 0 : i32
        %dma_start3A_74 = tpu.memref_slice %arg2[%add3A_71, %dma_start3A_73] : memref<50000x128xf32, #tpu.memory_space<hbm>> -> memref<200x128xf32, #tpu.memory_space<hbm>>
        tpu.enqueue_dma source(%dma_start3A_74 : memref<200x128xf32, #tpu.memory_space<hbm>>) target(%dma_start3A_72 : memref<200x128xf32, #tpu.memory_space<hbm>>) target_semaphore(%run_scoped3A : memref<!tpu.dma_semaphore, #tpu.memory_space<semaphore_mem>>)
        %dma_wait3A = arith.constant 0 : i32
        %dma_wait3A_75 = tpu.memref_slice %arg6[%add3A_71, %dma_wait3A] : memref<50000x128xf32, #tpu.memory_space<hbm>> -> memref<200x128xf32, #tpu.memory_space<hbm>>
        %dma_wait3A_76 = arith.constant 0 : i32
        %dma_wait3A_77 = tpu.memref_slice %arg2[%add3A_71, %dma_wait3A_76] : memref<50000x128xf32, #tpu.memory_space<hbm>> -> memref<200x128xf32, #tpu.memory_space<hbm>>
        tpu.wait_dma2 semaphore(%run_scoped3A : memref<!tpu.dma_semaphore, #tpu.memory_space<semaphore_mem>>) src(%dma_wait3A_77 : memref<200x128xf32, #tpu.memory_space<hbm>>) dst(%dma_wait3A_75 : memref<200x128xf32, #tpu.memory_space<hbm>>)
        tpu.yield
      }) : () -> ()
    } else {
    }
    %add3A_32 = arith.constant 80 : i32
    %add3A_33 = arith.addi %arg1, %add3A_32 : i32
    %lt3A_34 = arith.constant 125 : i32
    %lt3A_35 = arith.cmpi slt, %add3A_33, %lt3A_34 : i32
    %convert_element_type3A_36 = arith.extui %lt3A_35 : i1 to i32
    %cond3A_37 = arith.constant 0 : i32
    %cond3A_38 = arith.cmpi ne, %convert_element_type3A_36, %cond3A_37 : i32
    scf.if %cond3A_38 {
      %mul3A_69 = arith.constant 200 : i32
      %mul3A_70 = arith.muli %add3A_33, %mul3A_69 : i32
      %add3A_71 = arith.addi %mul3A_0, %mul3A_70 : i32
      "tpu.region"() ({
        %run_scoped3A = tpu.sem_alloc : memref<!tpu.dma_semaphore, #tpu.memory_space<semaphore_mem>>
        %dma_start3A = arith.constant 0 : i32
        %dma_start3A_72 = tpu.memref_slice %arg6[%add3A_71, %dma_start3A] : memref<50000x128xf32, #tpu.memory_space<hbm>> -> memref<200x128xf32, #tpu.memory_space<hbm>>
        %dma_start3A_73 = arith.constant 0 : i32
        %dma_start3A_74 = tpu.memref_slice %arg2[%add3A_71, %dma_start3A_73] : memref<50000x128xf32, #tpu.memory_space<hbm>> -> memref<200x128xf32, #tpu.memory_space<hbm>>
        tpu.enqueue_dma source(%dma_start3A_74 : memref<200x128xf32, #tpu.memory_space<hbm>>) target(%dma_start3A_72 : memref<200x128xf32, #tpu.memory_space<hbm>>) target_semaphore(%run_scoped3A : memref<!tpu.dma_semaphore, #tpu.memory_space<semaphore_mem>>)
        %dma_wait3A = arith.constant 0 : i32
        %dma_wait3A_75 = tpu.memref_slice %arg6[%add3A_71, %dma_wait3A] : memref<50000x128xf32, #tpu.memory_space<hbm>> -> memref<200x128xf32, #tpu.memory_space<hbm>>
        %dma_wait3A_76 = arith.constant 0 : i32
        %dma_wait3A_77 = tpu.memref_slice %arg2[%add3A_71, %dma_wait3A_76] : memref<50000x128xf32, #tpu.memory_space<hbm>> -> memref<200x128xf32, #tpu.memory_space<hbm>>
        tpu.wait_dma2 semaphore(%run_scoped3A : memref<!tpu.dma_semaphore, #tpu.memory_space<semaphore_mem>>) src(%dma_wait3A_77 : memref<200x128xf32, #tpu.memory_space<hbm>>) dst(%dma_wait3A_75 : memref<200x128xf32, #tpu.memory_space<hbm>>)
        tpu.yield
      }) : () -> ()
    } else {
    }
    %add3A_39 = arith.constant 96 : i32
    %add3A_40 = arith.addi %arg1, %add3A_39 : i32
    %lt3A_41 = arith.constant 125 : i32
    %lt3A_42 = arith.cmpi slt, %add3A_40, %lt3A_41 : i32
    %convert_element_type3A_43 = arith.extui %lt3A_42 : i1 to i32
    %cond3A_44 = arith.constant 0 : i32
    %cond3A_45 = arith.cmpi ne, %convert_element_type3A_43, %cond3A_44 : i32
    scf.if %cond3A_45 {
      %mul3A_69 = arith.constant 200 : i32
      %mul3A_70 = arith.muli %add3A_40, %mul3A_69 : i32
      %add3A_71 = arith.addi %mul3A_0, %mul3A_70 : i32
      "tpu.region"() ({
        %run_scoped3A = tpu.sem_alloc : memref<!tpu.dma_semaphore, #tpu.memory_space<semaphore_mem>>
        %dma_start3A = arith.constant 0 : i32
        %dma_start3A_72 = tpu.memref_slice %arg6[%add3A_71, %dma_start3A] : memref<50000x128xf32, #tpu.memory_space<hbm>> -> memref<200x128xf32, #tpu.memory_space<hbm>>
        %dma_start3A_73 = arith.constant 0 : i32
        %dma_start3A_74 = tpu.memref_slice %arg2[%add3A_71, %dma_start3A_73] : memref<50000x128xf32, #tpu.memory_space<hbm>> -> memref<200x128xf32, #tpu.memory_space<hbm>>
        tpu.enqueue_dma source(%dma_start3A_74 : memref<200x128xf32, #tpu.memory_space<hbm>>) target(%dma_start3A_72 : memref<200x128xf32, #tpu.memory_space<hbm>>) target_semaphore(%run_scoped3A : memref<!tpu.dma_semaphore, #tpu.memory_space<semaphore_mem>>)
        %dma_wait3A = arith.constant 0 : i32
        %dma_wait3A_75 = tpu.memref_slice %arg6[%add3A_71, %dma_wait3A] : memref<50000x128xf32, #tpu.memory_space<hbm>> -> memref<200x128xf32, #tpu.memory_space<hbm>>
        %dma_wait3A_76 = arith.constant 0 : i32
        %dma_wait3A_77 = tpu.memref_slice %arg2[%add3A_71, %dma_wait3A_76] : memref<50000x128xf32, #tpu.memory_space<hbm>> -> memref<200x128xf32, #tpu.memory_space<hbm>>
        tpu.wait_dma2 semaphore(%run_scoped3A : memref<!tpu.dma_semaphore, #tpu.memory_space<semaphore_mem>>) src(%dma_wait3A_77 : memref<200x128xf32, #tpu.memory_space<hbm>>) dst(%dma_wait3A_75 : memref<200x128xf32, #tpu.memory_space<hbm>>)
        tpu.yield
      }) : () -> ()
    } else {
    }
    %add3A_46 = arith.constant 112 : i32
    %add3A_47 = arith.addi %arg1, %add3A_46 : i32
    %lt3A_48 = arith.constant 125 : i32
    %lt3A_49 = arith.cmpi slt, %add3A_47, %lt3A_48 : i32
    %convert_element_type3A_50 = arith.extui %lt3A_49 : i1 to i32
    %cond3A_51 = arith.constant 0 : i32
    %cond3A_52 = arith.cmpi ne, %convert_element_type3A_50, %cond3A_51 : i32
    scf.if %cond3A_52 {
      %mul3A_69 = arith.constant 200 : i32
      %mul3A_70 = arith.muli %add3A_47, %mul3A_69 : i32
      %add3A_71 = arith.addi %mul3A_0, %mul3A_70 : i32
      "tpu.region"() ({
        %run_scoped3A = tpu.sem_alloc : memref<!tpu.dma_semaphore, #tpu.memory_space<semaphore_mem>>
        %dma_start3A = arith.constant 0 : i32
        %dma_start3A_72 = tpu.memref_slice %arg6[%add3A_71, %dma_start3A] : memref<50000x128xf32, #tpu.memory_space<hbm>> -> memref<200x128xf32, #tpu.memory_space<hbm>>
        %dma_start3A_73 = arith.constant 0 : i32
        %dma_start3A_74 = tpu.memref_slice %arg2[%add3A_71, %dma_start3A_73] : memref<50000x128xf32, #tpu.memory_space<hbm>> -> memref<200x128xf32, #tpu.memory_space<hbm>>
        tpu.enqueue_dma source(%dma_start3A_74 : memref<200x128xf32, #tpu.memory_space<hbm>>) target(%dma_start3A_72 : memref<200x128xf32, #tpu.memory_space<hbm>>) target_semaphore(%run_scoped3A : memref<!tpu.dma_semaphore, #tpu.memory_space<semaphore_mem>>)
        %dma_wait3A = arith.constant 0 : i32
        %dma_wait3A_75 = tpu.memref_slice %arg6[%add3A_71, %dma_wait3A] : memref<50000x128xf32, #tpu.memory_space<hbm>> -> memref<200x128xf32, #tpu.memory_space<hbm>>
        %dma_wait3A_76 = arith.constant 0 : i32
        %dma_wait3A_77 = tpu.memref_slice %arg2[%add3A_71, %dma_wait3A_76] : memref<50000x128xf32, #tpu.memory_space<hbm>> -> memref<200x128xf32, #tpu.memory_space<hbm>>
        tpu.wait_dma2 semaphore(%run_scoped3A : memref<!tpu.dma_semaphore, #tpu.memory_space<semaphore_mem>>) src(%dma_wait3A_77 : memref<200x128xf32, #tpu.memory_space<hbm>>) dst(%dma_wait3A_75 : memref<200x128xf32, #tpu.memory_space<hbm>>)
        tpu.yield
      }) : () -> ()
    } else {
    }
    %barrier3A = arith.constant 0 : index
    tpu.barrier barrier_id(%barrier3A)
    %mul3A_53 = arith.constant 2 : i32
    %mul3A_54 = arith.muli %arg1, %mul3A_53 : i32
    "tpu.region"() ({
      %run_scoped3A = tpu.sem_alloc : memref<!tpu.dma_semaphore, #tpu.memory_space<semaphore_mem>>
      %dma_start3A = arith.constant 0 : i32
      %dma_start3A_69 = arith.constant 0 : i32
      %dma_start3A_70 = tpu.memref_slice %arg4[%mul3A_54, %dma_start3A, %dma_start3A_69] : memref<32x8x128xi32, #tpu.memory_space<hbm>> -> memref<1x8x128xi32, #tpu.memory_space<hbm>>
      %dma_start3A_71 = tpu.memref_squeeze %dma_start3A_70 : memref<1x8x128xi32, #tpu.memory_space<hbm>> -> memref<8x128xi32, #tpu.memory_space<hbm>>
      %dma_start3A_72 = arith.constant 0 : i32
      %dma_start3A_73 = arith.constant 0 : i32
      %dma_start3A_74 = tpu.memref_slice %arg4[%mul3A_54, %dma_start3A_72, %dma_start3A_73] : memref<32x8x128xi32, #tpu.memory_space<hbm>> -> memref<1x8x128xi32, #tpu.memory_space<hbm>>
      %dma_start3A_75 = tpu.memref_squeeze %dma_start3A_74 : memref<1x8x128xi32, #tpu.memory_space<hbm>> -> memref<8x128xi32, #tpu.memory_space<hbm>>
      tpu.enqueue_dma source(%dma_start3A_75 : memref<8x128xi32, #tpu.memory_space<hbm>>) target(%arg7 : memref<8x128xi32, #tpu.memory_space<vmem>>) target_semaphore(%run_scoped3A : memref<!tpu.dma_semaphore, #tpu.memory_space<semaphore_mem>>)
      %dma_wait3A = arith.constant 0 : i32
      %dma_wait3A_76 = arith.constant 0 : i32
      %dma_wait3A_77 = tpu.memref_slice %arg4[%mul3A_54, %dma_wait3A, %dma_wait3A_76] : memref<32x8x128xi32, #tpu.memory_space<hbm>> -> memref<1x8x128xi32, #tpu.memory_space<hbm>>
      %dma_wait3A_78 = tpu.memref_squeeze %dma_wait3A_77 : memref<1x8x128xi32, #tpu.memory_space<hbm>> -> memref<8x128xi32, #tpu.memory_space<hbm>>
      %dma_wait3A_79 = arith.constant 0 : i32
      %dma_wait3A_80 = arith.constant 0 : i32
      %dma_wait3A_81 = tpu.memref_slice %arg4[%mul3A_54, %dma_wait3A_79, %dma_wait3A_80] : memref<32x8x128xi32, #tpu.memory_space<hbm>> -> memref<1x8x128xi32, #tpu.memory_space<hbm>>
      %dma_wait3A_82 = tpu.memref_squeeze %dma_wait3A_81 : memref<1x8x128xi32, #tpu.memory_space<hbm>> -> memref<8x128xi32, #tpu.memory_space<hbm>>
      tpu.wait_dma2 semaphore(%run_scoped3A : memref<!tpu.dma_semaphore, #tpu.memory_space<semaphore_mem>>) src(%dma_wait3A_82 : memref<8x128xi32, #tpu.memory_space<hbm>>) dst(%arg7 : memref<8x128xi32, #tpu.memory_space<vmem>>)
      tpu.yield
    }) : () -> ()
    %mul3A_55 = arith.constant 2 : i32
    %mul3A_56 = arith.muli %arg1, %mul3A_55 : i32
    %add3A_57 = arith.constant 1 : i32
    %add3A_58 = arith.addi %mul3A_56, %add3A_57 : i32
    "tpu.region"() ({
      %run_scoped3A = tpu.sem_alloc : memref<!tpu.dma_semaphore, #tpu.memory_space<semaphore_mem>>
      %dma_start3A = arith.constant 0 : i32
      %dma_start3A_69 = arith.constant 0 : i32
      %dma_start3A_70 = tpu.memref_slice %arg4[%add3A_58, %dma_start3A, %dma_start3A_69] : memref<32x8x128xi32, #tpu.memory_space<hbm>> -> memref<1x8x128xi32, #tpu.memory_space<hbm>>
      %dma_start3A_71 = tpu.memref_squeeze %dma_start3A_70 : memref<1x8x128xi32, #tpu.memory_space<hbm>> -> memref<8x128xi32, #tpu.memory_space<hbm>>
      %dma_start3A_72 = arith.constant 0 : i32
      %dma_start3A_73 = arith.constant 0 : i32
      %dma_start3A_74 = tpu.memref_slice %arg4[%add3A_58, %dma_start3A_72, %dma_start3A_73] : memref<32x8x128xi32, #tpu.memory_space<hbm>> -> memref<1x8x128xi32, #tpu.memory_space<hbm>>
      %dma_start3A_75 = tpu.memref_squeeze %dma_start3A_74 : memref<1x8x128xi32, #tpu.memory_space<hbm>> -> memref<8x128xi32, #tpu.memory_space<hbm>>
      tpu.enqueue_dma source(%dma_start3A_75 : memref<8x128xi32, #tpu.memory_space<hbm>>) target(%arg8 : memref<8x128xi32, #tpu.memory_space<vmem>>) target_semaphore(%run_scoped3A : memref<!tpu.dma_semaphore, #tpu.memory_space<semaphore_mem>>)
      %dma_wait3A = arith.constant 0 : i32
      %dma_wait3A_76 = arith.constant 0 : i32
      %dma_wait3A_77 = tpu.memref_slice %arg4[%add3A_58, %dma_wait3A, %dma_wait3A_76] : memref<32x8x128xi32, #tpu.memory_space<hbm>> -> memref<1x8x128xi32, #tpu.memory_space<hbm>>
      %dma_wait3A_78 = tpu.memref_squeeze %dma_wait3A_77 : memref<1x8x128xi32, #tpu.memory_space<hbm>> -> memref<8x128xi32, #tpu.memory_space<hbm>>
      %dma_wait3A_79 = arith.constant 0 : i32
      %dma_wait3A_80 = arith.constant 0 : i32
      %dma_wait3A_81 = tpu.memref_slice %arg4[%add3A_58, %dma_wait3A_79, %dma_wait3A_80] : memref<32x8x128xi32, #tpu.memory_space<hbm>> -> memref<1x8x128xi32, #tpu.memory_space<hbm>>
      %dma_wait3A_82 = tpu.memref_squeeze %dma_wait3A_81 : memref<1x8x128xi32, #tpu.memory_space<hbm>> -> memref<8x128xi32, #tpu.memory_space<hbm>>
      tpu.wait_dma2 semaphore(%run_scoped3A : memref<!tpu.dma_semaphore, #tpu.memory_space<semaphore_mem>>) src(%dma_wait3A_82 : memref<8x128xi32, #tpu.memory_space<hbm>>) dst(%arg8 : memref<8x128xi32, #tpu.memory_space<vmem>>)
      tpu.yield
    }) : () -> ()
    "tpu.region"() ({
      %run_scoped3A = tpu.sem_alloc : memref<!tpu.dma_semaphore, #tpu.memory_space<semaphore_mem>>
      %dma_start3A = arith.constant 0 : i32
      %dma_start3A_69 = arith.constant 0 : i32
      %dma_start3A_70 = tpu.memref_slice %arg5[%arg1, %dma_start3A, %dma_start3A_69] : memref<16x16x128xi32, #tpu.memory_space<hbm>> -> memref<1x16x128xi32, #tpu.memory_space<hbm>>
      %dma_start3A_71 = tpu.memref_squeeze %dma_start3A_70 : memref<1x16x128xi32, #tpu.memory_space<hbm>> -> memref<16x128xi32, #tpu.memory_space<hbm>>
      %dma_start3A_72 = arith.constant 0 : i32
      %dma_start3A_73 = arith.constant 0 : i32
      %dma_start3A_74 = tpu.memref_slice %arg5[%arg1, %dma_start3A_72, %dma_start3A_73] : memref<16x16x128xi32, #tpu.memory_space<hbm>> -> memref<1x16x128xi32, #tpu.memory_space<hbm>>
      %dma_start3A_75 = tpu.memref_squeeze %dma_start3A_74 : memref<1x16x128xi32, #tpu.memory_space<hbm>> -> memref<16x128xi32, #tpu.memory_space<hbm>>
      tpu.enqueue_dma source(%dma_start3A_75 : memref<16x128xi32, #tpu.memory_space<hbm>>) target(%arg9 : memref<16x128xi32, #tpu.memory_space<vmem>>) target_semaphore(%run_scoped3A : memref<!tpu.dma_semaphore, #tpu.memory_space<semaphore_mem>>)
      %dma_wait3A = arith.constant 0 : i32
      %dma_wait3A_76 = arith.constant 0 : i32
      %dma_wait3A_77 = tpu.memref_slice %arg5[%arg1, %dma_wait3A, %dma_wait3A_76] : memref<16x16x128xi32, #tpu.memory_space<hbm>> -> memref<1x16x128xi32, #tpu.memory_space<hbm>>
      %dma_wait3A_78 = tpu.memref_squeeze %dma_wait3A_77 : memref<1x16x128xi32, #tpu.memory_space<hbm>> -> memref<16x128xi32, #tpu.memory_space<hbm>>
      %dma_wait3A_79 = arith.constant 0 : i32
      %dma_wait3A_80 = arith.constant 0 : i32
      %dma_wait3A_81 = tpu.memref_slice %arg5[%arg1, %dma_wait3A_79, %dma_wait3A_80] : memref<16x16x128xi32, #tpu.memory_space<hbm>> -> memref<1x16x128xi32, #tpu.memory_space<hbm>>
      %dma_wait3A_82 = tpu.memref_squeeze %dma_wait3A_81 : memref<1x16x128xi32, #tpu.memory_space<hbm>> -> memref<16x128xi32, #tpu.memory_space<hbm>>
      tpu.wait_dma2 semaphore(%run_scoped3A : memref<!tpu.dma_semaphore, #tpu.memory_space<semaphore_mem>>) src(%dma_wait3A_82 : memref<16x128xi32, #tpu.memory_space<hbm>>) dst(%arg9 : memref<16x128xi32, #tpu.memory_space<vmem>>)
      tpu.yield
    }) : () -> ()
    %scan3A = arith.constant 0 : i32
    %scan3A_59 = arith.constant 0 : i32
    %scan3A_60 = arith.constant 128 : i32
    %scan3A_61 = arith.addi %scan3A_59, %scan3A_60 : i32
    %scan3A_62 = arith.constant 1 : i32
    %scan3A_63 = scf.for %scan3A_69 = %scan3A_59 to %scan3A_61 step %scan3A_62 iter_args(%scan3A_70 = %scan3A) -> (i32)  : i32 {
      %jit3A = arith.constant 8 : i32
      %div3A = arith.divsi %scan3A_69, %jit3A : i32
      %sign3A = arith.constant 0 : i32
      %sign3A_71 = arith.cmpi sgt, %scan3A_69, %sign3A : i32
      %sign3A_72 = arith.extui %sign3A_71 : i1 to i32
      %sign3A_73 = arith.constant 0 : i32
      %sign3A_74 = arith.cmpi slt, %scan3A_69, %sign3A_73 : i32
      %sign3A_75 = arith.extui %sign3A_74 : i1 to i32
      %sign3A_76 = arith.subi %sign3A_72, %sign3A_75 : i32
      %sign3A_77 = arith.constant 0 : i32
      %sign3A_78 = arith.cmpi sgt, %jit3A, %sign3A_77 : i32
      %sign3A_79 = arith.extui %sign3A_78 : i1 to i32
      %sign3A_80 = arith.constant 0 : i32
      %sign3A_81 = arith.cmpi slt, %jit3A, %sign3A_80 : i32
      %sign3A_82 = arith.extui %sign3A_81 : i1 to i32
      %sign3A_83 = arith.subi %sign3A_79, %sign3A_82 : i32
      %ne3A = arith.cmpi ne, %sign3A_76, %sign3A_83 : i32
      %rem3A = arith.remsi %scan3A_69, %jit3A : i32
      %ne3A_84 = arith.constant 0 : i32
      %ne3A_85 = arith.cmpi ne, %rem3A, %ne3A_84 : i32
      %and3A = arith.andi %ne3A, %ne3A_85 : i1
      %sub3A = arith.constant 1 : i32
      %sub3A_86 = arith.subi %div3A, %sub3A : i32
      %select_n3A = arith.select %and3A, %sub3A_86, %div3A : i32
      %jit3A_87 = arith.constant 8 : i32
      %eq3A = arith.constant 0 : i32
      %eq3A_88 = arith.cmpi eq, %jit3A_87, %eq3A : i32
      %jit3A_89 = arith.constant 1 : i32
      %select_n3A_90 = arith.select %eq3A_88, %jit3A_89, %jit3A_87 : i32
      %rem3A_91 = arith.remsi %scan3A_69, %select_n3A_90 : i32
      %ne3A_92 = arith.constant 0 : i32
      %ne3A_93 = arith.cmpi ne, %rem3A_91, %ne3A_92 : i32
      %lt3A_94 = arith.constant 0 : i32
      %lt3A_95 = arith.cmpi slt, %rem3A_91, %lt3A_94 : i32
      %lt3A_96 = arith.constant 0 : i32
      %lt3A_97 = arith.cmpi slt, %select_n3A_90, %lt3A_96 : i32
      %ne3A_98 = arith.xori %lt3A_95, %lt3A_97 : i1
      %and3A_99 = arith.andi %ne3A_98, %ne3A_93 : i1
      %add3A_100 = arith.addi %rem3A_91, %select_n3A_90 : i32
      %select_n3A_101 = arith.select %and3A_99, %add3A_100, %rem3A_91 : i32
      %mul3A_102 = arith.constant 16 : i32
      %mul3A_103 = arith.muli %select_n3A_101, %mul3A_102 : i32
      %lt3A_104 = arith.constant 8 : i32
      %lt3A_105 = arith.cmpi slt, %select_n3A, %lt3A_104 : i32
      %jit3A_106 = arith.constant 8 : i32
      %eq3A_107 = arith.constant 0 : i32
      %eq3A_108 = arith.cmpi eq, %jit3A_106, %eq3A_107 : i32
      %jit3A_109 = arith.constant 1 : i32
      %select_n3A_110 = arith.select %eq3A_108, %jit3A_109, %jit3A_106 : i32
      %rem3A_111 = arith.remsi %select_n3A, %select_n3A_110 : i32
      %ne3A_112 = arith.constant 0 : i32
      %ne3A_113 = arith.cmpi ne, %rem3A_111, %ne3A_112 : i32
      %lt3A_114 = arith.constant 0 : i32
      %lt3A_115 = arith.cmpi slt, %rem3A_111, %lt3A_114 : i32
      %lt3A_116 = arith.constant 0 : i32
      %lt3A_117 = arith.cmpi slt, %select_n3A_110, %lt3A_116 : i32
      %ne3A_118 = arith.xori %lt3A_115, %lt3A_117 : i1
      %and3A_119 = arith.andi %ne3A_118, %ne3A_113 : i1
      %add3A_120 = arith.addi %rem3A_111, %select_n3A_110 : i32
      %select_n3A_121 = arith.select %and3A_119, %add3A_120, %rem3A_111 : i32
      %get3A = arith.constant 0 : i32
      %get3A_122 = tpu.memref_slice %arg7[%select_n3A_121, %get3A] : memref<8x128xi32, #tpu.memory_space<vmem>> -> memref<1x128xi32, #tpu.memory_space<vmem>>
      %get3A_123 = tpu.memref_squeeze %get3A_122 : memref<1x128xi32, #tpu.memory_space<vmem>> -> memref<128xi32, #tpu.memory_space<vmem>>
      %get3A_124 = arith.index_cast %mul3A_103 : i32 to index
      %get3A_125 = tpu.vector_load %get3A_123[%get3A_124] {strides = array<i32>} : memref<128xi32, #tpu.memory_space<vmem>>, vector<16xi32>,
      %jit3A_126 = arith.constant 8 : i32
      %eq3A_127 = arith.constant 0 : i32
      %eq3A_128 = arith.cmpi eq, %jit3A_126, %eq3A_127 : i32
      %jit3A_129 = arith.constant 1 : i32
      %select_n3A_130 = arith.select %eq3A_128, %jit3A_129, %jit3A_126 : i32
      %rem3A_131 = arith.remsi %select_n3A, %select_n3A_130 : i32
      %ne3A_132 = arith.constant 0 : i32
      %ne3A_133 = arith.cmpi ne, %rem3A_131, %ne3A_132 : i32
      %lt3A_134 = arith.constant 0 : i32
      %lt3A_135 = arith.cmpi slt, %rem3A_131, %lt3A_134 : i32
      %lt3A_136 = arith.constant 0 : i32
      %lt3A_137 = arith.cmpi slt, %select_n3A_130, %lt3A_136 : i32
      %ne3A_138 = arith.xori %lt3A_135, %lt3A_137 : i1
      %and3A_139 = arith.andi %ne3A_138, %ne3A_133 : i1
      %add3A_140 = arith.addi %rem3A_131, %select_n3A_130 : i32
      %select_n3A_141 = arith.select %and3A_139, %add3A_140, %rem3A_131 : i32
      %get3A_142 = arith.constant 0 : i32
      %get3A_143 = tpu.memref_slice %arg8[%select_n3A_141, %get3A_142] : memref<8x128xi32, #tpu.memory_space<vmem>> -> memref<1x128xi32, #tpu.memory_space<vmem>>
      %get3A_144 = tpu.memref_squeeze %get3A_143 : memref<1x128xi32, #tpu.memory_space<vmem>> -> memref<128xi32, #tpu.memory_space<vmem>>
      %get3A_145 = arith.index_cast %mul3A_103 : i32 to index
      %get3A_146 = tpu.vector_load %get3A_144[%get3A_145] {strides = array<i32>} : memref<128xi32, #tpu.memory_space<vmem>>, vector<16xi32>,
      %select_n3A_147 = arith.select %lt3A_105, %get3A_125, %get3A_146 : vector<16xi32>
      %get3A_148 = arith.constant 0 : i32
      %get3A_149 = tpu.memref_slice %arg9[%select_n3A, %get3A_148] : memref<16x128xi32, #tpu.memory_space<vmem>> -> memref<1x128xi32, #tpu.memory_space<vmem>>
      %get3A_150 = tpu.memref_squeeze %get3A_149 : memref<1x128xi32, #tpu.memory_space<vmem>> -> memref<128xi32, #tpu.memory_space<vmem>>
      %get3A_151 = arith.index_cast %mul3A_103 : i32 to index
      %get3A_152 = tpu.vector_load %get3A_150[%get3A_151] {strides = array<i32>} : memref<128xi32, #tpu.memory_space<vmem>>, vector<16xi32>,
      %ge3A = vector.broadcast %mul3A_0 : i32 to vector<16xi32>
      %ge3A_153 = arith.cmpi sge, %select_n3A_147, %ge3A : vector<16xi32>
      %add3A_154 = arith.constant 25000 : i32
      %add3A_155 = arith.addi %mul3A_0, %add3A_154 : i32
      %lt3A_156 = vector.broadcast %add3A_155 : i32 to vector<16xi32>
      %lt3A_157 = arith.cmpi slt, %select_n3A_147, %lt3A_156 : vector<16xi32>
      %and3A_158 = arith.andi %ge3A_153, %lt3A_157 : vector<16xi1>
      %convert_element_type3A_159 = arith.extui %and3A_158 : vector<16xi1> to vector<16xi32>
      %reduce_sum3A = arith.constant true
      %reduce_sum3A_160 = vector.broadcast %reduce_sum3A : i1 to vector<16xi1>
      %reduce_sum3A_161 = tpu.scan <sum>, %convert_element_type3A_159 masked %reduce_sum3A_160 : vector<16xi32>, vector<16xi1> -> vector<16xi32>
      %reduce_sum3A_162 = vector.extract %reduce_sum3A_161[15] : i32 from vector<16xi32>
      %swap3A = arith.index_cast %scan3A_70 : i32 to index
      %swap3A_163 = tpu.vector_load %arg10[%swap3A] masked %and3A_158 {strides = array<i32>} : memref<32784xi32, #tpu.memory_space<vmem>>, vector<16xi32>, vector<16xi1>
      tpu.vector_store %arg10[%swap3A], %select_n3A_147 masked %and3A_158 {strides = array<i32>} : memref<32784xi32, #tpu.memory_space<vmem>>, vector<16xi32>, vector<16xi1>
      %swap3A_164 = arith.index_cast %scan3A_70 : i32 to index
      %swap3A_165 = tpu.vector_load %arg11[%swap3A_164] masked %and3A_158 {strides = array<i32>} : memref<32784xi32, #tpu.memory_space<vmem>>, vector<16xi32>, vector<16xi1>
      tpu.vector_store %arg11[%swap3A_164], %get3A_152 masked %and3A_158 {strides = array<i32>} : memref<32784xi32, #tpu.memory_space<vmem>>, vector<16xi32>, vector<16xi1>
      %add3A_166 = arith.addi %scan3A_70, %reduce_sum3A_162 : i32
      scf.yield %add3A_166 : i32
    }
    %scan3A_64 = arith.constant 128 : i32
    %gt3A = arith.constant 0 : i32
    %gt3A_65 = arith.cmpi sgt, %scan3A_63, %gt3A : i32
    %convert_element_type3A_66 = arith.extui %gt3A_65 : i1 to i32
    %cond3A_67 = arith.constant 0 : i32
    %cond3A_68 = arith.cmpi ne, %convert_element_type3A_66, %cond3A_67 : i32
    scf.if %cond3A_68 {
      %broadcast_in_dim3A = arith.constant 0 : i32
      %broadcast_in_dim3A_69 = vector.broadcast %broadcast_in_dim3A : i32 to vector<16xi32>
      %get3A = arith.constant 0 : index
      %get3A_70 = tpu.vector_load %arg10[%get3A] {strides = array<i32>} : memref<32784xi32, #tpu.memory_space<vmem>>, vector<16xi32>,
      %lt3A_71 = arith.constant 0 : i32
      %lt3A_72 = vector.broadcast %lt3A_71 : i32 to vector<16xi32>
      %lt3A_73 = arith.cmpi slt, %broadcast_in_dim3A_69, %lt3A_72 : vector<16xi32>
      %add3A_74 = arith.constant 16 : i32
      %add3A_75 = vector.broadcast %add3A_74 : i32 to vector<16xi32>
      %add3A_76 = arith.addi %broadcast_in_dim3A_69, %add3A_75 : vector<16xi32>
      %select_n3A = arith.select %lt3A_73, %add3A_76, %broadcast_in_dim3A_69 : vector<16xi1>, vector<16xi32>
      %broadcast_in_dim3A_77 = vector.shape_cast %select_n3A : vector<16xi32> to vector<16x1xi32>
      %gather3A = vector.shape_cast %broadcast_in_dim3A_77 : vector<16x1xi32> to vector<16xi32>
      %gather3A_78 = tpu.dynamic_gather %get3A_70[%gather3A] in [0] : vector<16xi32>, vector<16xi32> -> vector<16xi32>
      %get3A_79 = arith.constant 0 : index
      %get3A_80 = tpu.vector_load %arg11[%get3A_79] {strides = array<i32>} : memref<32784xi32, #tpu.memory_space<vmem>>, vector<16xi32>,
      %lt3A_81 = arith.constant 0 : i32
      %lt3A_82 = vector.broadcast %lt3A_81 : i32 to vector<16xi32>
      %lt3A_83 = arith.cmpi slt, %broadcast_in_dim3A_69, %lt3A_82 : vector<16xi32>
      %add3A_84 = arith.constant 16 : i32
      %add3A_85 = vector.broadcast %add3A_84 : i32 to vector<16xi32>
      %add3A_86 = arith.addi %broadcast_in_dim3A_69, %add3A_85 : vector<16xi32>
      %select_n3A_87 = arith.select %lt3A_83, %add3A_86, %broadcast_in_dim3A_69 : vector<16xi1>, vector<16xi32>
      %broadcast_in_dim3A_88 = vector.shape_cast %select_n3A_87 : vector<16xi32> to vector<16x1xi32>
      %gather3A_89 = vector.shape_cast %broadcast_in_dim3A_88 : vector<16x1xi32> to vector<16xi32>
      %gather3A_90 = tpu.dynamic_gather %get3A_80[%gather3A_89] in [0] : vector<16xi32>, vector<16xi32> -> vector<16xi32>
      %iota3A = tpu.iota {dimensions = array<i32: 0>} : vector<16xi32>
      %add3A_91 = arith.constant 127 : i32
      %add3A_92 = arith.addi %scan3A_63, %add3A_91 : i32
      %jit3A = arith.constant 128 : i32
      %div3A = arith.divsi %add3A_92, %jit3A : i32
      %sign3A = arith.constant 0 : i32
      %sign3A_93 = arith.cmpi sgt, %add3A_92, %sign3A : i32
      %sign3A_94 = arith.extui %sign3A_93 : i1 to i32
      %sign3A_95 = arith.constant 0 : i32
      %sign3A_96 = arith.cmpi slt, %add3A_92, %sign3A_95 : i32
      %sign3A_97 = arith.extui %sign3A_96 : i1 to i32
      %sign3A_98 = arith.subi %sign3A_94, %sign3A_97 : i32
      %sign3A_99 = arith.constant 0 : i32
      %sign3A_100 = arith.cmpi sgt, %jit3A, %sign3A_99 : i32
      %sign3A_101 = arith.extui %sign3A_100 : i1 to i32
      %sign3A_102 = arith.constant 0 : i32
      %sign3A_103 = arith.cmpi slt, %jit3A, %sign3A_102 : i32
      %sign3A_104 = arith.extui %sign3A_103 : i1 to i32
      %sign3A_105 = arith.subi %sign3A_101, %sign3A_104 : i32
      %ne3A = arith.cmpi ne, %sign3A_98, %sign3A_105 : i32
      %rem3A = arith.remsi %add3A_92, %jit3A : i32
      %ne3A_106 = arith.constant 0 : i32
      %ne3A_107 = arith.cmpi ne, %rem3A, %ne3A_106 : i32
      %and3A = arith.andi %ne3A, %ne3A_107 : i1
      %sub3A = arith.constant 1 : i32
      %sub3A_108 = arith.subi %div3A, %sub3A : i32
      %select_n3A_109 = arith.select %and3A, %sub3A_108, %div3A : i32
      %while3A = arith.constant 0 : i32
      %while3A_110 = arith.constant 0 : i32
      %while3A_111 = arith.subi %select_n3A_109, %while3A : i32
      %while3A_112 = arith.addi %while3A, %while3A_111 : i32
      %while3A_113 = arith.constant 1 : i32
      %while3A_114 = arith.divsi %while3A_111, %while3A_113 : i32
      %while3A_115 = arith.muli %while3A_114, %while3A_113 : i32
      %while3A_116 = arith.addi %while3A, %while3A_115 : i32
      %while3A_117 = arith.constant 1 : i32
      %while3A_118 = scf.for %while3A_121 = %while3A to %while3A_116 step %while3A_117 iter_args(%while3A_122 = %while3A_110) -> (i32)  : i32 {
        %mul3A_123 = arith.constant 128 : i32
        %mul3A_124 = arith.muli %while3A_121, %mul3A_123 : i32
        %add3A_125 = arith.constant 0 : i32
        %add3A_126 = arith.addi %mul3A_124, %add3A_125 : i32
        %add3A_127 = vector.broadcast %add3A_126 : i32 to vector<16xi32>
        %add3A_128 = arith.addi %add3A_127, %iota3A : vector<16xi32>
        %lt3A_129 = vector.broadcast %scan3A_63 : i32 to vector<16xi32>
        %lt3A_130 = arith.cmpi slt, %add3A_128, %lt3A_129 : vector<16xi32>
        %get3A_131 = arith.index_cast %add3A_126 : i32 to index
        %get3A_132 = tpu.vector_load %arg10[%get3A_131] {strides = array<i32>} : memref<32784xi32, #tpu.memory_space<vmem>>, vector<16xi32>,
        %select_n3A_133 = arith.select %lt3A_130, %get3A_132, %gather3A_78 : vector<16xi1>, vector<16xi32>
        %get3A_134 = arith.index_cast %add3A_126 : i32 to index
        %get3A_135 = tpu.vector_load %arg11[%get3A_134] {strides = array<i32>} : memref<32784xi32, #tpu.memory_space<vmem>>, vector<16xi32>,
        %select_n3A_136 = arith.select %lt3A_130, %get3A_135, %gather3A_90 : vector<16xi1>, vector<16xi32>
        %swap3A = arith.constant 0 : index
        %swap3A_137 = tpu.vector_load %arg12[%swap3A] {strides = array<i32>} : memref<128xi32, #tpu.memory_space<vmem>>, vector<16xi32>,
        tpu.vector_store %arg12[%swap3A], %select_n3A_133 {strides = array<i32>} : memref<128xi32, #tpu.memory_space<vmem>>, vector<16xi32>,
        %swap3A_138 = arith.constant 0 : index
        %swap3A_139 = tpu.vector_load %arg13[%swap3A_138] {strides = array<i32>} : memref<128xi32, #tpu.memory_space<vmem>>, vector<16xi32>,
        tpu.vector_store %arg13[%swap3A_138], %select_n3A_136 {strides = array<i32>} : memref<128xi32, #tpu.memory_space<vmem>>, vector<16xi32>,
        %mul3A_140 = arith.constant 128 : i32
        %mul3A_141 = arith.muli %while3A_121, %mul3A_140 : i32
        %add3A_142 = arith.constant 16 : i32
        %add3A_143 = arith.addi %mul3A_141, %add3A_142 : i32
        %add3A_144 = vector.broadcast %add3A_143 : i32 to vector<16xi32>
        %add3A_145 = arith.addi %add3A_144, %iota3A : vector<16xi32>
        %lt3A_146 = vector.broadcast %scan3A_63 : i32 to vector<16xi32>
        %lt3A_147 = arith.cmpi slt, %add3A_145, %lt3A_146 : vector<16xi32>
        %get3A_148 = arith.index_cast %add3A_143 : i32 to index
        %get3A_149 = tpu.vector_load %arg10[%get3A_148] {strides = array<i32>} : memref<32784xi32, #tpu.memory_space<vmem>>, vector<16xi32>,
        %select_n3A_150 = arith.select %lt3A_147, %get3A_149, %gather3A_78 : vector<16xi1>, vector<16xi32>
        %get3A_151 = arith.index_cast %add3A_143 : i32 to index
        %get3A_152 = tpu.vector_load %arg11[%get3A_151] {strides = array<i32>} : memref<32784xi32, #tpu.memory_space<vmem>>, vector<16xi32>,
        %select_n3A_153 = arith.select %lt3A_147, %get3A_152, %gather3A_90 : vector<16xi1>, vector<16xi32>
        %swap3A_154 = arith.constant 16 : index
        %swap3A_155 = tpu.vector_load %arg12[%swap3A_154] {strides = array<i32>} : memref<128xi32, #tpu.memory_space<vmem>>, vector<16xi32>,
        tpu.vector_store %arg12[%swap3A_154], %select_n3A_150 {strides = array<i32>} : memref<128xi32, #tpu.memory_space<vmem>>, vector<16xi32>,
        %swap3A_156 = arith.constant 16 : index
        %swap3A_157 = tpu.vector_load %arg13[%swap3A_156] {strides = array<i32>} : memref<128xi32, #tpu.memory_space<vmem>>, vector<16xi32>,
        tpu.vector_store %arg13[%swap3A_156], %select_n3A_153 {strides = array<i32>} : memref<128xi32, #tpu.memory_space<vmem>>, vector<16xi32>,
        %mul3A_158 = arith.constant 128 : i32
        %mul3A_159 = arith.muli %while3A_121, %mul3A_158 : i32
        %add3A_160 = arith.constant 32 : i32
        %add3A_161 = arith.addi %mul3A_159, %add3A_160 : i32
        %add3A_162 = vector.broadcast %add3A_161 : i32 to vector<16xi32>
        %add3A_163 = arith.addi %add3A_162, %iota3A : vector<16xi32>
        %lt3A_164 = vector.broadcast %scan3A_63 : i32 to vector<16xi32>
        %lt3A_165 = arith.cmpi slt, %add3A_163, %lt3A_164 : vector<16xi32>
        %get3A_166 = arith.index_cast %add3A_161 : i32 to index
        %get3A_167 = tpu.vector_load %arg10[%get3A_166] {strides = array<i32>} : memref<32784xi32, #tpu.memory_space<vmem>>, vector<16xi32>,
        %select_n3A_168 = arith.select %lt3A_165, %get3A_167, %gather3A_78 : vector<16xi1>, vector<16xi32>
        %get3A_169 = arith.index_cast %add3A_161 : i32 to index
        %get3A_170 = tpu.vector_load %arg11[%get3A_169] {strides = array<i32>} : memref<32784xi32, #tpu.memory_space<vmem>>, vector<16xi32>,
        %select_n3A_171 = arith.select %lt3A_165, %get3A_170, %gather3A_90 : vector<16xi1>, vector<16xi32>
        %swap3A_172 = arith.constant 32 : index
        %swap3A_173 = tpu.vector_load %arg12[%swap3A_172] {strides = array<i32>} : memref<128xi32, #tpu.memory_space<vmem>>, vector<16xi32>,
        tpu.vector_store %arg12[%swap3A_172], %select_n3A_168 {strides = array<i32>} : memref<128xi32, #tpu.memory_space<vmem>>, vector<16xi32>,
        %swap3A_174 = arith.constant 32 : index
        %swap3A_175 = tpu.vector_load %arg13[%swap3A_174] {strides = array<i32>} : memref<128xi32, #tpu.memory_space<vmem>>, vector<16xi32>,
        tpu.vector_store %arg13[%swap3A_174], %select_n3A_171 {strides = array<i32>} : memref<128xi32, #tpu.memory_space<vmem>>, vector<16xi32>,
        %mul3A_176 = arith.constant 128 : i32
        %mul3A_177 = arith.muli %while3A_121, %mul3A_176 : i32
        %add3A_178 = arith.constant 48 : i32
        %add3A_179 = arith.addi %mul3A_177, %add3A_178 : i32
        %add3A_180 = vector.broadcast %add3A_179 : i32 to vector<16xi32>
        %add3A_181 = arith.addi %add3A_180, %iota3A : vector<16xi32>
        %lt3A_182 = vector.broadcast %scan3A_63 : i32 to vector<16xi32>
        %lt3A_183 = arith.cmpi slt, %add3A_181, %lt3A_182 : vector<16xi32>
        %get3A_184 = arith.index_cast %add3A_179 : i32 to index
        %get3A_185 = tpu.vector_load %arg10[%get3A_184] {strides = array<i32>} : memref<32784xi32, #tpu.memory_space<vmem>>, vector<16xi32>,
        %select_n3A_186 = arith.select %lt3A_183, %get3A_185, %gather3A_78 : vector<16xi1>, vector<16xi32>
        %get3A_187 = arith.index_cast %add3A_179 : i32 to index
        %get3A_188 = tpu.vector_load %arg11[%get3A_187] {strides = array<i32>} : memref<32784xi32, #tpu.memory_space<vmem>>, vector<16xi32>,
        %select_n3A_189 = arith.select %lt3A_183, %get3A_188, %gather3A_90 : vector<16xi1>, vector<16xi32>
        %swap3A_190 = arith.constant 48 : index
        %swap3A_191 = tpu.vector_load %arg12[%swap3A_190] {strides = array<i32>} : memref<128xi32, #tpu.memory_space<vmem>>, vector<16xi32>,
        tpu.vector_store %arg12[%swap3A_190], %select_n3A_186 {strides = array<i32>} : memref<128xi32, #tpu.memory_space<vmem>>, vector<16xi32>,
        %swap3A_192 = arith.constant 48 : index
        %swap3A_193 = tpu.vector_load %arg13[%swap3A_192] {strides = array<i32>} : memref<128xi32, #tpu.memory_space<vmem>>, vector<16xi32>,
        tpu.vector_store %arg13[%swap3A_192], %select_n3A_189 {strides = array<i32>} : memref<128xi32, #tpu.memory_space<vmem>>, vector<16xi32>,
        %mul3A_194 = arith.constant 128 : i32
        %mul3A_195 = arith.muli %while3A_121, %mul3A_194 : i32
        %add3A_196 = arith.constant 64 : i32
        %add3A_197 = arith.addi %mul3A_195, %add3A_196 : i32
        %add3A_198 = vector.broadcast %add3A_197 : i32 to vector<16xi32>
        %add3A_199 = arith.addi %add3A_198, %iota3A : vector<16xi32>
        %lt3A_200 = vector.broadcast %scan3A_63 : i32 to vector<16xi32>
        %lt3A_201 = arith.cmpi slt, %add3A_199, %lt3A_200 : vector<16xi32>
        %get3A_202 = arith.index_cast %add3A_197 : i32 to index
        %get3A_203 = tpu.vector_load %arg10[%get3A_202] {strides = array<i32>} : memref<32784xi32, #tpu.memory_space<vmem>>, vector<16xi32>,
        %select_n3A_204 = arith.select %lt3A_201, %get3A_203, %gather3A_78 : vector<16xi1>, vector<16xi32>
        %get3A_205 = arith.index_cast %add3A_197 : i32 to index
        %get3A_206 = tpu.vector_load %arg11[%get3A_205] {strides = array<i32>} : memref<32784xi32, #tpu.memory_space<vmem>>, vector<16xi32>,
        %select_n3A_207 = arith.select %lt3A_201, %get3A_206, %gather3A_90 : vector<16xi1>, vector<16xi32>
        %swap3A_208 = arith.constant 64 : index
        %swap3A_209 = tpu.vector_load %arg12[%swap3A_208] {strides = array<i32>} : memref<128xi32, #tpu.memory_space<vmem>>, vector<16xi32>,
        tpu.vector_store %arg12[%swap3A_208], %select_n3A_204 {strides = array<i32>} : memref<128xi32, #tpu.memory_space<vmem>>, vector<16xi32>,
        %swap3A_210 = arith.constant 64 : index
        %swap3A_211 = tpu.vector_load %arg13[%swap3A_210] {strides = array<i32>} : memref<128xi32, #tpu.memory_space<vmem>>, vector<16xi32>,
        tpu.vector_store %arg13[%swap3A_210], %select_n3A_207 {strides = array<i32>} : memref<128xi32, #tpu.memory_space<vmem>>, vector<16xi32>,
        %mul3A_212 = arith.constant 128 : i32
        %mul3A_213 = arith.muli %while3A_121, %mul3A_212 : i32
        %add3A_214 = arith.constant 80 : i32
        %add3A_215 = arith.addi %mul3A_213, %add3A_214 : i32
        %add3A_216 = vector.broadcast %add3A_215 : i32 to vector<16xi32>
        %add3A_217 = arith.addi %add3A_216, %iota3A : vector<16xi32>
        %lt3A_218 = vector.broadcast %scan3A_63 : i32 to vector<16xi32>
        %lt3A_219 = arith.cmpi slt, %add3A_217, %lt3A_218 : vector<16xi32>
        %get3A_220 = arith.index_cast %add3A_215 : i32 to index
        %get3A_221 = tpu.vector_load %arg10[%get3A_220] {strides = array<i32>} : memref<32784xi32, #tpu.memory_space<vmem>>, vector<16xi32>,
        %select_n3A_222 = arith.select %lt3A_219, %get3A_221, %gather3A_78 : vector<16xi1>, vector<16xi32>
        %get3A_223 = arith.index_cast %add3A_215 : i32 to index
        %get3A_224 = tpu.vector_load %arg11[%get3A_223] {strides = array<i32>} : memref<32784xi32, #tpu.memory_space<vmem>>, vector<16xi32>,
        %select_n3A_225 = arith.select %lt3A_219, %get3A_224, %gather3A_90 : vector<16xi1>, vector<16xi32>
        %swap3A_226 = arith.constant 80 : index
        %swap3A_227 = tpu.vector_load %arg12[%swap3A_226] {strides = array<i32>} : memref<128xi32, #tpu.memory_space<vmem>>, vector<16xi32>,
        tpu.vector_store %arg12[%swap3A_226], %select_n3A_222 {strides = array<i32>} : memref<128xi32, #tpu.memory_space<vmem>>, vector<16xi32>,
        %swap3A_228 = arith.constant 80 : index
        %swap3A_229 = tpu.vector_load %arg13[%swap3A_228] {strides = array<i32>} : memref<128xi32, #tpu.memory_space<vmem>>, vector<16xi32>,
        tpu.vector_store %arg13[%swap3A_228], %select_n3A_225 {strides = array<i32>} : memref<128xi32, #tpu.memory_space<vmem>>, vector<16xi32>,
        %mul3A_230 = arith.constant 128 : i32
        %mul3A_231 = arith.muli %while3A_121, %mul3A_230 : i32
        %add3A_232 = arith.constant 96 : i32
        %add3A_233 = arith.addi %mul3A_231, %add3A_232 : i32
        %add3A_234 = vector.broadcast %add3A_233 : i32 to vector<16xi32>
        %add3A_235 = arith.addi %add3A_234, %iota3A : vector<16xi32>
        %lt3A_236 = vector.broadcast %scan3A_63 : i32 to vector<16xi32>
        %lt3A_237 = arith.cmpi slt, %add3A_235, %lt3A_236 : vector<16xi32>
        %get3A_238 = arith.index_cast %add3A_233 : i32 to index
        %get3A_239 = tpu.vector_load %arg10[%get3A_238] {strides = array<i32>} : memref<32784xi32, #tpu.memory_space<vmem>>, vector<16xi32>,
        %select_n3A_240 = arith.select %lt3A_237, %get3A_239, %gather3A_78 : vector<16xi1>, vector<16xi32>
        %get3A_241 = arith.index_cast %add3A_233 : i32 to index
        %get3A_242 = tpu.vector_load %arg11[%get3A_241] {strides = array<i32>} : memref<32784xi32, #tpu.memory_space<vmem>>, vector<16xi32>,
        %select_n3A_243 = arith.select %lt3A_237, %get3A_242, %gather3A_90 : vector<16xi1>, vector<16xi32>
        %swap3A_244 = arith.constant 96 : index
        %swap3A_245 = tpu.vector_load %arg12[%swap3A_244] {strides = array<i32>} : memref<128xi32, #tpu.memory_space<vmem>>, vector<16xi32>,
        tpu.vector_store %arg12[%swap3A_244], %select_n3A_240 {strides = array<i32>} : memref<128xi32, #tpu.memory_space<vmem>>, vector<16xi32>,
        %swap3A_246 = arith.constant 96 : index
        %swap3A_247 = tpu.vector_load %arg13[%swap3A_246] {strides = array<i32>} : memref<128xi32, #tpu.memory_space<vmem>>, vector<16xi32>,
        tpu.vector_store %arg13[%swap3A_246], %select_n3A_243 {strides = array<i32>} : memref<128xi32, #tpu.memory_space<vmem>>, vector<16xi32>,
        %mul3A_248 = arith.constant 128 : i32
        %mul3A_249 = arith.muli %while3A_121, %mul3A_248 : i32
        %add3A_250 = arith.constant 112 : i32
        %add3A_251 = arith.addi %mul3A_249, %add3A_250 : i32
        %add3A_252 = vector.broadcast %add3A_251 : i32 to vector<16xi32>
        %add3A_253 = arith.addi %add3A_252, %iota3A : vector<16xi32>
        %lt3A_254 = vector.broadcast %scan3A_63 : i32 to vector<16xi32>
        %lt3A_255 = arith.cmpi slt, %add3A_253, %lt3A_254 : vector<16xi32>
        %get3A_256 = arith.index_cast %add3A_251 : i32 to index
        %get3A_257 = tpu.vector_load %arg10[%get3A_256] {strides = array<i32>} : memref<32784xi32, #tpu.memory_space<vmem>>, vector<16xi32>,
        %select_n3A_258 = arith.select %lt3A_255, %get3A_257, %gather3A_78 : vector<16xi1>, vector<16xi32>
        %get3A_259 = arith.index_cast %add3A_251 : i32 to index
        %get3A_260 = tpu.vector_load %arg11[%get3A_259] {strides = array<i32>} : memref<32784xi32, #tpu.memory_space<vmem>>, vector<16xi32>,
        %select_n3A_261 = arith.select %lt3A_255, %get3A_260, %gather3A_90 : vector<16xi1>, vector<16xi32>
        %swap3A_262 = arith.constant 112 : index
        %swap3A_263 = tpu.vector_load %arg12[%swap3A_262] {strides = array<i32>} : memref<128xi32, #tpu.memory_space<vmem>>, vector<16xi32>,
        tpu.vector_store %arg12[%swap3A_262], %select_n3A_258 {strides = array<i32>} : memref<128xi32, #tpu.memory_space<vmem>>, vector<16xi32>,
        %swap3A_264 = arith.constant 112 : index
        %swap3A_265 = tpu.vector_load %arg13[%swap3A_264] {strides = array<i32>} : memref<128xi32, #tpu.memory_space<vmem>>, vector<16xi32>,
        tpu.vector_store %arg13[%swap3A_264], %select_n3A_261 {strides = array<i32>} : memref<128xi32, #tpu.memory_space<vmem>>, vector<16xi32>,
        %dma_start3A = arith.constant 0 : i32
        %dma_start3A_266 = arith.constant 0 : i32
        %dma_start3A_267 = tpu.memref_slice %arg3[%dma_start3A, %dma_start3A_266] : memref<32768x128xf32, #tpu.memory_space<hbm>> -> memref<32768x128xf32, #tpu.memory_space<hbm>>
        tpu.enqueue_indirect_dma source(%dma_start3A_267 : memref<32768x128xf32, #tpu.memory_space<hbm>>) target(%arg14 : memref<128x128xf32, #tpu.memory_space<vmem>>) offsets(%arg13 : memref<128xi32, #tpu.memory_space<vmem>>) semaphore(%arg15 : memref<!tpu.dma_semaphore, #tpu.memory_space<semaphore_mem>>)
        %dma_wait3A = arith.constant 0 : i32
        %dma_wait3A_268 = arith.constant 0 : i32
        %dma_wait3A_269 = tpu.memref_slice %arg3[%dma_wait3A, %dma_wait3A_268] : memref<32768x128xf32, #tpu.memory_space<hbm>> -> memref<32768x128xf32, #tpu.memory_space<hbm>>
        tpu.wait_indirect_dma semaphore(%arg15 : memref<!tpu.dma_semaphore, #tpu.memory_space<semaphore_mem>>) src(%dma_wait3A_269 : memref<32768x128xf32, #tpu.memory_space<hbm>>) dst(%arg14 : memref<128x128xf32, #tpu.memory_space<vmem>>)
        %dma_start3A_270 = arith.constant 0 : i32
        %dma_start3A_271 = arith.constant 0 : i32
        %dma_start3A_272 = tpu.memref_slice %arg6[%dma_start3A_270, %dma_start3A_271] : memref<50000x128xf32, #tpu.memory_space<hbm>> -> memref<50000x128xf32, #tpu.memory_space<hbm>>
        tpu.enqueue_indirect_dma source(%arg14 : memref<128x128xf32, #tpu.memory_space<vmem>>) target(%dma_start3A_272 : memref<50000x128xf32, #tpu.memory_space<hbm>>) offsets(%arg12 : memref<128xi32, #tpu.memory_space<vmem>>) semaphore(%arg15 : memref<!tpu.dma_semaphore, #tpu.memory_space<semaphore_mem>>)
        %dma_wait3A_273 = arith.constant 0 : i32
        %dma_wait3A_274 = arith.constant 0 : i32
        %dma_wait3A_275 = tpu.memref_slice %arg6[%dma_wait3A_273, %dma_wait3A_274] : memref<50000x128xf32, #tpu.memory_space<hbm>> -> memref<50000x128xf32, #tpu.memory_space<hbm>>
        tpu.wait_indirect_dma semaphore(%arg15 : memref<!tpu.dma_semaphore, #tpu.memory_space<semaphore_mem>>) src(%arg14 : memref<128x128xf32, #tpu.memory_space<vmem>>) dst(%dma_wait3A_275 : memref<50000x128xf32, #tpu.memory_space<hbm>>)
        %while3A_276 = arith.constant 0 : i32
        scf.yield %while3A_276 : i32
      }
      %while3A_119 = arith.constant 1 : i32
      %while3A_120 = scf.for %while3A_121 = %while3A_116 to %while3A_112 step %while3A_119 iter_args(%while3A_122 = %while3A_118) -> (i32)  : i32 {
        %mul3A_123 = arith.constant 128 : i32
        %mul3A_124 = arith.muli %while3A_121, %mul3A_123 : i32
        %add3A_125 = arith.constant 0 : i32
        %add3A_126 = arith.addi %mul3A_124, %add3A_125 : i32
        %add3A_127 = vector.broadcast %add3A_126 : i32 to vector<16xi32>
        %add3A_128 = arith.addi %add3A_127, %iota3A : vector<16xi32>
        %lt3A_129 = vector.broadcast %scan3A_63 : i32 to vector<16xi32>
        %lt3A_130 = arith.cmpi slt, %add3A_128, %lt3A_129 : vector<16xi32>
        %get3A_131 = arith.index_cast %add3A_126 : i32 to index
        %get3A_132 = tpu.vector_load %arg10[%get3A_131] {strides = array<i32>} : memref<32784xi32, #tpu.memory_space<vmem>>, vector<16xi32>,
        %select_n3A_133 = arith.select %lt3A_130, %get3A_132, %gather3A_78 : vector<16xi1>, vector<16xi32>
        %get3A_134 = arith.index_cast %add3A_126 : i32 to index
        %get3A_135 = tpu.vector_load %arg11[%get3A_134] {strides = array<i32>} : memref<32784xi32, #tpu.memory_space<vmem>>, vector<16xi32>,
        %select_n3A_136 = arith.select %lt3A_130, %get3A_135, %gather3A_90 : vector<16xi1>, vector<16xi32>
        %swap3A = arith.constant 0 : index
        %swap3A_137 = tpu.vector_load %arg12[%swap3A] {strides = array<i32>} : memref<128xi32, #tpu.memory_space<vmem>>, vector<16xi32>,
        tpu.vector_store %arg12[%swap3A], %select_n3A_133 {strides = array<i32>} : memref<128xi32, #tpu.memory_space<vmem>>, vector<16xi32>,
        %swap3A_138 = arith.constant 0 : index
        %swap3A_139 = tpu.vector_load %arg13[%swap3A_138] {strides = array<i32>} : memref<128xi32, #tpu.memory_space<vmem>>, vector<16xi32>,
        tpu.vector_store %arg13[%swap3A_138], %select_n3A_136 {strides = array<i32>} : memref<128xi32, #tpu.memory_space<vmem>>, vector<16xi32>,
        %mul3A_140 = arith.constant 128 : i32
        %mul3A_141 = arith.muli %while3A_121, %mul3A_140 : i32
        %add3A_142 = arith.constant 16 : i32
        %add3A_143 = arith.addi %mul3A_141, %add3A_142 : i32
        %add3A_144 = vector.broadcast %add3A_143 : i32 to vector<16xi32>
        %add3A_145 = arith.addi %add3A_144, %iota3A : vector<16xi32>
        %lt3A_146 = vector.broadcast %scan3A_63 : i32 to vector<16xi32>
        %lt3A_147 = arith.cmpi slt, %add3A_145, %lt3A_146 : vector<16xi32>
        %get3A_148 = arith.index_cast %add3A_143 : i32 to index
        %get3A_149 = tpu.vector_load %arg10[%get3A_148] {strides = array<i32>} : memref<32784xi32, #tpu.memory_space<vmem>>, vector<16xi32>,
        %select_n3A_150 = arith.select %lt3A_147, %get3A_149, %gather3A_78 : vector<16xi1>, vector<16xi32>
        %get3A_151 = arith.index_cast %add3A_143 : i32 to index
        %get3A_152 = tpu.vector_load %arg11[%get3A_151] {strides = array<i32>} : memref<32784xi32, #tpu.memory_space<vmem>>, vector<16xi32>,
        %select_n3A_153 = arith.select %lt3A_147, %get3A_152, %gather3A_90 : vector<16xi1>, vector<16xi32>
        %swap3A_154 = arith.constant 16 : index
        %swap3A_155 = tpu.vector_load %arg12[%swap3A_154] {strides = array<i32>} : memref<128xi32, #tpu.memory_space<vmem>>, vector<16xi32>,
        tpu.vector_store %arg12[%swap3A_154], %select_n3A_150 {strides = array<i32>} : memref<128xi32, #tpu.memory_space<vmem>>, vector<16xi32>,
        %swap3A_156 = arith.constant 16 : index
        %swap3A_157 = tpu.vector_load %arg13[%swap3A_156] {strides = array<i32>} : memref<128xi32, #tpu.memory_space<vmem>>, vector<16xi32>,
        tpu.vector_store %arg13[%swap3A_156], %select_n3A_153 {strides = array<i32>} : memref<128xi32, #tpu.memory_space<vmem>>, vector<16xi32>,
        %mul3A_158 = arith.constant 128 : i32
        %mul3A_159 = arith.muli %while3A_121, %mul3A_158 : i32
        %add3A_160 = arith.constant 32 : i32
        %add3A_161 = arith.addi %mul3A_159, %add3A_160 : i32
        %add3A_162 = vector.broadcast %add3A_161 : i32 to vector<16xi32>
        %add3A_163 = arith.addi %add3A_162, %iota3A : vector<16xi32>
        %lt3A_164 = vector.broadcast %scan3A_63 : i32 to vector<16xi32>
        %lt3A_165 = arith.cmpi slt, %add3A_163, %lt3A_164 : vector<16xi32>
        %get3A_166 = arith.index_cast %add3A_161 : i32 to index
        %get3A_167 = tpu.vector_load %arg10[%get3A_166] {strides = array<i32>} : memref<32784xi32, #tpu.memory_space<vmem>>, vector<16xi32>,
        %select_n3A_168 = arith.select %lt3A_165, %get3A_167, %gather3A_78 : vector<16xi1>, vector<16xi32>
        %get3A_169 = arith.index_cast %add3A_161 : i32 to index
        %get3A_170 = tpu.vector_load %arg11[%get3A_169] {strides = array<i32>} : memref<32784xi32, #tpu.memory_space<vmem>>, vector<16xi32>,
        %select_n3A_171 = arith.select %lt3A_165, %get3A_170, %gather3A_90 : vector<16xi1>, vector<16xi32>
        %swap3A_172 = arith.constant 32 : index
        %swap3A_173 = tpu.vector_load %arg12[%swap3A_172] {strides = array<i32>} : memref<128xi32, #tpu.memory_space<vmem>>, vector<16xi32>,
        tpu.vector_store %arg12[%swap3A_172], %select_n3A_168 {strides = array<i32>} : memref<128xi32, #tpu.memory_space<vmem>>, vector<16xi32>,
        %swap3A_174 = arith.constant 32 : index
        %swap3A_175 = tpu.vector_load %arg13[%swap3A_174] {strides = array<i32>} : memref<128xi32, #tpu.memory_space<vmem>>, vector<16xi32>,
        tpu.vector_store %arg13[%swap3A_174], %select_n3A_171 {strides = array<i32>} : memref<128xi32, #tpu.memory_space<vmem>>, vector<16xi32>,
        %mul3A_176 = arith.constant 128 : i32
        %mul3A_177 = arith.muli %while3A_121, %mul3A_176 : i32
        %add3A_178 = arith.constant 48 : i32
        %add3A_179 = arith.addi %mul3A_177, %add3A_178 : i32
        %add3A_180 = vector.broadcast %add3A_179 : i32 to vector<16xi32>
        %add3A_181 = arith.addi %add3A_180, %iota3A : vector<16xi32>
        %lt3A_182 = vector.broadcast %scan3A_63 : i32 to vector<16xi32>
        %lt3A_183 = arith.cmpi slt, %add3A_181, %lt3A_182 : vector<16xi32>
        %get3A_184 = arith.index_cast %add3A_179 : i32 to index
        %get3A_185 = tpu.vector_load %arg10[%get3A_184] {strides = array<i32>} : memref<32784xi32, #tpu.memory_space<vmem>>, vector<16xi32>,
        %select_n3A_186 = arith.select %lt3A_183, %get3A_185, %gather3A_78 : vector<16xi1>, vector<16xi32>
        %get3A_187 = arith.index_cast %add3A_179 : i32 to index
        %get3A_188 = tpu.vector_load %arg11[%get3A_187] {strides = array<i32>} : memref<32784xi32, #tpu.memory_space<vmem>>, vector<16xi32>,
        %select_n3A_189 = arith.select %lt3A_183, %get3A_188, %gather3A_90 : vector<16xi1>, vector<16xi32>
        %swap3A_190 = arith.constant 48 : index
        %swap3A_191 = tpu.vector_load %arg12[%swap3A_190] {strides = array<i32>} : memref<128xi32, #tpu.memory_space<vmem>>, vector<16xi32>,
        tpu.vector_store %arg12[%swap3A_190], %select_n3A_186 {strides = array<i32>} : memref<128xi32, #tpu.memory_space<vmem>>, vector<16xi32>,
        %swap3A_192 = arith.constant 48 : index
        %swap3A_193 = tpu.vector_load %arg13[%swap3A_192] {strides = array<i32>} : memref<128xi32, #tpu.memory_space<vmem>>, vector<16xi32>,
        tpu.vector_store %arg13[%swap3A_192], %select_n3A_189 {strides = array<i32>} : memref<128xi32, #tpu.memory_space<vmem>>, vector<16xi32>,
        %mul3A_194 = arith.constant 128 : i32
        %mul3A_195 = arith.muli %while3A_121, %mul3A_194 : i32
        %add3A_196 = arith.constant 64 : i32
        %add3A_197 = arith.addi %mul3A_195, %add3A_196 : i32
        %add3A_198 = vector.broadcast %add3A_197 : i32 to vector<16xi32>
        %add3A_199 = arith.addi %add3A_198, %iota3A : vector<16xi32>
        %lt3A_200 = vector.broadcast %scan3A_63 : i32 to vector<16xi32>
        %lt3A_201 = arith.cmpi slt, %add3A_199, %lt3A_200 : vector<16xi32>
        %get3A_202 = arith.index_cast %add3A_197 : i32 to index
        %get3A_203 = tpu.vector_load %arg10[%get3A_202] {strides = array<i32>} : memref<32784xi32, #tpu.memory_space<vmem>>, vector<16xi32>,
        %select_n3A_204 = arith.select %lt3A_201, %get3A_203, %gather3A_78 : vector<16xi1>, vector<16xi32>
        %get3A_205 = arith.index_cast %add3A_197 : i32 to index
        %get3A_206 = tpu.vector_load %arg11[%get3A_205] {strides = array<i32>} : memref<32784xi32, #tpu.memory_space<vmem>>, vector<16xi32>,
        %select_n3A_207 = arith.select %lt3A_201, %get3A_206, %gather3A_90 : vector<16xi1>, vector<16xi32>
        %swap3A_208 = arith.constant 64 : index
        %swap3A_209 = tpu.vector_load %arg12[%swap3A_208] {strides = array<i32>} : memref<128xi32, #tpu.memory_space<vmem>>, vector<16xi32>,
        tpu.vector_store %arg12[%swap3A_208], %select_n3A_204 {strides = array<i32>} : memref<128xi32, #tpu.memory_space<vmem>>, vector<16xi32>,
        %swap3A_210 = arith.constant 64 : index
        %swap3A_211 = tpu.vector_load %arg13[%swap3A_210] {strides = array<i32>} : memref<128xi32, #tpu.memory_space<vmem>>, vector<16xi32>,
        tpu.vector_store %arg13[%swap3A_210], %select_n3A_207 {strides = array<i32>} : memref<128xi32, #tpu.memory_space<vmem>>, vector<16xi32>,
        %mul3A_212 = arith.constant 128 : i32
        %mul3A_213 = arith.muli %while3A_121, %mul3A_212 : i32
        %add3A_214 = arith.constant 80 : i32
        %add3A_215 = arith.addi %mul3A_213, %add3A_214 : i32
        %add3A_216 = vector.broadcast %add3A_215 : i32 to vector<16xi32>
        %add3A_217 = arith.addi %add3A_216, %iota3A : vector<16xi32>
        %lt3A_218 = vector.broadcast %scan3A_63 : i32 to vector<16xi32>
        %lt3A_219 = arith.cmpi slt, %add3A_217, %lt3A_218 : vector<16xi32>
        %get3A_220 = arith.index_cast %add3A_215 : i32 to index
        %get3A_221 = tpu.vector_load %arg10[%get3A_220] {strides = array<i32>} : memref<32784xi32, #tpu.memory_space<vmem>>, vector<16xi32>,
        %select_n3A_222 = arith.select %lt3A_219, %get3A_221, %gather3A_78 : vector<16xi1>, vector<16xi32>
        %get3A_223 = arith.index_cast %add3A_215 : i32 to index
        %get3A_224 = tpu.vector_load %arg11[%get3A_223] {strides = array<i32>} : memref<32784xi32, #tpu.memory_space<vmem>>, vector<16xi32>,
        %select_n3A_225 = arith.select %lt3A_219, %get3A_224, %gather3A_90 : vector<16xi1>, vector<16xi32>
        %swap3A_226 = arith.constant 80 : index
        %swap3A_227 = tpu.vector_load %arg12[%swap3A_226] {strides = array<i32>} : memref<128xi32, #tpu.memory_space<vmem>>, vector<16xi32>,
        tpu.vector_store %arg12[%swap3A_226], %select_n3A_222 {strides = array<i32>} : memref<128xi32, #tpu.memory_space<vmem>>, vector<16xi32>,
        %swap3A_228 = arith.constant 80 : index
        %swap3A_229 = tpu.vector_load %arg13[%swap3A_228] {strides = array<i32>} : memref<128xi32, #tpu.memory_space<vmem>>, vector<16xi32>,
        tpu.vector_store %arg13[%swap3A_228], %select_n3A_225 {strides = array<i32>} : memref<128xi32, #tpu.memory_space<vmem>>, vector<16xi32>,
        %mul3A_230 = arith.constant 128 : i32
        %mul3A_231 = arith.muli %while3A_121, %mul3A_230 : i32
        %add3A_232 = arith.constant 96 : i32
        %add3A_233 = arith.addi %mul3A_231, %add3A_232 : i32
        %add3A_234 = vector.broadcast %add3A_233 : i32 to vector<16xi32>
        %add3A_235 = arith.addi %add3A_234, %iota3A : vector<16xi32>
        %lt3A_236 = vector.broadcast %scan3A_63 : i32 to vector<16xi32>
        %lt3A_237 = arith.cmpi slt, %add3A_235, %lt3A_236 : vector<16xi32>
        %get3A_238 = arith.index_cast %add3A_233 : i32 to index
        %get3A_239 = tpu.vector_load %arg10[%get3A_238] {strides = array<i32>} : memref<32784xi32, #tpu.memory_space<vmem>>, vector<16xi32>,
        %select_n3A_240 = arith.select %lt3A_237, %get3A_239, %gather3A_78 : vector<16xi1>, vector<16xi32>
        %get3A_241 = arith.index_cast %add3A_233 : i32 to index
        %get3A_242 = tpu.vector_load %arg11[%get3A_241] {strides = array<i32>} : memref<32784xi32, #tpu.memory_space<vmem>>, vector<16xi32>,
        %select_n3A_243 = arith.select %lt3A_237, %get3A_242, %gather3A_90 : vector<16xi1>, vector<16xi32>
        %swap3A_244 = arith.constant 96 : index
        %swap3A_245 = tpu.vector_load %arg12[%swap3A_244] {strides = array<i32>} : memref<128xi32, #tpu.memory_space<vmem>>, vector<16xi32>,
        tpu.vector_store %arg12[%swap3A_244], %select_n3A_240 {strides = array<i32>} : memref<128xi32, #tpu.memory_space<vmem>>, vector<16xi32>,
        %swap3A_246 = arith.constant 96 : index
        %swap3A_247 = tpu.vector_load %arg13[%swap3A_246] {strides = array<i32>} : memref<128xi32, #tpu.memory_space<vmem>>, vector<16xi32>,
        tpu.vector_store %arg13[%swap3A_246], %select_n3A_243 {strides = array<i32>} : memref<128xi32, #tpu.memory_space<vmem>>, vector<16xi32>,
        %mul3A_248 = arith.constant 128 : i32
        %mul3A_249 = arith.muli %while3A_121, %mul3A_248 : i32
        %add3A_250 = arith.constant 112 : i32
        %add3A_251 = arith.addi %mul3A_249, %add3A_250 : i32
        %add3A_252 = vector.broadcast %add3A_251 : i32 to vector<16xi32>
        %add3A_253 = arith.addi %add3A_252, %iota3A : vector<16xi32>
        %lt3A_254 = vector.broadcast %scan3A_63 : i32 to vector<16xi32>
        %lt3A_255 = arith.cmpi slt, %add3A_253, %lt3A_254 : vector<16xi32>
        %get3A_256 = arith.index_cast %add3A_251 : i32 to index
        %get3A_257 = tpu.vector_load %arg10[%get3A_256] {strides = array<i32>} : memref<32784xi32, #tpu.memory_space<vmem>>, vector<16xi32>,
        %select_n3A_258 = arith.select %lt3A_255, %get3A_257, %gather3A_78 : vector<16xi1>, vector<16xi32>
        %get3A_259 = arith.index_cast %add3A_251 : i32 to index
        %get3A_260 = tpu.vector_load %arg11[%get3A_259] {strides = array<i32>} : memref<32784xi32, #tpu.memory_space<vmem>>, vector<16xi32>,
        %select_n3A_261 = arith.select %lt3A_255, %get3A_260, %gather3A_90 : vector<16xi1>, vector<16xi32>
        %swap3A_262 = arith.constant 112 : index
        %swap3A_263 = tpu.vector_load %arg12[%swap3A_262] {strides = array<i32>} : memref<128xi32, #tpu.memory_space<vmem>>, vector<16xi32>,
        tpu.vector_store %arg12[%swap3A_262], %select_n3A_258 {strides = array<i32>} : memref<128xi32, #tpu.memory_space<vmem>>, vector<16xi32>,
        %swap3A_264 = arith.constant 112 : index
        %swap3A_265 = tpu.vector_load %arg13[%swap3A_264] {strides = array<i32>} : memref<128xi32, #tpu.memory_space<vmem>>, vector<16xi32>,
        tpu.vector_store %arg13[%swap3A_264], %select_n3A_261 {strides = array<i32>} : memref<128xi32, #tpu.memory_space<vmem>>, vector<16xi32>,
        %dma_start3A = arith.constant 0 : i32
        %dma_start3A_266 = arith.constant 0 : i32
        %dma_start3A_267 = tpu.memref_slice %arg3[%dma_start3A, %dma_start3A_266] : memref<32768x128xf32, #tpu.memory_space<hbm>> -> memref<32768x128xf32, #tpu.memory_space<hbm>>
        tpu.enqueue_indirect_dma source(%dma_start3A_267 : memref<32768x128xf32, #tpu.memory_space<hbm>>) target(%arg14 : memref<128x128xf32, #tpu.memory_space<vmem>>) offsets(%arg13 : memref<128xi32, #tpu.memory_space<vmem>>) semaphore(%arg15 : memref<!tpu.dma_semaphore, #tpu.memory_space<semaphore_mem>>)
        %dma_wait3A = arith.constant 0 : i32
        %dma_wait3A_268 = arith.constant 0 : i32
        %dma_wait3A_269 = tpu.memref_slice %arg3[%dma_wait3A, %dma_wait3A_268] : memref<32768x128xf32, #tpu.memory_space<hbm>> -> memref<32768x128xf32, #tpu.memory_space<hbm>>
        tpu.wait_indirect_dma semaphore(%arg15 : memref<!tpu.dma_semaphore, #tpu.memory_space<semaphore_mem>>) src(%dma_wait3A_269 : memref<32768x128xf32, #tpu.memory_space<hbm>>) dst(%arg14 : memref<128x128xf32, #tpu.memory_space<vmem>>)
        %dma_start3A_270 = arith.constant 0 : i32
        %dma_start3A_271 = arith.constant 0 : i32
        %dma_start3A_272 = tpu.memref_slice %arg6[%dma_start3A_270, %dma_start3A_271] : memref<50000x128xf32, #tpu.memory_space<hbm>> -> memref<50000x128xf32, #tpu.memory_space<hbm>>
        tpu.enqueue_indirect_dma source(%arg14 : memref<128x128xf32, #tpu.memory_space<vmem>>) target(%dma_start3A_272 : memref<50000x128xf32, #tpu.memory_space<hbm>>) offsets(%arg12 : memref<128xi32, #tpu.memory_space<vmem>>) semaphore(%arg15 : memref<!tpu.dma_semaphore, #tpu.memory_space<semaphore_mem>>)
        %dma_wait3A_273 = arith.constant 0 : i32
        %dma_wait3A_274 = arith.constant 0 : i32
        %dma_wait3A_275 = tpu.memref_slice %arg6[%dma_wait3A_273, %dma_wait3A_274] : memref<50000x128xf32, #tpu.memory_space<hbm>> -> memref<50000x128xf32, #tpu.memory_space<hbm>>
        tpu.wait_indirect_dma semaphore(%arg15 : memref<!tpu.dma_semaphore, #tpu.memory_space<semaphore_mem>>) src(%arg14 : memref<128x128xf32, #tpu.memory_space<vmem>>) dst(%dma_wait3A_275 : memref<50000x128xf32, #tpu.memory_space<hbm>>)
        %while3A_276 = arith.constant 0 : i32
        scf.yield %while3A_276 : i32
      }
    } else {
    }
    return
  }
}

module attributes {stable_mosaic.version = 14 : i64} {
  func.func @_dense_body(%arg0: i32, %arg1: memref<512x64xf32, #tpu.memory_space<vmem>>, %arg2: memref<512x1xf32, #tpu.memory_space<vmem>>, %arg3: memref<2x512x128xf32, #tpu.memory_space<vmem>>, %arg4: memref<2x512x640xf32, #tpu.memory_space<vmem>>, %arg5: memref<64x128xf32, #tpu.memory_space<vmem>>, %arg6: memref<1x128xf32, #tpu.memory_space<vmem>>, %arg7: memref<1x64xf32, #tpu.memory_space<vmem>>, %arg8: memref<1x64xf32, #tpu.memory_space<vmem>>, %arg9: memref<128x128xf32, #tpu.memory_space<vmem>>, %arg10: memref<128x128xf32, #tpu.memory_space<vmem>>, %arg11: memref<64x128xf32, #tpu.memory_space<vmem>>, %arg12: memref<1x128xf32, #tpu.memory_space<vmem>>, %arg13: memref<1x128xf32, #tpu.memory_space<vmem>>, %arg14: memref<1x128xf32, #tpu.memory_space<vmem>>, %arg15: memref<1x64xf32, #tpu.memory_space<vmem>>, %arg16: memref<1x1xf32, #tpu.memory_space<vmem>>, %arg17: memref<1x1xf32, #tpu.memory_space<vmem>>, %arg18: memref<1x128xf32, #tpu.memory_space<vmem>>, %arg19: memref<1x128xf32, #tpu.memory_space<vmem>>, %arg20: memref<1x128xf32, #tpu.memory_space<vmem>>, %arg21: memref<1x128xf32, #tpu.memory_space<vmem>>, %arg22: memref<2x512x128xf32, #tpu.memory_space<vmem>>) attributes {dimension_semantics = [#tpu.dimension_semantics<arbitrary>], iteration_bounds = array<i64: 32>, scalar_prefetch = 0 : i64, scratch_operands = 0 : i64, tpu.core_type = #tpu.core_type<tc>, window_params = [{transform_indices = @transform_0, window_bounds = array<i64: 512, 64>}, {transform_indices = @transform_1, window_bounds = array<i64: 512, 1>}, {transform_indices = @transform_2, window_bounds = array<i64: 2, 512, 128>}, {transform_indices = @transform_3, window_bounds = array<i64: 2, 512, 640>}, {pipeline_mode = #tpu.pipeline_mode<synchronous>, transform_indices = @transform_4, window_bounds = array<i64: 64, 128>}, {pipeline_mode = #tpu.pipeline_mode<synchronous>, transform_indices = @transform_5, window_bounds = array<i64: 1, 128>}, {pipeline_mode = #tpu.pipeline_mode<synchronous>, transform_indices = @transform_6, window_bounds = array<i64: 1, 64>}, {pipeline_mode = #tpu.pipeline_mode<synchronous>, transform_indices = @transform_7, window_bounds = array<i64: 1, 64>}, {pipeline_mode = #tpu.pipeline_mode<synchronous>, transform_indices = @transform_8, window_bounds = array<i64: 128, 128>}, {pipeline_mode = #tpu.pipeline_mode<synchronous>, transform_indices = @transform_9, window_bounds = array<i64: 128, 128>}, {pipeline_mode = #tpu.pipeline_mode<synchronous>, transform_indices = @transform_10, window_bounds = array<i64: 64, 128>}, {pipeline_mode = #tpu.pipeline_mode<synchronous>, transform_indices = @transform_11, window_bounds = array<i64: 1, 128>}, {pipeline_mode = #tpu.pipeline_mode<synchronous>, transform_indices = @transform_12, window_bounds = array<i64: 1, 128>}, {pipeline_mode = #tpu.pipeline_mode<synchronous>, transform_indices = @transform_13, window_bounds = array<i64: 1, 128>}, {pipeline_mode = #tpu.pipeline_mode<synchronous>, transform_indices = @transform_14, window_bounds = array<i64: 1, 64>}, {pipeline_mode = #tpu.pipeline_mode<synchronous>, transform_indices = @transform_15, window_bounds = array<i64: 1, 1>}, {pipeline_mode = #tpu.pipeline_mode<synchronous>, transform_indices = @transform_16, window_bounds = array<i64: 1, 1>}, {pipeline_mode = #tpu.pipeline_mode<synchronous>, transform_indices = @transform_17, window_bounds = array<i64: 1, 128>}, {pipeline_mode = #tpu.pipeline_mode<synchronous>, transform_indices = @transform_18, window_bounds = array<i64: 1, 128>}, {pipeline_mode = #tpu.pipeline_mode<synchronous>, transform_indices = @transform_19, window_bounds = array<i64: 1, 128>}, {pipeline_mode = #tpu.pipeline_mode<synchronous>, transform_indices = @transform_20, window_bounds = array<i64: 1, 128>}, {transform_indices = @transform_21, window_bounds = array<i64: 2, 512, 128>}]} {
    %get3A = arith.constant 0 : index
    %get3A_0 = arith.constant 0 : index
    %get3A_1 = vector.load %arg2[%get3A, %get3A_0] : memref<512x1xf32, #tpu.memory_space<vmem>>, vector<512x1xf32>
    %get3A_2 = arith.constant 0 : index
    %get3A_3 = arith.constant 0 : index
    %get3A_4 = vector.load %arg7[%get3A_2, %get3A_3] : memref<1x64xf32, #tpu.memory_space<vmem>>, vector<1x64xf32>
    %mul3A = vector.broadcast %get3A_1 : vector<512x1xf32> to vector<512x64xf32>
    %mul3A_5 = vector.broadcast %get3A_4 : vector<1x64xf32> to vector<512x64xf32>
    %mul3A_6 = arith.mulf %mul3A, %mul3A_5 : vector<512x64xf32>
    %get3A_7 = arith.constant 0 : index
    %get3A_8 = arith.constant 0 : index
    %get3A_9 = vector.load %arg8[%get3A_7, %get3A_8] : memref<1x64xf32, #tpu.memory_space<vmem>>, vector<1x64xf32>
    %add3A = vector.broadcast %get3A_9 : vector<1x64xf32> to vector<512x64xf32>
    %add3A_10 = arith.addf %mul3A_6, %add3A : vector<512x64xf32>
    %cos3A = math.cos %add3A_10 : vector<512x64xf32>
    %get3A_11 = arith.constant 0 : index
    %get3A_12 = arith.constant 0 : index
    %get3A_13 = vector.load %arg1[%get3A_11, %get3A_12] : memref<512x64xf32, #tpu.memory_space<vmem>>, vector<512x64xf32>
    %get3A_14 = arith.constant 0 : index
    %get3A_15 = arith.constant 0 : index
    %get3A_16 = vector.load %arg5[%get3A_14, %get3A_15] : memref<64x128xf32, #tpu.memory_space<vmem>>, vector<64x128xf32>
    %dot_general3A = arith.constant dense<0.000000e+00> : vector<512x128xf32>
    %dot_general3A_17 = tpu.matmul %get3A_13, %get3A_16, %dot_general3A {dimension_numbers = #tpu.dot_dimension_numbers<[1], [0], [0], [1], [0, 0, 1, 1], [], []>, precision = #tpu.contract_precision<fp32>, transpose_lhs_hint = false} : vector<512x64xf32>, vector<64x128xf32>, vector<512x128xf32> -> vector<512x128xf32>
    %get3A_18 = arith.constant 0 : index
    %get3A_19 = arith.constant 0 : index
    %get3A_20 = vector.load %arg6[%get3A_18, %get3A_19] : memref<1x128xf32, #tpu.memory_space<vmem>>, vector<1x128xf32>
    %add3A_21 = vector.broadcast %get3A_20 : vector<1x128xf32> to vector<512x128xf32>
    %add3A_22 = arith.addf %dot_general3A_17, %add3A_21 : vector<512x128xf32>
    %mul3A_23 = arith.mulf %add3A_22, %add3A_22 : vector<512x128xf32>
    %reduce_sum3A = arith.constant dense<0.000000e+00> : vector<512xf32>
    %reduce_sum3A_24 = vector.multi_reduction <add>, %mul3A_23, %reduce_sum3A [1] : vector<512x128xf32> to vector<512xf32>
    %broadcast_in_dim3A = vector.shape_cast %reduce_sum3A_24 : vector<512xf32> to vector<512x1xf32>
    %sqrt3A = math.sqrt %broadcast_in_dim3A : vector<512x1xf32>
    %add3A_25 = arith.constant 9.99999993E-9 : f32
    %add3A_26 = vector.broadcast %add3A_25 : f32 to vector<512x1xf32>
    %add3A_27 = arith.addf %sqrt3A, %add3A_26 : vector<512x1xf32>
    %div3A = vector.broadcast %add3A_27 : vector<512x1xf32> to vector<512x128xf32>
    %div3A_28 = arith.divf %add3A_22, %div3A : vector<512x128xf32>
    %mul3A_29 = arith.constant 1.000000e+01 : f32
    %mul3A_30 = vector.broadcast %mul3A_29 : f32 to vector<512x128xf32>
    %mul3A_31 = arith.mulf %div3A_28, %mul3A_30 : vector<512x128xf32>
    %jit3A = arith.constant -1.000000e+01 : f32
    %jit3A_32 = arith.constant 1.000000e+01 : f32
    %max3A = vector.broadcast %jit3A : f32 to vector<512x128xf32>
    %max3A_33 = arith.maximumf %max3A, %mul3A_31 : vector<512x128xf32>
    %min3A = vector.broadcast %jit3A_32 : f32 to vector<512x128xf32>
    %min3A_34 = arith.minimumf %min3A, %max3A_33 : vector<512x128xf32>
    %get3A_35 = arith.constant 0 : index
    %get3A_36 = arith.constant 0 : index
    %get3A_37 = vector.load %arg10[%get3A_35, %get3A_36] : memref<128x128xf32, #tpu.memory_space<vmem>>, vector<128x128xf32>
    %dot_general3A_38 = arith.constant dense<0.000000e+00> : vector<512x128xf32>
    %dot_general3A_39 = tpu.matmul %min3A_34, %get3A_37, %dot_general3A_38 {dimension_numbers = #tpu.dot_dimension_numbers<[1], [0], [0], [1], [0, 0, 1, 1], [], []>, precision = #tpu.contract_precision<fp32>, transpose_lhs_hint = false} : vector<512x128xf32>, vector<128x128xf32>, vector<512x128xf32> -> vector<512x128xf32>
    %get3A_40 = arith.constant 0 : index
    %get3A_41 = arith.constant 0 : index
    %get3A_42 = vector.load %arg11[%get3A_40, %get3A_41] : memref<64x128xf32, #tpu.memory_space<vmem>>, vector<64x128xf32>
    %dot_general3A_43 = arith.constant dense<0.000000e+00> : vector<512x128xf32>
    %dot_general3A_44 = tpu.matmul %cos3A, %get3A_42, %dot_general3A_43 {dimension_numbers = #tpu.dot_dimension_numbers<[1], [0], [0], [1], [0, 0, 1, 1], [], []>, precision = #tpu.contract_precision<fp32>, transpose_lhs_hint = false} : vector<512x64xf32>, vector<64x128xf32>, vector<512x128xf32> -> vector<512x128xf32>
    %get3A_45 = arith.constant 0 : index
    %get3A_46 = arith.constant 0 : index
    %get3A_47 = vector.load %arg15[%get3A_45, %get3A_46] : memref<1x64xf32, #tpu.memory_space<vmem>>, vector<1x64xf32>
    %mul3A_48 = vector.broadcast %get3A_47 : vector<1x64xf32> to vector<512x64xf32>
    %mul3A_49 = arith.mulf %cos3A, %mul3A_48 : vector<512x64xf32>
    %reduce_sum3A_50 = arith.constant dense<0.000000e+00> : vector<512xf32>
    %reduce_sum3A_51 = vector.multi_reduction <add>, %mul3A_49, %reduce_sum3A_50 [1] : vector<512x64xf32> to vector<512xf32>
    %broadcast_in_dim3A_52 = vector.shape_cast %reduce_sum3A_51 : vector<512xf32> to vector<512x1xf32>
    %get3A_53 = arith.constant 0 : index
    %get3A_54 = arith.constant 0 : index
    %get3A_55 = vector.load %arg18[%get3A_53, %get3A_54] : memref<1x128xf32, #tpu.memory_space<vmem>>, vector<1x128xf32>
    %get3A_56 = arith.constant 0 : index
    %get3A_57 = arith.constant 0 : index
    %get3A_58 = vector.load %arg19[%get3A_56, %get3A_57] : memref<1x128xf32, #tpu.memory_space<vmem>>, vector<1x128xf32>
    %get3A_59 = arith.constant 0 : index
    %get3A_60 = arith.constant 0 : index
    %get3A_61 = vector.load %arg17[%get3A_59, %get3A_60] : memref<1x1xf32, #tpu.memory_space<vmem>>, vector<1x1xf32>
    %get3A_62 = vector.extract %get3A_61[0, 0] : f32 from vector<1x1xf32>
    %jit3A_63 = arith.constant 5.000000e-02 : f32
    %jit3A_64 = arith.constant 2.000000e+00 : f32
    %max3A_65 = arith.maximumf %jit3A_63, %get3A_62 : f32
    %min3A_66 = arith.minimumf %jit3A_64, %max3A_65 : f32
    %add3A_67 = arith.constant 9.99999997E-7 : f32
    %add3A_68 = arith.addf %min3A_66, %add3A_67 : f32
    %get3A_69 = arith.constant 0 : index
    %get3A_70 = arith.constant 0 : index
    %get3A_71 = arith.constant 0 : index
    %get3A_72 = vector.load %arg3[%get3A_69, %get3A_70, %get3A_71] : memref<2x512x128xf32, #tpu.memory_space<vmem>>, vector<1x512x128xf32>
    %get3A_73 = vector.shape_cast %get3A_72 : vector<1x512x128xf32> to vector<512x128xf32>
    %get3A_74 = arith.constant 0 : index
    %get3A_75 = arith.constant 0 : index
    %get3A_76 = arith.constant 0 : index
    %get3A_77 = vector.load %arg4[%get3A_74, %get3A_75, %get3A_76] : memref<2x512x640xf32, #tpu.memory_space<vmem>>, vector<1x512x640xf32>
    %get3A_78 = vector.shape_cast %get3A_77 : vector<1x512x640xf32> to vector<512x640xf32>
    %get3A_79 = arith.constant 0 : index
    %get3A_80 = arith.constant 0 : index
    %get3A_81 = vector.load %arg9[%get3A_79, %get3A_80] : memref<128x128xf32, #tpu.memory_space<vmem>>, vector<128x128xf32>
    %dot_general3A_82 = arith.constant dense<0.000000e+00> : vector<512x128xf32>
    %dot_general3A_83 = tpu.matmul %get3A_73, %get3A_81, %dot_general3A_82 {dimension_numbers = #tpu.dot_dimension_numbers<[1], [0], [0], [1], [0, 0, 1, 1], [], []>, precision = #tpu.contract_precision<fp32>, transpose_lhs_hint = false} : vector<512x128xf32>, vector<128x128xf32>, vector<512x128xf32> -> vector<512x128xf32>
    %add3A_84 = arith.addf %dot_general3A_83, %dot_general3A_39 : vector<512x128xf32>
    %add3A_85 = arith.addf %add3A_84, %dot_general3A_44 : vector<512x128xf32>
    %get3A_86 = arith.constant 0 : index
    %get3A_87 = arith.constant 0 : index
    %get3A_88 = vector.load %arg12[%get3A_86, %get3A_87] : memref<1x128xf32, #tpu.memory_space<vmem>>, vector<1x128xf32>
    %add3A_89 = vector.broadcast %get3A_88 : vector<1x128xf32> to vector<512x128xf32>
    %add3A_90 = arith.addf %add3A_85, %add3A_89 : vector<512x128xf32>
    %reduce_sum3A_91 = arith.constant dense<0.000000e+00> : vector<512xf32>
    %reduce_sum3A_92 = vector.multi_reduction <add>, %add3A_90, %reduce_sum3A_91 [1] : vector<512x128xf32> to vector<512xf32>
    %broadcast_in_dim3A_93 = vector.shape_cast %reduce_sum3A_92 : vector<512xf32> to vector<512x1xf32>
    %div3A_94 = arith.constant 1.280000e+02 : f32
    %div3A_95 = vector.broadcast %div3A_94 : f32 to vector<512x1xf32>
    %div3A_96 = arith.divf %broadcast_in_dim3A_93, %div3A_95 : vector<512x1xf32>
    %jit3A_97 = arith.constant 0 : i32
    %reduce_sum3A_98 = arith.constant dense<0.000000e+00> : vector<512xf32>
    %reduce_sum3A_99 = vector.multi_reduction <add>, %add3A_90, %reduce_sum3A_98 [1] : vector<512x128xf32> to vector<512xf32>
    %broadcast_in_dim3A_100 = vector.shape_cast %reduce_sum3A_99 : vector<512xf32> to vector<512x1xf32>
    %div3A_101 = arith.constant 1.280000e+02 : f32
    %div3A_102 = vector.broadcast %div3A_101 : f32 to vector<512x1xf32>
    %div3A_103 = arith.divf %broadcast_in_dim3A_100, %div3A_102 : vector<512x1xf32>
    %sub3A = vector.broadcast %div3A_103 : vector<512x1xf32> to vector<512x128xf32>
    %sub3A_104 = arith.subf %add3A_90, %sub3A : vector<512x128xf32>
    %square3A = arith.mulf %sub3A_104, %sub3A_104 : vector<512x128xf32>
    %convert_element_type3A = arith.sitofp %jit3A_97 : i32 to f32
    %sub3A_105 = arith.constant 1.280000e+02 : f32
    %sub3A_106 = arith.subf %sub3A_105, %convert_element_type3A : f32
    %reduce_sum3A_107 = arith.constant dense<0.000000e+00> : vector<512xf32>
    %reduce_sum3A_108 = vector.multi_reduction <add>, %square3A, %reduce_sum3A_107 [1] : vector<512x128xf32> to vector<512xf32>
    %broadcast_in_dim3A_109 = vector.shape_cast %reduce_sum3A_108 : vector<512xf32> to vector<512x1xf32>
    %div3A_110 = vector.broadcast %sub3A_106 : f32 to vector<512x1xf32>
    %div3A_111 = arith.divf %broadcast_in_dim3A_109, %div3A_110 : vector<512x1xf32>
    %gt3A = arith.constant 0.000000e+00 : f32
    %gt3A_112 = arith.cmpf ogt, %sub3A_106, %gt3A : f32
    %jit3A_113 = arith.constant 0x7FC00000 : f32
    %broadcast_in_dim3A_114 = vector.broadcast %jit3A_113 : f32 to vector<512x1xf32>
    %select_n3A = arith.select %gt3A_112, %div3A_111, %broadcast_in_dim3A_114 : vector<512x1xf32>
    %sub3A_115 = vector.broadcast %div3A_96 : vector<512x1xf32> to vector<512x128xf32>
    %sub3A_116 = arith.subf %add3A_90, %sub3A_115 : vector<512x128xf32>
    %add3A_117 = arith.constant 9.99999974E-6 : f32
    %add3A_118 = vector.broadcast %add3A_117 : f32 to vector<512x1xf32>
    %add3A_119 = arith.addf %select_n3A, %add3A_118 : vector<512x1xf32>
    %sqrt3A_120 = math.sqrt %add3A_119 : vector<512x1xf32>
    %div3A_121 = vector.broadcast %sqrt3A_120 : vector<512x1xf32> to vector<512x128xf32>
    %div3A_122 = arith.divf %sub3A_116, %div3A_121 : vector<512x128xf32>
    %mul3A_123 = vector.broadcast %get3A_55 : vector<1x128xf32> to vector<512x128xf32>
    %mul3A_124 = arith.mulf %div3A_122, %mul3A_123 : vector<512x128xf32>
    %add3A_125 = vector.broadcast %get3A_58 : vector<1x128xf32> to vector<512x128xf32>
    %add3A_126 = arith.addf %mul3A_124, %add3A_125 : vector<512x128xf32>
    %tanh3A = math.tanh %add3A_126 : vector<512x128xf32>
    %mul3A_127 = arith.mulf %tanh3A, %tanh3A : vector<512x128xf32>
    %reduce_sum3A_128 = arith.constant dense<0.000000e+00> : vector<512xf32>
    %reduce_sum3A_129 = vector.multi_reduction <add>, %mul3A_127, %reduce_sum3A_128 [1] : vector<512x128xf32> to vector<512xf32>
    %broadcast_in_dim3A_130 = vector.shape_cast %reduce_sum3A_129 : vector<512xf32> to vector<512x1xf32>
    %sqrt3A_131 = math.sqrt %broadcast_in_dim3A_130 : vector<512x1xf32>
    %max3A_132 = arith.constant 9.99999996E-13 : f32
    %max3A_133 = vector.broadcast %max3A_132 : f32 to vector<512x1xf32>
    %max3A_134 = arith.maximumf %sqrt3A_131, %max3A_133 : vector<512x1xf32>
    %div3A_135 = vector.broadcast %max3A_134 : vector<512x1xf32> to vector<512x128xf32>
    %div3A_136 = arith.divf %tanh3A, %div3A_135 : vector<512x128xf32>
    %slice3A = vector.extract_strided_slice %get3A_78 {offsets = [0, 0], sizes = [512, 128], strides = [1, 1]} : vector<512x640xf32> to vector<512x128xf32>
    %get3A_137 = arith.constant 0 : index
    %get3A_138 = arith.constant 0 : index
    %get3A_139 = vector.load %arg20[%get3A_137, %get3A_138] : memref<1x128xf32, #tpu.memory_space<vmem>>, vector<1x128xf32>
    %get3A_140 = arith.constant 0 : index
    %get3A_141 = arith.constant 0 : index
    %get3A_142 = vector.load %arg21[%get3A_140, %get3A_141] : memref<1x128xf32, #tpu.memory_space<vmem>>, vector<1x128xf32>
    %reduce_sum3A_143 = arith.constant dense<0.000000e+00> : vector<512xf32>
    %reduce_sum3A_144 = vector.multi_reduction <add>, %slice3A, %reduce_sum3A_143 [1] : vector<512x128xf32> to vector<512xf32>
    %broadcast_in_dim3A_145 = vector.shape_cast %reduce_sum3A_144 : vector<512xf32> to vector<512x1xf32>
    %div3A_146 = arith.constant 1.280000e+02 : f32
    %div3A_147 = vector.broadcast %div3A_146 : f32 to vector<512x1xf32>
    %div3A_148 = arith.divf %broadcast_in_dim3A_145, %div3A_147 : vector<512x1xf32>
    %jit3A_149 = arith.constant 0 : i32
    %reduce_sum3A_150 = arith.constant dense<0.000000e+00> : vector<512xf32>
    %reduce_sum3A_151 = vector.multi_reduction <add>, %slice3A, %reduce_sum3A_150 [1] : vector<512x128xf32> to vector<512xf32>
    %broadcast_in_dim3A_152 = vector.shape_cast %reduce_sum3A_151 : vector<512xf32> to vector<512x1xf32>
    %div3A_153 = arith.constant 1.280000e+02 : f32
    %div3A_154 = vector.broadcast %div3A_153 : f32 to vector<512x1xf32>
    %div3A_155 = arith.divf %broadcast_in_dim3A_152, %div3A_154 : vector<512x1xf32>
    %sub3A_156 = vector.broadcast %div3A_155 : vector<512x1xf32> to vector<512x128xf32>
    %sub3A_157 = arith.subf %slice3A, %sub3A_156 : vector<512x128xf32>
    %square3A_158 = arith.mulf %sub3A_157, %sub3A_157 : vector<512x128xf32>
    %convert_element_type3A_159 = arith.sitofp %jit3A_149 : i32 to f32
    %sub3A_160 = arith.constant 1.280000e+02 : f32
    %sub3A_161 = arith.subf %sub3A_160, %convert_element_type3A_159 : f32
    %reduce_sum3A_162 = arith.constant dense<0.000000e+00> : vector<512xf32>
    %reduce_sum3A_163 = vector.multi_reduction <add>, %square3A_158, %reduce_sum3A_162 [1] : vector<512x128xf32> to vector<512xf32>
    %broadcast_in_dim3A_164 = vector.shape_cast %reduce_sum3A_163 : vector<512xf32> to vector<512x1xf32>
    %div3A_165 = vector.broadcast %sub3A_161 : f32 to vector<512x1xf32>
    %div3A_166 = arith.divf %broadcast_in_dim3A_164, %div3A_165 : vector<512x1xf32>
    %gt3A_167 = arith.constant 0.000000e+00 : f32
    %gt3A_168 = arith.cmpf ogt, %sub3A_161, %gt3A_167 : f32
    %jit3A_169 = arith.constant 0x7FC00000 : f32
    %broadcast_in_dim3A_170 = vector.broadcast %jit3A_169 : f32 to vector<512x1xf32>
    %select_n3A_171 = arith.select %gt3A_168, %div3A_166, %broadcast_in_dim3A_170 : vector<512x1xf32>
    %sub3A_172 = vector.broadcast %div3A_148 : vector<512x1xf32> to vector<512x128xf32>
    %sub3A_173 = arith.subf %slice3A, %sub3A_172 : vector<512x128xf32>
    %add3A_174 = arith.constant 9.99999974E-6 : f32
    %add3A_175 = vector.broadcast %add3A_174 : f32 to vector<512x1xf32>
    %add3A_176 = arith.addf %select_n3A_171, %add3A_175 : vector<512x1xf32>
    %sqrt3A_177 = math.sqrt %add3A_176 : vector<512x1xf32>
    %div3A_178 = vector.broadcast %sqrt3A_177 : vector<512x1xf32> to vector<512x128xf32>
    %div3A_179 = arith.divf %sub3A_173, %div3A_178 : vector<512x128xf32>
    %mul3A_180 = vector.broadcast %get3A_139 : vector<1x128xf32> to vector<512x128xf32>
    %mul3A_181 = arith.mulf %div3A_179, %mul3A_180 : vector<512x128xf32>
    %add3A_182 = vector.broadcast %get3A_142 : vector<1x128xf32> to vector<512x128xf32>
    %add3A_183 = arith.addf %mul3A_181, %add3A_182 : vector<512x128xf32>
    %mul3A_184 = arith.mulf %add3A_183, %add3A_183 : vector<512x128xf32>
    %reduce_sum3A_185 = arith.constant dense<0.000000e+00> : vector<512xf32>
    %reduce_sum3A_186 = vector.multi_reduction <add>, %mul3A_184, %reduce_sum3A_185 [1] : vector<512x128xf32> to vector<512xf32>
    %broadcast_in_dim3A_187 = vector.shape_cast %reduce_sum3A_186 : vector<512xf32> to vector<512x1xf32>
    %sqrt3A_188 = math.sqrt %broadcast_in_dim3A_187 : vector<512x1xf32>
    %max3A_189 = arith.constant 9.99999996E-13 : f32
    %max3A_190 = vector.broadcast %max3A_189 : f32 to vector<512x1xf32>
    %max3A_191 = arith.maximumf %sqrt3A_188, %max3A_190 : vector<512x1xf32>
    %div3A_192 = vector.broadcast %max3A_191 : vector<512x1xf32> to vector<512x128xf32>
    %div3A_193 = arith.divf %add3A_183, %div3A_192 : vector<512x128xf32>
    %mul3A_194 = arith.mulf %div3A_136, %div3A_193 : vector<512x128xf32>
    %reduce_sum3A_195 = arith.constant dense<0.000000e+00> : vector<512xf32>
    %reduce_sum3A_196 = vector.multi_reduction <add>, %mul3A_194, %reduce_sum3A_195 [1] : vector<512x128xf32> to vector<512xf32>
    %broadcast_in_dim3A_197 = vector.shape_cast %reduce_sum3A_196 : vector<512xf32> to vector<512x1xf32>
    %slice3A_198 = vector.extract_strided_slice %get3A_78 {offsets = [0, 128], sizes = [512, 128], strides = [1, 1]} : vector<512x640xf32> to vector<512x128xf32>
    %get3A_199 = arith.constant 0 : index
    %get3A_200 = arith.constant 0 : index
    %get3A_201 = vector.load %arg20[%get3A_199, %get3A_200] : memref<1x128xf32, #tpu.memory_space<vmem>>, vector<1x128xf32>
    %get3A_202 = arith.constant 0 : index
    %get3A_203 = arith.constant 0 : index
    %get3A_204 = vector.load %arg21[%get3A_202, %get3A_203] : memref<1x128xf32, #tpu.memory_space<vmem>>, vector<1x128xf32>
    %reduce_sum3A_205 = arith.constant dense<0.000000e+00> : vector<512xf32>
    %reduce_sum3A_206 = vector.multi_reduction <add>, %slice3A_198, %reduce_sum3A_205 [1] : vector<512x128xf32> to vector<512xf32>
    %broadcast_in_dim3A_207 = vector.shape_cast %reduce_sum3A_206 : vector<512xf32> to vector<512x1xf32>
    %div3A_208 = arith.constant 1.280000e+02 : f32
    %div3A_209 = vector.broadcast %div3A_208 : f32 to vector<512x1xf32>
    %div3A_210 = arith.divf %broadcast_in_dim3A_207, %div3A_209 : vector<512x1xf32>
    %jit3A_211 = arith.constant 0 : i32
    %reduce_sum3A_212 = arith.constant dense<0.000000e+00> : vector<512xf32>
    %reduce_sum3A_213 = vector.multi_reduction <add>, %slice3A_198, %reduce_sum3A_212 [1] : vector<512x128xf32> to vector<512xf32>
    %broadcast_in_dim3A_214 = vector.shape_cast %reduce_sum3A_213 : vector<512xf32> to vector<512x1xf32>
    %div3A_215 = arith.constant 1.280000e+02 : f32
    %div3A_216 = vector.broadcast %div3A_215 : f32 to vector<512x1xf32>
    %div3A_217 = arith.divf %broadcast_in_dim3A_214, %div3A_216 : vector<512x1xf32>
    %sub3A_218 = vector.broadcast %div3A_217 : vector<512x1xf32> to vector<512x128xf32>
    %sub3A_219 = arith.subf %slice3A_198, %sub3A_218 : vector<512x128xf32>
    %square3A_220 = arith.mulf %sub3A_219, %sub3A_219 : vector<512x128xf32>
    %convert_element_type3A_221 = arith.sitofp %jit3A_211 : i32 to f32
    %sub3A_222 = arith.constant 1.280000e+02 : f32
    %sub3A_223 = arith.subf %sub3A_222, %convert_element_type3A_221 : f32
    %reduce_sum3A_224 = arith.constant dense<0.000000e+00> : vector<512xf32>
    %reduce_sum3A_225 = vector.multi_reduction <add>, %square3A_220, %reduce_sum3A_224 [1] : vector<512x128xf32> to vector<512xf32>
    %broadcast_in_dim3A_226 = vector.shape_cast %reduce_sum3A_225 : vector<512xf32> to vector<512x1xf32>
    %div3A_227 = vector.broadcast %sub3A_223 : f32 to vector<512x1xf32>
    %div3A_228 = arith.divf %broadcast_in_dim3A_226, %div3A_227 : vector<512x1xf32>
    %gt3A_229 = arith.constant 0.000000e+00 : f32
    %gt3A_230 = arith.cmpf ogt, %sub3A_223, %gt3A_229 : f32
    %jit3A_231 = arith.constant 0x7FC00000 : f32
    %broadcast_in_dim3A_232 = vector.broadcast %jit3A_231 : f32 to vector<512x1xf32>
    %select_n3A_233 = arith.select %gt3A_230, %div3A_228, %broadcast_in_dim3A_232 : vector<512x1xf32>
    %sub3A_234 = vector.broadcast %div3A_210 : vector<512x1xf32> to vector<512x128xf32>
    %sub3A_235 = arith.subf %slice3A_198, %sub3A_234 : vector<512x128xf32>
    %add3A_236 = arith.constant 9.99999974E-6 : f32
    %add3A_237 = vector.broadcast %add3A_236 : f32 to vector<512x1xf32>
    %add3A_238 = arith.addf %select_n3A_233, %add3A_237 : vector<512x1xf32>
    %sqrt3A_239 = math.sqrt %add3A_238 : vector<512x1xf32>
    %div3A_240 = vector.broadcast %sqrt3A_239 : vector<512x1xf32> to vector<512x128xf32>
    %div3A_241 = arith.divf %sub3A_235, %div3A_240 : vector<512x128xf32>
    %mul3A_242 = vector.broadcast %get3A_201 : vector<1x128xf32> to vector<512x128xf32>
    %mul3A_243 = arith.mulf %div3A_241, %mul3A_242 : vector<512x128xf32>
    %add3A_244 = vector.broadcast %get3A_204 : vector<1x128xf32> to vector<512x128xf32>
    %add3A_245 = arith.addf %mul3A_243, %add3A_244 : vector<512x128xf32>
    %mul3A_246 = arith.mulf %add3A_245, %add3A_245 : vector<512x128xf32>
    %reduce_sum3A_247 = arith.constant dense<0.000000e+00> : vector<512xf32>
    %reduce_sum3A_248 = vector.multi_reduction <add>, %mul3A_246, %reduce_sum3A_247 [1] : vector<512x128xf32> to vector<512xf32>
    %broadcast_in_dim3A_249 = vector.shape_cast %reduce_sum3A_248 : vector<512xf32> to vector<512x1xf32>
    %sqrt3A_250 = math.sqrt %broadcast_in_dim3A_249 : vector<512x1xf32>
    %max3A_251 = arith.constant 9.99999996E-13 : f32
    %max3A_252 = vector.broadcast %max3A_251 : f32 to vector<512x1xf32>
    %max3A_253 = arith.maximumf %sqrt3A_250, %max3A_252 : vector<512x1xf32>
    %div3A_254 = vector.broadcast %max3A_253 : vector<512x1xf32> to vector<512x128xf32>
    %div3A_255 = arith.divf %add3A_245, %div3A_254 : vector<512x128xf32>
    %mul3A_256 = arith.mulf %div3A_136, %div3A_255 : vector<512x128xf32>
    %reduce_sum3A_257 = arith.constant dense<0.000000e+00> : vector<512xf32>
    %reduce_sum3A_258 = vector.multi_reduction <add>, %mul3A_256, %reduce_sum3A_257 [1] : vector<512x128xf32> to vector<512xf32>
    %broadcast_in_dim3A_259 = vector.shape_cast %reduce_sum3A_258 : vector<512xf32> to vector<512x1xf32>
    %slice3A_260 = vector.extract_strided_slice %get3A_78 {offsets = [0, 256], sizes = [512, 128], strides = [1, 1]} : vector<512x640xf32> to vector<512x128xf32>
    %get3A_261 = arith.constant 0 : index
    %get3A_262 = arith.constant 0 : index
    %get3A_263 = vector.load %arg20[%get3A_261, %get3A_262] : memref<1x128xf32, #tpu.memory_space<vmem>>, vector<1x128xf32>
    %get3A_264 = arith.constant 0 : index
    %get3A_265 = arith.constant 0 : index
    %get3A_266 = vector.load %arg21[%get3A_264, %get3A_265] : memref<1x128xf32, #tpu.memory_space<vmem>>, vector<1x128xf32>
    %reduce_sum3A_267 = arith.constant dense<0.000000e+00> : vector<512xf32>
    %reduce_sum3A_268 = vector.multi_reduction <add>, %slice3A_260, %reduce_sum3A_267 [1] : vector<512x128xf32> to vector<512xf32>
    %broadcast_in_dim3A_269 = vector.shape_cast %reduce_sum3A_268 : vector<512xf32> to vector<512x1xf32>
    %div3A_270 = arith.constant 1.280000e+02 : f32
    %div3A_271 = vector.broadcast %div3A_270 : f32 to vector<512x1xf32>
    %div3A_272 = arith.divf %broadcast_in_dim3A_269, %div3A_271 : vector<512x1xf32>
    %jit3A_273 = arith.constant 0 : i32
    %reduce_sum3A_274 = arith.constant dense<0.000000e+00> : vector<512xf32>
    %reduce_sum3A_275 = vector.multi_reduction <add>, %slice3A_260, %reduce_sum3A_274 [1] : vector<512x128xf32> to vector<512xf32>
    %broadcast_in_dim3A_276 = vector.shape_cast %reduce_sum3A_275 : vector<512xf32> to vector<512x1xf32>
    %div3A_277 = arith.constant 1.280000e+02 : f32
    %div3A_278 = vector.broadcast %div3A_277 : f32 to vector<512x1xf32>
    %div3A_279 = arith.divf %broadcast_in_dim3A_276, %div3A_278 : vector<512x1xf32>
    %sub3A_280 = vector.broadcast %div3A_279 : vector<512x1xf32> to vector<512x128xf32>
    %sub3A_281 = arith.subf %slice3A_260, %sub3A_280 : vector<512x128xf32>
    %square3A_282 = arith.mulf %sub3A_281, %sub3A_281 : vector<512x128xf32>
    %convert_element_type3A_283 = arith.sitofp %jit3A_273 : i32 to f32
    %sub3A_284 = arith.constant 1.280000e+02 : f32
    %sub3A_285 = arith.subf %sub3A_284, %convert_element_type3A_283 : f32
    %reduce_sum3A_286 = arith.constant dense<0.000000e+00> : vector<512xf32>
    %reduce_sum3A_287 = vector.multi_reduction <add>, %square3A_282, %reduce_sum3A_286 [1] : vector<512x128xf32> to vector<512xf32>
    %broadcast_in_dim3A_288 = vector.shape_cast %reduce_sum3A_287 : vector<512xf32> to vector<512x1xf32>
    %div3A_289 = vector.broadcast %sub3A_285 : f32 to vector<512x1xf32>
    %div3A_290 = arith.divf %broadcast_in_dim3A_288, %div3A_289 : vector<512x1xf32>
    %gt3A_291 = arith.constant 0.000000e+00 : f32
    %gt3A_292 = arith.cmpf ogt, %sub3A_285, %gt3A_291 : f32
    %jit3A_293 = arith.constant 0x7FC00000 : f32
    %broadcast_in_dim3A_294 = vector.broadcast %jit3A_293 : f32 to vector<512x1xf32>
    %select_n3A_295 = arith.select %gt3A_292, %div3A_290, %broadcast_in_dim3A_294 : vector<512x1xf32>
    %sub3A_296 = vector.broadcast %div3A_272 : vector<512x1xf32> to vector<512x128xf32>
    %sub3A_297 = arith.subf %slice3A_260, %sub3A_296 : vector<512x128xf32>
    %add3A_298 = arith.constant 9.99999974E-6 : f32
    %add3A_299 = vector.broadcast %add3A_298 : f32 to vector<512x1xf32>
    %add3A_300 = arith.addf %select_n3A_295, %add3A_299 : vector<512x1xf32>
    %sqrt3A_301 = math.sqrt %add3A_300 : vector<512x1xf32>
    %div3A_302 = vector.broadcast %sqrt3A_301 : vector<512x1xf32> to vector<512x128xf32>
    %div3A_303 = arith.divf %sub3A_297, %div3A_302 : vector<512x128xf32>
    %mul3A_304 = vector.broadcast %get3A_263 : vector<1x128xf32> to vector<512x128xf32>
    %mul3A_305 = arith.mulf %div3A_303, %mul3A_304 : vector<512x128xf32>
    %add3A_306 = vector.broadcast %get3A_266 : vector<1x128xf32> to vector<512x128xf32>
    %add3A_307 = arith.addf %mul3A_305, %add3A_306 : vector<512x128xf32>
    %mul3A_308 = arith.mulf %add3A_307, %add3A_307 : vector<512x128xf32>
    %reduce_sum3A_309 = arith.constant dense<0.000000e+00> : vector<512xf32>
    %reduce_sum3A_310 = vector.multi_reduction <add>, %mul3A_308, %reduce_sum3A_309 [1] : vector<512x128xf32> to vector<512xf32>
    %broadcast_in_dim3A_311 = vector.shape_cast %reduce_sum3A_310 : vector<512xf32> to vector<512x1xf32>
    %sqrt3A_312 = math.sqrt %broadcast_in_dim3A_311 : vector<512x1xf32>
    %max3A_313 = arith.constant 9.99999996E-13 : f32
    %max3A_314 = vector.broadcast %max3A_313 : f32 to vector<512x1xf32>
    %max3A_315 = arith.maximumf %sqrt3A_312, %max3A_314 : vector<512x1xf32>
    %div3A_316 = vector.broadcast %max3A_315 : vector<512x1xf32> to vector<512x128xf32>
    %div3A_317 = arith.divf %add3A_307, %div3A_316 : vector<512x128xf32>
    %mul3A_318 = arith.mulf %div3A_136, %div3A_317 : vector<512x128xf32>
    %reduce_sum3A_319 = arith.constant dense<0.000000e+00> : vector<512xf32>
    %reduce_sum3A_320 = vector.multi_reduction <add>, %mul3A_318, %reduce_sum3A_319 [1] : vector<512x128xf32> to vector<512xf32>
    %broadcast_in_dim3A_321 = vector.shape_cast %reduce_sum3A_320 : vector<512xf32> to vector<512x1xf32>
    %slice3A_322 = vector.extract_strided_slice %get3A_78 {offsets = [0, 384], sizes = [512, 128], strides = [1, 1]} : vector<512x640xf32> to vector<512x128xf32>
    %get3A_323 = arith.constant 0 : index
    %get3A_324 = arith.constant 0 : index
    %get3A_325 = vector.load %arg20[%get3A_323, %get3A_324] : memref<1x128xf32, #tpu.memory_space<vmem>>, vector<1x128xf32>
    %get3A_326 = arith.constant 0 : index
    %get3A_327 = arith.constant 0 : index
    %get3A_328 = vector.load %arg21[%get3A_326, %get3A_327] : memref<1x128xf32, #tpu.memory_space<vmem>>, vector<1x128xf32>
    %reduce_sum3A_329 = arith.constant dense<0.000000e+00> : vector<512xf32>
    %reduce_sum3A_330 = vector.multi_reduction <add>, %slice3A_322, %reduce_sum3A_329 [1] : vector<512x128xf32> to vector<512xf32>
    %broadcast_in_dim3A_331 = vector.shape_cast %reduce_sum3A_330 : vector<512xf32> to vector<512x1xf32>
    %div3A_332 = arith.constant 1.280000e+02 : f32
    %div3A_333 = vector.broadcast %div3A_332 : f32 to vector<512x1xf32>
    %div3A_334 = arith.divf %broadcast_in_dim3A_331, %div3A_333 : vector<512x1xf32>
    %jit3A_335 = arith.constant 0 : i32
    %reduce_sum3A_336 = arith.constant dense<0.000000e+00> : vector<512xf32>
    %reduce_sum3A_337 = vector.multi_reduction <add>, %slice3A_322, %reduce_sum3A_336 [1] : vector<512x128xf32> to vector<512xf32>
    %broadcast_in_dim3A_338 = vector.shape_cast %reduce_sum3A_337 : vector<512xf32> to vector<512x1xf32>
    %div3A_339 = arith.constant 1.280000e+02 : f32
    %div3A_340 = vector.broadcast %div3A_339 : f32 to vector<512x1xf32>
    %div3A_341 = arith.divf %broadcast_in_dim3A_338, %div3A_340 : vector<512x1xf32>
    %sub3A_342 = vector.broadcast %div3A_341 : vector<512x1xf32> to vector<512x128xf32>
    %sub3A_343 = arith.subf %slice3A_322, %sub3A_342 : vector<512x128xf32>
    %square3A_344 = arith.mulf %sub3A_343, %sub3A_343 : vector<512x128xf32>
    %convert_element_type3A_345 = arith.sitofp %jit3A_335 : i32 to f32
    %sub3A_346 = arith.constant 1.280000e+02 : f32
    %sub3A_347 = arith.subf %sub3A_346, %convert_element_type3A_345 : f32
    %reduce_sum3A_348 = arith.constant dense<0.000000e+00> : vector<512xf32>
    %reduce_sum3A_349 = vector.multi_reduction <add>, %square3A_344, %reduce_sum3A_348 [1] : vector<512x128xf32> to vector<512xf32>
    %broadcast_in_dim3A_350 = vector.shape_cast %reduce_sum3A_349 : vector<512xf32> to vector<512x1xf32>
    %div3A_351 = vector.broadcast %sub3A_347 : f32 to vector<512x1xf32>
    %div3A_352 = arith.divf %broadcast_in_dim3A_350, %div3A_351 : vector<512x1xf32>
    %gt3A_353 = arith.constant 0.000000e+00 : f32
    %gt3A_354 = arith.cmpf ogt, %sub3A_347, %gt3A_353 : f32
    %jit3A_355 = arith.constant 0x7FC00000 : f32
    %broadcast_in_dim3A_356 = vector.broadcast %jit3A_355 : f32 to vector<512x1xf32>
    %select_n3A_357 = arith.select %gt3A_354, %div3A_352, %broadcast_in_dim3A_356 : vector<512x1xf32>
    %sub3A_358 = vector.broadcast %div3A_334 : vector<512x1xf32> to vector<512x128xf32>
    %sub3A_359 = arith.subf %slice3A_322, %sub3A_358 : vector<512x128xf32>
    %add3A_360 = arith.constant 9.99999974E-6 : f32
    %add3A_361 = vector.broadcast %add3A_360 : f32 to vector<512x1xf32>
    %add3A_362 = arith.addf %select_n3A_357, %add3A_361 : vector<512x1xf32>
    %sqrt3A_363 = math.sqrt %add3A_362 : vector<512x1xf32>
    %div3A_364 = vector.broadcast %sqrt3A_363 : vector<512x1xf32> to vector<512x128xf32>
    %div3A_365 = arith.divf %sub3A_359, %div3A_364 : vector<512x128xf32>
    %mul3A_366 = vector.broadcast %get3A_325 : vector<1x128xf32> to vector<512x128xf32>
    %mul3A_367 = arith.mulf %div3A_365, %mul3A_366 : vector<512x128xf32>
    %add3A_368 = vector.broadcast %get3A_328 : vector<1x128xf32> to vector<512x128xf32>
    %add3A_369 = arith.addf %mul3A_367, %add3A_368 : vector<512x128xf32>
    %mul3A_370 = arith.mulf %add3A_369, %add3A_369 : vector<512x128xf32>
    %reduce_sum3A_371 = arith.constant dense<0.000000e+00> : vector<512xf32>
    %reduce_sum3A_372 = vector.multi_reduction <add>, %mul3A_370, %reduce_sum3A_371 [1] : vector<512x128xf32> to vector<512xf32>
    %broadcast_in_dim3A_373 = vector.shape_cast %reduce_sum3A_372 : vector<512xf32> to vector<512x1xf32>
    %sqrt3A_374 = math.sqrt %broadcast_in_dim3A_373 : vector<512x1xf32>
    %max3A_375 = arith.constant 9.99999996E-13 : f32
    %max3A_376 = vector.broadcast %max3A_375 : f32 to vector<512x1xf32>
    %max3A_377 = arith.maximumf %sqrt3A_374, %max3A_376 : vector<512x1xf32>
    %div3A_378 = vector.broadcast %max3A_377 : vector<512x1xf32> to vector<512x128xf32>
    %div3A_379 = arith.divf %add3A_369, %div3A_378 : vector<512x128xf32>
    %mul3A_380 = arith.mulf %div3A_136, %div3A_379 : vector<512x128xf32>
    %reduce_sum3A_381 = arith.constant dense<0.000000e+00> : vector<512xf32>
    %reduce_sum3A_382 = vector.multi_reduction <add>, %mul3A_380, %reduce_sum3A_381 [1] : vector<512x128xf32> to vector<512xf32>
    %broadcast_in_dim3A_383 = vector.shape_cast %reduce_sum3A_382 : vector<512xf32> to vector<512x1xf32>
    %slice3A_384 = vector.extract_strided_slice %get3A_78 {offsets = [0, 512], sizes = [512, 128], strides = [1, 1]} : vector<512x640xf32> to vector<512x128xf32>
    %get3A_385 = arith.constant 0 : index
    %get3A_386 = arith.constant 0 : index
    %get3A_387 = vector.load %arg20[%get3A_385, %get3A_386] : memref<1x128xf32, #tpu.memory_space<vmem>>, vector<1x128xf32>
    %get3A_388 = arith.constant 0 : index
    %get3A_389 = arith.constant 0 : index
    %get3A_390 = vector.load %arg21[%get3A_388, %get3A_389] : memref<1x128xf32, #tpu.memory_space<vmem>>, vector<1x128xf32>
    %reduce_sum3A_391 = arith.constant dense<0.000000e+00> : vector<512xf32>
    %reduce_sum3A_392 = vector.multi_reduction <add>, %slice3A_384, %reduce_sum3A_391 [1] : vector<512x128xf32> to vector<512xf32>
    %broadcast_in_dim3A_393 = vector.shape_cast %reduce_sum3A_392 : vector<512xf32> to vector<512x1xf32>
    %div3A_394 = arith.constant 1.280000e+02 : f32
    %div3A_395 = vector.broadcast %div3A_394 : f32 to vector<512x1xf32>
    %div3A_396 = arith.divf %broadcast_in_dim3A_393, %div3A_395 : vector<512x1xf32>
    %jit3A_397 = arith.constant 0 : i32
    %reduce_sum3A_398 = arith.constant dense<0.000000e+00> : vector<512xf32>
    %reduce_sum3A_399 = vector.multi_reduction <add>, %slice3A_384, %reduce_sum3A_398 [1] : vector<512x128xf32> to vector<512xf32>
    %broadcast_in_dim3A_400 = vector.shape_cast %reduce_sum3A_399 : vector<512xf32> to vector<512x1xf32>
    %div3A_401 = arith.constant 1.280000e+02 : f32
    %div3A_402 = vector.broadcast %div3A_401 : f32 to vector<512x1xf32>
    %div3A_403 = arith.divf %broadcast_in_dim3A_400, %div3A_402 : vector<512x1xf32>
    %sub3A_404 = vector.broadcast %div3A_403 : vector<512x1xf32> to vector<512x128xf32>
    %sub3A_405 = arith.subf %slice3A_384, %sub3A_404 : vector<512x128xf32>
    %square3A_406 = arith.mulf %sub3A_405, %sub3A_405 : vector<512x128xf32>
    %convert_element_type3A_407 = arith.sitofp %jit3A_397 : i32 to f32
    %sub3A_408 = arith.constant 1.280000e+02 : f32
    %sub3A_409 = arith.subf %sub3A_408, %convert_element_type3A_407 : f32
    %reduce_sum3A_410 = arith.constant dense<0.000000e+00> : vector<512xf32>
    %reduce_sum3A_411 = vector.multi_reduction <add>, %square3A_406, %reduce_sum3A_410 [1] : vector<512x128xf32> to vector<512xf32>
    %broadcast_in_dim3A_412 = vector.shape_cast %reduce_sum3A_411 : vector<512xf32> to vector<512x1xf32>
    %div3A_413 = vector.broadcast %sub3A_409 : f32 to vector<512x1xf32>
    %div3A_414 = arith.divf %broadcast_in_dim3A_412, %div3A_413 : vector<512x1xf32>
    %gt3A_415 = arith.constant 0.000000e+00 : f32
    %gt3A_416 = arith.cmpf ogt, %sub3A_409, %gt3A_415 : f32
    %jit3A_417 = arith.constant 0x7FC00000 : f32
    %broadcast_in_dim3A_418 = vector.broadcast %jit3A_417 : f32 to vector<512x1xf32>
    %select_n3A_419 = arith.select %gt3A_416, %div3A_414, %broadcast_in_dim3A_418 : vector<512x1xf32>
    %sub3A_420 = vector.broadcast %div3A_396 : vector<512x1xf32> to vector<512x128xf32>
    %sub3A_421 = arith.subf %slice3A_384, %sub3A_420 : vector<512x128xf32>
    %add3A_422 = arith.constant 9.99999974E-6 : f32
    %add3A_423 = vector.broadcast %add3A_422 : f32 to vector<512x1xf32>
    %add3A_424 = arith.addf %select_n3A_419, %add3A_423 : vector<512x1xf32>
    %sqrt3A_425 = math.sqrt %add3A_424 : vector<512x1xf32>
    %div3A_426 = vector.broadcast %sqrt3A_425 : vector<512x1xf32> to vector<512x128xf32>
    %div3A_427 = arith.divf %sub3A_421, %div3A_426 : vector<512x128xf32>
    %mul3A_428 = vector.broadcast %get3A_387 : vector<1x128xf32> to vector<512x128xf32>
    %mul3A_429 = arith.mulf %div3A_427, %mul3A_428 : vector<512x128xf32>
    %add3A_430 = vector.broadcast %get3A_390 : vector<1x128xf32> to vector<512x128xf32>
    %add3A_431 = arith.addf %mul3A_429, %add3A_430 : vector<512x128xf32>
    %mul3A_432 = arith.mulf %add3A_431, %add3A_431 : vector<512x128xf32>
    %reduce_sum3A_433 = arith.constant dense<0.000000e+00> : vector<512xf32>
    %reduce_sum3A_434 = vector.multi_reduction <add>, %mul3A_432, %reduce_sum3A_433 [1] : vector<512x128xf32> to vector<512xf32>
    %broadcast_in_dim3A_435 = vector.shape_cast %reduce_sum3A_434 : vector<512xf32> to vector<512x1xf32>
    %sqrt3A_436 = math.sqrt %broadcast_in_dim3A_435 : vector<512x1xf32>
    %max3A_437 = arith.constant 9.99999996E-13 : f32
    %max3A_438 = vector.broadcast %max3A_437 : f32 to vector<512x1xf32>
    %max3A_439 = arith.maximumf %sqrt3A_436, %max3A_438 : vector<512x1xf32>
    %div3A_440 = vector.broadcast %max3A_439 : vector<512x1xf32> to vector<512x128xf32>
    %div3A_441 = arith.divf %add3A_431, %div3A_440 : vector<512x128xf32>
    %mul3A_442 = arith.mulf %div3A_136, %div3A_441 : vector<512x128xf32>
    %reduce_sum3A_443 = arith.constant dense<0.000000e+00> : vector<512xf32>
    %reduce_sum3A_444 = vector.multi_reduction <add>, %mul3A_442, %reduce_sum3A_443 [1] : vector<512x128xf32> to vector<512xf32>
    %broadcast_in_dim3A_445 = vector.shape_cast %reduce_sum3A_444 : vector<512xf32> to vector<512x1xf32>
    %concatenate3A = tpu.concatenate %broadcast_in_dim3A_197, %broadcast_in_dim3A_259, %broadcast_in_dim3A_321, %broadcast_in_dim3A_383, %broadcast_in_dim3A_445 in 1 : vector<512x1xf32>, vector<512x1xf32>, vector<512x1xf32>, vector<512x1xf32>, vector<512x1xf32> -> vector<512x5xf32>
    %div3A_446 = vector.broadcast %add3A_68 : f32 to vector<512x5xf32>
    %div3A_447 = arith.divf %concatenate3A, %div3A_446 : vector<512x5xf32>
    %reduce_max3A = arith.constant dense<0xFF800000> : vector<512xf32>
    %reduce_max3A_448 = vector.multi_reduction <maximumf>, %div3A_447, %reduce_max3A [1] : vector<512x5xf32> to vector<512xf32>
    %broadcast_in_dim3A_449 = vector.shape_cast %reduce_max3A_448 : vector<512xf32> to vector<512x1xf32>
    %sub3A_450 = vector.broadcast %broadcast_in_dim3A_449 : vector<512x1xf32> to vector<512x5xf32>
    %sub3A_451 = arith.subf %div3A_447, %sub3A_450 : vector<512x5xf32>
    %exp3A = math.exp %sub3A_451 : vector<512x5xf32>
    %reduce_sum3A_452 = arith.constant dense<0.000000e+00> : vector<512xf32>
    %reduce_sum3A_453 = vector.multi_reduction <add>, %exp3A, %reduce_sum3A_452 [1] : vector<512x5xf32> to vector<512xf32>
    %broadcast_in_dim3A_454 = vector.shape_cast %reduce_sum3A_453 : vector<512xf32> to vector<512x1xf32>
    %div3A_455 = vector.broadcast %broadcast_in_dim3A_454 : vector<512x1xf32> to vector<512x5xf32>
    %div3A_456 = arith.divf %exp3A, %div3A_455 : vector<512x5xf32>
    %slice3A_457 = vector.extract_strided_slice %div3A_456 {offsets = [0, 0], sizes = [512, 1], strides = [1, 1]} : vector<512x5xf32> to vector<512x1xf32>
    %mul3A_458 = vector.broadcast %slice3A_457 : vector<512x1xf32> to vector<512x128xf32>
    %mul3A_459 = arith.mulf %mul3A_458, %add3A_183 : vector<512x128xf32>
    %slice3A_460 = vector.extract_strided_slice %div3A_456 {offsets = [0, 1], sizes = [512, 1], strides = [1, 1]} : vector<512x5xf32> to vector<512x1xf32>
    %mul3A_461 = vector.broadcast %slice3A_460 : vector<512x1xf32> to vector<512x128xf32>
    %mul3A_462 = arith.mulf %mul3A_461, %add3A_245 : vector<512x128xf32>
    %add3A_463 = arith.addf %mul3A_459, %mul3A_462 : vector<512x128xf32>
    %slice3A_464 = vector.extract_strided_slice %div3A_456 {offsets = [0, 2], sizes = [512, 1], strides = [1, 1]} : vector<512x5xf32> to vector<512x1xf32>
    %mul3A_465 = vector.broadcast %slice3A_464 : vector<512x1xf32> to vector<512x128xf32>
    %mul3A_466 = arith.mulf %mul3A_465, %add3A_307 : vector<512x128xf32>
    %add3A_467 = arith.addf %add3A_463, %mul3A_466 : vector<512x128xf32>
    %slice3A_468 = vector.extract_strided_slice %div3A_456 {offsets = [0, 3], sizes = [512, 1], strides = [1, 1]} : vector<512x5xf32> to vector<512x1xf32>
    %mul3A_469 = vector.broadcast %slice3A_468 : vector<512x1xf32> to vector<512x128xf32>
    %mul3A_470 = arith.mulf %mul3A_469, %add3A_369 : vector<512x128xf32>
    %add3A_471 = arith.addf %add3A_467, %mul3A_470 : vector<512x128xf32>
    %slice3A_472 = vector.extract_strided_slice %div3A_456 {offsets = [0, 4], sizes = [512, 1], strides = [1, 1]} : vector<512x5xf32> to vector<512x1xf32>
    %mul3A_473 = vector.broadcast %slice3A_472 : vector<512x1xf32> to vector<512x128xf32>
    %mul3A_474 = arith.mulf %mul3A_473, %add3A_431 : vector<512x128xf32>
    %add3A_475 = arith.addf %add3A_471, %mul3A_474 : vector<512x128xf32>
    %jit3A_476 = arith.constant -5.000000e+00 : f32
    %jit3A_477 = arith.constant 5.000000e+00 : f32
    %max3A_478 = vector.broadcast %jit3A_476 : f32 to vector<512x128xf32>
    %max3A_479 = arith.maximumf %max3A_478, %add3A_475 : vector<512x128xf32>
    %min3A_480 = vector.broadcast %jit3A_477 : f32 to vector<512x128xf32>
    %min3A_481 = arith.minimumf %min3A_480, %max3A_479 : vector<512x128xf32>
    %jit3A_482 = arith.constant -1.000000e+02 : f32
    %jit3A_483 = arith.constant 1.000000e+02 : f32
    %max3A_484 = vector.broadcast %jit3A_482 : f32 to vector<512x128xf32>
    %max3A_485 = arith.maximumf %max3A_484, %get3A_73 : vector<512x128xf32>
    %min3A_486 = vector.broadcast %jit3A_483 : f32 to vector<512x128xf32>
    %min3A_487 = arith.minimumf %min3A_486, %max3A_485 : vector<512x128xf32>
    %get3A_488 = arith.constant 0 : index
    %get3A_489 = arith.constant 0 : index
    %get3A_490 = vector.load %arg13[%get3A_488, %get3A_489] : memref<1x128xf32, #tpu.memory_space<vmem>>, vector<1x128xf32>
    %mul3A_491 = vector.broadcast %get3A_490 : vector<1x128xf32> to vector<512x128xf32>
    %mul3A_492 = arith.mulf %min3A_487, %mul3A_491 : vector<512x128xf32>
    %reduce_sum3A_493 = arith.constant dense<0.000000e+00> : vector<512xf32>
    %reduce_sum3A_494 = vector.multi_reduction <add>, %mul3A_492, %reduce_sum3A_493 [1] : vector<512x128xf32> to vector<512xf32>
    %broadcast_in_dim3A_495 = vector.shape_cast %reduce_sum3A_494 : vector<512xf32> to vector<512x1xf32>
    %get3A_496 = arith.constant 0 : index
    %get3A_497 = arith.constant 0 : index
    %get3A_498 = vector.load %arg14[%get3A_496, %get3A_497] : memref<1x128xf32, #tpu.memory_space<vmem>>, vector<1x128xf32>
    %mul3A_499 = vector.broadcast %get3A_498 : vector<1x128xf32> to vector<512x128xf32>
    %mul3A_500 = arith.mulf %min3A_481, %mul3A_499 : vector<512x128xf32>
    %reduce_sum3A_501 = arith.constant dense<0.000000e+00> : vector<512xf32>
    %reduce_sum3A_502 = vector.multi_reduction <add>, %mul3A_500, %reduce_sum3A_501 [1] : vector<512x128xf32> to vector<512xf32>
    %broadcast_in_dim3A_503 = vector.shape_cast %reduce_sum3A_502 : vector<512xf32> to vector<512x1xf32>
    %add3A_504 = arith.addf %broadcast_in_dim3A_495, %broadcast_in_dim3A_503 : vector<512x1xf32>
    %add3A_505 = arith.addf %add3A_504, %broadcast_in_dim3A_52 : vector<512x1xf32>
    %get3A_506 = arith.constant 0 : index
    %get3A_507 = arith.constant 0 : index
    %get3A_508 = vector.load %arg16[%get3A_506, %get3A_507] : memref<1x1xf32, #tpu.memory_space<vmem>>, vector<1x1xf32>
    %get3A_509 = vector.extract %get3A_508[0, 0] : f32 from vector<1x1xf32>
    %add3A_510 = vector.broadcast %get3A_509 : f32 to vector<512x1xf32>
    %add3A_511 = arith.addf %add3A_505, %add3A_510 : vector<512x1xf32>
    %neg3A = arith.constant 0.000000e+00 : f32
    %neg3A_512 = vector.broadcast %neg3A : f32 to vector<512x1xf32>
    %neg3A_513 = arith.subf %neg3A_512, %add3A_511 : vector<512x1xf32>
    %exp3A_514 = math.exp %neg3A_513 : vector<512x1xf32>
    %add3A_515 = arith.constant 1.000000e+00 : f32
    %add3A_516 = vector.broadcast %add3A_515 : f32 to vector<512x1xf32>
    %add3A_517 = arith.addf %add3A_516, %exp3A_514 : vector<512x1xf32>
    %div3A_518 = arith.constant 1.000000e+00 : f32
    %div3A_519 = vector.broadcast %div3A_518 : f32 to vector<512x1xf32>
    %div3A_520 = arith.divf %div3A_519, %add3A_517 : vector<512x1xf32>
    %sub3A_521 = arith.constant 1.000000e+00 : f32
    %sub3A_522 = vector.broadcast %sub3A_521 : f32 to vector<512x1xf32>
    %sub3A_523 = arith.subf %sub3A_522, %div3A_520 : vector<512x1xf32>
    %mul3A_524 = vector.broadcast %sub3A_523 : vector<512x1xf32> to vector<512x128xf32>
    %mul3A_525 = arith.mulf %mul3A_524, %get3A_73 : vector<512x128xf32>
    %mul3A_526 = vector.broadcast %div3A_520 : vector<512x1xf32> to vector<512x128xf32>
    %mul3A_527 = arith.mulf %mul3A_526, %min3A_481 : vector<512x128xf32>
    %add3A_528 = arith.addf %mul3A_525, %mul3A_527 : vector<512x128xf32>
    %reduce_sum3A_529 = arith.constant dense<0.000000e+00> : vector<512xf32>
    %reduce_sum3A_530 = vector.multi_reduction <add>, %add3A_528, %reduce_sum3A_529 [1] : vector<512x128xf32> to vector<512xf32>
    %broadcast_in_dim3A_531 = vector.shape_cast %reduce_sum3A_530 : vector<512xf32> to vector<512x1xf32>
    %div3A_532 = arith.constant 1.280000e+02 : f32
    %div3A_533 = vector.broadcast %div3A_532 : f32 to vector<512x1xf32>
    %div3A_534 = arith.divf %broadcast_in_dim3A_531, %div3A_533 : vector<512x1xf32>
    %jit3A_535 = arith.constant 0 : i32
    %reduce_sum3A_536 = arith.constant dense<0.000000e+00> : vector<512xf32>
    %reduce_sum3A_537 = vector.multi_reduction <add>, %add3A_528, %reduce_sum3A_536 [1] : vector<512x128xf32> to vector<512xf32>
    %broadcast_in_dim3A_538 = vector.shape_cast %reduce_sum3A_537 : vector<512xf32> to vector<512x1xf32>
    %div3A_539 = arith.constant 1.280000e+02 : f32
    %div3A_540 = vector.broadcast %div3A_539 : f32 to vector<512x1xf32>
    %div3A_541 = arith.divf %broadcast_in_dim3A_538, %div3A_540 : vector<512x1xf32>
    %sub3A_542 = vector.broadcast %div3A_541 : vector<512x1xf32> to vector<512x128xf32>
    %sub3A_543 = arith.subf %add3A_528, %sub3A_542 : vector<512x128xf32>
    %square3A_544 = arith.mulf %sub3A_543, %sub3A_543 : vector<512x128xf32>
    %convert_element_type3A_545 = arith.sitofp %jit3A_535 : i32 to f32
    %sub3A_546 = arith.constant 1.280000e+02 : f32
    %sub3A_547 = arith.subf %sub3A_546, %convert_element_type3A_545 : f32
    %reduce_sum3A_548 = arith.constant dense<0.000000e+00> : vector<512xf32>
    %reduce_sum3A_549 = vector.multi_reduction <add>, %square3A_544, %reduce_sum3A_548 [1] : vector<512x128xf32> to vector<512xf32>
    %broadcast_in_dim3A_550 = vector.shape_cast %reduce_sum3A_549 : vector<512xf32> to vector<512x1xf32>
    %div3A_551 = vector.broadcast %sub3A_547 : f32 to vector<512x1xf32>
    %div3A_552 = arith.divf %broadcast_in_dim3A_550, %div3A_551 : vector<512x1xf32>
    %gt3A_553 = arith.constant 0.000000e+00 : f32
    %gt3A_554 = arith.cmpf ogt, %sub3A_547, %gt3A_553 : f32
    %jit3A_555 = arith.constant 0x7FC00000 : f32
    %broadcast_in_dim3A_556 = vector.broadcast %jit3A_555 : f32 to vector<512x1xf32>
    %select_n3A_557 = arith.select %gt3A_554, %div3A_552, %broadcast_in_dim3A_556 : vector<512x1xf32>
    %sub3A_558 = vector.broadcast %div3A_534 : vector<512x1xf32> to vector<512x128xf32>
    %sub3A_559 = arith.subf %add3A_528, %sub3A_558 : vector<512x128xf32>
    %add3A_560 = arith.constant 9.99999974E-6 : f32
    %add3A_561 = vector.broadcast %add3A_560 : f32 to vector<512x1xf32>
    %add3A_562 = arith.addf %select_n3A_557, %add3A_561 : vector<512x1xf32>
    %sqrt3A_563 = math.sqrt %add3A_562 : vector<512x1xf32>
    %div3A_564 = vector.broadcast %sqrt3A_563 : vector<512x1xf32> to vector<512x128xf32>
    %div3A_565 = arith.divf %sub3A_559, %div3A_564 : vector<512x128xf32>
    %mul3A_566 = vector.broadcast %get3A_55 : vector<1x128xf32> to vector<512x128xf32>
    %mul3A_567 = arith.mulf %div3A_565, %mul3A_566 : vector<512x128xf32>
    %add3A_568 = vector.broadcast %get3A_58 : vector<1x128xf32> to vector<512x128xf32>
    %add3A_569 = arith.addf %mul3A_567, %add3A_568 : vector<512x128xf32>
    %jit3A_570 = arith.constant -5.000000e+01 : f32
    %jit3A_571 = arith.constant 5.000000e+01 : f32
    %max3A_572 = vector.broadcast %jit3A_570 : f32 to vector<512x128xf32>
    %max3A_573 = arith.maximumf %max3A_572, %add3A_569 : vector<512x128xf32>
    %min3A_574 = vector.broadcast %jit3A_571 : f32 to vector<512x128xf32>
    %min3A_575 = arith.minimumf %min3A_574, %max3A_573 : vector<512x128xf32>
    %swap3A = arith.constant 0 : index
    %swap3A_576 = arith.constant 0 : index
    %swap3A_577 = arith.constant 0 : index
    %swap3A_578 = vector.load %arg22[%swap3A, %swap3A_576, %swap3A_577] : memref<2x512x128xf32, #tpu.memory_space<vmem>>, vector<1x512x128xf32>
    %swap3A_579 = vector.shape_cast %swap3A_578 : vector<1x512x128xf32> to vector<512x128xf32>
    %swap3A_580 = vector.shape_cast %min3A_575 : vector<512x128xf32> to vector<1x512x128xf32>
    tpu.vector_store %arg22[%swap3A, %swap3A_576, %swap3A_577], %swap3A_580 {strides = array<i32>} : memref<2x512x128xf32, #tpu.memory_space<vmem>>, vector<1x512x128xf32>,
    %get3A_581 = arith.constant 1 : index
    %get3A_582 = arith.constant 0 : index
    %get3A_583 = arith.constant 0 : index
    %get3A_584 = vector.load %arg3[%get3A_581, %get3A_582, %get3A_583] : memref<2x512x128xf32, #tpu.memory_space<vmem>>, vector<1x512x128xf32>
    %get3A_585 = vector.shape_cast %get3A_584 : vector<1x512x128xf32> to vector<512x128xf32>
    %get3A_586 = arith.constant 1 : index
    %get3A_587 = arith.constant 0 : index
    %get3A_588 = arith.constant 0 : index
    %get3A_589 = vector.load %arg4[%get3A_586, %get3A_587, %get3A_588] : memref<2x512x640xf32, #tpu.memory_space<vmem>>, vector<1x512x640xf32>
    %get3A_590 = vector.shape_cast %get3A_589 : vector<1x512x640xf32> to vector<512x640xf32>
    %get3A_591 = arith.constant 0 : index
    %get3A_592 = arith.constant 0 : index
    %get3A_593 = vector.load %arg9[%get3A_591, %get3A_592] : memref<128x128xf32, #tpu.memory_space<vmem>>, vector<128x128xf32>
    %dot_general3A_594 = arith.constant dense<0.000000e+00> : vector<512x128xf32>
    %dot_general3A_595 = tpu.matmul %get3A_585, %get3A_593, %dot_general3A_594 {dimension_numbers = #tpu.dot_dimension_numbers<[1], [0], [0], [1], [0, 0, 1, 1], [], []>, precision = #tpu.contract_precision<fp32>, transpose_lhs_hint = false} : vector<512x128xf32>, vector<128x128xf32>, vector<512x128xf32> -> vector<512x128xf32>
    %add3A_596 = arith.addf %dot_general3A_595, %dot_general3A_39 : vector<512x128xf32>
    %add3A_597 = arith.addf %add3A_596, %dot_general3A_44 : vector<512x128xf32>
    %get3A_598 = arith.constant 0 : index
    %get3A_599 = arith.constant 0 : index
    %get3A_600 = vector.load %arg12[%get3A_598, %get3A_599] : memref<1x128xf32, #tpu.memory_space<vmem>>, vector<1x128xf32>
    %add3A_601 = vector.broadcast %get3A_600 : vector<1x128xf32> to vector<512x128xf32>
    %add3A_602 = arith.addf %add3A_597, %add3A_601 : vector<512x128xf32>
    %reduce_sum3A_603 = arith.constant dense<0.000000e+00> : vector<512xf32>
    %reduce_sum3A_604 = vector.multi_reduction <add>, %add3A_602, %reduce_sum3A_603 [1] : vector<512x128xf32> to vector<512xf32>
    %broadcast_in_dim3A_605 = vector.shape_cast %reduce_sum3A_604 : vector<512xf32> to vector<512x1xf32>
    %div3A_606 = arith.constant 1.280000e+02 : f32
    %div3A_607 = vector.broadcast %div3A_606 : f32 to vector<512x1xf32>
    %div3A_608 = arith.divf %broadcast_in_dim3A_605, %div3A_607 : vector<512x1xf32>
    %jit3A_609 = arith.constant 0 : i32
    %reduce_sum3A_610 = arith.constant dense<0.000000e+00> : vector<512xf32>
    %reduce_sum3A_611 = vector.multi_reduction <add>, %add3A_602, %reduce_sum3A_610 [1] : vector<512x128xf32> to vector<512xf32>
    %broadcast_in_dim3A_612 = vector.shape_cast %reduce_sum3A_611 : vector<512xf32> to vector<512x1xf32>
    %div3A_613 = arith.constant 1.280000e+02 : f32
    %div3A_614 = vector.broadcast %div3A_613 : f32 to vector<512x1xf32>
    %div3A_615 = arith.divf %broadcast_in_dim3A_612, %div3A_614 : vector<512x1xf32>
    %sub3A_616 = vector.broadcast %div3A_615 : vector<512x1xf32> to vector<512x128xf32>
    %sub3A_617 = arith.subf %add3A_602, %sub3A_616 : vector<512x128xf32>
    %square3A_618 = arith.mulf %sub3A_617, %sub3A_617 : vector<512x128xf32>
    %convert_element_type3A_619 = arith.sitofp %jit3A_609 : i32 to f32
    %sub3A_620 = arith.constant 1.280000e+02 : f32
    %sub3A_621 = arith.subf %sub3A_620, %convert_element_type3A_619 : f32
    %reduce_sum3A_622 = arith.constant dense<0.000000e+00> : vector<512xf32>
    %reduce_sum3A_623 = vector.multi_reduction <add>, %square3A_618, %reduce_sum3A_622 [1] : vector<512x128xf32> to vector<512xf32>
    %broadcast_in_dim3A_624 = vector.shape_cast %reduce_sum3A_623 : vector<512xf32> to vector<512x1xf32>
    %div3A_625 = vector.broadcast %sub3A_621 : f32 to vector<512x1xf32>
    %div3A_626 = arith.divf %broadcast_in_dim3A_624, %div3A_625 : vector<512x1xf32>
    %gt3A_627 = arith.constant 0.000000e+00 : f32
    %gt3A_628 = arith.cmpf ogt, %sub3A_621, %gt3A_627 : f32
    %jit3A_629 = arith.constant 0x7FC00000 : f32
    %broadcast_in_dim3A_630 = vector.broadcast %jit3A_629 : f32 to vector<512x1xf32>
    %select_n3A_631 = arith.select %gt3A_628, %div3A_626, %broadcast_in_dim3A_630 : vector<512x1xf32>
    %sub3A_632 = vector.broadcast %div3A_608 : vector<512x1xf32> to vector<512x128xf32>
    %sub3A_633 = arith.subf %add3A_602, %sub3A_632 : vector<512x128xf32>
    %add3A_634 = arith.constant 9.99999974E-6 : f32
    %add3A_635 = vector.broadcast %add3A_634 : f32 to vector<512x1xf32>
    %add3A_636 = arith.addf %select_n3A_631, %add3A_635 : vector<512x1xf32>
    %sqrt3A_637 = math.sqrt %add3A_636 : vector<512x1xf32>
    %div3A_638 = vector.broadcast %sqrt3A_637 : vector<512x1xf32> to vector<512x128xf32>
    %div3A_639 = arith.divf %sub3A_633, %div3A_638 : vector<512x128xf32>
    %mul3A_640 = vector.broadcast %get3A_55 : vector<1x128xf32> to vector<512x128xf32>
    %mul3A_641 = arith.mulf %div3A_639, %mul3A_640 : vector<512x128xf32>
    %add3A_642 = vector.broadcast %get3A_58 : vector<1x128xf32> to vector<512x128xf32>
    %add3A_643 = arith.addf %mul3A_641, %add3A_642 : vector<512x128xf32>
    %tanh3A_644 = math.tanh %add3A_643 : vector<512x128xf32>
    %mul3A_645 = arith.mulf %tanh3A_644, %tanh3A_644 : vector<512x128xf32>
    %reduce_sum3A_646 = arith.constant dense<0.000000e+00> : vector<512xf32>
    %reduce_sum3A_647 = vector.multi_reduction <add>, %mul3A_645, %reduce_sum3A_646 [1] : vector<512x128xf32> to vector<512xf32>
    %broadcast_in_dim3A_648 = vector.shape_cast %reduce_sum3A_647 : vector<512xf32> to vector<512x1xf32>
    %sqrt3A_649 = math.sqrt %broadcast_in_dim3A_648 : vector<512x1xf32>
    %max3A_650 = arith.constant 9.99999996E-13 : f32
    %max3A_651 = vector.broadcast %max3A_650 : f32 to vector<512x1xf32>
    %max3A_652 = arith.maximumf %sqrt3A_649, %max3A_651 : vector<512x1xf32>
    %div3A_653 = vector.broadcast %max3A_652 : vector<512x1xf32> to vector<512x128xf32>
    %div3A_654 = arith.divf %tanh3A_644, %div3A_653 : vector<512x128xf32>
    %slice3A_655 = vector.extract_strided_slice %get3A_590 {offsets = [0, 0], sizes = [512, 128], strides = [1, 1]} : vector<512x640xf32> to vector<512x128xf32>
    %get3A_656 = arith.constant 0 : index
    %get3A_657 = arith.constant 0 : index
    %get3A_658 = vector.load %arg20[%get3A_656, %get3A_657] : memref<1x128xf32, #tpu.memory_space<vmem>>, vector<1x128xf32>
    %get3A_659 = arith.constant 0 : index
    %get3A_660 = arith.constant 0 : index
    %get3A_661 = vector.load %arg21[%get3A_659, %get3A_660] : memref<1x128xf32, #tpu.memory_space<vmem>>, vector<1x128xf32>
    %reduce_sum3A_662 = arith.constant dense<0.000000e+00> : vector<512xf32>
    %reduce_sum3A_663 = vector.multi_reduction <add>, %slice3A_655, %reduce_sum3A_662 [1] : vector<512x128xf32> to vector<512xf32>
    %broadcast_in_dim3A_664 = vector.shape_cast %reduce_sum3A_663 : vector<512xf32> to vector<512x1xf32>
    %div3A_665 = arith.constant 1.280000e+02 : f32
    %div3A_666 = vector.broadcast %div3A_665 : f32 to vector<512x1xf32>
    %div3A_667 = arith.divf %broadcast_in_dim3A_664, %div3A_666 : vector<512x1xf32>
    %jit3A_668 = arith.constant 0 : i32
    %reduce_sum3A_669 = arith.constant dense<0.000000e+00> : vector<512xf32>
    %reduce_sum3A_670 = vector.multi_reduction <add>, %slice3A_655, %reduce_sum3A_669 [1] : vector<512x128xf32> to vector<512xf32>
    %broadcast_in_dim3A_671 = vector.shape_cast %reduce_sum3A_670 : vector<512xf32> to vector<512x1xf32>
    %div3A_672 = arith.constant 1.280000e+02 : f32
    %div3A_673 = vector.broadcast %div3A_672 : f32 to vector<512x1xf32>
    %div3A_674 = arith.divf %broadcast_in_dim3A_671, %div3A_673 : vector<512x1xf32>
    %sub3A_675 = vector.broadcast %div3A_674 : vector<512x1xf32> to vector<512x128xf32>
    %sub3A_676 = arith.subf %slice3A_655, %sub3A_675 : vector<512x128xf32>
    %square3A_677 = arith.mulf %sub3A_676, %sub3A_676 : vector<512x128xf32>
    %convert_element_type3A_678 = arith.sitofp %jit3A_668 : i32 to f32
    %sub3A_679 = arith.constant 1.280000e+02 : f32
    %sub3A_680 = arith.subf %sub3A_679, %convert_element_type3A_678 : f32
    %reduce_sum3A_681 = arith.constant dense<0.000000e+00> : vector<512xf32>
    %reduce_sum3A_682 = vector.multi_reduction <add>, %square3A_677, %reduce_sum3A_681 [1] : vector<512x128xf32> to vector<512xf32>
    %broadcast_in_dim3A_683 = vector.shape_cast %reduce_sum3A_682 : vector<512xf32> to vector<512x1xf32>
    %div3A_684 = vector.broadcast %sub3A_680 : f32 to vector<512x1xf32>
    %div3A_685 = arith.divf %broadcast_in_dim3A_683, %div3A_684 : vector<512x1xf32>
    %gt3A_686 = arith.constant 0.000000e+00 : f32
    %gt3A_687 = arith.cmpf ogt, %sub3A_680, %gt3A_686 : f32
    %jit3A_688 = arith.constant 0x7FC00000 : f32
    %broadcast_in_dim3A_689 = vector.broadcast %jit3A_688 : f32 to vector<512x1xf32>
    %select_n3A_690 = arith.select %gt3A_687, %div3A_685, %broadcast_in_dim3A_689 : vector<512x1xf32>
    %sub3A_691 = vector.broadcast %div3A_667 : vector<512x1xf32> to vector<512x128xf32>
    %sub3A_692 = arith.subf %slice3A_655, %sub3A_691 : vector<512x128xf32>
    %add3A_693 = arith.constant 9.99999974E-6 : f32
    %add3A_694 = vector.broadcast %add3A_693 : f32 to vector<512x1xf32>
    %add3A_695 = arith.addf %select_n3A_690, %add3A_694 : vector<512x1xf32>
    %sqrt3A_696 = math.sqrt %add3A_695 : vector<512x1xf32>
    %div3A_697 = vector.broadcast %sqrt3A_696 : vector<512x1xf32> to vector<512x128xf32>
    %div3A_698 = arith.divf %sub3A_692, %div3A_697 : vector<512x128xf32>
    %mul3A_699 = vector.broadcast %get3A_658 : vector<1x128xf32> to vector<512x128xf32>
    %mul3A_700 = arith.mulf %div3A_698, %mul3A_699 : vector<512x128xf32>
    %add3A_701 = vector.broadcast %get3A_661 : vector<1x128xf32> to vector<512x128xf32>
    %add3A_702 = arith.addf %mul3A_700, %add3A_701 : vector<512x128xf32>
    %mul3A_703 = arith.mulf %add3A_702, %add3A_702 : vector<512x128xf32>
    %reduce_sum3A_704 = arith.constant dense<0.000000e+00> : vector<512xf32>
    %reduce_sum3A_705 = vector.multi_reduction <add>, %mul3A_703, %reduce_sum3A_704 [1] : vector<512x128xf32> to vector<512xf32>
    %broadcast_in_dim3A_706 = vector.shape_cast %reduce_sum3A_705 : vector<512xf32> to vector<512x1xf32>
    %sqrt3A_707 = math.sqrt %broadcast_in_dim3A_706 : vector<512x1xf32>
    %max3A_708 = arith.constant 9.99999996E-13 : f32
    %max3A_709 = vector.broadcast %max3A_708 : f32 to vector<512x1xf32>
    %max3A_710 = arith.maximumf %sqrt3A_707, %max3A_709 : vector<512x1xf32>
    %div3A_711 = vector.broadcast %max3A_710 : vector<512x1xf32> to vector<512x128xf32>
    %div3A_712 = arith.divf %add3A_702, %div3A_711 : vector<512x128xf32>
    %mul3A_713 = arith.mulf %div3A_654, %div3A_712 : vector<512x128xf32>
    %reduce_sum3A_714 = arith.constant dense<0.000000e+00> : vector<512xf32>
    %reduce_sum3A_715 = vector.multi_reduction <add>, %mul3A_713, %reduce_sum3A_714 [1] : vector<512x128xf32> to vector<512xf32>
    %broadcast_in_dim3A_716 = vector.shape_cast %reduce_sum3A_715 : vector<512xf32> to vector<512x1xf32>
    %slice3A_717 = vector.extract_strided_slice %get3A_590 {offsets = [0, 128], sizes = [512, 128], strides = [1, 1]} : vector<512x640xf32> to vector<512x128xf32>
    %get3A_718 = arith.constant 0 : index
    %get3A_719 = arith.constant 0 : index
    %get3A_720 = vector.load %arg20[%get3A_718, %get3A_719] : memref<1x128xf32, #tpu.memory_space<vmem>>, vector<1x128xf32>
    %get3A_721 = arith.constant 0 : index
    %get3A_722 = arith.constant 0 : index
    %get3A_723 = vector.load %arg21[%get3A_721, %get3A_722] : memref<1x128xf32, #tpu.memory_space<vmem>>, vector<1x128xf32>
    %reduce_sum3A_724 = arith.constant dense<0.000000e+00> : vector<512xf32>
    %reduce_sum3A_725 = vector.multi_reduction <add>, %slice3A_717, %reduce_sum3A_724 [1] : vector<512x128xf32> to vector<512xf32>
    %broadcast_in_dim3A_726 = vector.shape_cast %reduce_sum3A_725 : vector<512xf32> to vector<512x1xf32>
    %div3A_727 = arith.constant 1.280000e+02 : f32
    %div3A_728 = vector.broadcast %div3A_727 : f32 to vector<512x1xf32>
    %div3A_729 = arith.divf %broadcast_in_dim3A_726, %div3A_728 : vector<512x1xf32>
    %jit3A_730 = arith.constant 0 : i32
    %reduce_sum3A_731 = arith.constant dense<0.000000e+00> : vector<512xf32>
    %reduce_sum3A_732 = vector.multi_reduction <add>, %slice3A_717, %reduce_sum3A_731 [1] : vector<512x128xf32> to vector<512xf32>
    %broadcast_in_dim3A_733 = vector.shape_cast %reduce_sum3A_732 : vector<512xf32> to vector<512x1xf32>
    %div3A_734 = arith.constant 1.280000e+02 : f32
    %div3A_735 = vector.broadcast %div3A_734 : f32 to vector<512x1xf32>
    %div3A_736 = arith.divf %broadcast_in_dim3A_733, %div3A_735 : vector<512x1xf32>
    %sub3A_737 = vector.broadcast %div3A_736 : vector<512x1xf32> to vector<512x128xf32>
    %sub3A_738 = arith.subf %slice3A_717, %sub3A_737 : vector<512x128xf32>
    %square3A_739 = arith.mulf %sub3A_738, %sub3A_738 : vector<512x128xf32>
    %convert_element_type3A_740 = arith.sitofp %jit3A_730 : i32 to f32
    %sub3A_741 = arith.constant 1.280000e+02 : f32
    %sub3A_742 = arith.subf %sub3A_741, %convert_element_type3A_740 : f32
    %reduce_sum3A_743 = arith.constant dense<0.000000e+00> : vector<512xf32>
    %reduce_sum3A_744 = vector.multi_reduction <add>, %square3A_739, %reduce_sum3A_743 [1] : vector<512x128xf32> to vector<512xf32>
    %broadcast_in_dim3A_745 = vector.shape_cast %reduce_sum3A_744 : vector<512xf32> to vector<512x1xf32>
    %div3A_746 = vector.broadcast %sub3A_742 : f32 to vector<512x1xf32>
    %div3A_747 = arith.divf %broadcast_in_dim3A_745, %div3A_746 : vector<512x1xf32>
    %gt3A_748 = arith.constant 0.000000e+00 : f32
    %gt3A_749 = arith.cmpf ogt, %sub3A_742, %gt3A_748 : f32
    %jit3A_750 = arith.constant 0x7FC00000 : f32
    %broadcast_in_dim3A_751 = vector.broadcast %jit3A_750 : f32 to vector<512x1xf32>
    %select_n3A_752 = arith.select %gt3A_749, %div3A_747, %broadcast_in_dim3A_751 : vector<512x1xf32>
    %sub3A_753 = vector.broadcast %div3A_729 : vector<512x1xf32> to vector<512x128xf32>
    %sub3A_754 = arith.subf %slice3A_717, %sub3A_753 : vector<512x128xf32>
    %add3A_755 = arith.constant 9.99999974E-6 : f32
    %add3A_756 = vector.broadcast %add3A_755 : f32 to vector<512x1xf32>
    %add3A_757 = arith.addf %select_n3A_752, %add3A_756 : vector<512x1xf32>
    %sqrt3A_758 = math.sqrt %add3A_757 : vector<512x1xf32>
    %div3A_759 = vector.broadcast %sqrt3A_758 : vector<512x1xf32> to vector<512x128xf32>
    %div3A_760 = arith.divf %sub3A_754, %div3A_759 : vector<512x128xf32>
    %mul3A_761 = vector.broadcast %get3A_720 : vector<1x128xf32> to vector<512x128xf32>
    %mul3A_762 = arith.mulf %div3A_760, %mul3A_761 : vector<512x128xf32>
    %add3A_763 = vector.broadcast %get3A_723 : vector<1x128xf32> to vector<512x128xf32>
    %add3A_764 = arith.addf %mul3A_762, %add3A_763 : vector<512x128xf32>
    %mul3A_765 = arith.mulf %add3A_764, %add3A_764 : vector<512x128xf32>
    %reduce_sum3A_766 = arith.constant dense<0.000000e+00> : vector<512xf32>
    %reduce_sum3A_767 = vector.multi_reduction <add>, %mul3A_765, %reduce_sum3A_766 [1] : vector<512x128xf32> to vector<512xf32>
    %broadcast_in_dim3A_768 = vector.shape_cast %reduce_sum3A_767 : vector<512xf32> to vector<512x1xf32>
    %sqrt3A_769 = math.sqrt %broadcast_in_dim3A_768 : vector<512x1xf32>
    %max3A_770 = arith.constant 9.99999996E-13 : f32
    %max3A_771 = vector.broadcast %max3A_770 : f32 to vector<512x1xf32>
    %max3A_772 = arith.maximumf %sqrt3A_769, %max3A_771 : vector<512x1xf32>
    %div3A_773 = vector.broadcast %max3A_772 : vector<512x1xf32> to vector<512x128xf32>
    %div3A_774 = arith.divf %add3A_764, %div3A_773 : vector<512x128xf32>
    %mul3A_775 = arith.mulf %div3A_654, %div3A_774 : vector<512x128xf32>
    %reduce_sum3A_776 = arith.constant dense<0.000000e+00> : vector<512xf32>
    %reduce_sum3A_777 = vector.multi_reduction <add>, %mul3A_775, %reduce_sum3A_776 [1] : vector<512x128xf32> to vector<512xf32>
    %broadcast_in_dim3A_778 = vector.shape_cast %reduce_sum3A_777 : vector<512xf32> to vector<512x1xf32>
    %slice3A_779 = vector.extract_strided_slice %get3A_590 {offsets = [0, 256], sizes = [512, 128], strides = [1, 1]} : vector<512x640xf32> to vector<512x128xf32>
    %get3A_780 = arith.constant 0 : index
    %get3A_781 = arith.constant 0 : index
    %get3A_782 = vector.load %arg20[%get3A_780, %get3A_781] : memref<1x128xf32, #tpu.memory_space<vmem>>, vector<1x128xf32>
    %get3A_783 = arith.constant 0 : index
    %get3A_784 = arith.constant 0 : index
    %get3A_785 = vector.load %arg21[%get3A_783, %get3A_784] : memref<1x128xf32, #tpu.memory_space<vmem>>, vector<1x128xf32>
    %reduce_sum3A_786 = arith.constant dense<0.000000e+00> : vector<512xf32>
    %reduce_sum3A_787 = vector.multi_reduction <add>, %slice3A_779, %reduce_sum3A_786 [1] : vector<512x128xf32> to vector<512xf32>
    %broadcast_in_dim3A_788 = vector.shape_cast %reduce_sum3A_787 : vector<512xf32> to vector<512x1xf32>
    %div3A_789 = arith.constant 1.280000e+02 : f32
    %div3A_790 = vector.broadcast %div3A_789 : f32 to vector<512x1xf32>
    %div3A_791 = arith.divf %broadcast_in_dim3A_788, %div3A_790 : vector<512x1xf32>
    %jit3A_792 = arith.constant 0 : i32
    %reduce_sum3A_793 = arith.constant dense<0.000000e+00> : vector<512xf32>
    %reduce_sum3A_794 = vector.multi_reduction <add>, %slice3A_779, %reduce_sum3A_793 [1] : vector<512x128xf32> to vector<512xf32>
    %broadcast_in_dim3A_795 = vector.shape_cast %reduce_sum3A_794 : vector<512xf32> to vector<512x1xf32>
    %div3A_796 = arith.constant 1.280000e+02 : f32
    %div3A_797 = vector.broadcast %div3A_796 : f32 to vector<512x1xf32>
    %div3A_798 = arith.divf %broadcast_in_dim3A_795, %div3A_797 : vector<512x1xf32>
    %sub3A_799 = vector.broadcast %div3A_798 : vector<512x1xf32> to vector<512x128xf32>
    %sub3A_800 = arith.subf %slice3A_779, %sub3A_799 : vector<512x128xf32>
    %square3A_801 = arith.mulf %sub3A_800, %sub3A_800 : vector<512x128xf32>
    %convert_element_type3A_802 = arith.sitofp %jit3A_792 : i32 to f32
    %sub3A_803 = arith.constant 1.280000e+02 : f32
    %sub3A_804 = arith.subf %sub3A_803, %convert_element_type3A_802 : f32
    %reduce_sum3A_805 = arith.constant dense<0.000000e+00> : vector<512xf32>
    %reduce_sum3A_806 = vector.multi_reduction <add>, %square3A_801, %reduce_sum3A_805 [1] : vector<512x128xf32> to vector<512xf32>
    %broadcast_in_dim3A_807 = vector.shape_cast %reduce_sum3A_806 : vector<512xf32> to vector<512x1xf32>
    %div3A_808 = vector.broadcast %sub3A_804 : f32 to vector<512x1xf32>
    %div3A_809 = arith.divf %broadcast_in_dim3A_807, %div3A_808 : vector<512x1xf32>
    %gt3A_810 = arith.constant 0.000000e+00 : f32
    %gt3A_811 = arith.cmpf ogt, %sub3A_804, %gt3A_810 : f32
    %jit3A_812 = arith.constant 0x7FC00000 : f32
    %broadcast_in_dim3A_813 = vector.broadcast %jit3A_812 : f32 to vector<512x1xf32>
    %select_n3A_814 = arith.select %gt3A_811, %div3A_809, %broadcast_in_dim3A_813 : vector<512x1xf32>
    %sub3A_815 = vector.broadcast %div3A_791 : vector<512x1xf32> to vector<512x128xf32>
    %sub3A_816 = arith.subf %slice3A_779, %sub3A_815 : vector<512x128xf32>
    %add3A_817 = arith.constant 9.99999974E-6 : f32
    %add3A_818 = vector.broadcast %add3A_817 : f32 to vector<512x1xf32>
    %add3A_819 = arith.addf %select_n3A_814, %add3A_818 : vector<512x1xf32>
    %sqrt3A_820 = math.sqrt %add3A_819 : vector<512x1xf32>
    %div3A_821 = vector.broadcast %sqrt3A_820 : vector<512x1xf32> to vector<512x128xf32>
    %div3A_822 = arith.divf %sub3A_816, %div3A_821 : vector<512x128xf32>
    %mul3A_823 = vector.broadcast %get3A_782 : vector<1x128xf32> to vector<512x128xf32>
    %mul3A_824 = arith.mulf %div3A_822, %mul3A_823 : vector<512x128xf32>
    %add3A_825 = vector.broadcast %get3A_785 : vector<1x128xf32> to vector<512x128xf32>
    %add3A_826 = arith.addf %mul3A_824, %add3A_825 : vector<512x128xf32>
    %mul3A_827 = arith.mulf %add3A_826, %add3A_826 : vector<512x128xf32>
    %reduce_sum3A_828 = arith.constant dense<0.000000e+00> : vector<512xf32>
    %reduce_sum3A_829 = vector.multi_reduction <add>, %mul3A_827, %reduce_sum3A_828 [1] : vector<512x128xf32> to vector<512xf32>
    %broadcast_in_dim3A_830 = vector.shape_cast %reduce_sum3A_829 : vector<512xf32> to vector<512x1xf32>
    %sqrt3A_831 = math.sqrt %broadcast_in_dim3A_830 : vector<512x1xf32>
    %max3A_832 = arith.constant 9.99999996E-13 : f32
    %max3A_833 = vector.broadcast %max3A_832 : f32 to vector<512x1xf32>
    %max3A_834 = arith.maximumf %sqrt3A_831, %max3A_833 : vector<512x1xf32>
    %div3A_835 = vector.broadcast %max3A_834 : vector<512x1xf32> to vector<512x128xf32>
    %div3A_836 = arith.divf %add3A_826, %div3A_835 : vector<512x128xf32>
    %mul3A_837 = arith.mulf %div3A_654, %div3A_836 : vector<512x128xf32>
    %reduce_sum3A_838 = arith.constant dense<0.000000e+00> : vector<512xf32>
    %reduce_sum3A_839 = vector.multi_reduction <add>, %mul3A_837, %reduce_sum3A_838 [1] : vector<512x128xf32> to vector<512xf32>
    %broadcast_in_dim3A_840 = vector.shape_cast %reduce_sum3A_839 : vector<512xf32> to vector<512x1xf32>
    %slice3A_841 = vector.extract_strided_slice %get3A_590 {offsets = [0, 384], sizes = [512, 128], strides = [1, 1]} : vector<512x640xf32> to vector<512x128xf32>
    %get3A_842 = arith.constant 0 : index
    %get3A_843 = arith.constant 0 : index
    %get3A_844 = vector.load %arg20[%get3A_842, %get3A_843] : memref<1x128xf32, #tpu.memory_space<vmem>>, vector<1x128xf32>
    %get3A_845 = arith.constant 0 : index
    %get3A_846 = arith.constant 0 : index
    %get3A_847 = vector.load %arg21[%get3A_845, %get3A_846] : memref<1x128xf32, #tpu.memory_space<vmem>>, vector<1x128xf32>
    %reduce_sum3A_848 = arith.constant dense<0.000000e+00> : vector<512xf32>
    %reduce_sum3A_849 = vector.multi_reduction <add>, %slice3A_841, %reduce_sum3A_848 [1] : vector<512x128xf32> to vector<512xf32>
    %broadcast_in_dim3A_850 = vector.shape_cast %reduce_sum3A_849 : vector<512xf32> to vector<512x1xf32>
    %div3A_851 = arith.constant 1.280000e+02 : f32
    %div3A_852 = vector.broadcast %div3A_851 : f32 to vector<512x1xf32>
    %div3A_853 = arith.divf %broadcast_in_dim3A_850, %div3A_852 : vector<512x1xf32>
    %jit3A_854 = arith.constant 0 : i32
    %reduce_sum3A_855 = arith.constant dense<0.000000e+00> : vector<512xf32>
    %reduce_sum3A_856 = vector.multi_reduction <add>, %slice3A_841, %reduce_sum3A_855 [1] : vector<512x128xf32> to vector<512xf32>
    %broadcast_in_dim3A_857 = vector.shape_cast %reduce_sum3A_856 : vector<512xf32> to vector<512x1xf32>
    %div3A_858 = arith.constant 1.280000e+02 : f32
    %div3A_859 = vector.broadcast %div3A_858 : f32 to vector<512x1xf32>
    %div3A_860 = arith.divf %broadcast_in_dim3A_857, %div3A_859 : vector<512x1xf32>
    %sub3A_861 = vector.broadcast %div3A_860 : vector<512x1xf32> to vector<512x128xf32>
    %sub3A_862 = arith.subf %slice3A_841, %sub3A_861 : vector<512x128xf32>
    %square3A_863 = arith.mulf %sub3A_862, %sub3A_862 : vector<512x128xf32>
    %convert_element_type3A_864 = arith.sitofp %jit3A_854 : i32 to f32
    %sub3A_865 = arith.constant 1.280000e+02 : f32
    %sub3A_866 = arith.subf %sub3A_865, %convert_element_type3A_864 : f32
    %reduce_sum3A_867 = arith.constant dense<0.000000e+00> : vector<512xf32>
    %reduce_sum3A_868 = vector.multi_reduction <add>, %square3A_863, %reduce_sum3A_867 [1] : vector<512x128xf32> to vector<512xf32>
    %broadcast_in_dim3A_869 = vector.shape_cast %reduce_sum3A_868 : vector<512xf32> to vector<512x1xf32>
    %div3A_870 = vector.broadcast %sub3A_866 : f32 to vector<512x1xf32>
    %div3A_871 = arith.divf %broadcast_in_dim3A_869, %div3A_870 : vector<512x1xf32>
    %gt3A_872 = arith.constant 0.000000e+00 : f32
    %gt3A_873 = arith.cmpf ogt, %sub3A_866, %gt3A_872 : f32
    %jit3A_874 = arith.constant 0x7FC00000 : f32
    %broadcast_in_dim3A_875 = vector.broadcast %jit3A_874 : f32 to vector<512x1xf32>
    %select_n3A_876 = arith.select %gt3A_873, %div3A_871, %broadcast_in_dim3A_875 : vector<512x1xf32>
    %sub3A_877 = vector.broadcast %div3A_853 : vector<512x1xf32> to vector<512x128xf32>
    %sub3A_878 = arith.subf %slice3A_841, %sub3A_877 : vector<512x128xf32>
    %add3A_879 = arith.constant 9.99999974E-6 : f32
    %add3A_880 = vector.broadcast %add3A_879 : f32 to vector<512x1xf32>
    %add3A_881 = arith.addf %select_n3A_876, %add3A_880 : vector<512x1xf32>
    %sqrt3A_882 = math.sqrt %add3A_881 : vector<512x1xf32>
    %div3A_883 = vector.broadcast %sqrt3A_882 : vector<512x1xf32> to vector<512x128xf32>
    %div3A_884 = arith.divf %sub3A_878, %div3A_883 : vector<512x128xf32>
    %mul3A_885 = vector.broadcast %get3A_844 : vector<1x128xf32> to vector<512x128xf32>
    %mul3A_886 = arith.mulf %div3A_884, %mul3A_885 : vector<512x128xf32>
    %add3A_887 = vector.broadcast %get3A_847 : vector<1x128xf32> to vector<512x128xf32>
    %add3A_888 = arith.addf %mul3A_886, %add3A_887 : vector<512x128xf32>
    %mul3A_889 = arith.mulf %add3A_888, %add3A_888 : vector<512x128xf32>
    %reduce_sum3A_890 = arith.constant dense<0.000000e+00> : vector<512xf32>
    %reduce_sum3A_891 = vector.multi_reduction <add>, %mul3A_889, %reduce_sum3A_890 [1] : vector<512x128xf32> to vector<512xf32>
    %broadcast_in_dim3A_892 = vector.shape_cast %reduce_sum3A_891 : vector<512xf32> to vector<512x1xf32>
    %sqrt3A_893 = math.sqrt %broadcast_in_dim3A_892 : vector<512x1xf32>
    %max3A_894 = arith.constant 9.99999996E-13 : f32
    %max3A_895 = vector.broadcast %max3A_894 : f32 to vector<512x1xf32>
    %max3A_896 = arith.maximumf %sqrt3A_893, %max3A_895 : vector<512x1xf32>
    %div3A_897 = vector.broadcast %max3A_896 : vector<512x1xf32> to vector<512x128xf32>
    %div3A_898 = arith.divf %add3A_888, %div3A_897 : vector<512x128xf32>
    %mul3A_899 = arith.mulf %div3A_654, %div3A_898 : vector<512x128xf32>
    %reduce_sum3A_900 = arith.constant dense<0.000000e+00> : vector<512xf32>
    %reduce_sum3A_901 = vector.multi_reduction <add>, %mul3A_899, %reduce_sum3A_900 [1] : vector<512x128xf32> to vector<512xf32>
    %broadcast_in_dim3A_902 = vector.shape_cast %reduce_sum3A_901 : vector<512xf32> to vector<512x1xf32>
    %slice3A_903 = vector.extract_strided_slice %get3A_590 {offsets = [0, 512], sizes = [512, 128], strides = [1, 1]} : vector<512x640xf32> to vector<512x128xf32>
    %get3A_904 = arith.constant 0 : index
    %get3A_905 = arith.constant 0 : index
    %get3A_906 = vector.load %arg20[%get3A_904, %get3A_905] : memref<1x128xf32, #tpu.memory_space<vmem>>, vector<1x128xf32>
    %get3A_907 = arith.constant 0 : index
    %get3A_908 = arith.constant 0 : index
    %get3A_909 = vector.load %arg21[%get3A_907, %get3A_908] : memref<1x128xf32, #tpu.memory_space<vmem>>, vector<1x128xf32>
    %reduce_sum3A_910 = arith.constant dense<0.000000e+00> : vector<512xf32>
    %reduce_sum3A_911 = vector.multi_reduction <add>, %slice3A_903, %reduce_sum3A_910 [1] : vector<512x128xf32> to vector<512xf32>
    %broadcast_in_dim3A_912 = vector.shape_cast %reduce_sum3A_911 : vector<512xf32> to vector<512x1xf32>
    %div3A_913 = arith.constant 1.280000e+02 : f32
    %div3A_914 = vector.broadcast %div3A_913 : f32 to vector<512x1xf32>
    %div3A_915 = arith.divf %broadcast_in_dim3A_912, %div3A_914 : vector<512x1xf32>
    %jit3A_916 = arith.constant 0 : i32
    %reduce_sum3A_917 = arith.constant dense<0.000000e+00> : vector<512xf32>
    %reduce_sum3A_918 = vector.multi_reduction <add>, %slice3A_903, %reduce_sum3A_917 [1] : vector<512x128xf32> to vector<512xf32>
    %broadcast_in_dim3A_919 = vector.shape_cast %reduce_sum3A_918 : vector<512xf32> to vector<512x1xf32>
    %div3A_920 = arith.constant 1.280000e+02 : f32
    %div3A_921 = vector.broadcast %div3A_920 : f32 to vector<512x1xf32>
    %div3A_922 = arith.divf %broadcast_in_dim3A_919, %div3A_921 : vector<512x1xf32>
    %sub3A_923 = vector.broadcast %div3A_922 : vector<512x1xf32> to vector<512x128xf32>
    %sub3A_924 = arith.subf %slice3A_903, %sub3A_923 : vector<512x128xf32>
    %square3A_925 = arith.mulf %sub3A_924, %sub3A_924 : vector<512x128xf32>
    %convert_element_type3A_926 = arith.sitofp %jit3A_916 : i32 to f32
    %sub3A_927 = arith.constant 1.280000e+02 : f32
    %sub3A_928 = arith.subf %sub3A_927, %convert_element_type3A_926 : f32
    %reduce_sum3A_929 = arith.constant dense<0.000000e+00> : vector<512xf32>
    %reduce_sum3A_930 = vector.multi_reduction <add>, %square3A_925, %reduce_sum3A_929 [1] : vector<512x128xf32> to vector<512xf32>
    %broadcast_in_dim3A_931 = vector.shape_cast %reduce_sum3A_930 : vector<512xf32> to vector<512x1xf32>
    %div3A_932 = vector.broadcast %sub3A_928 : f32 to vector<512x1xf32>
    %div3A_933 = arith.divf %broadcast_in_dim3A_931, %div3A_932 : vector<512x1xf32>
    %gt3A_934 = arith.constant 0.000000e+00 : f32
    %gt3A_935 = arith.cmpf ogt, %sub3A_928, %gt3A_934 : f32
    %jit3A_936 = arith.constant 0x7FC00000 : f32
    %broadcast_in_dim3A_937 = vector.broadcast %jit3A_936 : f32 to vector<512x1xf32>
    %select_n3A_938 = arith.select %gt3A_935, %div3A_933, %broadcast_in_dim3A_937 : vector<512x1xf32>
    %sub3A_939 = vector.broadcast %div3A_915 : vector<512x1xf32> to vector<512x128xf32>
    %sub3A_940 = arith.subf %slice3A_903, %sub3A_939 : vector<512x128xf32>
    %add3A_941 = arith.constant 9.99999974E-6 : f32
    %add3A_942 = vector.broadcast %add3A_941 : f32 to vector<512x1xf32>
    %add3A_943 = arith.addf %select_n3A_938, %add3A_942 : vector<512x1xf32>
    %sqrt3A_944 = math.sqrt %add3A_943 : vector<512x1xf32>
    %div3A_945 = vector.broadcast %sqrt3A_944 : vector<512x1xf32> to vector<512x128xf32>
    %div3A_946 = arith.divf %sub3A_940, %div3A_945 : vector<512x128xf32>
    %mul3A_947 = vector.broadcast %get3A_906 : vector<1x128xf32> to vector<512x128xf32>
    %mul3A_948 = arith.mulf %div3A_946, %mul3A_947 : vector<512x128xf32>
    %add3A_949 = vector.broadcast %get3A_909 : vector<1x128xf32> to vector<512x128xf32>
    %add3A_950 = arith.addf %mul3A_948, %add3A_949 : vector<512x128xf32>
    %mul3A_951 = arith.mulf %add3A_950, %add3A_950 : vector<512x128xf32>
    %reduce_sum3A_952 = arith.constant dense<0.000000e+00> : vector<512xf32>
    %reduce_sum3A_953 = vector.multi_reduction <add>, %mul3A_951, %reduce_sum3A_952 [1] : vector<512x128xf32> to vector<512xf32>
    %broadcast_in_dim3A_954 = vector.shape_cast %reduce_sum3A_953 : vector<512xf32> to vector<512x1xf32>
    %sqrt3A_955 = math.sqrt %broadcast_in_dim3A_954 : vector<512x1xf32>
    %max3A_956 = arith.constant 9.99999996E-13 : f32
    %max3A_957 = vector.broadcast %max3A_956 : f32 to vector<512x1xf32>
    %max3A_958 = arith.maximumf %sqrt3A_955, %max3A_957 : vector<512x1xf32>
    %div3A_959 = vector.broadcast %max3A_958 : vector<512x1xf32> to vector<512x128xf32>
    %div3A_960 = arith.divf %add3A_950, %div3A_959 : vector<512x128xf32>
    %mul3A_961 = arith.mulf %div3A_654, %div3A_960 : vector<512x128xf32>
    %reduce_sum3A_962 = arith.constant dense<0.000000e+00> : vector<512xf32>
    %reduce_sum3A_963 = vector.multi_reduction <add>, %mul3A_961, %reduce_sum3A_962 [1] : vector<512x128xf32> to vector<512xf32>
    %broadcast_in_dim3A_964 = vector.shape_cast %reduce_sum3A_963 : vector<512xf32> to vector<512x1xf32>
    %concatenate3A_965 = tpu.concatenate %broadcast_in_dim3A_716, %broadcast_in_dim3A_778, %broadcast_in_dim3A_840, %broadcast_in_dim3A_902, %broadcast_in_dim3A_964 in 1 : vector<512x1xf32>, vector<512x1xf32>, vector<512x1xf32>, vector<512x1xf32>, vector<512x1xf32> -> vector<512x5xf32>
    %div3A_966 = vector.broadcast %add3A_68 : f32 to vector<512x5xf32>
    %div3A_967 = arith.divf %concatenate3A_965, %div3A_966 : vector<512x5xf32>
    %reduce_max3A_968 = arith.constant dense<0xFF800000> : vector<512xf32>
    %reduce_max3A_969 = vector.multi_reduction <maximumf>, %div3A_967, %reduce_max3A_968 [1] : vector<512x5xf32> to vector<512xf32>
    %broadcast_in_dim3A_970 = vector.shape_cast %reduce_max3A_969 : vector<512xf32> to vector<512x1xf32>
    %sub3A_971 = vector.broadcast %broadcast_in_dim3A_970 : vector<512x1xf32> to vector<512x5xf32>
    %sub3A_972 = arith.subf %div3A_967, %sub3A_971 : vector<512x5xf32>
    %exp3A_973 = math.exp %sub3A_972 : vector<512x5xf32>
    %reduce_sum3A_974 = arith.constant dense<0.000000e+00> : vector<512xf32>
    %reduce_sum3A_975 = vector.multi_reduction <add>, %exp3A_973, %reduce_sum3A_974 [1] : vector<512x5xf32> to vector<512xf32>
    %broadcast_in_dim3A_976 = vector.shape_cast %reduce_sum3A_975 : vector<512xf32> to vector<512x1xf32>
    %div3A_977 = vector.broadcast %broadcast_in_dim3A_976 : vector<512x1xf32> to vector<512x5xf32>
    %div3A_978 = arith.divf %exp3A_973, %div3A_977 : vector<512x5xf32>
    %slice3A_979 = vector.extract_strided_slice %div3A_978 {offsets = [0, 0], sizes = [512, 1], strides = [1, 1]} : vector<512x5xf32> to vector<512x1xf32>
    %mul3A_980 = vector.broadcast %slice3A_979 : vector<512x1xf32> to vector<512x128xf32>
    %mul3A_981 = arith.mulf %mul3A_980, %add3A_702 : vector<512x128xf32>
    %slice3A_982 = vector.extract_strided_slice %div3A_978 {offsets = [0, 1], sizes = [512, 1], strides = [1, 1]} : vector<512x5xf32> to vector<512x1xf32>
    %mul3A_983 = vector.broadcast %slice3A_982 : vector<512x1xf32> to vector<512x128xf32>
    %mul3A_984 = arith.mulf %mul3A_983, %add3A_764 : vector<512x128xf32>
    %add3A_985 = arith.addf %mul3A_981, %mul3A_984 : vector<512x128xf32>
    %slice3A_986 = vector.extract_strided_slice %div3A_978 {offsets = [0, 2], sizes = [512, 1], strides = [1, 1]} : vector<512x5xf32> to vector<512x1xf32>
    %mul3A_987 = vector.broadcast %slice3A_986 : vector<512x1xf32> to vector<512x128xf32>
    %mul3A_988 = arith.mulf %mul3A_987, %add3A_826 : vector<512x128xf32>
    %add3A_989 = arith.addf %add3A_985, %mul3A_988 : vector<512x128xf32>
    %slice3A_990 = vector.extract_strided_slice %div3A_978 {offsets = [0, 3], sizes = [512, 1], strides = [1, 1]} : vector<512x5xf32> to vector<512x1xf32>
    %mul3A_991 = vector.broadcast %slice3A_990 : vector<512x1xf32> to vector<512x128xf32>
    %mul3A_992 = arith.mulf %mul3A_991, %add3A_888 : vector<512x128xf32>
    %add3A_993 = arith.addf %add3A_989, %mul3A_992 : vector<512x128xf32>
    %slice3A_994 = vector.extract_strided_slice %div3A_978 {offsets = [0, 4], sizes = [512, 1], strides = [1, 1]} : vector<512x5xf32> to vector<512x1xf32>
    %mul3A_995 = vector.broadcast %slice3A_994 : vector<512x1xf32> to vector<512x128xf32>
    %mul3A_996 = arith.mulf %mul3A_995, %add3A_950 : vector<512x128xf32>
    %add3A_997 = arith.addf %add3A_993, %mul3A_996 : vector<512x128xf32>
    %jit3A_998 = arith.constant -5.000000e+00 : f32
    %jit3A_999 = arith.constant 5.000000e+00 : f32
    %max3A_1000 = vector.broadcast %jit3A_998 : f32 to vector<512x128xf32>
    %max3A_1001 = arith.maximumf %max3A_1000, %add3A_997 : vector<512x128xf32>
    %min3A_1002 = vector.broadcast %jit3A_999 : f32 to vector<512x128xf32>
    %min3A_1003 = arith.minimumf %min3A_1002, %max3A_1001 : vector<512x128xf32>
    %jit3A_1004 = arith.constant -1.000000e+02 : f32
    %jit3A_1005 = arith.constant 1.000000e+02 : f32
    %max3A_1006 = vector.broadcast %jit3A_1004 : f32 to vector<512x128xf32>
    %max3A_1007 = arith.maximumf %max3A_1006, %get3A_585 : vector<512x128xf32>
    %min3A_1008 = vector.broadcast %jit3A_1005 : f32 to vector<512x128xf32>
    %min3A_1009 = arith.minimumf %min3A_1008, %max3A_1007 : vector<512x128xf32>
    %get3A_1010 = arith.constant 0 : index
    %get3A_1011 = arith.constant 0 : index
    %get3A_1012 = vector.load %arg13[%get3A_1010, %get3A_1011] : memref<1x128xf32, #tpu.memory_space<vmem>>, vector<1x128xf32>
    %mul3A_1013 = vector.broadcast %get3A_1012 : vector<1x128xf32> to vector<512x128xf32>
    %mul3A_1014 = arith.mulf %min3A_1009, %mul3A_1013 : vector<512x128xf32>
    %reduce_sum3A_1015 = arith.constant dense<0.000000e+00> : vector<512xf32>
    %reduce_sum3A_1016 = vector.multi_reduction <add>, %mul3A_1014, %reduce_sum3A_1015 [1] : vector<512x128xf32> to vector<512xf32>
    %broadcast_in_dim3A_1017 = vector.shape_cast %reduce_sum3A_1016 : vector<512xf32> to vector<512x1xf32>
    %get3A_1018 = arith.constant 0 : index
    %get3A_1019 = arith.constant 0 : index
    %get3A_1020 = vector.load %arg14[%get3A_1018, %get3A_1019] : memref<1x128xf32, #tpu.memory_space<vmem>>, vector<1x128xf32>
    %mul3A_1021 = vector.broadcast %get3A_1020 : vector<1x128xf32> to vector<512x128xf32>
    %mul3A_1022 = arith.mulf %min3A_1003, %mul3A_1021 : vector<512x128xf32>
    %reduce_sum3A_1023 = arith.constant dense<0.000000e+00> : vector<512xf32>
    %reduce_sum3A_1024 = vector.multi_reduction <add>, %mul3A_1022, %reduce_sum3A_1023 [1] : vector<512x128xf32> to vector<512xf32>
    %broadcast_in_dim3A_1025 = vector.shape_cast %reduce_sum3A_1024 : vector<512xf32> to vector<512x1xf32>
    %add3A_1026 = arith.addf %broadcast_in_dim3A_1017, %broadcast_in_dim3A_1025 : vector<512x1xf32>
    %add3A_1027 = arith.addf %add3A_1026, %broadcast_in_dim3A_52 : vector<512x1xf32>
    %get3A_1028 = arith.constant 0 : index
    %get3A_1029 = arith.constant 0 : index
    %get3A_1030 = vector.load %arg16[%get3A_1028, %get3A_1029] : memref<1x1xf32, #tpu.memory_space<vmem>>, vector<1x1xf32>
    %get3A_1031 = vector.extract %get3A_1030[0, 0] : f32 from vector<1x1xf32>
    %add3A_1032 = vector.broadcast %get3A_1031 : f32 to vector<512x1xf32>
    %add3A_1033 = arith.addf %add3A_1027, %add3A_1032 : vector<512x1xf32>
    %neg3A_1034 = arith.constant 0.000000e+00 : f32
    %neg3A_1035 = vector.broadcast %neg3A_1034 : f32 to vector<512x1xf32>
    %neg3A_1036 = arith.subf %neg3A_1035, %add3A_1033 : vector<512x1xf32>
    %exp3A_1037 = math.exp %neg3A_1036 : vector<512x1xf32>
    %add3A_1038 = arith.constant 1.000000e+00 : f32
    %add3A_1039 = vector.broadcast %add3A_1038 : f32 to vector<512x1xf32>
    %add3A_1040 = arith.addf %add3A_1039, %exp3A_1037 : vector<512x1xf32>
    %div3A_1041 = arith.constant 1.000000e+00 : f32
    %div3A_1042 = vector.broadcast %div3A_1041 : f32 to vector<512x1xf32>
    %div3A_1043 = arith.divf %div3A_1042, %add3A_1040 : vector<512x1xf32>
    %sub3A_1044 = arith.constant 1.000000e+00 : f32
    %sub3A_1045 = vector.broadcast %sub3A_1044 : f32 to vector<512x1xf32>
    %sub3A_1046 = arith.subf %sub3A_1045, %div3A_1043 : vector<512x1xf32>
    %mul3A_1047 = vector.broadcast %sub3A_1046 : vector<512x1xf32> to vector<512x128xf32>
    %mul3A_1048 = arith.mulf %mul3A_1047, %get3A_585 : vector<512x128xf32>
    %mul3A_1049 = vector.broadcast %div3A_1043 : vector<512x1xf32> to vector<512x128xf32>
    %mul3A_1050 = arith.mulf %mul3A_1049, %min3A_1003 : vector<512x128xf32>
    %add3A_1051 = arith.addf %mul3A_1048, %mul3A_1050 : vector<512x128xf32>
    %reduce_sum3A_1052 = arith.constant dense<0.000000e+00> : vector<512xf32>
    %reduce_sum3A_1053 = vector.multi_reduction <add>, %add3A_1051, %reduce_sum3A_1052 [1] : vector<512x128xf32> to vector<512xf32>
    %broadcast_in_dim3A_1054 = vector.shape_cast %reduce_sum3A_1053 : vector<512xf32> to vector<512x1xf32>
    %div3A_1055 = arith.constant 1.280000e+02 : f32
    %div3A_1056 = vector.broadcast %div3A_1055 : f32 to vector<512x1xf32>
    %div3A_1057 = arith.divf %broadcast_in_dim3A_1054, %div3A_1056 : vector<512x1xf32>
    %jit3A_1058 = arith.constant 0 : i32
    %reduce_sum3A_1059 = arith.constant dense<0.000000e+00> : vector<512xf32>
    %reduce_sum3A_1060 = vector.multi_reduction <add>, %add3A_1051, %reduce_sum3A_1059 [1] : vector<512x128xf32> to vector<512xf32>
    %broadcast_in_dim3A_1061 = vector.shape_cast %reduce_sum3A_1060 : vector<512xf32> to vector<512x1xf32>
    %div3A_1062 = arith.constant 1.280000e+02 : f32
    %div3A_1063 = vector.broadcast %div3A_1062 : f32 to vector<512x1xf32>
    %div3A_1064 = arith.divf %broadcast_in_dim3A_1061, %div3A_1063 : vector<512x1xf32>
    %sub3A_1065 = vector.broadcast %div3A_1064 : vector<512x1xf32> to vector<512x128xf32>
    %sub3A_1066 = arith.subf %add3A_1051, %sub3A_1065 : vector<512x128xf32>
    %square3A_1067 = arith.mulf %sub3A_1066, %sub3A_1066 : vector<512x128xf32>
    %convert_element_type3A_1068 = arith.sitofp %jit3A_1058 : i32 to f32
    %sub3A_1069 = arith.constant 1.280000e+02 : f32
    %sub3A_1070 = arith.subf %sub3A_1069, %convert_element_type3A_1068 : f32
    %reduce_sum3A_1071 = arith.constant dense<0.000000e+00> : vector<512xf32>
    %reduce_sum3A_1072 = vector.multi_reduction <add>, %square3A_1067, %reduce_sum3A_1071 [1] : vector<512x128xf32> to vector<512xf32>
    %broadcast_in_dim3A_1073 = vector.shape_cast %reduce_sum3A_1072 : vector<512xf32> to vector<512x1xf32>
    %div3A_1074 = vector.broadcast %sub3A_1070 : f32 to vector<512x1xf32>
    %div3A_1075 = arith.divf %broadcast_in_dim3A_1073, %div3A_1074 : vector<512x1xf32>
    %gt3A_1076 = arith.constant 0.000000e+00 : f32
    %gt3A_1077 = arith.cmpf ogt, %sub3A_1070, %gt3A_1076 : f32
    %jit3A_1078 = arith.constant 0x7FC00000 : f32
    %broadcast_in_dim3A_1079 = vector.broadcast %jit3A_1078 : f32 to vector<512x1xf32>
    %select_n3A_1080 = arith.select %gt3A_1077, %div3A_1075, %broadcast_in_dim3A_1079 : vector<512x1xf32>
    %sub3A_1081 = vector.broadcast %div3A_1057 : vector<512x1xf32> to vector<512x128xf32>
    %sub3A_1082 = arith.subf %add3A_1051, %sub3A_1081 : vector<512x128xf32>
    %add3A_1083 = arith.constant 9.99999974E-6 : f32
    %add3A_1084 = vector.broadcast %add3A_1083 : f32 to vector<512x1xf32>
    %add3A_1085 = arith.addf %select_n3A_1080, %add3A_1084 : vector<512x1xf32>
    %sqrt3A_1086 = math.sqrt %add3A_1085 : vector<512x1xf32>
    %div3A_1087 = vector.broadcast %sqrt3A_1086 : vector<512x1xf32> to vector<512x128xf32>
    %div3A_1088 = arith.divf %sub3A_1082, %div3A_1087 : vector<512x128xf32>
    %mul3A_1089 = vector.broadcast %get3A_55 : vector<1x128xf32> to vector<512x128xf32>
    %mul3A_1090 = arith.mulf %div3A_1088, %mul3A_1089 : vector<512x128xf32>
    %add3A_1091 = vector.broadcast %get3A_58 : vector<1x128xf32> to vector<512x128xf32>
    %add3A_1092 = arith.addf %mul3A_1090, %add3A_1091 : vector<512x128xf32>
    %jit3A_1093 = arith.constant -5.000000e+01 : f32
    %jit3A_1094 = arith.constant 5.000000e+01 : f32
    %max3A_1095 = vector.broadcast %jit3A_1093 : f32 to vector<512x128xf32>
    %max3A_1096 = arith.maximumf %max3A_1095, %add3A_1092 : vector<512x128xf32>
    %min3A_1097 = vector.broadcast %jit3A_1094 : f32 to vector<512x128xf32>
    %min3A_1098 = arith.minimumf %min3A_1097, %max3A_1096 : vector<512x128xf32>
    %swap3A_1099 = arith.constant 1 : index
    %swap3A_1100 = arith.constant 0 : index
    %swap3A_1101 = arith.constant 0 : index
    %swap3A_1102 = vector.load %arg22[%swap3A_1099, %swap3A_1100, %swap3A_1101] : memref<2x512x128xf32, #tpu.memory_space<vmem>>, vector<1x512x128xf32>
    %swap3A_1103 = vector.shape_cast %swap3A_1102 : vector<1x512x128xf32> to vector<512x128xf32>
    %swap3A_1104 = vector.shape_cast %min3A_1098 : vector<512x128xf32> to vector<1x512x128xf32>
    tpu.vector_store %arg22[%swap3A_1099, %swap3A_1100, %swap3A_1101], %swap3A_1104 {strides = array<i32>} : memref<2x512x128xf32, #tpu.memory_space<vmem>>, vector<1x512x128xf32>,
    return
  }
  func.func @transform_0(%arg0: i32) -> (i32, i32) {
    %c0_i32 = arith.constant 0 : i32
    %c0_i32_0 = arith.constant 0 : i32
    return %arg0, %c0_i32 : i32, i32
  }
  func.func @transform_1(%arg0: i32) -> (i32, i32) {
    %c0_i32 = arith.constant 0 : i32
    %c0_i32_0 = arith.constant 0 : i32
    return %arg0, %c0_i32 : i32, i32
  }
  func.func @transform_2(%arg0: i32) -> (i32, i32, i32) {
    %c0_i32 = arith.constant 0 : i32
    %c0_i32_0 = arith.constant 0 : i32
    %c0_i32_1 = arith.constant 0 : i32
    return %c0_i32, %arg0, %c0_i32_0 : i32, i32, i32
  }
  func.func @transform_3(%arg0: i32) -> (i32, i32, i32) {
    %c0_i32 = arith.constant 0 : i32
    %c0_i32_0 = arith.constant 0 : i32
    %c0_i32_1 = arith.constant 0 : i32
    return %c0_i32, %arg0, %c0_i32_0 : i32, i32, i32
  }
  func.func @transform_4(%arg0: i32) -> (i32, i32) {
    %c0_i32 = arith.constant 0 : i32
    %c0_i32_0 = arith.constant 0 : i32
    %c0_i32_1 = arith.constant 0 : i32
    return %c0_i32, %c0_i32_0 : i32, i32
  }
  func.func @transform_5(%arg0: i32) -> (i32, i32) {
    %c0_i32 = arith.constant 0 : i32
    %c0_i32_0 = arith.constant 0 : i32
    %c0_i32_1 = arith.constant 0 : i32
    return %c0_i32, %c0_i32_0 : i32, i32
  }
  func.func @transform_6(%arg0: i32) -> (i32, i32) {
    %c0_i32 = arith.constant 0 : i32
    %c0_i32_0 = arith.constant 0 : i32
    %c0_i32_1 = arith.constant 0 : i32
    return %c0_i32, %c0_i32_0 : i32, i32
  }
  func.func @transform_7(%arg0: i32) -> (i32, i32) {
    %c0_i32 = arith.constant 0 : i32
    %c0_i32_0 = arith.constant 0 : i32
    %c0_i32_1 = arith.constant 0 : i32
    return %c0_i32, %c0_i32_0 : i32, i32
  }
  func.func @transform_8(%arg0: i32) -> (i32, i32) {
    %c0_i32 = arith.constant 0 : i32
    %c0_i32_0 = arith.constant 0 : i32
    %c0_i32_1 = arith.constant 0 : i32
    return %c0_i32, %c0_i32_0 : i32, i32
  }
  func.func @transform_9(%arg0: i32) -> (i32, i32) {
    %c0_i32 = arith.constant 0 : i32
    %c0_i32_0 = arith.constant 0 : i32
    %c0_i32_1 = arith.constant 0 : i32
    return %c0_i32, %c0_i32_0 : i32, i32
  }
  func.func @transform_10(%arg0: i32) -> (i32, i32) {
    %c0_i32 = arith.constant 0 : i32
    %c0_i32_0 = arith.constant 0 : i32
    %c0_i32_1 = arith.constant 0 : i32
    return %c0_i32, %c0_i32_0 : i32, i32
  }
  func.func @transform_11(%arg0: i32) -> (i32, i32) {
    %c0_i32 = arith.constant 0 : i32
    %c0_i32_0 = arith.constant 0 : i32
    %c0_i32_1 = arith.constant 0 : i32
    return %c0_i32, %c0_i32_0 : i32, i32
  }
  func.func @transform_12(%arg0: i32) -> (i32, i32) {
    %c0_i32 = arith.constant 0 : i32
    %c0_i32_0 = arith.constant 0 : i32
    %c0_i32_1 = arith.constant 0 : i32
    return %c0_i32, %c0_i32_0 : i32, i32
  }
  func.func @transform_13(%arg0: i32) -> (i32, i32) {
    %c0_i32 = arith.constant 0 : i32
    %c0_i32_0 = arith.constant 0 : i32
    %c0_i32_1 = arith.constant 0 : i32
    return %c0_i32, %c0_i32_0 : i32, i32
  }
  func.func @transform_14(%arg0: i32) -> (i32, i32) {
    %c0_i32 = arith.constant 0 : i32
    %c0_i32_0 = arith.constant 0 : i32
    %c0_i32_1 = arith.constant 0 : i32
    return %c0_i32, %c0_i32_0 : i32, i32
  }
  func.func @transform_15(%arg0: i32) -> (i32, i32) {
    %c0_i32 = arith.constant 0 : i32
    %c0_i32_0 = arith.constant 0 : i32
    %c0_i32_1 = arith.constant 0 : i32
    return %c0_i32, %c0_i32_0 : i32, i32
  }
  func.func @transform_16(%arg0: i32) -> (i32, i32) {
    %c0_i32 = arith.constant 0 : i32
    %c0_i32_0 = arith.constant 0 : i32
    %c0_i32_1 = arith.constant 0 : i32
    return %c0_i32, %c0_i32_0 : i32, i32
  }
  func.func @transform_17(%arg0: i32) -> (i32, i32) {
    %c0_i32 = arith.constant 0 : i32
    %c0_i32_0 = arith.constant 0 : i32
    %c0_i32_1 = arith.constant 0 : i32
    return %c0_i32, %c0_i32_0 : i32, i32
  }
  func.func @transform_18(%arg0: i32) -> (i32, i32) {
    %c0_i32 = arith.constant 0 : i32
    %c0_i32_0 = arith.constant 0 : i32
    %c0_i32_1 = arith.constant 0 : i32
    return %c0_i32, %c0_i32_0 : i32, i32
  }
  func.func @transform_19(%arg0: i32) -> (i32, i32) {
    %c0_i32 = arith.constant 0 : i32
    %c0_i32_0 = arith.constant 0 : i32
    %c0_i32_1 = arith.constant 0 : i32
    return %c0_i32, %c0_i32_0 : i32, i32
  }
  func.func @transform_20(%arg0: i32) -> (i32, i32) {
    %c0_i32 = arith.constant 0 : i32
    %c0_i32_0 = arith.constant 0 : i32
    %c0_i32_1 = arith.constant 0 : i32
    return %c0_i32, %c0_i32_0 : i32, i32
  }
  func.func @transform_21(%arg0: i32) -> (i32, i32, i32) {
    %c0_i32 = arith.constant 0 : i32
    %c0_i32_0 = arith.constant 0 : i32
    %c0_i32_1 = arith.constant 0 : i32
    return %c0_i32, %arg0, %c0_i32_0 : i32, i32, i32
  }
}

</mosaic_0001>

<sc_bundles>
// kernel: gather_offload_async_start
scs
__scs_entry_jumppad:
0x0: {  	(pc) =	sbr.rel $0x88, $3  }
0x1: {  	(tag) =	ssettag $0x0;
	lr =	simm.s32 $0x1  }
0x2: {  	[smem:$0x3F8E] =	sst lr;
	_ =	strace $0xD0000000  }
0x3: {  	_ = 	snop  }
0x4: {  	_ = 	snop  }
0x5: {  	_ = 	snop  }
0x6: {  	_ = 	snop  }
0x7: {  	_ = 	snop  }
__scs_overlays_trampoline_lowered:
0x8: {  	[smem:$0x3F9D] =	sst s0  }
0x9: {  	[smem:$0x3F9E] =	sst s1  }
0xa: {  	[smem:$0x3F9F] =	sst s2  }
0xb: {  	[smem:$0x3FA0] =	sst s3  }
0xc: {  	[smem:$0x3FA1] =	sst s4  }
0xd: {  	[smem:$0x3FA2] =	sst s5  }
0xe: {  	[smem:$0x3FA3] =	sst s6  }
0xf: {  	[smem:$0x3FA4] =	sst s7  }
0x10: {  	[smem:$0x3FA5] =	sst s8  }
0x11: {  	[smem:$0x3FA6] =	sst s9;
	s0 =	simm.s32 @!p0 $0x0  }
0x12: {  	s1 =	sld [smem:$0x3F8C];
	s0 =	simm.s32 @p0 $0x1  }
0x13: {  	[smem:$0x3FA7] =	sst s0;
	s0 =	simm.s32 @!p1 $0x0  }
0x14: {  	s2 =	sld [smem:$0x3F8B];
	s0 =	simm.s32 @p1 $0x1  }
0x15: {  	[smem:$0x3FA8] =	sst s0;
	s0 =	simm.s32 @!p2 $0x0  }
0x16: {  	s3 =	sld [smem:$0x3FDB];
	s0 =	simm.s32 @p2 $0x1  }
0x17: {  	s4 =	simm.s32 $0x1BF5;
	[smem:$0x3FAA] =	sst s0  }
0x18: {  	s0 =	sld [smem:$0x3F8D];
	_ =	swait.ge [sflag:s4], $0x0  }
0x19: {  	s7 =	sld [smem:$0x3F8E]  }
0x1a: {  	s8 =	sadd.s32 $0xFFFFE003, lr  }
0x1b: {  	s9 =	sadd.s32 $0xFFFFFEF7, lr;
	s5 =	simm.s32 $0xFFFFFFFF;
	p2 =	slt.u32 s8, $0xFFFFF086  }
0x1c: {  	p1 =	slt.u32 s9, $0xF7A;
	s5 =	simm.s32 @!p2 $0x0  }
0x1d: {  	s5 =	simm.s32 @p1 $0x1;
	p0 =	seq.s32 s7, s2  }
0x1e: {  	s7 =	smul.u32 @!p0 $0xF7A, s2;
	p2 =	seq.s32 @!p0 s5, $0x0  }
0x1f: {  	s9 =	smul.u32 $0xF7A, s1;
	s8 =	simm.s32 @!p0 $0x1BF5;
	p2 =	por !p2, p0  }
0x20: {  	[sflag:s8] =	ssyncset.s32 @!p0 $0xFFFFF086;
	s6 =	sadd.s32 @!p0 s3, s7;
	s7 =	simm.s32 @!p0 $0x108  }
0x21: {  	s3 =	sadd.s32 s3, s9;
	s6 =	sadd.s32 @!p0 $0x88, s6;
	s7 =	simm.s32 @p2 $0x1082  }
0x22: {  	[simem:s7], [sflag:s8] =	dma.local @!p0 [hbm:s6], $0xF7A  }
0x23: {  	s9 =	sor.u32 $0xD0000000, s2;
	s6 =	simm.s32 $0x108;
	_ =	swait.ge @!p0 [sflag:s8], $0x0  }
0x24: {  	s3 =	sadd.s32 $0x88, s3;
	s6 =	simm.s32 @!p1 $0x1082;
	[sflag:s4] =	ssyncset.s32 $0xFFFFF086  }
0x25: {  	[simem:s6], [sflag:s4] =	dma.local [hbm:s3], $0xF7A  }
0x26: {  	[smem:$0x3F8E] =	sst s1;
	(tag) =	ssettag s2;
	_ =	strace s9  }
0x27: {  	s1 =	sld [smem:$0x3F9E]  }
0x28: {  	s2 =	sld [smem:$0x3F9F]  }
0x29: {  	s4 =	sld [smem:$0x3FA1]  }
0x2a: {  	p0 =	seq.s32 s5, $0x0;
	s5 =	sld [smem:$0x3FA2]  }
0x2b: {  	s6 =	sld [smem:$0x3FA3]  }
0x2c: {  	s7 =	sld [smem:$0x3FA4]  }
0x2d: {  	s3 =	simm.s32 $0x108;
	s8 =	sld [smem:$0x3FA5]  }
0x2e: {  	s3 =	simm.s32 @!p0 $0x1082;
	s9 =	sld [smem:$0x3FA6]  }
0x2f: {  	lr =	sadd.s32 s0, s3;
	s0 =	sld [smem:$0x3F9D]  }
0x30: {  	s3 =	sld [smem:$0x3FA0]  }
0x31: {  	[smem:$0x3FA9] =	sst s10  }
0x32: {  	s10 =	sld [smem:$0x3FA7];
	_ =	sdelay $0x3  }
0x33: {  	p0 =	seq.s32 s10, $0x1;
	s10 =	sld [smem:$0x3FA9];
	_ =	sdelay $0x3  }
0x34: {  	[smem:$0x3FA9] =	sst s10  }
0x35: {  	s10 =	sld [smem:$0x3FA8];
	_ =	sdelay $0x3  }
0x36: {  	p1 =	seq.s32 s10, $0x1;
	s10 =	sld [smem:$0x3FA9];
	_ =	sdelay $0x3  }
0x37: {  	[smem:$0x3FA9] =	sst s10  }
0x38: {  	s10 =	sld [smem:$0x3FAA]  }
0x39: {  	_ = 	snop;
	(pc) =	sbr.ind lr, $3  }
0x3a: {  	_ = 	snop  }
0x3b: {  	_ = 	snop  }
0x3c: {  	p2 =	seq.s32 s10, $0x1;
	s10 =	sld [smem:$0x3FA9]  }
0x3d: {  	_ =	shalt  }
0x3e: {  	_ =	shalt  }
0x3f: {  	_ =	shalt  }
0x40: {  	_ =	shalt  }
0x41: {  	_ =	shalt  }
0x42: {  	_ =	shalt  }
0x43: {  	_ =	shalt  }
0x44: {  	_ =	shalt  }
0x45: {  	_ =	shalt  }
0x46: {  	_ =	shalt  }
0x47: {  	_ =	shalt  }
0x48: {  	_ =	shalt  }
0x49: {  	_ =	shalt  }
0x4a: {  	_ =	shalt  }
0x4b: {  	_ =	shalt  }
0x4c: {  	_ =	shalt  }
0x4d: {  	_ =	shalt  }
0x4e: {  	_ =	shalt  }
0x4f: {  	_ =	shalt  }
0x50: {  	_ =	shalt  }
0x51: {  	_ =	shalt  }
0x52: {  	_ =	shalt  }
0x53: {  	_ =	shalt  }
0x54: {  	_ =	shalt  }
0x55: {  	_ =	shalt  }
0x56: {  	_ =	shalt  }
0x57: {  	_ =	shalt  }
0x58: {  	_ =	shalt  }
0x59: {  	_ =	shalt  }
0x5a: {  	_ =	shalt  }
0x5b: {  	_ =	shalt  }
0x5c: {  	_ =	shalt  }
0x5d: {  	_ =	shalt  }
0x5e: {  	_ =	shalt  }
0x5f: {  	_ =	shalt  }
0x60: {  	_ =	shalt  }
0x61: {  	_ =	shalt  }
0x62: {  	_ =	shalt  }
0x63: {  	_ =	shalt  }
0x64: {  	_ =	shalt  }
0x65: {  	_ =	shalt  }
0x66: {  	_ =	shalt  }
0x67: {  	_ =	shalt  }
0x68: {  	_ =	shalt  }
0x69: {  	_ =	shalt  }
0x6a: {  	_ =	shalt  }
0x6b: {  	_ =	shalt  }
0x6c: {  	_ =	shalt  }
0x6d: {  	_ =	shalt  }
0x6e: {  	_ =	shalt  }
0x6f: {  	_ =	shalt  }
0x70: {  	_ =	shalt  }
0x71: {  	_ =	shalt  }
0x72: {  	_ =	shalt  }
0x73: {  	_ =	shalt  }
0x74: {  	_ =	shalt  }
0x75: {  	_ =	shalt  }
0x76: {  	_ =	shalt  }
0x77: {  	_ =	shalt  }
0x78: {  	_ =	shalt  }
0x79: {  	_ =	shalt  }
0x7a: {  	_ =	shalt  }
0x7b: {  	_ =	shalt  }
0x7c: {  	_ =	shalt  }
0x7d: {  	_ =	shalt  }
0x7e: {  	_ =	shalt  }
0x7f: {  	_ =	shalt  }
0x80: {  	_ =	shalt  }
0x81: {  	_ =	shalt  }
0x82: {  	_ =	shalt  }
0x83: {  	_ =	shalt  }
0x84: {  	_ =	shalt  }
0x85: {  	_ =	shalt  }
0x86: {  	_ =	shalt  }
0x87: {  	_ =	shalt  }
.Lfunc_end0:
.L_simem_size_0:
called_computation.1_lowered:
.L_overlay_start_0:
0x88: {  	s2 =	sld [smem:$0x3FD9]  }
0x89: {  	s3 =	sld [smem:$0x3FFE];
	_ =	sdelay $0x1  }
0x8a: {  	s1 =	srdreg.scid  }
0x8b: {  	s0 =	sand.u32 $0x1, s1  }
0x8c: {  	s17 =	sshll.u32 s0, $0xA;
	s2 =	sadd.s32 s3, s2  }
0x8d: {  	s2 =	sadd.s32 s2, s17  }
0x8e: {  	[smem:$0x3FB5] =	sst s2  }
0x8f: {  	_ = 	snop  }
0x90: {  	(tm) =	ssettm $0x1  }
0x91: {  	s18 =	sld [smem:$0x3FFB];
	_ =	sdelay $0x3  }
0x92: {  	_ =	strace s18  }
0x93: {  	s2 =	sld [smem:$0x3FFC];
	_ =	sdelay $0x3  }
0x94: {  	_ =	strace s2  }
0x95: {  	s2 =	sld [smem:$0x3FFD];
	_ =	sdelay $0x3  }
0x96: {  	_ =	strace s2  }
0x97: {  	_ =	strace $0x8FFFFFFF  }
0x98: {  	s19 =	sld [smem:$0x3FDB];
	_ =	sdelay $0x1  }
0x99: {  	s20 =	simm.s32 $_scs_section_size  }
0x9a: {  	s4 =	simm.s32 $_size__tile_overlayer_lowered;
	s5 =	simm.s32 $_tile_overlayer_lowered  }
0x9b: {  	s6 =	simm.s32 $0x1BFF;
	s21 =	sshll.u32 s5, $0x1;
	s3 =	sadd.s32 s20, s19  }
0x9c: {  	s22 =	simm.s32 $0x0;
	s4 =	sshll.u32 s4, $0x1;
	s5 =	sadd.s32 s21, s3  }
0x9d: {  	[timem:s22], [sflag:s6] =	dma.local [hbm:s5], s4  }
0x9e: {  	_ =	swait.ge [sflag:s6], s4  }
0x9f: {  	s4 =	ssub.s32 $0x0, s4;
	[sflag:s6] =	ssyncset.done $0x0  }
0xa0: {  	[sflag:s6] =	ssyncadd.s32 s4;
	_ =	sdelay $0x1  }
0xa1: {  	s23 =	simm.s32 $0x1B8B  }
0xa2: {  	_ =	swait.ge [sflag:s23], $0x1  }
0xa3: {  	[sflag:s23] =	ssyncset.done $0x0  }
0xa4: {  	[sflag:s23] =	ssyncadd.s32 $0xFFFFFFFF  }
0xa5: {  	s4 =	sld [smem:$0x0]  }
0xa6: {  	s5 =	sand.u32 $0xFFFFFFFE, s1  }
0xa7: {  	p0 =	sne.s32 s1, s5  }
0xa8: {  	s5 =	sshll.u32 @p0 s5, $0xE  }
0xa9: {  	s5 =	sadd.s32 @p0 $0x11B8D, s5;
	s6 =	sshll.u32 @p0 s4, $0x11  }
0xaa: {  	s5 =	sor.u32 @p0 s6, s5  }
0xab: {  	[sflag:s5] =	ssyncadd.remote.s32 @p0 $0x1;
	_ =	sdelay $0x1  }
0xac: {  	s5 =	simm.s32 @p0 $0x1B8D  }
0xad: {  	_ =	swait.eq @p0 [sflag:s5], $0x1  }
0xae: {  	[sflag:s5] =	ssyncadd.s32 @p0 $0xFFFFFFFF  }
0xaf: {  	s6 =	sshll.u32 @!p0 s1, $0xE  }
0xb0: {  	s6 =	sor.u32 @!p0 $0x4000, s6;
	s5 =	simm.s32 @!p0 $0x1B8D  }
0xb1: {  	s4 =	sshll.u32 @!p0 s4, $0x11;
	s6 =	sadd.s32 @!p0 $0x11B8D, s6;
	_ =	swait.eq @!p0 [sflag:s5], $0x1  }
0xb2: {  	s4 =	sor.u32 @!p0 s4, s6;
	[sflag:s5] =	ssyncadd.s32 @!p0 $0xFFFFFFFF  }
0xb3: {  	s25 =	simm.s32 $0x1B8E;
	s24 =	sld [smem:$0x3FFE];
	[sflag:s4] =	ssyncadd.remote.s32 @!p0 $0x1  }
0xb4: {  	s26 =	simm.s32 $execute0_lowered;
	[smem:$0x3FD2] =	sst s25  }
0xb5: {  	s5 =	sshll.u32 s26, $0x1;
	_ =	strace $0x8000004C;
	[dreg:$0x1] =	wrdreg $0xFFFFFFFF  }
0xb6: {  	s28 =	simm.s32 $_size_execute0_lowered;
	s3 =	sadd.s32 s3, s5;
	[dreg:$0x0] =	wrdreg $0x0  }
0xb7: {  	s5 =	sshll.u32 s28, $0x1;
	[dreg:$0x2] =	wrdreg s3  }
0xb8: {  	[dreg:$0x3] =	wrdreg s5  }
0xb9: {  	[dreg:$0x4] =	wrdreg $0xC0  }
0xba: {  	_ =	task [dreg:s22], $0x5FFFF  }
0xbb: {  	[dreg:$0x1] =	wrdreg $0xFFFFFFFF  }
0xbc: {  	[dreg:$0x0] =	wrdreg $0x60  }
0xbd: {  	[dreg:$0x2] =	wrdreg s24  }
0xbe: {  	[dreg:$0x3] =	wrdreg $0xA  }
0xbf: {  	_ =	task.clear_ibuf [dreg:s22], $0x4FFFF;
	_ =	strace $0x9000004C  }
0xc0: {  	s29 =	simm.s32 $0xA;
	_ =	strace $0x8000004E  }
0xc1: {  	_ =	swait.ge [sflag:s29], $0x1  }
0xc2: {  	[sflag:s29] =	ssyncadd.s32 $0xFFFFFFFF  }
0xc3: {  	_ =	strace $0x9000004E  }
0xc4: {  	_ =	sfence  }
0xc5: {  	s30 =	sld [smem:$0x0];
	_ =	sdelay $0x2  }
0xc6: {  	s31 =	sshll.u32 s1, $0xD;
	s1 =	sshrl.u32 s1, $0x2  }
0xc7: {  	s4 =	sand.u32 $0x4000, s31;
	s1 =	sadd.s32 s1, s30  }
0xc8: {  	s0 =	sor.u32 s4, s0;
	s1 =	sshll.u32 s1, $0x11  }
0xc9: {  	s0 =	sor.u32 s1, s0  }
0xca: {  	s0 =	sadd.s32 $0x8F2B, s0  }
0xcb: {  	[sflag:s0] =	ssyncadd.remote.s32 $0x1  }
0xcc: {  	_ =	sfence.sel $0xFFFF  }
0xcd: {  	[dreg:$0x0] =	wrdreg $0xFFFFFFFF;
	(pc) =	sbr.abs _section_cstart, $3  }
0xce: {  	[dreg:$0x1] =	wrdreg $0xFFFFFFFF  }
0xcf: {  	_ =	task.clear_ibuf [dreg:s22], $0x2FFFF;
	_ =	strace $0x9FFFFFFF  }
0xd0: {  	(tm) =	ssettm $0x7FFFFFFF  }
0xd1: {  	_ =	shalt  }
tec
execute0_lowered:
.L_overlay_start_1:
0x0: {  	(tag) =	ssettag $0x1  }
0x1: {  	s0 =	srdreg.scid;
	s5 =	rddreg [dreg:$0x0]  }
0x2: {  	s1 =	stileid.u32;
	s6 =	simm.s32 $0x1;
	s9 =	simm.s32 $0x1  }
0x3: {  	s10 =	simm.s32 $0x3;
	s13 =	simm.s32 $0x0;
	s2 =	sshll.u32 s0, $0x9  }
0x4: {  	s12 =	simm.s32 $0x0;
	s3 =	sshll.u32 s1, $0xA;
	s2 =	sand.u32 $0x200, s2  }
0x5: {  	s0 =	rddreg [dreg:$0x1];
	_ =	strace $0x8000004D;
	s2 =	sor.u32 s3, s2  }
0x6: {  	s4 =	sadd.s32 $0x3E00, s5;
	[sflag:s6] =	ssyncpa.u1 $0x0;
	s8 =	ssub.s32 $0x8000, s2  }
.Ltmp0:
0x7: {  	s3 =	sadd.s32 $0x6E00, s5;
	s7 =	sand.u32 $0x3E00, s8;
	(pc) =	sbr.rel .LBB2_1-.Ltmp0, $4  }
0x8: {  	s5 =	sadd.s32 $0x4E00, s5;
	s11 =	smov.u32 s2;
	p0 =	sne.s32 s7, $0x0  }
0x9: {  	s8 =	sshrl.u32 s8, $0xE;
	s7 =	simm.s32 $0x2;
	s9 =	simm.s32 @!p0 $0x0  }
0xa: {  	[sflag:s7] =	ssyncpa.u1 $0x0;
	p0 =	por $0x0, $0x0;
	s8 =	sadd.s32 s9, s8  }
0xb: {  	vm0 =	vmmov $0xffff;
	[sflag:s10] =	ssyncpa.u1 $0x0;
	s10 =	simm.s32 $0x0;
	s9 =	sadd.s32 $0x1, s8  }
.LBB2_4:
0xc: {  	v2 =	vnsel vm1, $0x0, v2  }
0xd: {  	vm1 =	vgt.s32 v0, $0x0;
	v2 =	vmin.u32 v2, $0xC34F  }
0xe: {  	v0 =	vnsel vm1, $0x0, v0  }
0xf: {  	v0 =	vmin.u32 v0, $0xC34F  }
0x10: {  	[tilespmem:s15], [sflag:$0x1] =	stream.indirect_vreg.gather [hbm4b:s3+s10], $0x1, v1, vm0, $0x4038;
	[tilespmem:$0x800] =	vst v63  }
0x11: {  	(ifvalue) =	ssetifvalue $0x7FFFFFFF  }
0x12: {  	[tilespmem:s16], [sflag:$0x1] =	stream.indirect_vreg.gather [hbm4b:s3+s10], $0x1, v2, vm0, $0x4038;
	[tilespmem:$0x800] =	vst v63  }
0x13: {  	s29 =	sadd.s32 $0x10, s16;
	(ifvalue) =	ssetifvalue $0x7FFFFFFF  }
0x14: {  	[tilespmem:s29], [sflag:$0x1] =	stream.indirect_vreg.gather [hbm4b:s3+s10], $0x1, v0, vm0, $0x4038;
	[tilespmem:$0x800] =	vst v63  }
0x15: {  	_ =	swait.ge [sflag:s6], $0x200  }
0x16: {  	s30 =	sshrl.u32 s13, $0x3;
	[sflag:s6] =	ssyncset.done $0x0  }
0x17: {  	s31 =	sand.u32 $0x7, s13;
	s15 =	sadd.s32 s5, s30;
	[sflag:s6] =	ssyncadd.s32 $0xFFFFFE00  }
0x18: {  	[hbm4b:s15+s31] =	stream.linear.scatter [tilespmem:s14], [sflag:$0x3], $0x200, $0x38;
	[tilespmem:$0x800] =	vst v63  }
.LBB2_5:
0x19: {  	s15 =	sadd.s32 $0x4000, s11  }
0x1a: {  	p2 =	sgt.s32 s15, $0x7FFF  }
0x1b: {  	s15 =	smov.u32 @p2 s2;
	p2 =	sne.s32 s12, s9  }
.Ltmp1:
0x1c: {  	p1 =	slt.u32 s12, $0x2;
	(pc) =	sbr.rel @!p2 .LBB2_6-.Ltmp1, $4  }
0x1d: {  	s14 =	simm.s32 @!p1 $0x3  }
0x1e: {  	s16 =	sadd.s32 $0x1, s12;
	_ =	swait.ge @!p1 [sflag:s14], $0x200  }
0x1f: {  	s13 =	smov.u32 s11;
	p0 =	por !p0, !p0;
	[sflag:s14] =	ssyncset.done @!p1 $0x0  }
0x20: {  	s12 =	smov.u32 s16;
	s11 =	smov.u32 s15;
	[sflag:s14] =	ssyncadd.s32 @!p1 $0xFFFFFE00  }
.LBB2_1:
0x21: {  	p1 =	sge.u32 s12, s8  }
0x22: {  	s14 =	sxor.u32 @!p1 $0xFFFFFFFF, s12  }
0x23: {  	s31 =	sadd.s32 $0xFFFFFFFF, s12;
	s15 =	sshrl.u32 @!p1 s11, $0x3;
	s14 =	sshll.u32 @!p1 s14, $0x9  }
0x24: {  	s16 =	sand.u32 @!p1 $0x7, s11;
	s15 =	sadd.s32 @!p1 s4, s15;
	s14 =	sand.u32 @!p1 $0x200, s14  }
0x25: {  	[tilespmem:s14], [sflag:$0x2] =	stream.linear.gather @!p1 [hbm4b:s15+s16], $0x200, $0x38;
	[tilespmem:$0x800] =	vst v63  }
0x26: {  	p1 =	sge.u32 s31, s8  }
.Ltmp2:
0x27: {  	_ = 	snop;
	(pc) =	sbr.rel @p1 .LBB2_5-.Ltmp2, $1  }
0x28: {  	_ =	sdelay $0x3  }
0x29: {  	s14 =	simm.s32 $0x1  }
0x2a: {  	_ =	swait.ge [sflag:s7], $0x200;
	s14 =	simm.s32 @!p0 $0x0  }
0x2b: {  	[sflag:s7] =	ssyncset.done $0x0;
	s14 =	sshll.u32 s14, $0x9  }
0x2c: {  	[sflag:s7] =	ssyncadd.s32 $0xFFFFFE00;
	(ifvalue) =	ssetifvalue $0x7FFFFFFF;
	v0 =	vld.msk [tilespmem:s14+$0x0 ss:$0x1], $0xffff;
	_ =	sdelay $0x4  }
0x2d: {  	s15 =	sadd.s32 $0x10, s14;
	vm1 =	vgt.s32 v0, $0x0  }
0x2e: {  	v2 =	vld.msk [tilespmem:s15+$0x0 ss:$0x1], $0xffff;
	v1 =	vnsel vm1, $0x0, v0  }
0x2f: {  	v1 =	vmin.u32 v1, $0xC34F;
	_ =	sdelay $0x1  }
0x30: {  	s16 =	sshll.u32 s12, $0x9;
	s18 =	simm.s32 $0x20  }
0x31: {  	s16 =	sand.u32 $0x200, s16;
	s17 =	sadd.s32 $0x10, s15;
	s15 =	sor.u32 $0x400, s14  }
0x32: {  	s14 =	sor.u32 $0x400, s16;
	s16 =	sadd.s32 $0x10, s15;
	v0 =	vld.msk [tilespmem:s17+$0x0 ss:$0x1], $0xffff;
	vm1 =	vgt.s32 v2, $0x0;
	(ifvalue) =	ssetifvalue $0x7FFFFFFF  }
.LBB2_3:
0x33: {  	[tilespmem:s15], [sflag:$0x1] =	stream.indirect_vreg.gather [hbm4b:s3+s10], $0x1, v1, vm0, $0x4038;
	[tilespmem:$0x800] =	vst v63  }
0x34: {  	s18 =	sadd.s32 $0x10, s18  }
0x35: {  	v2 =	vnsel vm1, $0x0, v2;
	p1 =	slt.u32 s18, $0x1F0  }
.Ltmp3:
0x36: {  	s15 =	smov.u32 s16;
	v1 =	vmin.u32 v2, $0xC34F;
	(pc) =	sbr.rel @p1 .LBB2_3-.Ltmp3, $3  }
0x37: {  	_ =	sdelay $0x1  }
0x38: {  	s17 =	sadd.s32 $0x10, s17  }
0x39: {  	vm1 =	vgt.s32 v0, $0x0;
	s16 =	sadd.s32 $0x10, s16;
	v2 =	vmov v0;
	(ifvalue) =	ssetifvalue $0x7FFFFFFF;
	v0 =	vld.msk [tilespmem:s17+$0x0 ss:$0x1], $0xffff  }
.Ltmp4:
0x3a: {  	_ = 	snop;
	(pc) =	sbr.rel .LBB2_4-.Ltmp4, $1  }
0x3b: {  	_ =	sdelay $0x3  }
.LBB2_6:
0x3c: {  	_ =	sfence.sel $0x180000  }
0x3d: {  	s2 =	simm.s32 $0x2;
	[bflag:$0x0] =	sbarrier.arrive $0xFFFF  }
0x3e: {  	s30 =	simm.s32 $0x3;
	[sflag:s2] =	ssyncpa.u1 $0x1  }
0x3f: {  	s31 =	simm.s32 $0x1;
	[sflag:s30] =	ssyncpa.u1 $0x1  }
0x40: {  	[sflag:s31] =	ssyncpa.u1 $0x1  }
0x41: {  	p0 =	sne.s32 s1, $0x0;
	_ =	strace $0x9000004D  }
0x42: {  	s0 =	sadd.s32 @!p0 $0x100000, s0;
	[bflag:$0x2] =	sbarrier.arrive $0xFFFF  }
0x43: {  	[sflag:s0] =	ssyncadd.tile.s32 @!p0 $0x1;
	_ =	shalt  }
.Lfunc_end2:
_tile_overlayer_lowered:
.L_overlay_start_2:
0x44: {  	(tag) =	ssettag $0x2  }
0x45: {  	s0 =	rddreg [dreg:$0x0];
	s2 =	stileid.u32  }
0x46: {  	s1 =	rddreg [dreg:$0x1];
	p0 =	sne.s32 s2, $0x0  }
0x47: {  	s3 =	rddreg [dreg:$0x2];
	[bflag:$0x3] =	sbarrier.arrive $0xFFFF;
	s2 =	simm.s32 @!p0 $0x1C01  }
0x48: {  	[timem:s3], [sflag:s2] =	dma.local @!p0 [hbm:s0], s1  }
0x49: {  	s0 =	simm.s32 @!p0 $0x1  }
0x4a: {  	_ =	swait.ge @!p0 [sflag:s0], s1  }
0x4b: {  	s1 =	ssub.s32 @!p0 $0x0, s1;
	[sflag:s0] =	ssyncset.done @!p0 $0x0  }
0x4c: {  	[sflag:s0] =	ssyncadd.s32 @!p0 s1  }
0x4d: {  	[bflag:$0x3] =	sbarrier.arrive $0xFFFF  }
0x4e: {  	_ =	shalt  }

// kernel: scatter_offload_async_start
scs
__scs_entry_jumppad:
0x0: {  	(pc) =	sbr.rel $0x88, $3  }
0x1: {  	(tag) =	ssettag $0x0;
	lr =	simm.s32 $0x1  }
0x2: {  	[smem:$0x3F8E] =	sst lr;
	_ =	strace $0xD0000000  }
0x3: {  	_ = 	snop  }
0x4: {  	_ = 	snop  }
0x5: {  	_ = 	snop  }
0x6: {  	_ = 	snop  }
0x7: {  	_ = 	snop  }
__scs_overlays_trampoline_lowered:
0x8: {  	[smem:$0x3F9D] =	sst s0  }
0x9: {  	[smem:$0x3F9E] =	sst s1  }
0xa: {  	[smem:$0x3F9F] =	sst s2  }
0xb: {  	[smem:$0x3FA0] =	sst s3  }
0xc: {  	[smem:$0x3FA1] =	sst s4  }
0xd: {  	[smem:$0x3FA2] =	sst s5  }
0xe: {  	[smem:$0x3FA3] =	sst s6  }
0xf: {  	[smem:$0x3FA4] =	sst s7  }
0x10: {  	[smem:$0x3FA5] =	sst s8  }
0x11: {  	[smem:$0x3FA6] =	sst s9;
	s0 =	simm.s32 @!p0 $0x0  }
0x12: {  	s1 =	sld [smem:$0x3F8C];
	s0 =	simm.s32 @p0 $0x1  }
0x13: {  	[smem:$0x3FA7] =	sst s0;
	s0 =	simm.s32 @!p1 $0x0  }
0x14: {  	s2 =	sld [smem:$0x3F8B];
	s0 =	simm.s32 @p1 $0x1  }
0x15: {  	[smem:$0x3FA8] =	sst s0;
	s0 =	simm.s32 @!p2 $0x0  }
0x16: {  	s3 =	sld [smem:$0x3FDB];
	s0 =	simm.s32 @p2 $0x1  }
0x17: {  	s4 =	simm.s32 $0x1BF5;
	[smem:$0x3FAA] =	sst s0  }
0x18: {  	s0 =	sld [smem:$0x3F8D];
	_ =	swait.ge [sflag:s4], $0x0  }
0x19: {  	s7 =	sld [smem:$0x3F8E]  }
0x1a: {  	s8 =	sadd.s32 $0xFFFFE003, lr  }
0x1b: {  	s9 =	sadd.s32 $0xFFFFFEF7, lr;
	s5 =	simm.s32 $0xFFFFFFFF;
	p2 =	slt.u32 s8, $0xFFFFF086  }
0x1c: {  	p1 =	slt.u32 s9, $0xF7A;
	s5 =	simm.s32 @!p2 $0x0  }
0x1d: {  	s5 =	simm.s32 @p1 $0x1;
	p0 =	seq.s32 s7, s2  }
0x1e: {  	s7 =	smul.u32 @!p0 $0xF7A, s2;
	p2 =	seq.s32 @!p0 s5, $0x0  }
0x1f: {  	s9 =	smul.u32 $0xF7A, s1;
	s8 =	simm.s32 @!p0 $0x1BF5;
	p2 =	por !p2, p0  }
0x20: {  	[sflag:s8] =	ssyncset.s32 @!p0 $0xFFFFF086;
	s6 =	sadd.s32 @!p0 s3, s7;
	s7 =	simm.s32 @!p0 $0x108  }
0x21: {  	s3 =	sadd.s32 s3, s9;
	s6 =	sadd.s32 @!p0 $0x88, s6;
	s7 =	simm.s32 @p2 $0x1082  }
0x22: {  	[simem:s7], [sflag:s8] =	dma.local @!p0 [hbm:s6], $0xF7A  }
0x23: {  	s9 =	sor.u32 $0xD0000000, s2;
	s6 =	simm.s32 $0x108;
	_ =	swait.ge @!p0 [sflag:s8], $0x0  }
0x24: {  	s3 =	sadd.s32 $0x88, s3;
	s6 =	simm.s32 @!p1 $0x1082;
	[sflag:s4] =	ssyncset.s32 $0xFFFFF086  }
0x25: {  	[simem:s6], [sflag:s4] =	dma.local [hbm:s3], $0xF7A  }
0x26: {  	[smem:$0x3F8E] =	sst s1;
	(tag) =	ssettag s2;
	_ =	strace s9  }
0x27: {  	s1 =	sld [smem:$0x3F9E]  }
0x28: {  	s2 =	sld [smem:$0x3F9F]  }
0x29: {  	s4 =	sld [smem:$0x3FA1]  }
0x2a: {  	p0 =	seq.s32 s5, $0x0;
	s5 =	sld [smem:$0x3FA2]  }
0x2b: {  	s6 =	sld [smem:$0x3FA3]  }
0x2c: {  	s7 =	sld [smem:$0x3FA4]  }
0x2d: {  	s3 =	simm.s32 $0x108;
	s8 =	sld [smem:$0x3FA5]  }
0x2e: {  	s3 =	simm.s32 @!p0 $0x1082;
	s9 =	sld [smem:$0x3FA6]  }
0x2f: {  	lr =	sadd.s32 s0, s3;
	s0 =	sld [smem:$0x3F9D]  }
0x30: {  	s3 =	sld [smem:$0x3FA0]  }
0x31: {  	[smem:$0x3FA9] =	sst s10  }
0x32: {  	s10 =	sld [smem:$0x3FA7];
	_ =	sdelay $0x3  }
0x33: {  	p0 =	seq.s32 s10, $0x1;
	s10 =	sld [smem:$0x3FA9];
	_ =	sdelay $0x3  }
0x34: {  	[smem:$0x3FA9] =	sst s10  }
0x35: {  	s10 =	sld [smem:$0x3FA8];
	_ =	sdelay $0x3  }
0x36: {  	p1 =	seq.s32 s10, $0x1;
	s10 =	sld [smem:$0x3FA9];
	_ =	sdelay $0x3  }
0x37: {  	[smem:$0x3FA9] =	sst s10  }
0x38: {  	s10 =	sld [smem:$0x3FAA]  }
0x39: {  	_ = 	snop;
	(pc) =	sbr.ind lr, $3  }
0x3a: {  	_ = 	snop  }
0x3b: {  	_ = 	snop  }
0x3c: {  	p2 =	seq.s32 s10, $0x1;
	s10 =	sld [smem:$0x3FA9]  }
0x3d: {  	_ =	shalt  }
0x3e: {  	_ =	shalt  }
0x3f: {  	_ =	shalt  }
0x40: {  	_ =	shalt  }
0x41: {  	_ =	shalt  }
0x42: {  	_ =	shalt  }
0x43: {  	_ =	shalt  }
0x44: {  	_ =	shalt  }
0x45: {  	_ =	shalt  }
0x46: {  	_ =	shalt  }
0x47: {  	_ =	shalt  }
0x48: {  	_ =	shalt  }
0x49: {  	_ =	shalt  }
0x4a: {  	_ =	shalt  }
0x4b: {  	_ =	shalt  }
0x4c: {  	_ =	shalt  }
0x4d: {  	_ =	shalt  }
0x4e: {  	_ =	shalt  }
0x4f: {  	_ =	shalt  }
0x50: {  	_ =	shalt  }
0x51: {  	_ =	shalt  }
0x52: {  	_ =	shalt  }
0x53: {  	_ =	shalt  }
0x54: {  	_ =	shalt  }
0x55: {  	_ =	shalt  }
0x56: {  	_ =	shalt  }
0x57: {  	_ =	shalt  }
0x58: {  	_ =	shalt  }
0x59: {  	_ =	shalt  }
0x5a: {  	_ =	shalt  }
0x5b: {  	_ =	shalt  }
0x5c: {  	_ =	shalt  }
0x5d: {  	_ =	shalt  }
0x5e: {  	_ =	shalt  }
0x5f: {  	_ =	shalt  }
0x60: {  	_ =	shalt  }
0x61: {  	_ =	shalt  }
0x62: {  	_ =	shalt  }
0x63: {  	_ =	shalt  }
0x64: {  	_ =	shalt  }
0x65: {  	_ =	shalt  }
0x66: {  	_ =	shalt  }
0x67: {  	_ =	shalt  }
0x68: {  	_ =	shalt  }
0x69: {  	_ =	shalt  }
0x6a: {  	_ =	shalt  }
0x6b: {  	_ =	shalt  }
0x6c: {  	_ =	shalt  }
0x6d: {  	_ =	shalt  }
0x6e: {  	_ =	shalt  }
0x6f: {  	_ =	shalt  }
0x70: {  	_ =	shalt  }
0x71: {  	_ =	shalt  }
0x72: {  	_ =	shalt  }
0x73: {  	_ =	shalt  }
0x74: {  	_ =	shalt  }
0x75: {  	_ =	shalt  }
0x76: {  	_ =	shalt  }
0x77: {  	_ =	shalt  }
0x78: {  	_ =	shalt  }
0x79: {  	_ =	shalt  }
0x7a: {  	_ =	shalt  }
0x7b: {  	_ =	shalt  }
0x7c: {  	_ =	shalt  }
0x7d: {  	_ =	shalt  }
0x7e: {  	_ =	shalt  }
0x7f: {  	_ =	shalt  }
0x80: {  	_ =	shalt  }
0x81: {  	_ =	shalt  }
0x82: {  	_ =	shalt  }
0x83: {  	_ =	shalt  }
0x84: {  	_ =	shalt  }
0x85: {  	_ =	shalt  }
0x86: {  	_ =	shalt  }
0x87: {  	_ =	shalt  }
.Lfunc_end0:
.L_simem_size_0:
called_computation_lowered:
.L_overlay_start_0:
0x88: {  	s0 =	sld [smem:$0x3FD9]  }
0x89: {  	s1 =	sld [smem:$0x3FFE];
	_ =	sdelay $0x3  }
0x8a: {  	s0 =	sadd.s32 s1, s0  }
0x8b: {  	[smem:$0x3FB5] =	sst s0  }
0x8c: {  	_ = 	snop  }
0x8d: {  	(tm) =	ssettm $0x1  }
0x8e: {  	s15 =	sld [smem:$0x3FFB];
	_ =	sdelay $0x3  }
0x8f: {  	_ =	strace s15  }
0x90: {  	s0 =	sld [smem:$0x3FFC];
	_ =	sdelay $0x3  }
0x91: {  	_ =	strace s0  }
0x92: {  	s0 =	sld [smem:$0x3FFD];
	_ =	sdelay $0x3  }
0x93: {  	_ =	strace s0  }
0x94: {  	_ =	strace $0x8FFFFFFF  }
0x95: {  	s16 =	sld [smem:$0x3FDB];
	_ =	sdelay $0x1  }
0x96: {  	s17 =	simm.s32 $_scs_section_size  }
0x97: {  	s2 =	simm.s32 $_size__tile_overlayer_lowered;
	s3 =	simm.s32 $_tile_overlayer_lowered  }
0x98: {  	s20 =	simm.s32 $0x1BFF;
	s19 =	sshll.u32 s3, $0x1;
	s0 =	sadd.s32 s17, s16  }
0x99: {  	s4 =	simm.s32 $0x0;
	s18 =	sshll.u32 s2, $0x1;
	s2 =	sadd.s32 s19, s0  }
0x9a: {  	[timem:s4], [sflag:s20] =	dma.local [hbm:s2], s18  }
0x9b: {  	_ =	swait.ge [sflag:s20], s18  }
0x9c: {  	s1 =	ssub.s32 $0x0, s18;
	[sflag:s20] =	ssyncset.done $0x0  }
0x9d: {  	[sflag:s20] =	ssyncadd.s32 s1;
	_ =	sdelay $0x1  }
0x9e: {  	s21 =	simm.s32 $0x1B8B  }
0x9f: {  	_ =	swait.ge [sflag:s21], $0x1  }
0xa0: {  	[sflag:s21] =	ssyncset.done $0x0  }
0xa1: {  	s23 =	simm.s32 $0x1B8E;
	s22 =	sld [smem:$0x3FFE];
	[sflag:s21] =	ssyncadd.s32 $0xFFFFFFFF  }
0xa2: {  	s24 =	simm.s32 $execute0_lowered;
	[smem:$0x3FD2] =	sst s23  }
0xa3: {  	s2 =	sshll.u32 s24, $0x1;
	_ =	strace $0x80000046;
	[dreg:$0x1] =	wrdreg $0xFFFFFFFF  }
0xa4: {  	s25 =	simm.s32 $_size_execute0_lowered;
	s0 =	sadd.s32 s0, s2;
	[dreg:$0x0] =	wrdreg $0x0  }
0xa5: {  	s2 =	sshll.u32 s25, $0x1;
	[dreg:$0x2] =	wrdreg s0  }
0xa6: {  	[dreg:$0x3] =	wrdreg s2  }
0xa7: {  	[dreg:$0x4] =	wrdreg $0xC0  }
0xa8: {  	_ =	task [dreg:s4], $0x5FFFF  }
0xa9: {  	[dreg:$0x1] =	wrdreg $0xFFFFFFFF  }
0xaa: {  	[dreg:$0x0] =	wrdreg $0x60  }
0xab: {  	[dreg:$0x2] =	wrdreg s22  }
0xac: {  	[dreg:$0x3] =	wrdreg $0xA  }
0xad: {  	_ =	task.clear_ibuf [dreg:s4], $0x4FFFF;
	_ =	strace $0x90000046  }
0xae: {  	s26 =	simm.s32 $0xA;
	_ =	strace $0x80000048  }
0xaf: {  	_ =	swait.ge [sflag:s26], $0x1  }
0xb0: {  	[sflag:s26] =	ssyncadd.s32 $0xFFFFFFFF  }
0xb1: {  	_ =	strace $0x90000048  }
0xb2: {  	_ =	sfence  }
0xb3: {  	s28 =	sld [smem:$0x0];
	_ =	sdelay $0x1  }
0xb4: {  	s29 =	srdreg.scid  }
0xb5: {  	s30 =	sshll.u32 s29, $0xD;
	s31 =	sshrl.u32 s29, $0x2  }
0xb6: {  	s1 =	sand.u32 $0x1, s29;
	s2 =	sand.u32 $0x4000, s30;
	s0 =	sadd.s32 s31, s28  }
0xb7: {  	s1 =	sor.u32 s2, s1;
	s0 =	sshll.u32 s0, $0x11  }
0xb8: {  	s0 =	sor.u32 s0, s1  }
0xb9: {  	s0 =	sadd.s32 $0x8F2B, s0  }
0xba: {  	[sflag:s0] =	ssyncadd.remote.s32 $0x1  }
0xbb: {  	_ =	sfence.sel $0xFFFF  }
0xbc: {  	[dreg:$0x0] =	wrdreg $0xFFFFFFFF;
	(pc) =	sbr.abs _section_cstart, $3  }
0xbd: {  	[dreg:$0x1] =	wrdreg $0xFFFFFFFF  }
0xbe: {  	_ =	task.clear_ibuf [dreg:s4], $0x2FFFF;
	_ =	strace $0x9FFFFFFF  }
0xbf: {  	(tm) =	ssettm $0x7FFFFFFF  }
tec
execute0_lowered:
.L_overlay_start_1:
0x0: {  	(tag) =	ssettag $0x1  }
0x1: {  	s0 =	rddreg [dreg:$0x0];
	_ =	strace $0x80000047;
	s3 =	simm.s32 $0x1  }
0x2: {  	v1 =	vimm.s32 $0xFFFFFFFF;
	[sflag:s3] =	ssyncpa.u1 $0x0  }
0x3: {  	[tilespmem:$0x10] =	vst v1  }
0x4: {  	v0 =	vimm.s32 $0x80000000;
	[tilespmem:$0x20] =	vst v1  }
0x5: {  	[tilespmem:$0x30] =	vst v0  }
0x6: {  	s2 =	simm.s32 $0x2;
	s6 =	simm.s32 $0x7;
	[tilespmem:$0x40] =	vst v0  }
0x7: {  	s26 =	stileid.u32;
	s7 =	simm.s32 $0x8;
	s31 =	simm.s32 $0x9;
	[tilespmem:$0x50] =	vst v0  }
0x8: {  	s14 =	simm.s32 $0x0;
	s15 =	simm.s32 $0x100;
	s19 =	simm.s32 $0x4900;
	[tilespmem:$0x60] =	vst v1  }
0x9: {  	s20 =	simm.s32 $0xF;
	s21 =	simm.s32 $0x50;
	s22 =	simm.s32 $0x20FF;
	[tilespmem:$0x70] =	vst v1  }
0xa: {  	s23 =	simm.s32 $0x20;
	s24 =	simm.s32 $0x30;
	s25 =	simm.s32 $0x40FF;
	[tilespmem:$0x80] =	vst v1  }
0xb: {  	s30 =	simm.s32 $0x0;
	s29 =	simm.s32 $0x0;
	s1 =	sadd.s32 $0x6E00, s0;
	v1 =	vimm.s32 $0x0;
	[tilespmem:$0xB0] =	vst v0  }
.Ltmp0:
0xc: {  	s4 =	sadd.s32 $0x4E00, s0;
	s5 =	sadd.s32 $0x5E00, s0;
	[tilespmem:$0x90] =	vst v1;
	(pc) =	sbr.rel .LBB2_1-.Ltmp0, $4  }
0xd: {  	s8 =	sshll.u32 s26, $0xB;
	s10 =	sshll.u32 s26, $0x1;
	[tilespmem:$0xA0] =	vst v1;
	[sflag:s2] =	ssyncpa.u1 $0x0  }
0xe: {  	s12 =	sshllo.u32 s26, $0x1;
	s26 =	simm.s32 $0x80;
	[sflag:s6] =	ssyncpa.u1 $0x0  }
0xf: {  	vm0 =	vmmov $0xffff;
	v2 =	vlaneseq.u32;
	s9 =	sadd.s32 $0x800, s8;
	s11 =	sor.u32 $0x81, s10;
	[sflag:s7] =	ssyncpa.u1 $0x0  }
0x10: {  	vm1 =	vmxor vm1, vm1;
	vm2 =	vmmov $0x1;
	vm3 =	vcmask $0x3F3C;
	s13 =	sor.u32 $0x80, s10;
	s28 =	smov.u32 s8;
	[sflag:s31] =	ssyncpa.u1 $0x0  }
.LBB2_3:
0x11: {  	s0 =	sshrl.u32 s28, $0x3  }
0x12: {  	s2 =	sand.u32 $0x7, s28;
	s0 =	sadd.s32 s4, s0  }
0x13: {  	[tilespmem:s15], [sflag:$0x7] =	stream.linear.gather [hbm4b:s0+s2], $0x800, $0x38;
	[tilespmem:$0x4920] =	vst v63  }
.LBB2_4:
0x14: {  	s0 =	sadd.s32 $0x800, s28  }
0x15: {  	s2 =	smov.u32 s8;
	s29 =	sadd.s32 $0x1, s29;
	p0 =	slt.s32 s0, s9  }
0x16: {  	s2 =	smov.u32 @p0 s0;
	p0 =	sne.s32 s29, $0x4  }
.Ltmp1:
0x17: {  	_ = 	snop;
	(pc) =	sbr.rel @!p0 .LBB2_13-.Ltmp1, $2  }
0x18: {  	_ =	sdelay $0x2  }
0x19: {  	s30 =	smov.u32 s28;
	s28 =	smov.u32 s2  }
.LBB2_1:
0x1a: {  	p0 =	sgt.s32 s29, $0x1  }
.Ltmp2:
0x1b: {  	_ = 	snop;
	(pc) =	sbr.rel @p0 .LBB2_11-.Ltmp2, $1  }
0x1c: {  	_ =	sdelay $0x3  }
0x1d: {  	p0 =	seq.s32 s29, $0x0  }
.Ltmp3:
0x1e: {  	_ = 	snop;
	(pc) =	sbr.rel @p0 .LBB2_3-.Ltmp3, $1  }
0x1f: {  	_ =	sdelay $0x3  }
0x20: {  	_ =	swait.ge [sflag:s6], $0x800  }
0x21: {  	[sflag:s6] =	ssyncset.done $0x0  }
0x22: {  	[sflag:s6] =	ssyncadd.s32 $0xFFFFF800;
	(ifvalue) =	ssetifvalue $0xFFFFFFFF;
	v3 =	vld.msk [tilespmem:s15+$0x0 ss:$0x1], $0xffff;
	_ =	sdelay $0x4  }
0x23: {  	v4 =	vperm.xlane v3, v1  }
0x24: {  	vm4 =	vlt.u32 v3, $0xC400  }
0x25: {  	v3 =	vnsel vm4, $0xFFFFFFFE, v3;
	vm4 =	vlt.u32 v4, $0xC400  }
0x26: {  	[tilespmem:$0x70] =	vst v3;
	v3 =	vnsel vm4, $0xFFFFFFFE, v4  }
0x27: {  	s17 =	simm.s32 $0x8F0;
	[tilespmem:$0x80] =	vst v3  }
0x28: {  	v3 =	vld.msk [tilespmem:s17+$0x0 ss:$0x1], $0xffff;
	_ =	sdelay $0x4  }
0x29: {  	(xrf1) =	vunique.msk.u32 $0xffff, v3;
	_ =	sdelay $0xd  }
0x2a: {  	v4 =	vimm.s32 $0xFFFFFFFF;
	v5, _, _ =	vpop (xrf1)  }
0x2b: {  	vm5 =	vne.s32 v3, v4;
	vm4 =	veq.s32 v5, v2  }
0x2c: {  	vm6 =	vlt.u32 v3, $0xC400;
	vm4 =	vmand vm5, vm4  }
0x2d: {  	vm4 =	vmand vm6, vm4  }
0x2e: {  	v4 =	vnsel vm4, $0xFFFFFFFF, v3;
	_ =	sdelay $0x3  }
0x2f: {  	s0 =	simm.s32 $0x20F0;
	(ifvalue) =	ssetifvalue $0xFFFFFFFF  }
0x30: {  	v3 =	vperm.xlane v3, v1;
	[tilespmem:s0], [sflag:$0x8] =	stream.indirect_vreg.gather [hbm4b:s1+s14], $0x1, v4, vm0, $0x4038;
	v4 =	vnsel vm6, $0xFFFFFFFE, v4;
	[tilespmem:$0x4920] =	vst v63  }
0x31: {  	s2 =	simm.s32 $0x0;
	s16 =	simm.s32 $0x8E0;
	[tilespmem:s17+$0x0] =	vst v4  }
.LBB2_6:
0x32: {  	v4 =	vld.msk [tilespmem:s16+$0x0 ss:$0x1], $0xffff;
	s2 =	sadd.s32 $0x10, s2;
	v5 =	vmov v3;
	s17 =	smov.u32 s16  }
0x33: {  	p0 =	slt.u32 s2, $0x7F0;
	_ =	sdelay $0x4  }
0x34: {  	v3 =	vperm.xlane v4, v1;
	(xrf1) =	vunique.msk.u32 $0xffff, v4;
	_ =	sdelay $0xd  }
0x35: {  	v6, _, _ =	vpop (xrf1)  }
0x36: {  	vm5 =	vne.s32 v4, v5;
	vm4 =	veq.s32 v6, v2  }
0x37: {  	vm6 =	vlt.u32 v4, $0xC400;
	vm4 =	vmand vm5, vm4  }
0x38: {  	vm4 =	vmand vm6, vm4  }
0x39: {  	v4 =	vnsel vm4, $0xFFFFFFFF, v4  }
.Ltmp4:
0x3a: {  	v5 =	vnsel vm6, $0xFFFFFFFE, v4;
	(pc) =	sbr.rel @p0 .LBB2_6-.Ltmp4, $3  }
0x3b: {  	_ =	sdelay $0x1  }
0x3c: {  	s16 =	sadd.s32 $0xFFFFFFF0, s16;
	s0 =	sadd.s32 $0xFFFFFFF0, s0;
	(ifvalue) =	ssetifvalue $0xFFFFFFFF  }
0x3d: {  	[tilespmem:s0], [sflag:$0x8] =	stream.indirect_vreg.gather [hbm4b:s1+s14], $0x1, v4, vm0, $0x4038;
	[tilespmem:s17+$0x0] =	vst v5  }
.Ltmp5:
0x3e: {  	(pc) =	sbr.rel .LBB2_4-.Ltmp5, $4  }
0x3f: {  	_ = 	snop  }
0x40: {  	s0 =	sshrl.u32 s30, $0x3  }
0x41: {  	s2 =	simm.s32 $0x2900;
	s0 =	sadd.s32 s5, s0  }
0x42: {  	[tilespmem:s2], [sflag:$0x8] =	stream.linear.gather [hbm:s0], $0x800, $0x38;
	[tilespmem:$0x4920] =	vst v63  }
.LBB2_11:
0x43: {  	p0 =	seq.s32 s29, $0x2  }
.Ltmp6:
0x44: {  	_ = 	snop;
	(pc) =	sbr.rel @!p0 .LBB2_12-.Ltmp6, $1  }
0x45: {  	_ =	sdelay $0x3  }
0x46: {  	_ =	swait.ge [sflag:s7], $0x1000  }
0x47: {  	[sflag:s7] =	ssyncset.done $0x0  }
0x48: {  	s0 =	simm.s32 $0x8FF;
	[sflag:s7] =	ssyncadd.s32 $0xFFFFF000  }
0x49: {  	[spmem:s11] =	stream.linear.scatter [tilespmem:s0], [sflag:$0x1], $0x1, $0x38;
	[tilespmem:$0x4920] =	vst v63  }
0x4a: {  	_ =	swait.ge [sflag:s3], $0x1  }
0x4b: {  	[sflag:s3] =	ssyncset.done $0x0  }
0x4c: {  	[sflag:s3] =	ssyncadd.s32 $0xFFFFFFFF  }
0x4d: {  	v4 =	vld [tilespmem:$0x10]  }
0x4e: {  	v5 =	vld [tilespmem:$0x70]  }
0x4f: {  	v3 =	vld [tilespmem:$0x80];
	_ =	sdelay $0x2  }
0x50: {  	(v2sf) =	vpush v4, $0x0  }
0x51: {  	(v2sf) =	vpush v5, $0x0  }
0x52: {  	(v2sf) =	vpush v3, $0x0;
	_ =	sdelay $0xc  }
0x53: {  	s18 =	spop (v2sf)  }
0x54: {  	s2 =	spop (v2sf)  }
0x55: {  	s30 =	spop (v2sf)  }
0x56: {  	p0 =	seq.s32 s18, s2;
	p1 =	seq.s32 s30, s18  }
0x57: {  	p1 =	por p0, p1  }
0x58: {  	s2 =	simm.s32 $0x10;
	v4 =	vpsel p1, $0xFFFFFFFF, v4  }
0x59: {  	[tilespmem:s2+$0x0] =	vst.msk $0x1, v4  }
0x5a: {  	v4 =	vld [tilespmem:$0x30]  }
0x5b: {  	v5 =	vld [tilespmem:$0x2900]  }
0x5c: {  	v6 =	vld [tilespmem:$0x40];
	_ =	sdelay $0x3  }
0x5d: {  	vm4 =	vmmov vm1;
	vm6 =	vmmov vm2;
	vm5 =	vgt.s32 v4, v5  }
0x5e: {  	s16 =	simm.s32 $0x2900;
	vm4 =	vmmov @p0 vm2;
	v5 =	vsel vm5, v4, v5;
	vm5 =	vgt.s32 v4, v6  }
0x5f: {  	vm6 =	vmmov @p1 vm1;
	v4 =	vsel vm5, v4, v6;
	[tilespmem:s16+$0x0] =	vst.msk vm4, v5  }
0x60: {  	[tilespmem:s19+$0x0] =	vst.msk vm6, v4  }
0x61: {  	v4 =	vld [tilespmem:$0x20F0];
	_ =	sdelay $0x4  }
0x62: {  	v4 =	vshift.insert v4, v1, s20;
	_ =	sdelay $0x1  }
0x63: {  	v5 =	vimm.s32 $0x80000000;
	[tilespmem:s21+$0x0] =	vst.msk $0x1, v4  }
0x64: {  	[tilespmem:s22+$0x0] =	vst.msk $0x1, v5  }
0x65: {  	v4 =	vld [tilespmem:$0x8F0];
	_ =	sdelay $0x4  }
0x66: {  	v4 =	vshift.insert v4, v1, s20;
	_ =	sdelay $0x1  }
0x67: {  	[tilespmem:s23+$0x0] =	vst.msk $0x1, v4  }
0x68: {  	v6 =	vld [tilespmem:s16+$0x0]  }
0x69: {  	s17 =	simm.s32 $0x100  }
0x6a: {  	v7 =	vld [tilespmem:s17+$0x0];
	_ =	sdelay $0x2  }
0x6b: {  	vm4 =	vgt.s32 v6, v5  }
0x6c: {  	v5 =	vsel vm4, v6, v5  }
0x6d: {  	vm4 =	vne.s32 v7, $0xFFFFFFFF;
	v5 =	vxor.u32 $0x80000000, v5  }
0x6e: {  	(xrf0) =	vmax.seg.scan.u32 vm4, v5  }
0x6f: {  	s18 =	simm.s32 $0x1900  }
0x70: {  	v8 =	vld [tilespmem:s18+$0x0]  }
0x71: {  	v6 =	vld [tilespmem:$0xA0];
	_ =	sdelay $0x2  }
0x72: {  	v5 =	vperm.xlane v4, v1;
	v9, _, _ =	vpop (xrf0)  }
0x73: {  	vm6 =	veq.s32 v7, v3;
	v9 =	vxor.u32 $0x80000000, v9  }
0x74: {  	vm8 =	veq.s32 v7, v5;
	vm5 =	veq.s32 v6, $0x1;
	vm7 =	vgt.s32 v9, v8  }
0x75: {  	vm8 =	vmor vm8, vm6;
	v6 =	vsel vm7, v9, v8;
	vm7 =	vgt.u32 v7, $0xFFFFFFFD  }
0x76: {  	v10 =	vld [tilespmem:$0x90];
	vm9 =	vmand vm4, vm3;
	vm4 =	vmor vm5, vm6;
	vm5 =	vmor vm8, vm7  }
0x77: {  	v8 =	vsel vm5, $0xFFFFFFFF, v7;
	_ =	sdelay $0x1  }
0x78: {  	s31 =	simm.s32 $0x3900  }
0x79: {  	s0 =	simm.s32 $0x0;
	s2 =	simm.s32 $0x2910;
	s16 =	simm.s32 $0x110;
	v11 =	vsel vm9, $0x80000000, v9;
	v6 =	vsel vm6, v9, v6  }
0x7a: {  	s17 =	simm.s32 $0x3910;
	s18 =	simm.s32 $0x1910;
	[tilespmem:s31+$0x0] =	vst v6;
	v6 =	vsel vm6, v9, v10;
	v7 =	vshift.insert v11, v0, s20;
	(ifvalue) =	ssetifvalue $0xFFFFFFFF  }
.LBB2_9:
0x7b: {  	[hbm4b:s1+s14] =	stream.indirect_vreg.scatter [tilespmem:s31], [sflag:$0x2], $0x1, v8, vm0, $0x4038;
	[tilespmem:$0x4920] =	vst v63  }
0x7c: {  	s0 =	sadd.s32 $0x10, s0;
	s31 =	smov.u32 s17;
	v8 =	vld [tilespmem:s2+$0x0]  }
0x7d: {  	p0 =	slt.u32 s0, $0x7F0  }
0x7e: {  	v9 =	vld [tilespmem:s16+$0x0];
	_ =	sdelay $0x2  }
0x7f: {  	vm5 =	vgt.s32 v8, v7  }
0x80: {  	v7 =	vsel vm5, v8, v7  }
0x81: {  	vm5 =	vne.s32 v9, $0xFFFFFFFF;
	v7 =	vxor.u32 $0x80000000, v7  }
0x82: {  	(xrf0) =	vmax.seg.scan.u32 vm5, v7;
	_ =	sdelay $0x2  }
0x83: {  	v7 =	vld [tilespmem:s18+$0x0];
	_ =	sdelay $0x1  }
0x84: {  	vm6 =	veq.s32 v9, v3;
	vm7 =	veq.s32 v9, v5  }
0x85: {  	vm8 =	vgt.u32 v9, $0xFFFFFFFD;
	vm4 =	vmor vm4, vm6;
	vm7 =	vmor vm7, vm6;
	v8, _, _ =	vpop (xrf0)  }
0x86: {  	vm5 =	vmand vm5, vm3;
	vm7 =	vmor vm7, vm8;
	v10 =	vxor.u32 $0x80000000, v8  }
.Ltmp7:
0x87: {  	v8 =	vsel vm7, $0xFFFFFFFF, v9;
	vm7 =	vgt.s32 v10, v7;
	v9 =	vsel vm5, $0x80000000, v10;
	(pc) =	sbr.rel @p0 .LBB2_9-.Ltmp7, $4  }
0x88: {  	v6 =	vsel vm6, v10, v6;
	v11 =	vsel vm7, v10, v7;
	v7 =	vshift.insert v9, v0, s20  }
0x89: {  	v9 =	vsel vm6, v10, v11  }
0x8a: {  	s2 =	sadd.s32 $0x10, s2;
	s16 =	sadd.s32 $0x10, s16;
	[tilespmem:s17+$0x0] =	vst v9  }
0x8b: {  	s18 =	sadd.s32 $0x10, s18;
	s17 =	sadd.s32 $0x10, s17;
	(ifvalue) =	ssetifvalue $0xFFFFFFFF  }
0x8c: {  	_ =	sdelay $0x3  }
0x8d: {  	[hbm4b:s1+s14] =	stream.indirect_vreg.scatter [tilespmem:s31], [sflag:$0x2], $0x1, v8, vm0, $0x4038;
	[tilespmem:$0x4920] =	vst v63  }
0x8e: {  	v3 =	vld [tilespmem:$0x40F0];
	_ =	sdelay $0x4  }
0x8f: {  	v3 =	vshift.insert v3, v1, s20;
	_ =	sdelay $0x1  }
0x90: {  	[tilespmem:s24+$0x0] =	vst.msk $0x1, v3  }
0x91: {  	v3 =	vsel vm4, $0x1, v1;
	[tilespmem:$0x90] =	vst v6  }
0x92: {  	[tilespmem:$0xA0] =	vst v3  }
0x93: {  	[spmem:s12] =	stream.linear.scatter [tilespmem:s25], [sflag:$0x1], $0x1, $0x38;
	[tilespmem:$0x4920] =	vst v63  }
0x94: {  	v3 =	vmctz.xlane vm4;
	_ =	swait.ge [sflag:s3], $0x1  }
0x95: {  	(v2sf) =	vpush v4, $0x0  }
0x96: {  	(v2sf) =	vpush v3, $0x0;
	_ =	sdelay $0xd  }
0x97: {  	s0 =	spop (v2sf)  }
0x98: {  	s2 =	spop (v2sf)  }
0x99: {  	[sflag:s3] =	ssyncset.done $0x0;
	p0 =	sne.s32 s30, s0;
	p1 =	slt.s32 s2, $0xF  }
0x9a: {  	[sflag:s3] =	ssyncadd.s32 $0xFFFFFFFF;
	v3 =	vimm.s32 @!p0 $0xFFFFFFFF;
	s2 =	simm.s32 @!p1 $0xF  }
0x9b: {  	[tilespmem:$0x80] =	vst @!p0 v3;
	s31 =	sadd.s32 $0x90, s2  }
0x9c: {  	[spmem:s10] =	stream.linear.scatter [tilespmem:s31], [sflag:$0x1], $0x1, $0x38;
	[tilespmem:$0x4920] =	vst v63  }
0x9d: {  	_ =	swait.ge [sflag:s3], $0x1  }
0x9e: {  	[sflag:s3] =	ssyncset.done $0x0  }
0x9f: {  	[sflag:s3] =	ssyncadd.s32 $0xFFFFFFFF  }
0xa0: {  	[spmem:s13] =	stream.linear.scatter [tilespmem:s26], [sflag:$0x1], $0x1, $0x38;
	[tilespmem:$0x4920] =	vst v63  }
0xa1: {  	_ =	swait.ge [sflag:s3], $0x1  }
0xa2: {  	[sflag:s3] =	ssyncset.done $0x0  }
0xa3: {  	[sflag:s3] =	ssyncadd.s32 $0xFFFFFFFF;
	(ifvalue) =	ssetifvalue $0xFFFFFFFF;
	v3 =	vld [tilespmem:$0x10];
	_ =	sdelay $0x3  }
.Ltmp8:
0xa4: {  	_ = 	snop;
	(pc) =	sbr.rel .LBB2_4-.Ltmp8, $3  }
0xa5: {  	_ =	sdelay $0x1  }
0xa6: {  	(ifvalue) =	ssetifvalue $0xFFFFFFFF  }
0xa7: {  	[hbm4b:s1+s14] =	stream.indirect_vreg.scatter [tilespmem:s19], [sflag:$0x9], $0x1, v3, vm0, $0x4038;
	[tilespmem:$0x4920] =	vst v63  }
.LBB2_12:
0xa8: {  	s0 =	simm.s32 $0x2  }
0xa9: {  	_ =	swait.ge [sflag:s0], $0x800  }
0xaa: {  	[sflag:s0] =	ssyncset.done $0x0  }
0xab: {  	s31 =	simm.s32 $0x9;
	[sflag:s0] =	ssyncadd.s32 $0xFFFFF800  }
0xac: {  	_ =	swait.ge [sflag:s31], $0x10  }
0xad: {  	[sflag:s31] =	ssyncset.done $0x0  }
0xae: {  	[sflag:s31] =	ssyncadd.s32 $0xFFFFFFF0  }
.LBB2_13:
0xaf: {  	_ =	sfence.sel $0x180000  }
0xb0: {  	s0 =	simm.s32 $0x7;
	[bflag:$0x0] =	sbarrier.arrive $0xFFFF  }
0xb1: {  	s26 =	simm.s32 $0x8;
	[sflag:s0] =	ssyncpa.u1 $0x1  }
0xb2: {  	s28 =	simm.s32 $0x9;
	[sflag:s26] =	ssyncpa.u1 $0x1  }
0xb3: {  	[sflag:s28] =	ssyncpa.u1 $0x1  }
0xb4: {  	_ =	sfence.stream.spmem  }
0xb5: {  	s29 =	simm.s32 $0x3;
	[bflag:$0x0] =	sbarrier.arrive $0xFFFF  }
0xb6: {  	s30 =	simm.s32 $0x4;
	[sflag:s29] =	ssyncpa.u1 $0x1  }
0xb7: {  	s31 =	simm.s32 $0x3C;
	s2 =	stileid.u32;
	[sflag:s30] =	ssyncpa.u1 $0x1  }
0xb8: {  	p0 =	sne.s32 s2, $0x0;
	[sflag:s31] =	ssyncpa.u1 $0x1  }
0xb9: {  	s0 =	simm.s32 @p0 $0x1;
	_ =	sfence @p0  }
0xba: {  	[sflag:s0] =	ssyncpa.u1 @p0 $0x1;
	s0 =	simm.s32 @p0 $0x2  }
0xbb: {  	[sflag:s0] =	ssyncpa.u1 @p0 $0x1  }
0xbc: {  	_ =	strace @p0 $0x90000047  }
0xbd: {  	[bflag:$0x2] =	sbarrier.arrive @p0 $0xFFFF  }
0xbe: {  	_ =	shalt @p0  }
.LBB2_14:
0xbf: {  	_ =	sfence.stream.spmem;
	s0 =	simm.s32 $0x5  }
0xc0: {  	s2 =	simm.s32 $0x80;
	s3 =	simm.s32 $0xC0;
	[sflag:s0] =	ssyncpa.u1 $0x0  }
0xc1: {  	[tilespmem:s3], [sflag:$0x5] =	stream.linear.gather [spmem:s2], $0x20, $0x38;
	[tilespmem:$0x4920] =	vst v63  }
0xc2: {  	s30 =	simm.s32 $0xE0;
	s2 =	simm.s32 $0x0  }
0xc3: {  	[tilespmem:s30], [sflag:$0x5] =	stream.linear.gather [spmem:s2], $0x20, $0x38;
	[tilespmem:$0x4920] =	vst v63  }
.Ltmp9:
0xc4: {  	_ = 	snop;
	(pc) =	sbr.rel .LBB2_15-.Ltmp9, $4  }
0xc5: {  	_ =	swait.ge [sflag:s0], $0x40  }
0xc6: {  	[sflag:s0] =	ssyncset.done $0x0  }
0xc7: {  	s31 =	simm.s32 $0x6;
	[sflag:s0] =	ssyncadd.s32 $0xFFFFFFC0  }
0xc8: {  	s3 =	simm.s32 $0x0;
	[sflag:s31] =	ssyncpa.u1 $0x0  }
.LBB2_20:
0xc9: {  	p0 =	sgt.u32 s4, $0xC3FF  }
0xca: {  	s0 =	sshrl.u32 @!p0 s4, $0x3  }
0xcb: {  	s4 =	sand.u32 @!p0 $0x7, s4;
	s5 =	simm.s32 @!p0 $0xB0;
	s0 =	sadd.s32 @!p0 s1, s0  }
0xcc: {  	[tilespmem:s5], [sflag:$0x6] =	stream.linear.gather @!p0 [hbm4b:s0+s4], $0x1, $0x38;
	[tilespmem:$0x4920] =	vst v63  }
0xcd: {  	s0 =	simm.s32 @!p0 $0x6  }
0xce: {  	_ =	swait.ge @!p0 [sflag:s0], $0x1  }
0xcf: {  	[sflag:s0] =	ssyncset.done @!p0 $0x0  }
0xd0: {  	[sflag:s0] =	ssyncadd.s32 @!p0 $0xFFFFFFFF  }
0xd1: {  	v1 =	vld.msk @!p0 [tilespmem:$0xB0], $0x1  }
0xd2: {  	v2 =	vld.msk @!p0 [tilespmem:s3+$0xE0], $0x1;
	_ =	sdelay $0x4  }
0xd3: {  	vm0 =	vgt.s32 @!p0 v2, v1  }
0xd4: {  	v1 =	vsel @!p0 vm0, v2, v1  }
0xd5: {  	[tilespmem:s3+$0xE0] =	vst.msk @!p0 $0x1, v1  }
0xd6: {  	[tilespmem:s2+$0xC0] =	vst.msk $0x1, v0  }
0xd7: {  	v0 =	vld.msk [tilespmem:s3+$0xE0], $0x1;
	_ =	sdelay $0x4  }
0xd8: {  	[tilespmem:s2+$0xE0] =	vst.msk $0x1, v0;
	s2 =	sadd.s32 $0x1, s2  }
.LBB2_22:
0xd9: {  	s3 =	sadd.s32 $0x1, s3  }
0xda: {  	p0 =	sne.s32 s3, $0x20  }
.Ltmp10:
0xdb: {  	_ = 	snop;
	(pc) =	sbr.rel @!p0 .LBB2_23-.Ltmp10, $1  }
0xdc: {  	_ =	sdelay $0x3  }
.LBB2_15:
0xdd: {  	v0 =	vld.msk [tilespmem:s3+$0xC0], $0x1;
	_ =	sdelay $0x4  }
0xde: {  	(v2sf) =	vpush v0, $0x0;
	_ =	sdelay $0xe  }
0xdf: {  	s4 =	spop (v2sf)  }
0xe0: {  	p0 =	seq.s32 s4, $0xFFFFFFFF  }
.Ltmp11:
0xe1: {  	_ = 	snop;
	(pc) =	sbr.rel @p0 .LBB2_22-.Ltmp11, $1  }
0xe2: {  	_ =	sdelay $0x3  }
0xe3: {  	p0 =	slt.s32 s2, $0x1  }
.Ltmp12:
0xe4: {  	_ = 	snop;
	(pc) =	sbr.rel @p0 .LBB2_20-.Ltmp12, $1  }
0xe5: {  	_ =	sdelay $0x3  }
0xe6: {  	s0 =	simm.s32 $0xC0;
	p0 =	por $0x0, $0x0  }
0xe7: {  	v1 =	vld.msk @!p0 [tilespmem:s0+$0x0], $0x1;
	_ =	sdelay $0x4  }
0xe8: {  	(v2sf) =	vpush @!p0 v1, $0x0;
	_ =	sdelay $0xd  }
0xe9: {  	p2 =	sne.s32 s2, $0x1  }
.Ltmp13:
0xea: {  	s5 =	spop @!p0 (v2sf);
	(pc) =	sbr.rel @!p2 .LBB2_19-.Ltmp13, $4  }
0xeb: {  	p1 =	seq.s32 @!p0 s4, s5  }
0xec: {  	s5 =	simm.s32 $0x0;
	p1 =	por !p1, p0  }
0xed: {  	s7 =	simm.s32 $0xFFFFFFFF;
	s5 =	simm.s32 @p1 $0xFFFFFFFF  }
0xee: {  	s6 =	simm.s32 $0x1;
	s5 =	smov.u32 @p0 s7  }
.LBB2_18:
0xef: {  	s7 =	smov.u32 s5;
	p0 =	sne.s32 s5, $0xFFFFFFFF  }
0xf0: {  	s0 =	sadd.s32 $0x1, s0;
	s5 =	smov.u32 s6;
	s6 =	sadd.s32 $0x1, s6  }
0xf1: {  	p1 =	sne.s32 s2, s6;
	v1 =	vld.msk @!p0 [tilespmem:s0+$0x0], $0x1;
	_ =	sdelay $0x4  }
0xf2: {  	(v2sf) =	vpush @!p0 v1, $0x0;
	_ =	sdelay $0xe  }
.Ltmp14:
0xf3: {  	s8 =	spop @!p0 (v2sf);
	(pc) =	sbr.rel @p1 .LBB2_18-.Ltmp14, $4  }
0xf4: {  	p2 =	seq.s32 @!p0 s4, s8  }
0xf5: {  	p2 =	por !p2, p0  }
0xf6: {  	s5 =	simm.s32 @p2 $0xFFFFFFFF  }
0xf7: {  	s5 =	smov.u32 @p0 s7  }
.LBB2_19:
0xf8: {  	p0 =	sne.s32 s5, $0xFFFFFFFF  }
.Ltmp15:
0xf9: {  	_ = 	snop;
	(pc) =	sbr.rel @!p0 .LBB2_20-.Ltmp15, $1  }
0xfa: {  	_ =	sdelay $0x3  }
0xfb: {  	v0 =	vld.msk [tilespmem:s3+$0xE0], $0x1  }
0xfc: {  	v1 =	vld.msk [tilespmem:s5+$0xE0], $0x1;
	_ =	sdelay $0x2  }
.Ltmp16:
0xfd: {  	_ = 	snop;
	(pc) =	sbr.rel .LBB2_22-.Ltmp16, $4  }
0xfe: {  	_ = 	snop  }
0xff: {  	vm0 =	vgt.s32 v1, v0  }
0x100: {  	v0 =	vsel vm0, v1, v0  }
0x101: {  	[tilespmem:s5+$0xE0] =	vst.msk $0x1, v0  }
.LBB2_23:
0x102: {  	p0 =	slt.s32 s2, $0x1  }
.Ltmp17:
0x103: {  	_ = 	snop;
	(pc) =	sbr.rel @p0 .LBB2_27-.Ltmp17, $3  }
0x104: {  	_ =	sdelay $0x1  }
0x105: {  	s0 =	simm.s32 $0x6  }
0x106: {  	[sflag:s0] =	ssyncpa.u1 $0x1;
	s0 =	simm.s32 $0x0  }
0x107: {  	s3 =	simm.s32 $0xC0  }
0x108: {  	v0 =	vld.msk [tilespmem:s3+$0x0], $0x1;
	_ =	sdelay $0x4  }
0x109: {  	(v2sf) =	vpush v0, $0x0;
	_ =	sdelay $0xe  }
0x10a: {  	s2 =	sadd.s32 $0xFFFFFFFF, s2;
	s4 =	spop (v2sf)  }
0x10b: {  	p1 =	sne.s32 s2, $0x0;
	p0 =	sgt.u32 s4, $0xC3FF  }
.Ltmp18:
0x10c: {  	s5 =	sshrl.u32 @!p0 s4, $0x3;
	(pc) =	sbr.rel @!p1 .LBB2_26-.Ltmp18, $4  }
0x10d: {  	s3 =	simm.s32 $0xE0;
	s4 =	sand.u32 @!p0 $0x7, s4;
	s5 =	sadd.s32 @!p0 s1, s5  }
0x10e: {  	[hbm4b:s5+s4] =	stream.linear.scatter @!p0 [tilespmem:s3], [sflag:$0x5], $0x1, $0x38;
	[tilespmem:$0x4920] =	vst v63  }
0x10f: {  	s5 =	simm.s32 $0x0  }
0x110: {  	s4 =	simm.s32 $0xC1;
	s5 =	simm.s32 @!p0 $0x4  }
.LBB2_25:
0x111: {  	v0 =	vld.msk [tilespmem:s4+$0x0], $0x1;
	s2 =	sadd.s32 $0xFFFFFFFF, s2;
	s0 =	sadd.s32 s0, s5  }
0x112: {  	p0 =	sne.s32 s2, $0x0;
	_ =	sdelay $0x3  }
0x113: {  	(v2sf) =	vpush v0, $0x0;
	_ =	sdelay $0xe  }
.Ltmp19:
0x114: {  	s6 =	spop (v2sf);
	(pc) =	sbr.rel @p0 .LBB2_25-.Ltmp19, $4  }
0x115: {  	s5 =	simm.s32 $0x0;
	p1 =	sgt.u32 s6, $0xC3FF  }
0x116: {  	s3 =	sadd.s32 $0x1, s3;
	s5 =	simm.s32 @!p1 $0x4;
	s7 =	sshrl.u32 @!p1 s6, $0x3  }
0x117: {  	s4 =	sadd.s32 $0x1, s4;
	s6 =	sand.u32 @!p1 $0x7, s6;
	s7 =	sadd.s32 @!p1 s1, s7  }
0x118: {  	[hbm4b:s7+s6] =	stream.linear.scatter @!p1 [tilespmem:s3], [sflag:$0x5], $0x1, $0x38;
	[tilespmem:$0x4920] =	vst v63  }
.LBB2_26:
0x119: {  	s0 =	sadd.s32 s0, s5  }
0x11a: {  	s0 =	sshrl.u32 s0, $0x2  }
.LBB2_27:
0x11b: {  	s1 =	simm.s32 $0x5  }
0x11c: {  	_ =	swait.ge [sflag:s1], s0  }
0x11d: {  	s28 =	ssub.s32 $0x0, s0;
	[sflag:s1] =	ssyncset.done $0x0  }
0x11e: {  	[sflag:s1] =	ssyncadd.s32 s28  }
0x11f: {  	[sflag:s1] =	ssyncpa.u1 $0x1  }
0x120: {  	s29 =	simm.s32 $0x1;
	_ =	sfence  }
0x121: {  	s30 =	simm.s32 $0x2;
	[sflag:s29] =	ssyncpa.u1 $0x1  }
0x122: {  	[sflag:s30] =	ssyncpa.u1 $0x1  }
0x123: {  	_ =	strace $0x90000047  }
0x124: {  	[bflag:$0x2] =	sbarrier.arrive $0xFFFF  }
0x125: {  	s31 =	rddreg [dreg:$0x1]  }
0x126: {  	s0 =	sadd.s32 $0x100000, s31  }
0x127: {  	[sflag:s0] =	ssyncadd.tile.s32 $0x1;
	_ =	shalt  }
.Lfunc_end2:
_tile_overlayer_lowered:
.L_overlay_start_2:
0x128: {  	(tag) =	ssettag $0x2  }
0x129: {  	s0 =	rddreg [dreg:$0x0];
	s2 =	stileid.u32  }
0x12a: {  	s1 =	rddreg [dreg:$0x1];
	p0 =	sne.s32 s2, $0x0  }
0x12b: {  	s3 =	rddreg [dreg:$0x2];
	[bflag:$0x3] =	sbarrier.arrive $0xFFFF;
	s2 =	simm.s32 @!p0 $0x1C01  }
0x12c: {  	[timem:s3], [sflag:s2] =	dma.local @!p0 [hbm:s0], s1  }
0x12d: {  	s0 =	simm.s32 @!p0 $0x1  }
0x12e: {  	_ =	swait.ge @!p0 [sflag:s0], s1  }
0x12f: {  	s1 =	ssub.s32 @!p0 $0x0, s1;
	[sflag:s0] =	ssyncset.done @!p0 $0x0  }
0x130: {  	[sflag:s0] =	ssyncadd.s32 @!p0 s1  }
0x131: {  	[bflag:$0x3] =	sbarrier.arrive $0xFFFF  }
0x132: {  	_ =	shalt  }

// kernel: scgather.3.cloned.1.call-start
scs
__scs_entry_jumppad:
0x0: {  	(pc) =	sbr.rel $0x88, $3  }
0x1: {  	(tag) =	ssettag $0x0;
	lr =	simm.s32 $0x1  }
0x2: {  	[smem:$0x3F8E] =	sst lr;
	_ =	strace $0xD0000000  }
0x3: {  	_ = 	snop  }
0x4: {  	_ = 	snop  }
0x5: {  	_ = 	snop  }
0x6: {  	_ = 	snop  }
0x7: {  	_ = 	snop  }
__scs_overlays_trampoline_lowered:
0x8: {  	[smem:$0x3F9D] =	sst s0  }
0x9: {  	[smem:$0x3F9E] =	sst s1  }
0xa: {  	[smem:$0x3F9F] =	sst s2  }
0xb: {  	[smem:$0x3FA0] =	sst s3  }
0xc: {  	[smem:$0x3FA1] =	sst s4  }
0xd: {  	[smem:$0x3FA2] =	sst s5  }
0xe: {  	[smem:$0x3FA3] =	sst s6  }
0xf: {  	[smem:$0x3FA4] =	sst s7  }
0x10: {  	[smem:$0x3FA5] =	sst s8  }
0x11: {  	[smem:$0x3FA6] =	sst s9;
	s0 =	simm.s32 @!p0 $0x0  }
0x12: {  	s1 =	sld [smem:$0x3F8C];
	s0 =	simm.s32 @p0 $0x1  }
0x13: {  	[smem:$0x3FA7] =	sst s0;
	s0 =	simm.s32 @!p1 $0x0  }
0x14: {  	s2 =	sld [smem:$0x3F8B];
	s0 =	simm.s32 @p1 $0x1  }
0x15: {  	[smem:$0x3FA8] =	sst s0;
	s0 =	simm.s32 @!p2 $0x0  }
0x16: {  	s3 =	sld [smem:$0x3FDB];
	s0 =	simm.s32 @p2 $0x1  }
0x17: {  	s4 =	simm.s32 $0x1BF5;
	[smem:$0x3FAA] =	sst s0  }
0x18: {  	s0 =	sld [smem:$0x3F8D];
	_ =	swait.ge [sflag:s4], $0x0  }
0x19: {  	s7 =	sld [smem:$0x3F8E]  }
0x1a: {  	s8 =	sadd.s32 $0xFFFFE003, lr  }
0x1b: {  	s9 =	sadd.s32 $0xFFFFFEF7, lr;
	s5 =	simm.s32 $0xFFFFFFFF;
	p2 =	slt.u32 s8, $0xFFFFF086  }
0x1c: {  	p1 =	slt.u32 s9, $0xF7A;
	s5 =	simm.s32 @!p2 $0x0  }
0x1d: {  	s5 =	simm.s32 @p1 $0x1;
	p0 =	seq.s32 s7, s2  }
0x1e: {  	s7 =	smul.u32 @!p0 $0xF7A, s2;
	p2 =	seq.s32 @!p0 s5, $0x0  }
0x1f: {  	s9 =	smul.u32 $0xF7A, s1;
	s8 =	simm.s32 @!p0 $0x1BF5;
	p2 =	por !p2, p0  }
0x20: {  	[sflag:s8] =	ssyncset.s32 @!p0 $0xFFFFF086;
	s6 =	sadd.s32 @!p0 s3, s7;
	s7 =	simm.s32 @!p0 $0x108  }
0x21: {  	s3 =	sadd.s32 s3, s9;
	s6 =	sadd.s32 @!p0 $0x88, s6;
	s7 =	simm.s32 @p2 $0x1082  }
0x22: {  	[simem:s7], [sflag:s8] =	dma.local @!p0 [hbm:s6], $0xF7A  }
0x23: {  	s9 =	sor.u32 $0xD0000000, s2;
	s6 =	simm.s32 $0x108;
	_ =	swait.ge @!p0 [sflag:s8], $0x0  }
0x24: {  	s3 =	sadd.s32 $0x88, s3;
	s6 =	simm.s32 @!p1 $0x1082;
	[sflag:s4] =	ssyncset.s32 $0xFFFFF086  }
0x25: {  	[simem:s6], [sflag:s4] =	dma.local [hbm:s3], $0xF7A  }
0x26: {  	[smem:$0x3F8E] =	sst s1;
	(tag) =	ssettag s2;
	_ =	strace s9  }
0x27: {  	s1 =	sld [smem:$0x3F9E]  }
0x28: {  	s2 =	sld [smem:$0x3F9F]  }
0x29: {  	s4 =	sld [smem:$0x3FA1]  }
0x2a: {  	p0 =	seq.s32 s5, $0x0;
	s5 =	sld [smem:$0x3FA2]  }
0x2b: {  	s6 =	sld [smem:$0x3FA3]  }
0x2c: {  	s7 =	sld [smem:$0x3FA4]  }
0x2d: {  	s3 =	simm.s32 $0x108;
	s8 =	sld [smem:$0x3FA5]  }
0x2e: {  	s3 =	simm.s32 @!p0 $0x1082;
	s9 =	sld [smem:$0x3FA6]  }
0x2f: {  	lr =	sadd.s32 s0, s3;
	s0 =	sld [smem:$0x3F9D]  }
0x30: {  	s3 =	sld [smem:$0x3FA0]  }
0x31: {  	[smem:$0x3FA9] =	sst s10  }
0x32: {  	s10 =	sld [smem:$0x3FA7];
	_ =	sdelay $0x3  }
0x33: {  	p0 =	seq.s32 s10, $0x1;
	s10 =	sld [smem:$0x3FA9];
	_ =	sdelay $0x3  }
0x34: {  	[smem:$0x3FA9] =	sst s10  }
0x35: {  	s10 =	sld [smem:$0x3FA8];
	_ =	sdelay $0x3  }
0x36: {  	p1 =	seq.s32 s10, $0x1;
	s10 =	sld [smem:$0x3FA9];
	_ =	sdelay $0x3  }
0x37: {  	[smem:$0x3FA9] =	sst s10  }
0x38: {  	s10 =	sld [smem:$0x3FAA]  }
0x39: {  	_ = 	snop;
	(pc) =	sbr.ind lr, $3  }
0x3a: {  	_ = 	snop  }
0x3b: {  	_ = 	snop  }
0x3c: {  	p2 =	seq.s32 s10, $0x1;
	s10 =	sld [smem:$0x3FA9]  }
0x3d: {  	_ =	shalt  }
0x3e: {  	_ =	shalt  }
0x3f: {  	_ =	shalt  }
0x40: {  	_ =	shalt  }
0x41: {  	_ =	shalt  }
0x42: {  	_ =	shalt  }
0x43: {  	_ =	shalt  }
0x44: {  	_ =	shalt  }
0x45: {  	_ =	shalt  }
0x46: {  	_ =	shalt  }
0x47: {  	_ =	shalt  }
0x48: {  	_ =	shalt  }
0x49: {  	_ =	shalt  }
0x4a: {  	_ =	shalt  }
0x4b: {  	_ =	shalt  }
0x4c: {  	_ =	shalt  }
0x4d: {  	_ =	shalt  }
0x4e: {  	_ =	shalt  }
0x4f: {  	_ =	shalt  }
0x50: {  	_ =	shalt  }
0x51: {  	_ =	shalt  }
0x52: {  	_ =	shalt  }
0x53: {  	_ =	shalt  }
0x54: {  	_ =	shalt  }
0x55: {  	_ =	shalt  }
0x56: {  	_ =	shalt  }
0x57: {  	_ =	shalt  }
0x58: {  	_ =	shalt  }
0x59: {  	_ =	shalt  }
0x5a: {  	_ =	shalt  }
0x5b: {  	_ =	shalt  }
0x5c: {  	_ =	shalt  }
0x5d: {  	_ =	shalt  }
0x5e: {  	_ =	shalt  }
0x5f: {  	_ =	shalt  }
0x60: {  	_ =	shalt  }
0x61: {  	_ =	shalt  }
0x62: {  	_ =	shalt  }
0x63: {  	_ =	shalt  }
0x64: {  	_ =	shalt  }
0x65: {  	_ =	shalt  }
0x66: {  	_ =	shalt  }
0x67: {  	_ =	shalt  }
0x68: {  	_ =	shalt  }
0x69: {  	_ =	shalt  }
0x6a: {  	_ =	shalt  }
0x6b: {  	_ =	shalt  }
0x6c: {  	_ =	shalt  }
0x6d: {  	_ =	shalt  }
0x6e: {  	_ =	shalt  }
0x6f: {  	_ =	shalt  }
0x70: {  	_ =	shalt  }
0x71: {  	_ =	shalt  }
0x72: {  	_ =	shalt  }
0x73: {  	_ =	shalt  }
0x74: {  	_ =	shalt  }
0x75: {  	_ =	shalt  }
0x76: {  	_ =	shalt  }
0x77: {  	_ =	shalt  }
0x78: {  	_ =	shalt  }
0x79: {  	_ =	shalt  }
0x7a: {  	_ =	shalt  }
0x7b: {  	_ =	shalt  }
0x7c: {  	_ =	shalt  }
0x7d: {  	_ =	shalt  }
0x7e: {  	_ =	shalt  }
0x7f: {  	_ =	shalt  }
0x80: {  	_ =	shalt  }
0x81: {  	_ =	shalt  }
0x82: {  	_ =	shalt  }
0x83: {  	_ =	shalt  }
0x84: {  	_ =	shalt  }
0x85: {  	_ =	shalt  }
0x86: {  	_ =	shalt  }
0x87: {  	_ =	shalt  }
.Lfunc_end0:
.L_simem_size_0:
called_computation.2_lowered:
.L_overlay_start_0:
0x88: {  	s2 =	sld [smem:$0x3FD9]  }
0x89: {  	s3 =	sld [smem:$0x3FFE];
	_ =	sdelay $0x1  }
0x8a: {  	s1 =	srdreg.scid  }
0x8b: {  	s0 =	sand.u32 $0x1, s1  }
0x8c: {  	s17 =	sshll.u32 s0, $0xA;
	s2 =	sadd.s32 s3, s2  }
0x8d: {  	s2 =	sadd.s32 s2, s17  }
0x8e: {  	[smem:$0x3FB5] =	sst s2  }
0x8f: {  	_ = 	snop  }
0x90: {  	s18 =	sld [smem:$0x3FC5]  }
0x91: {  	s4 =	sld [smem:$0x3FD0];
	(tm) =	ssettm $0x1  }
0x92: {  	s19 =	sld [smem:$0x3FFB];
	_ =	sdelay $0x3  }
0x93: {  	_ =	strace s19  }
0x94: {  	s2 =	sld [smem:$0x3FFC];
	_ =	sdelay $0x3  }
0x95: {  	_ =	strace s2  }
0x96: {  	s2 =	sld [smem:$0x3FFD];
	_ =	sdelay $0x3  }
0x97: {  	_ =	strace s2  }
0x98: {  	_ =	strace $0x8FFFFFFF  }
0x99: {  	s20 =	sld [smem:$0x3FDB];
	_ =	sdelay $0x1  }
0x9a: {  	s5 =	simm.s32 $_scs_section_size  }
0x9b: {  	s6 =	simm.s32 $_size__tile_overlayer_lowered;
	s7 =	simm.s32 $_tile_overlayer_lowered  }
0x9c: {  	s8 =	simm.s32 $0x1BFF;
	s21 =	sshll.u32 s7, $0x1;
	s5 =	sadd.s32 s5, s20  }
0x9d: {  	s22 =	simm.s32 $0x0;
	s6 =	sshll.u32 s6, $0x1;
	s7 =	sadd.s32 s21, s5  }
0x9e: {  	[timem:s22], [sflag:s8] =	dma.local [hbm:s7], s6  }
0x9f: {  	_ =	swait.ge [sflag:s8], s6  }
0xa0: {  	s6 =	ssub.s32 $0x0, s6;
	[sflag:s8] =	ssyncset.done $0x0  }
0xa1: {  	[sflag:s8] =	ssyncadd.s32 s6;
	_ =	sdelay $0x1  }
0xa2: {  	s23 =	simm.s32 $0x1B8B  }
0xa3: {  	_ =	swait.ge [sflag:s23], $0x1  }
0xa4: {  	[sflag:s23] =	ssyncset.done $0x0  }
0xa5: {  	[sflag:s23] =	ssyncadd.s32 $0xFFFFFFFF  }
0xa6: {  	s6 =	sld [smem:$0x0]  }
0xa7: {  	s7 =	sand.u32 $0xFFFFFFFE, s1  }
0xa8: {  	p0 =	sne.s32 s1, s7  }
0xa9: {  	s7 =	sshll.u32 @p0 s7, $0xE  }
0xaa: {  	s7 =	sadd.s32 @p0 $0x11B8D, s7;
	s8 =	sshll.u32 @p0 s6, $0x11  }
0xab: {  	s7 =	sor.u32 @p0 s8, s7  }
0xac: {  	[sflag:s7] =	ssyncadd.remote.s32 @p0 $0x1;
	_ =	sdelay $0x1  }
0xad: {  	s7 =	simm.s32 @p0 $0x1B8D  }
0xae: {  	_ =	swait.eq @p0 [sflag:s7], $0x1  }
0xaf: {  	[sflag:s7] =	ssyncadd.s32 @p0 $0xFFFFFFFF  }
0xb0: {  	s8 =	sshll.u32 @!p0 s1, $0xE  }
0xb1: {  	s8 =	sor.u32 @!p0 $0x4000, s8;
	s7 =	simm.s32 @!p0 $0x1B8D  }
0xb2: {  	s6 =	sshll.u32 @!p0 s6, $0x11;
	s8 =	sadd.s32 @!p0 $0x11B8D, s8;
	_ =	swait.eq @!p0 [sflag:s7], $0x1  }
0xb3: {  	s6 =	sor.u32 @!p0 s6, s8;
	[sflag:s7] =	ssyncadd.s32 @!p0 $0xFFFFFFFF  }
0xb4: {  	s25 =	simm.s32 $0x1B8E;
	s24 =	sld [smem:$0x3FFE];
	[sflag:s6] =	ssyncadd.remote.s32 @!p0 $0x1  }
0xb5: {  	s26 =	simm.s32 $execute0_lowered;
	[smem:$0x3FD2] =	sst s25  }
0xb6: {  	s7 =	sshll.u32 s26, $0x1;
	_ =	strace $0x80000049;
	[dreg:$0x1] =	wrdreg $0xFFFFFFFF  }
0xb7: {  	s28 =	simm.s32 $_size_execute0_lowered;
	s5 =	sadd.s32 s5, s7;
	[dreg:$0x0] =	wrdreg $0x0  }
0xb8: {  	s7 =	sshll.u32 s28, $0x1;
	[dreg:$0x2] =	wrdreg s5  }
0xb9: {  	[dreg:$0x3] =	wrdreg s7  }
0xba: {  	[dreg:$0x4] =	wrdreg $0xC0  }
0xbb: {  	_ =	task [dreg:s22], $0x5FFFF  }
0xbc: {  	[dreg:$0x1] =	wrdreg $0xFFFFFFFF  }
0xbd: {  	[dreg:$0x0] =	wrdreg $0x60  }
0xbe: {  	[dreg:$0x2] =	wrdreg s24  }
0xbf: {  	[dreg:$0x3] =	wrdreg s18  }
0xc0: {  	[dreg:$0x4] =	wrdreg s4  }
0xc1: {  	[dreg:$0x5] =	wrdreg $0x9  }
0xc2: {  	_ =	task.clear_ibuf [dreg:s22], $0x6FFFF;
	_ =	strace $0x90000049  }
0xc3: {  	s29 =	simm.s32 $0x9;
	_ =	strace $0x8000004B  }
0xc4: {  	_ =	swait.ge [sflag:s29], $0x1  }
0xc5: {  	[sflag:s29] =	ssyncadd.s32 $0xFFFFFFFF  }
0xc6: {  	_ =	strace $0x9000004B  }
0xc7: {  	_ =	sfence  }
0xc8: {  	s30 =	sld [smem:$0x0];
	_ =	sdelay $0x2  }
0xc9: {  	s31 =	sshll.u32 s1, $0xD;
	s1 =	sshrl.u32 s1, $0x2  }
0xca: {  	s4 =	sand.u32 $0x4000, s31;
	s1 =	sadd.s32 s1, s30  }
0xcb: {  	s0 =	sor.u32 s4, s0;
	s1 =	sshll.u32 s1, $0x11  }
0xcc: {  	s0 =	sor.u32 s1, s0  }
0xcd: {  	s0 =	sadd.s32 $0x8F2B, s0  }
0xce: {  	[sflag:s0] =	ssyncadd.remote.s32 $0x1  }
0xcf: {  	_ =	sfence.sel $0xFFFF  }
0xd0: {  	[dreg:$0x0] =	wrdreg $0xFFFFFFFF;
	(pc) =	sbr.abs _section_cstart, $3  }
0xd1: {  	[dreg:$0x1] =	wrdreg $0xFFFFFFFF  }
0xd2: {  	_ =	task.clear_ibuf [dreg:s22], $0x2FFFF;
	_ =	strace $0x9FFFFFFF  }
0xd3: {  	(tm) =	ssettm $0x7FFFFFFF  }
tec
execute0_lowered:
.L_overlay_start_1:
0x0: {  	(tag) =	ssettag $0x1  }
0x1: {  	s1 =	srdreg.scid  }
0x2: {  	s0 =	rddreg [dreg:$0x0];
	s3 =	stileid.u32;
	s2 =	sand.u32 $0x1, s1  }
0x3: {  	s1 =	rddreg [dreg:$0x2];
	s4 =	sshll.u32 s3, $0xB;
	s3 =	simm.s32 $0x0  }
0x4: {  	s8 =	sadd.s32 $0x8800, s0;
	s5 =	sshll.u32 s2, $0xA;
	[smem:$0x7FF] =	sst s3  }
0x5: {  	s2 =	ssub.s32 $0x2, s2;
	s5 =	sor.u32 s5, s4;
	_ =	strace $0x8000004A  }
0x6: {  	s4 =	sadd.s32 $0x3D4600, s0;
	s12 =	sshrl.u32 s2, $0x1;
	s6 =	sshrl.u32 s5, $0x3  }
0x7: {  	s5 =	sshll.u32 s5, $0x4;
	s2 =	ssub.s32 s2, s12;
	s7 =	sadd.s32 s6, s0  }
0x8: {  	s5 =	sadd.s32 s1, s5;
	s19 =	smul.u32 $0x280, s6;
	s20 =	sor.u32 $0x10, s6  }
0x9: {  	s22 =	sor.u32 $0x20, s6;
	s26 =	sor.u32 $0x30, s6;
	s30 =	sor.u32 $0x40, s6  }
0xa: {  	s7 =	sadd.s32 $0x2E00, s7;
	[dreg:$0x5] =	wrdreg s5;
	s31 =	sshll.u32 s30, $0x7  }
0xb: {  	s11 =	smul.u32 $0x280, s30;
	s30 =	simm.s32 $0x300;
	[dreg:$0x4] =	wrdreg s7  }
0xc: {  	s9 =	sshll.u32 s20, $0x7;
	s7 =	sadd.s32 s8, s19;
	[dreg:$0x19] =	wrdreg s30  }
0xd: {  	s23 =	sshll.u32 s22, $0x7;
	s21 =	sadd.s32 s1, s9;
	[dreg:$0x6] =	wrdreg s7  }
0xe: {  	s28 =	sshll.u32 s26, $0x7;
	s24 =	sadd.s32 s1, s23;
	[dreg:$0x7] =	wrdreg s21  }
0xf: {  	s15 =	sor.u32 $0x60, s6;
	s29 =	sadd.s32 s1, s28;
	[dreg:$0x9] =	wrdreg s24  }
0x10: {  	s16 =	sshll.u32 s15, $0x7;
	s10 =	sadd.s32 s1, s31;
	[dreg:$0xb] =	wrdreg s29  }
0x11: {  	s12 =	simm.s32 $0x4400;
	s17 =	sadd.s32 s1, s16;
	[dreg:$0xd] =	wrdreg s10  }
0x12: {  	s5 =	smul.u32 $0x280, s20;
	s28 =	simm.s32 $0x200;
	[dreg:$0x11] =	wrdreg s17  }
0x13: {  	s25 =	smul.u32 $0x280, s22;
	s31 =	simm.s32 $0x380;
	[dreg:$0x17] =	wrdreg s28  }
0x14: {  	s18 =	smul.u32 $0x280, s15;
	s5 =	sadd.s32 s8, s5;
	[dreg:$0x1a] =	wrdreg s31  }
0x15: {  	s13 =	sor.u32 $0x50, s6;
	s7 =	sadd.s32 s8, s25;
	[dreg:$0x8] =	wrdreg s5  }
0x16: {  	s19 =	sor.u32 $0x70, s6;
	s20 =	sadd.s32 s8, s18;
	[dreg:$0xa] =	wrdreg s7  }
0x17: {  	s6 =	sadd.s32 $0x3D4800, s0;
	s24 =	simm.s32 $0x100;
	[dreg:$0x12] =	wrdreg s20  }
0x18: {  	s10 =	sshll.u32 s13, $0x7;
	s25 =	simm.s32 $0x180;
	[dreg:$0x15] =	wrdreg s24  }
0x19: {  	s21 =	sshll.u32 s19, $0x7;
	s29 =	simm.s32 $0x280;
	[dreg:$0x16] =	wrdreg s25  }
0x1a: {  	s5 =	smul.u32 $0x280, s26;
	s7 =	sadd.s32 s8, s11;
	[dreg:$0x18] =	wrdreg s29  }
0x1b: {  	s22 =	smul.u32 $0x280, s19;
	s14 =	sadd.s32 s1, s10;
	[dreg:$0xe] =	wrdreg s7  }
0x1c: {  	s1 =	sadd.s32 s1, s21;
	[dreg:$0xf] =	wrdreg s14;
	s5 =	sadd.s32 s8, s5  }
0x1d: {  	s26 =	simm.s32 $0x400;
	[dreg:$0xc] =	wrdreg s5;
	s5 =	smul.u32 $0x280, s13  }
0x1e: {  	v2 =	vlaneseq.u32;
	s11 =	simm.s32 $0x1;
	[dreg:$0x13] =	wrdreg s1;
	s23 =	sadd.s32 s8, s22  }
0x1f: {  	vm0 =	vmmov $0xffff;
	vm1 =	vmmov $0xff;
	v1 =	vshrl.u32 v2, $0x3;
	s1 =	smax.u32 s2, $0x1;
	[dreg:$0x14] =	wrdreg s23;
	s5 =	sadd.s32 s8, s5  }
0x20: {  	v0 =	vand.u32 $0x7, v2;
	v2 =	vor.u32 $0x8, v2;
	v1 =	vmul.u32 $0x8, v1;
	s8 =	simm.s32 $0x2;
	[dreg:$0x10] =	wrdreg s5;
	s5 =	sadd.s32 $0x3D4700, s0  }
.LBB2_1:
0x21: {  	[dreg:$0x1b] =	wrdreg s1  }
0x22: {  	s16 =	rddreg [dreg:$0x4]  }
0x23: {  	[tilespmem:s3], [sflag:$0x2] =	stream.linear.gather [hbm4b:s16+s3], $0x400, $0x38;
	[tilespmem:$0x18400] =	vst v63  }
0x24: {  	_ =	swait.ge [sflag:s8], $0x400  }
0x25: {  	[sflag:s8] =	ssyncset.done $0x0  }
0x26: {  	[sflag:s8] =	ssyncadd.s32 $0xFFFFFC00  }
0x27: {  	s0 =	simm.s32 $0x80;
	s1 =	rddreg [dreg:$0x1]  }
0x28: {  	[tilespmem:s26], [sflag:$0x1] =	stream.indirect.gather [hbm4b:s1+s0], $0x80, s3, s0, $0xb8;
	[tilespmem:$0x18400] =	vst v63  }
0x29: {  	_ =	swait.ge [sflag:s11], $0x4000  }
0x2a: {  	[sflag:s11] =	ssyncset.done $0x0  }
0x2b: {  	s15 =	rddreg [dreg:$0x5];
	[sflag:s11] =	ssyncadd.s32 $0xFFFFC000  }
0x2c: {  	[hbm4b:s15+s3] =	stream.linear.scatter [tilespmem:s26], [sflag:$0x2], $0x4000, $0x38;
	[tilespmem:$0x18400] =	vst v63  }
0x2d: {  	_ =	swait.ge [sflag:s8], $0x4000  }
0x2e: {  	[sflag:s8] =	ssyncset.done $0x0  }
0x2f: {  	[sflag:s8] =	ssyncadd.s32 $0xFFFFC000  }
0x30: {  	v3 =	vld [tilespmem:$0x0];
	_ =	sdelay $0x4  }
0x31: {  	v4 =	vshrl.u32 v3, $0x3  }
0x32: {  	v4 =	vmul.u32 $0x28, v4  }
0x33: {  	v3 =	vand.u32 $0x7, v3  }
0x34: {  	v3 =	vor.u32 v3, v4  }
0x35: {  	v4 =	vperm.xlane v3, v0;
	_ =	sdelay $0x1  }
0x36: {  	v4 =	vadd.s32 v1, v4;
	_ =	sdelay $0x3  }
0x37: {  	v3 =	vperm.xlane v3, v2  }
0x38: {  	[tilespmem:s12], [sflag:$0x1] =	stream.indirect_vreg.gather [hbm4b:s4+s3], $0x80, v4, vm0, $0xb8;
	[tilespmem:$0x18400] =	vst v63  }
0x39: {  	s16 =	simm.s32 $0x4C00;
	v3 =	vadd.s32 v1, v3  }
0x3a: {  	[tilespmem:s16], [sflag:$0x1] =	stream.indirect_vreg.gather [hbm4b:s5+s3], $0x80, v4, vm0, $0xb8;
	[tilespmem:$0x18400] =	vst v63  }
0x3b: {  	s17 =	simm.s32 $0x5400  }
0x3c: {  	[tilespmem:s17], [sflag:$0x1] =	stream.indirect_vreg.gather [hbm4b:s6+s3], $0x80, v4, vm1, $0xb8;
	[tilespmem:$0x18400] =	vst v63  }
0x3d: {  	s18 =	simm.s32 $0x5800  }
0x3e: {  	[tilespmem:s18], [sflag:$0x1] =	stream.indirect_vreg.gather [hbm4b:s4+s3], $0x80, v3, vm0, $0xb8;
	[tilespmem:$0x18400] =	vst v63  }
0x3f: {  	s19 =	simm.s32 $0x6000  }
0x40: {  	[tilespmem:s19], [sflag:$0x1] =	stream.indirect_vreg.gather [hbm4b:s5+s3], $0x80, v3, vm0, $0xb8;
	[tilespmem:$0x18400] =	vst v63  }
0x41: {  	s20 =	simm.s32 $0x6800  }
0x42: {  	[tilespmem:s20], [sflag:$0x1] =	stream.indirect_vreg.gather [hbm4b:s6+s3], $0x80, v3, vm1, $0xb8;
	[tilespmem:$0x18400] =	vst v63  }
0x43: {  	v3 =	vld [tilespmem:$0x10];
	_ =	sdelay $0x4  }
0x44: {  	v57 =	vshrl.u32 v3, $0x3  }
0x45: {  	v4 =	vmul.u32 $0x28, v57  }
0x46: {  	v3 =	vand.u32 $0x7, v3  }
0x47: {  	v3 =	vor.u32 v3, v4  }
0x48: {  	v4 =	vperm.xlane v3, v0;
	_ =	sdelay $0x1  }
0x49: {  	v4 =	vadd.s32 v1, v4;
	_ =	sdelay $0x3  }
0x4a: {  	s21 =	simm.s32 $0x6C00;
	v3 =	vperm.xlane v3, v2  }
0x4b: {  	[tilespmem:s21], [sflag:$0x1] =	stream.indirect_vreg.gather [hbm4b:s4+s3], $0x80, v4, vm0, $0xb8;
	[tilespmem:$0x18400] =	vst v63  }
0x4c: {  	s22 =	simm.s32 $0x7400;
	v3 =	vadd.s32 v1, v3  }
0x4d: {  	[tilespmem:s22], [sflag:$0x1] =	stream.indirect_vreg.gather [hbm4b:s5+s3], $0x80, v4, vm0, $0xb8;
	[tilespmem:$0x18400] =	vst v63  }
0x4e: {  	s23 =	simm.s32 $0x7C00  }
0x4f: {  	[tilespmem:s23], [sflag:$0x1] =	stream.indirect_vreg.gather [hbm4b:s6+s3], $0x80, v4, vm1, $0xb8;
	[tilespmem:$0x18400] =	vst v63  }
0x50: {  	s24 =	simm.s32 $0x8000  }
0x51: {  	[tilespmem:s24], [sflag:$0x1] =	stream.indirect_vreg.gather [hbm4b:s4+s3], $0x80, v3, vm0, $0xb8;
	[tilespmem:$0x18400] =	vst v63  }
0x52: {  	s25 =	simm.s32 $0x8800  }
0x53: {  	[tilespmem:s25], [sflag:$0x1] =	stream.indirect_vreg.gather [hbm4b:s5+s3], $0x80, v3, vm0, $0xb8;
	[tilespmem:$0x18400] =	vst v63  }
0x54: {  	s28 =	simm.s32 $0x9000  }
0x55: {  	[tilespmem:s28], [sflag:$0x1] =	stream.indirect_vreg.gather [hbm4b:s6+s3], $0x80, v3, vm1, $0xb8;
	[tilespmem:$0x18400] =	vst v63  }
0x56: {  	v3 =	vld [tilespmem:$0x20];
	_ =	sdelay $0x4  }
0x57: {  	v58 =	vshrl.u32 v3, $0x3  }
0x58: {  	v4 =	vmul.u32 $0x28, v58  }
0x59: {  	v3 =	vand.u32 $0x7, v3  }
0x5a: {  	v3 =	vor.u32 v3, v4  }
0x5b: {  	v4 =	vperm.xlane v3, v0;
	_ =	sdelay $0x1  }
0x5c: {  	v4 =	vadd.s32 v1, v4;
	_ =	sdelay $0x3  }
0x5d: {  	s29 =	simm.s32 $0x9400;
	v3 =	vperm.xlane v3, v2  }
0x5e: {  	[tilespmem:s29], [sflag:$0x1] =	stream.indirect_vreg.gather [hbm4b:s4+s3], $0x80, v4, vm0, $0xb8;
	[tilespmem:$0x18400] =	vst v63  }
0x5f: {  	s10 =	simm.s32 $0x9C00;
	v3 =	vadd.s32 v1, v3  }
0x60: {  	[tilespmem:s10], [sflag:$0x1] =	stream.indirect_vreg.gather [hbm4b:s5+s3], $0x80, v4, vm0, $0xb8;
	[tilespmem:$0x18400] =	vst v63  }
0x61: {  	s14 =	simm.s32 $0xA400  }
0x62: {  	[tilespmem:s14], [sflag:$0x1] =	stream.indirect_vreg.gather [hbm4b:s6+s3], $0x80, v4, vm1, $0xb8;
	[tilespmem:$0x18400] =	vst v63  }
0x63: {  	s15 =	simm.s32 $0xA800  }
0x64: {  	[tilespmem:s15], [sflag:$0x1] =	stream.indirect_vreg.gather [hbm4b:s4+s3], $0x80, v3, vm0, $0xb8;
	[tilespmem:$0x18400] =	vst v63  }
0x65: {  	s16 =	simm.s32 $0xB000  }
0x66: {  	[tilespmem:s16], [sflag:$0x1] =	stream.indirect_vreg.gather [hbm4b:s5+s3], $0x80, v3, vm0, $0xb8;
	[tilespmem:$0x18400] =	vst v63  }
0x67: {  	s17 =	simm.s32 $0xB800  }
0x68: {  	[tilespmem:s17], [sflag:$0x1] =	stream.indirect_vreg.gather [hbm4b:s6+s3], $0x80, v3, vm1, $0xb8;
	[tilespmem:$0x18400] =	vst v63  }
0x69: {  	v3 =	vld [tilespmem:$0x30];
	_ =	sdelay $0x4  }
0x6a: {  	v59 =	vshrl.u32 v3, $0x3  }
0x6b: {  	v4 =	vmul.u32 $0x28, v59  }
0x6c: {  	v3 =	vand.u32 $0x7, v3  }
0x6d: {  	v3 =	vor.u32 v3, v4  }
0x6e: {  	v4 =	vperm.xlane v3, v0;
	_ =	sdelay $0x1  }
0x6f: {  	v4 =	vadd.s32 v1, v4;
	_ =	sdelay $0x3  }
0x70: {  	s18 =	simm.s32 $0xBC00;
	v3 =	vperm.xlane v3, v2  }
0x71: {  	[tilespmem:s18], [sflag:$0x1] =	stream.indirect_vreg.gather [hbm4b:s4+s3], $0x80, v4, vm0, $0xb8;
	[tilespmem:$0x18400] =	vst v63  }
0x72: {  	s19 =	simm.s32 $0xC400;
	v3 =	vadd.s32 v1, v3  }
0x73: {  	[tilespmem:s19], [sflag:$0x1] =	stream.indirect_vreg.gather [hbm4b:s5+s3], $0x80, v4, vm0, $0xb8;
	[tilespmem:$0x18400] =	vst v63  }
0x74: {  	s20 =	simm.s32 $0xCC00  }
0x75: {  	[tilespmem:s20], [sflag:$0x1] =	stream.indirect_vreg.gather [hbm4b:s6+s3], $0x80, v4, vm1, $0xb8;
	[tilespmem:$0x18400] =	vst v63  }
0x76: {  	s21 =	simm.s32 $0xD000  }
0x77: {  	[tilespmem:s21], [sflag:$0x1] =	stream.indirect_vreg.gather [hbm4b:s4+s3], $0x80, v3, vm0, $0xb8;
	[tilespmem:$0x18400] =	vst v63  }
0x78: {  	s22 =	simm.s32 $0xD800  }
0x79: {  	[tilespmem:s22], [sflag:$0x1] =	stream.indirect_vreg.gather [hbm4b:s5+s3], $0x80, v3, vm0, $0xb8;
	[tilespmem:$0x18400] =	vst v63  }
0x7a: {  	s23 =	simm.s32 $0xE000  }
0x7b: {  	[tilespmem:s23], [sflag:$0x1] =	stream.indirect_vreg.gather [hbm4b:s6+s3], $0x80, v3, vm1, $0xb8;
	[tilespmem:$0x18400] =	vst v63  }
0x7c: {  	v3 =	vld [tilespmem:$0x40];
	_ =	sdelay $0x4  }
0x7d: {  	v60 =	vshrl.u32 v3, $0x3  }
0x7e: {  	v4 =	vmul.u32 $0x28, v60  }
0x7f: {  	v3 =	vand.u32 $0x7, v3  }
0x80: {  	v3 =	vor.u32 v3, v4  }
0x81: {  	v4 =	vperm.xlane v3, v0;
	_ =	sdelay $0x1  }
0x82: {  	v4 =	vadd.s32 v1, v4;
	_ =	sdelay $0x3  }
0x83: {  	s25 =	simm.s32 $0xE400;
	v3 =	vperm.xlane v3, v2  }
0x84: {  	[tilespmem:s25], [sflag:$0x1] =	stream.indirect_vreg.gather [hbm4b:s4+s3], $0x80, v4, vm0, $0xb8;
	[tilespmem:$0x18400] =	vst v63  }
0x85: {  	s28 =	simm.s32 $0xEC00;
	v3 =	vadd.s32 v1, v3  }
0x86: {  	[tilespmem:s28], [sflag:$0x1] =	stream.indirect_vreg.gather [hbm4b:s5+s3], $0x80, v4, vm0, $0xb8;
	[tilespmem:$0x18400] =	vst v63  }
0x87: {  	s0 =	simm.s32 $0xF400  }
0x88: {  	[tilespmem:s0], [sflag:$0x1] =	stream.indirect_vreg.gather [hbm4b:s6+s3], $0x80, v4, vm1, $0xb8;
	[tilespmem:$0x18400] =	vst v63  }
0x89: {  	s10 =	simm.s32 $0xF800  }
0x8a: {  	[tilespmem:s10], [sflag:$0x1] =	stream.indirect_vreg.gather [hbm4b:s4+s3], $0x80, v3, vm0, $0xb8;
	[tilespmem:$0x18400] =	vst v63  }
0x8b: {  	s17 =	simm.s32 $0x10000  }
0x8c: {  	[tilespmem:s17], [sflag:$0x1] =	stream.indirect_vreg.gather [hbm4b:s5+s3], $0x80, v3, vm0, $0xb8;
	[tilespmem:$0x18400] =	vst v63  }
0x8d: {  	s18 =	simm.s32 $0x10800  }
0x8e: {  	[tilespmem:s18], [sflag:$0x1] =	stream.indirect_vreg.gather [hbm4b:s6+s3], $0x80, v3, vm1, $0xb8;
	[tilespmem:$0x18400] =	vst v63  }
0x8f: {  	v3 =	vld [tilespmem:$0x50];
	_ =	sdelay $0x4  }
0x90: {  	v61 =	vshrl.u32 v3, $0x3  }
0x91: {  	v4 =	vmul.u32 $0x28, v61  }
0x92: {  	v3 =	vand.u32 $0x7, v3  }
0x93: {  	v3 =	vor.u32 v3, v4  }
0x94: {  	v4 =	vperm.xlane v3, v0;
	_ =	sdelay $0x1  }
0x95: {  	v4 =	vadd.s32 v1, v4;
	_ =	sdelay $0x3  }
0x96: {  	s19 =	simm.s32 $0x10C00;
	v3 =	vperm.xlane v3, v2  }
0x97: {  	[tilespmem:s19], [sflag:$0x1] =	stream.indirect_vreg.gather [hbm4b:s4+s3], $0x80, v4, vm0, $0xb8;
	[tilespmem:$0x18400] =	vst v63  }
0x98: {  	s20 =	simm.s32 $0x11400;
	v3 =	vadd.s32 v1, v3  }
0x99: {  	[tilespmem:s20], [sflag:$0x1] =	stream.indirect_vreg.gather [hbm4b:s5+s3], $0x80, v4, vm0, $0xb8;
	[tilespmem:$0x18400] =	vst v63  }
0x9a: {  	s21 =	simm.s32 $0x11C00  }
0x9b: {  	[tilespmem:s21], [sflag:$0x1] =	stream.indirect_vreg.gather [hbm4b:s6+s3], $0x80, v4, vm1, $0xb8;
	[tilespmem:$0x18400] =	vst v63  }
0x9c: {  	s22 =	simm.s32 $0x12000  }
0x9d: {  	[tilespmem:s22], [sflag:$0x1] =	stream.indirect_vreg.gather [hbm4b:s4+s3], $0x80, v3, vm0, $0xb8;
	[tilespmem:$0x18400] =	vst v63  }
0x9e: {  	s23 =	simm.s32 $0x12800  }
0x9f: {  	[tilespmem:s23], [sflag:$0x1] =	stream.indirect_vreg.gather [hbm4b:s5+s3], $0x80, v3, vm0, $0xb8;
	[tilespmem:$0x18400] =	vst v63  }
0xa0: {  	s25 =	simm.s32 $0x13000  }
0xa1: {  	[tilespmem:s25], [sflag:$0x1] =	stream.indirect_vreg.gather [hbm4b:s6+s3], $0x80, v3, vm1, $0xb8;
	[tilespmem:$0x18400] =	vst v63  }
0xa2: {  	v3 =	vld [tilespmem:$0x60];
	_ =	sdelay $0x4  }
0xa3: {  	v62 =	vshrl.u32 v3, $0x3  }
0xa4: {  	v4 =	vmul.u32 $0x28, v62  }
0xa5: {  	v3 =	vand.u32 $0x7, v3  }
0xa6: {  	v3 =	vor.u32 v3, v4  }
0xa7: {  	v4 =	vperm.xlane v3, v0;
	_ =	sdelay $0x1  }
0xa8: {  	v4 =	vadd.s32 v1, v4;
	_ =	sdelay $0x3  }
0xa9: {  	s28 =	simm.s32 $0x13400;
	v3 =	vperm.xlane v3, v2  }
0xaa: {  	[tilespmem:s28], [sflag:$0x1] =	stream.indirect_vreg.gather [hbm4b:s4+s3], $0x80, v4, vm0, $0xb8;
	[tilespmem:$0x18400] =	vst v63  }
0xab: {  	s0 =	simm.s32 $0x13C00;
	v3 =	vadd.s32 v1, v3  }
0xac: {  	[tilespmem:s0], [sflag:$0x1] =	stream.indirect_vreg.gather [hbm4b:s5+s3], $0x80, v4, vm0, $0xb8;
	[tilespmem:$0x18400] =	vst v63  }
0xad: {  	s10 =	simm.s32 $0x14400  }
0xae: {  	[tilespmem:s10], [sflag:$0x1] =	stream.indirect_vreg.gather [hbm4b:s6+s3], $0x80, v4, vm1, $0xb8;
	[tilespmem:$0x18400] =	vst v63  }
0xaf: {  	s21 =	simm.s32 $0x14800  }
0xb0: {  	[tilespmem:s21], [sflag:$0x1] =	stream.indirect_vreg.gather [hbm4b:s4+s3], $0x80, v3, vm0, $0xb8;
	[tilespmem:$0x18400] =	vst v63  }
0xb1: {  	s22 =	simm.s32 $0x15000  }
0xb2: {  	[tilespmem:s22], [sflag:$0x1] =	stream.indirect_vreg.gather [hbm4b:s5+s3], $0x80, v3, vm0, $0xb8;
	[tilespmem:$0x18400] =	vst v63  }
0xb3: {  	s23 =	simm.s32 $0x15800  }
0xb4: {  	[tilespmem:s23], [sflag:$0x1] =	stream.indirect_vreg.gather [hbm4b:s6+s3], $0x80, v3, vm1, $0xb8;
	[tilespmem:$0x18400] =	vst v63  }
0xb5: {  	v3 =	vld [tilespmem:$0x70];
	_ =	sdelay $0x4  }
0xb6: {  	v63 =	vshrl.u32 v3, $0x3  }
0xb7: {  	v4 =	vmul.u32 $0x28, v63  }
0xb8: {  	v3 =	vand.u32 $0x7, v3  }
0xb9: {  	v3 =	vor.u32 v3, v4  }
0xba: {  	v4 =	vperm.xlane v3, v0;
	_ =	sdelay $0x1  }
0xbb: {  	v4 =	vadd.s32 v1, v4;
	_ =	sdelay $0x3  }
0xbc: {  	s25 =	simm.s32 $0x15C00;
	v3 =	vperm.xlane v3, v2  }
0xbd: {  	[tilespmem:s25], [sflag:$0x1] =	stream.indirect_vreg.gather [hbm4b:s4+s3], $0x80, v4, vm0, $0xb8;
	[tilespmem:$0x18400] =	vst v63  }
0xbe: {  	s28 =	simm.s32 $0x16400;
	v3 =	vadd.s32 v1, v3  }
0xbf: {  	[tilespmem:s28], [sflag:$0x1] =	stream.indirect_vreg.gather [hbm4b:s5+s3], $0x80, v4, vm0, $0xb8;
	[tilespmem:$0x18400] =	vst v63  }
0xc0: {  	s0 =	simm.s32 $0x16C00  }
0xc1: {  	[tilespmem:s0], [sflag:$0x1] =	stream.indirect_vreg.gather [hbm4b:s6+s3], $0x80, v4, vm1, $0xb8;
	[tilespmem:$0x18400] =	vst v63  }
0xc2: {  	s10 =	simm.s32 $0x17000  }
0xc3: {  	[tilespmem:s10], [sflag:$0x1] =	stream.indirect_vreg.gather [hbm4b:s4+s3], $0x80, v3, vm0, $0xb8;
	[tilespmem:$0x18400] =	vst v63  }
0xc4: {  	s23 =	simm.s32 $0x17800  }
0xc5: {  	[tilespmem:s23], [sflag:$0x1] =	stream.indirect_vreg.gather [hbm4b:s5+s3], $0x80, v3, vm0, $0xb8;
	[tilespmem:$0x18400] =	vst v63  }
0xc6: {  	s25 =	simm.s32 $0x18000  }
0xc7: {  	[tilespmem:s25], [sflag:$0x1] =	stream.indirect_vreg.gather [hbm4b:s6+s3], $0x80, v3, vm1, $0xb8;
	[tilespmem:$0x18400] =	vst v63  }
0xc8: {  	_ =	swait.ge [sflag:s11], $0x14000  }
0xc9: {  	[sflag:s11] =	ssyncset.done $0x0  }
0xca: {  	s0 =	rddreg [dreg:$0x6];
	[sflag:s11] =	ssyncadd.s32 $0xFFFEC000  }
0xcb: {  	[hbm4b:s0+s3] =	stream.linear.scatter [tilespmem:s12], [sflag:$0x2], $0x14000, $0x38;
	[tilespmem:$0x18400] =	vst v63  }
0xcc: {  	_ =	swait.ge [sflag:s8], $0x14000  }
0xcd: {  	[sflag:s8] =	ssyncset.done $0x0  }
0xce: {  	s9 =	simm.s32 $0x80;
	[sflag:s8] =	ssyncadd.s32 $0xFFFEC000  }
0xcf: {  	[tilespmem:s26], [sflag:$0x1] =	stream.indirect.gather [hbm4b:s1+s9], $0x80, s9, s9, $0xb8;
	[tilespmem:$0x18400] =	vst v63  }
0xd0: {  	_ =	swait.ge [sflag:s11], $0x4000  }
0xd1: {  	[sflag:s11] =	ssyncset.done $0x0  }
0xd2: {  	s10 =	rddreg [dreg:$0x7];
	[sflag:s11] =	ssyncadd.s32 $0xFFFFC000  }
0xd3: {  	[hbm4b:s10+s3] =	stream.linear.scatter [tilespmem:s26], [sflag:$0x2], $0x4000, $0x38;
	[tilespmem:$0x18400] =	vst v63  }
0xd4: {  	_ =	swait.ge [sflag:s8], $0x4000  }
0xd5: {  	[sflag:s8] =	ssyncset.done $0x0  }
0xd6: {  	[sflag:s8] =	ssyncadd.s32 $0xFFFFC000  }
0xd7: {  	v3 =	vld [tilespmem:$0x80];
	_ =	sdelay $0x4  }
0xd8: {  	v8 =	vshrl.u32 v3, $0x3  }
0xd9: {  	v4 =	vmul.u32 $0x28, v8  }
0xda: {  	v3 =	vand.u32 $0x7, v3  }
0xdb: {  	v3 =	vor.u32 v3, v4  }
0xdc: {  	v4 =	vperm.xlane v3, v0;
	_ =	sdelay $0x1  }
0xdd: {  	v4 =	vadd.s32 v1, v4;
	_ =	sdelay $0x3  }
0xde: {  	v3 =	vperm.xlane v3, v2  }
0xdf: {  	[tilespmem:s12], [sflag:$0x1] =	stream.indirect_vreg.gather [hbm4b:s4+s3], $0x80, v4, vm0, $0xb8;
	[tilespmem:$0x18400] =	vst v63  }
0xe0: {  	s30 =	simm.s32 $0x4C00;
	v3 =	vadd.s32 v1, v3  }
0xe1: {  	[tilespmem:s30], [sflag:$0x1] =	stream.indirect_vreg.gather [hbm4b:s5+s3], $0x80, v4, vm0, $0xb8;
	[tilespmem:$0x18400] =	vst v63  }
0xe2: {  	s31 =	simm.s32 $0x5400  }
0xe3: {  	[tilespmem:s31], [sflag:$0x1] =	stream.indirect_vreg.gather [hbm4b:s6+s3], $0x80, v4, vm1, $0xb8;
	[tilespmem:$0x18400] =	vst v63  }
0xe4: {  	s0 =	simm.s32 $0x5800  }
0xe5: {  	[tilespmem:s0], [sflag:$0x1] =	stream.indirect_vreg.gather [hbm4b:s4+s3], $0x80, v3, vm0, $0xb8;
	[tilespmem:$0x18400] =	vst v63  }
0xe6: {  	s25 =	simm.s32 $0x6000  }
0xe7: {  	[tilespmem:s25], [sflag:$0x1] =	stream.indirect_vreg.gather [hbm4b:s5+s3], $0x80, v3, vm0, $0xb8;
	[tilespmem:$0x18400] =	vst v63  }
0xe8: {  	s2 =	simm.s32 $0x6800  }
0xe9: {  	[tilespmem:s2], [sflag:$0x1] =	stream.indirect_vreg.gather [hbm4b:s6+s3], $0x80, v3, vm1, $0xb8;
	[tilespmem:$0x18400] =	vst v63  }
0xea: {  	v3 =	vld [tilespmem:$0x90];
	_ =	sdelay $0x4  }
0xeb: {  	v9 =	vshrl.u32 v3, $0x3  }
0xec: {  	v4 =	vmul.u32 $0x28, v9  }
0xed: {  	v3 =	vand.u32 $0x7, v3  }
0xee: {  	v3 =	vor.u32 v3, v4  }
0xef: {  	v4 =	vperm.xlane v3, v0;
	_ =	sdelay $0x1  }
0xf0: {  	v4 =	vadd.s32 v1, v4;
	_ =	sdelay $0x3  }
0xf1: {  	s7 =	simm.s32 $0x6C00;
	v3 =	vperm.xlane v3, v2  }
0xf2: {  	[tilespmem:s7], [sflag:$0x1] =	stream.indirect_vreg.gather [hbm4b:s4+s3], $0x80, v4, vm0, $0xb8;
	[tilespmem:$0x18400] =	vst v63  }
0xf3: {  	s2 =	simm.s32 $0x7400;
	v3 =	vadd.s32 v1, v3  }
0xf4: {  	[tilespmem:s2], [sflag:$0x1] =	stream.indirect_vreg.gather [hbm4b:s5+s3], $0x80, v4, vm0, $0xb8;
	[tilespmem:$0x18400] =	vst v63  }
0xf5: {  	s7 =	simm.s32 $0x7C00  }
0xf6: {  	[tilespmem:s7], [sflag:$0x1] =	stream.indirect_vreg.gather [hbm4b:s6+s3], $0x80, v4, vm1, $0xb8;
	[tilespmem:$0x18400] =	vst v63  }
0xf7: {  	s9 =	simm.s32 $0x8000  }
0xf8: {  	[tilespmem:s9], [sflag:$0x1] =	stream.indirect_vreg.gather [hbm4b:s4+s3], $0x80, v3, vm0, $0xb8;
	[tilespmem:$0x18400] =	vst v63  }
0xf9: {  	s10 =	simm.s32 $0x8800  }
0xfa: {  	[tilespmem:s10], [sflag:$0x1] =	stream.indirect_vreg.gather [hbm4b:s5+s3], $0x80, v3, vm0, $0xb8;
	[tilespmem:$0x18400] =	vst v63  }
0xfb: {  	s13 =	simm.s32 $0x9000  }
0xfc: {  	[tilespmem:s13], [sflag:$0x1] =	stream.indirect_vreg.gather [hbm4b:s6+s3], $0x80, v3, vm1, $0xb8;
	[tilespmem:$0x18400] =	vst v63  }
0xfd: {  	v3 =	vld [tilespmem:$0xA0];
	_ =	sdelay $0x4  }
0xfe: {  	v10 =	vshrl.u32 v3, $0x3  }
0xff: {  	v4 =	vmul.u32 $0x28, v10  }
0x100: {  	v3 =	vand.u32 $0x7, v3  }
0x101: {  	v3 =	vor.u32 v3, v4  }
0x102: {  	v4 =	vperm.xlane v3, v0;
	_ =	sdelay $0x1  }
0x103: {  	v4 =	vadd.s32 v1, v4;
	_ =	sdelay $0x3  }
0x104: {  	s24 =	simm.s32 $0x9400;
	v3 =	vperm.xlane v3, v2  }
0x105: {  	[tilespmem:s24], [sflag:$0x1] =	stream.indirect_vreg.gather [hbm4b:s4+s3], $0x80, v4, vm0, $0xb8;
	[tilespmem:$0x18400] =	vst v63  }
0x106: {  	s29 =	simm.s32 $0x9C00;
	v3 =	vadd.s32 v1, v3  }
0x107: {  	[tilespmem:s29], [sflag:$0x1] =	stream.indirect_vreg.gather [hbm4b:s5+s3], $0x80, v4, vm0, $0xb8;
	[tilespmem:$0x18400] =	vst v63  }
0x108: {  	s29 =	simm.s32 $0xA400  }
0x109: {  	[tilespmem:s29], [sflag:$0x1] =	stream.indirect_vreg.gather [hbm4b:s6+s3], $0x80, v4, vm1, $0xb8;
	[tilespmem:$0x18400] =	vst v63  }
0x10a: {  	s31 =	simm.s32 $0xA800  }
0x10b: {  	[tilespmem:s31], [sflag:$0x1] =	stream.indirect_vreg.gather [hbm4b:s4+s3], $0x80, v3, vm0, $0xb8;
	[tilespmem:$0x18400] =	vst v63  }
0x10c: {  	s30 =	simm.s32 $0xB000  }
0x10d: {  	[tilespmem:s30], [sflag:$0x1] =	stream.indirect_vreg.gather [hbm4b:s5+s3], $0x80, v3, vm0, $0xb8;
	[tilespmem:$0x18400] =	vst v63  }
0x10e: {  	s13 =	simm.s32 $0xB800  }
0x10f: {  	[tilespmem:s13], [sflag:$0x1] =	stream.indirect_vreg.gather [hbm4b:s6+s3], $0x80, v3, vm1, $0xb8;
	[tilespmem:$0x18400] =	vst v63  }
0x110: {  	v3 =	vld [tilespmem:$0xB0];
	_ =	sdelay $0x4  }
0x111: {  	v11 =	vshrl.u32 v3, $0x3  }
0x112: {  	v4 =	vmul.u32 $0x28, v11  }
0x113: {  	v3 =	vand.u32 $0x7, v3  }
0x114: {  	v3 =	vor.u32 v3, v4  }
0x115: {  	v4 =	vperm.xlane v3, v0;
	_ =	sdelay $0x1  }
0x116: {  	v4 =	vadd.s32 v1, v4;
	_ =	sdelay $0x3  }
0x117: {  	s24 =	simm.s32 $0xBC00;
	v3 =	vperm.xlane v3, v2  }
0x118: {  	[tilespmem:s24], [sflag:$0x1] =	stream.indirect_vreg.gather [hbm4b:s4+s3], $0x80, v4, vm0, $0xb8;
	[tilespmem:$0x18400] =	vst v63  }
0x119: {  	s16 =	simm.s32 $0xC400;
	v3 =	vadd.s32 v1, v3  }
0x11a: {  	[tilespmem:s16], [sflag:$0x1] =	stream.indirect_vreg.gather [hbm4b:s5+s3], $0x80, v4, vm0, $0xb8;
	[tilespmem:$0x18400] =	vst v63  }
0x11b: {  	s16 =	simm.s32 $0xCC00  }
0x11c: {  	[tilespmem:s16], [sflag:$0x1] =	stream.indirect_vreg.gather [hbm4b:s6+s3], $0x80, v4, vm1, $0xb8;
	[tilespmem:$0x18400] =	vst v63  }
0x11d: {  	s16 =	simm.s32 $0xD000  }
0x11e: {  	[tilespmem:s16], [sflag:$0x1] =	stream.indirect_vreg.gather [hbm4b:s4+s3], $0x80, v3, vm0, $0xb8;
	[tilespmem:$0x18400] =	vst v63  }
0x11f: {  	s16 =	simm.s32 $0xD800  }
0x120: {  	[tilespmem:s16], [sflag:$0x1] =	stream.indirect_vreg.gather [hbm4b:s5+s3], $0x80, v3, vm0, $0xb8;
	[tilespmem:$0x18400] =	vst v63  }
0x121: {  	s14 =	simm.s32 $0xE000  }
0x122: {  	[tilespmem:s14], [sflag:$0x1] =	stream.indirect_vreg.gather [hbm4b:s6+s3], $0x80, v3, vm1, $0xb8;
	[tilespmem:$0x18400] =	vst v63  }
0x123: {  	v3 =	vld [tilespmem:$0xC0];
	_ =	sdelay $0x4  }
0x124: {  	v12 =	vshrl.u32 v3, $0x3  }
0x125: {  	v4 =	vmul.u32 $0x28, v12  }
0x126: {  	v3 =	vand.u32 $0x7, v3  }
0x127: {  	v3 =	vor.u32 v3, v4  }
0x128: {  	v4 =	vperm.xlane v3, v0;
	_ =	sdelay $0x1  }
0x129: {  	v4 =	vadd.s32 v1, v4;
	_ =	sdelay $0x3  }
0x12a: {  	s15 =	simm.s32 $0xE400;
	v3 =	vperm.xlane v3, v2  }
0x12b: {  	[tilespmem:s15], [sflag:$0x1] =	stream.indirect_vreg.gather [hbm4b:s4+s3], $0x80, v4, vm0, $0xb8;
	[tilespmem:$0x18400] =	vst v63  }
0x12c: {  	s16 =	simm.s32 $0xEC00;
	v3 =	vadd.s32 v1, v3  }
0x12d: {  	[tilespmem:s16], [sflag:$0x1] =	stream.indirect_vreg.gather [hbm4b:s5+s3], $0x80, v4, vm0, $0xb8;
	[tilespmem:$0x18400] =	vst v63  }
0x12e: {  	s15 =	simm.s32 $0xF400  }
0x12f: {  	[tilespmem:s15], [sflag:$0x1] =	stream.indirect_vreg.gather [hbm4b:s6+s3], $0x80, v4, vm1, $0xb8;
	[tilespmem:$0x18400] =	vst v63  }
0x130: {  	s16 =	simm.s32 $0xF800  }
0x131: {  	[tilespmem:s16], [sflag:$0x1] =	stream.indirect_vreg.gather [hbm4b:s4+s3], $0x80, v3, vm0, $0xb8;
	[tilespmem:$0x18400] =	vst v63  }
0x132: {  	s16 =	simm.s32 $0x10000  }
0x133: {  	[tilespmem:s16], [sflag:$0x1] =	stream.indirect_vreg.gather [hbm4b:s5+s3], $0x80, v3, vm0, $0xb8;
	[tilespmem:$0x18400] =	vst v63  }
0x134: {  	s17 =	simm.s32 $0x10800  }
0x135: {  	[tilespmem:s17], [sflag:$0x1] =	stream.indirect_vreg.gather [hbm4b:s6+s3], $0x80, v3, vm1, $0xb8;
	[tilespmem:$0x18400] =	vst v63  }
0x136: {  	v3 =	vld [tilespmem:$0xD0];
	_ =	sdelay $0x4  }
0x137: {  	v13 =	vshrl.u32 v3, $0x3  }
0x138: {  	v4 =	vmul.u32 $0x28, v13  }
0x139: {  	v3 =	vand.u32 $0x7, v3  }
0x13a: {  	v3 =	vor.u32 v3, v4  }
0x13b: {  	v4 =	vperm.xlane v3, v0;
	_ =	sdelay $0x1  }
0x13c: {  	v4 =	vadd.s32 v1, v4;
	_ =	sdelay $0x3  }
0x13d: {  	s18 =	simm.s32 $0x10C00;
	v3 =	vperm.xlane v3, v2  }
0x13e: {  	[tilespmem:s18], [sflag:$0x1] =	stream.indirect_vreg.gather [hbm4b:s4+s3], $0x80, v4, vm0, $0xb8;
	[tilespmem:$0x18400] =	vst v63  }
0x13f: {  	s17 =	simm.s32 $0x11400;
	v3 =	vadd.s32 v1, v3  }
0x140: {  	[tilespmem:s17], [sflag:$0x1] =	stream.indirect_vreg.gather [hbm4b:s5+s3], $0x80, v4, vm0, $0xb8;
	[tilespmem:$0x18400] =	vst v63  }
0x141: {  	s18 =	simm.s32 $0x11C00  }
0x142: {  	[tilespmem:s18], [sflag:$0x1] =	stream.indirect_vreg.gather [hbm4b:s6+s3], $0x80, v4, vm1, $0xb8;
	[tilespmem:$0x18400] =	vst v63  }
0x143: {  	s16 =	simm.s32 $0x12000  }
0x144: {  	[tilespmem:s16], [sflag:$0x1] =	stream.indirect_vreg.gather [hbm4b:s4+s3], $0x80, v3, vm0, $0xb8;
	[tilespmem:$0x18400] =	vst v63  }
0x145: {  	s16 =	simm.s32 $0x12800  }
0x146: {  	[tilespmem:s16], [sflag:$0x1] =	stream.indirect_vreg.gather [hbm4b:s5+s3], $0x80, v3, vm0, $0xb8;
	[tilespmem:$0x18400] =	vst v63  }
0x147: {  	s19 =	simm.s32 $0x13000  }
0x148: {  	[tilespmem:s19], [sflag:$0x1] =	stream.indirect_vreg.gather [hbm4b:s6+s3], $0x80, v3, vm1, $0xb8;
	[tilespmem:$0x18400] =	vst v63  }
0x149: {  	v3 =	vld [tilespmem:$0xE0];
	_ =	sdelay $0x4  }
0x14a: {  	v14 =	vshrl.u32 v3, $0x3  }
0x14b: {  	v4 =	vmul.u32 $0x28, v14  }
0x14c: {  	v3 =	vand.u32 $0x7, v3  }
0x14d: {  	v3 =	vor.u32 v3, v4  }
0x14e: {  	v4 =	vperm.xlane v3, v0;
	_ =	sdelay $0x1  }
0x14f: {  	v4 =	vadd.s32 v1, v4;
	_ =	sdelay $0x3  }
0x150: {  	s20 =	simm.s32 $0x13400;
	v3 =	vperm.xlane v3, v2  }
0x151: {  	[tilespmem:s20], [sflag:$0x1] =	stream.indirect_vreg.gather [hbm4b:s4+s3], $0x80, v4, vm0, $0xb8;
	[tilespmem:$0x18400] =	vst v63  }
0x152: {  	s19 =	simm.s32 $0x13C00;
	v3 =	vadd.s32 v1, v3  }
0x153: {  	[tilespmem:s19], [sflag:$0x1] =	stream.indirect_vreg.gather [hbm4b:s5+s3], $0x80, v4, vm0, $0xb8;
	[tilespmem:$0x18400] =	vst v63  }
0x154: {  	s20 =	simm.s32 $0x14400  }
0x155: {  	[tilespmem:s20], [sflag:$0x1] =	stream.indirect_vreg.gather [hbm4b:s6+s3], $0x80, v4, vm1, $0xb8;
	[tilespmem:$0x18400] =	vst v63  }
0x156: {  	s16 =	simm.s32 $0x14800  }
0x157: {  	[tilespmem:s16], [sflag:$0x1] =	stream.indirect_vreg.gather [hbm4b:s4+s3], $0x80, v3, vm0, $0xb8;
	[tilespmem:$0x18400] =	vst v63  }
0x158: {  	s16 =	simm.s32 $0x15000  }
0x159: {  	[tilespmem:s16], [sflag:$0x1] =	stream.indirect_vreg.gather [hbm4b:s5+s3], $0x80, v3, vm0, $0xb8;
	[tilespmem:$0x18400] =	vst v63  }
0x15a: {  	s21 =	simm.s32 $0x15800  }
0x15b: {  	[tilespmem:s21], [sflag:$0x1] =	stream.indirect_vreg.gather [hbm4b:s6+s3], $0x80, v3, vm1, $0xb8;
	[tilespmem:$0x18400] =	vst v63  }
0x15c: {  	v3 =	vld [tilespmem:$0xF0];
	_ =	sdelay $0x4  }
0x15d: {  	v15 =	vshrl.u32 v3, $0x3  }
0x15e: {  	v4 =	vmul.u32 $0x28, v15  }
0x15f: {  	v3 =	vand.u32 $0x7, v3  }
0x160: {  	v3 =	vor.u32 v3, v4  }
0x161: {  	v4 =	vperm.xlane v3, v0;
	_ =	sdelay $0x1  }
0x162: {  	v4 =	vadd.s32 v1, v4;
	_ =	sdelay $0x3  }
0x163: {  	s22 =	simm.s32 $0x15C00;
	v3 =	vperm.xlane v3, v2  }
0x164: {  	[tilespmem:s22], [sflag:$0x1] =	stream.indirect_vreg.gather [hbm4b:s4+s3], $0x80, v4, vm0, $0xb8;
	[tilespmem:$0x18400] =	vst v63  }
0x165: {  	s21 =	simm.s32 $0x16400;
	v3 =	vadd.s32 v1, v3  }
0x166: {  	[tilespmem:s21], [sflag:$0x1] =	stream.indirect_vreg.gather [hbm4b:s5+s3], $0x80, v4, vm0, $0xb8;
	[tilespmem:$0x18400] =	vst v63  }
0x167: {  	s22 =	simm.s32 $0x16C00  }
0x168: {  	[tilespmem:s22], [sflag:$0x1] =	stream.indirect_vreg.gather [hbm4b:s6+s3], $0x80, v4, vm1, $0xb8;
	[tilespmem:$0x18400] =	vst v63  }
0x169: {  	s16 =	simm.s32 $0x17000  }
0x16a: {  	[tilespmem:s16], [sflag:$0x1] =	stream.indirect_vreg.gather [hbm4b:s4+s3], $0x80, v3, vm0, $0xb8;
	[tilespmem:$0x18400] =	vst v63  }
0x16b: {  	s28 =	simm.s32 $0x17800  }
0x16c: {  	[tilespmem:s28], [sflag:$0x1] =	stream.indirect_vreg.gather [hbm4b:s5+s3], $0x80, v3, vm0, $0xb8;
	[tilespmem:$0x18400] =	vst v63  }
0x16d: {  	s23 =	simm.s32 $0x18000  }
0x16e: {  	[tilespmem:s23], [sflag:$0x1] =	stream.indirect_vreg.gather [hbm4b:s6+s3], $0x80, v3, vm1, $0xb8;
	[tilespmem:$0x18400] =	vst v63  }
0x16f: {  	_ =	swait.ge [sflag:s11], $0x14000  }
0x170: {  	[sflag:s11] =	ssyncset.done $0x0  }
0x171: {  	s14 =	rddreg [dreg:$0x8];
	[sflag:s11] =	ssyncadd.s32 $0xFFFEC000  }
0x172: {  	[hbm4b:s14+s3] =	stream.linear.scatter [tilespmem:s12], [sflag:$0x2], $0x14000, $0x38;
	[tilespmem:$0x18400] =	vst v63  }
0x173: {  	_ =	swait.ge [sflag:s8], $0x14000  }
0x174: {  	[sflag:s8] =	ssyncset.done $0x0  }
0x175: {  	s14 =	simm.s32 $0x80;
	s16 =	rddreg [dreg:$0x15];
	[sflag:s8] =	ssyncadd.s32 $0xFFFEC000  }
0x176: {  	[tilespmem:s26], [sflag:$0x1] =	stream.indirect.gather [hbm4b:s1+s14], $0x80, s16, s14, $0xb8;
	[tilespmem:$0x18400] =	vst v63  }
0x177: {  	_ =	swait.ge [sflag:s11], $0x4000  }
0x178: {  	[sflag:s11] =	ssyncset.done $0x0  }
0x179: {  	s14 =	rddreg [dreg:$0x9];
	[sflag:s11] =	ssyncadd.s32 $0xFFFFC000  }
0x17a: {  	[hbm4b:s14+s3] =	stream.linear.scatter [tilespmem:s26], [sflag:$0x2], $0x4000, $0x38;
	[tilespmem:$0x18400] =	vst v63  }
0x17b: {  	_ =	swait.ge [sflag:s8], $0x4000  }
0x17c: {  	[sflag:s8] =	ssyncset.done $0x0  }
0x17d: {  	[sflag:s8] =	ssyncadd.s32 $0xFFFFC000  }
0x17e: {  	v3 =	vld [tilespmem:$0x100];
	_ =	sdelay $0x4  }
0x17f: {  	v16 =	vshrl.u32 v3, $0x3  }
0x180: {  	v4 =	vmul.u32 $0x28, v16  }
0x181: {  	v3 =	vand.u32 $0x7, v3  }
0x182: {  	v3 =	vor.u32 v3, v4  }
0x183: {  	v4 =	vperm.xlane v3, v0;
	_ =	sdelay $0x1  }
0x184: {  	v4 =	vadd.s32 v1, v4;
	_ =	sdelay $0x3  }
0x185: {  	v3 =	vperm.xlane v3, v2  }
0x186: {  	[tilespmem:s12], [sflag:$0x1] =	stream.indirect_vreg.gather [hbm4b:s4+s3], $0x80, v4, vm0, $0xb8;
	[tilespmem:$0x18400] =	vst v63  }
0x187: {  	s16 =	simm.s32 $0x4C00;
	v3 =	vadd.s32 v1, v3  }
0x188: {  	[tilespmem:s16], [sflag:$0x1] =	stream.indirect_vreg.gather [hbm4b:s5+s3], $0x80, v4, vm0, $0xb8;
	[tilespmem:$0x18400] =	vst v63  }
0x189: {  	s16 =	simm.s32 $0x5400  }
0x18a: {  	[tilespmem:s16], [sflag:$0x1] =	stream.indirect_vreg.gather [hbm4b:s6+s3], $0x80, v4, vm1, $0xb8;
	[tilespmem:$0x18400] =	vst v63  }
0x18b: {  	_ = 	snop  }
0x18c: {  	[tilespmem:s0], [sflag:$0x1] =	stream.indirect_vreg.gather [hbm4b:s4+s3], $0x80, v3, vm0, $0xb8;
	[tilespmem:$0x18400] =	vst v63  }
0x18d: {  	_ = 	snop  }
0x18e: {  	[tilespmem:s25], [sflag:$0x1] =	stream.indirect_vreg.gather [hbm4b:s5+s3], $0x80, v3, vm0, $0xb8;
	[tilespmem:$0x18400] =	vst v63  }
0x18f: {  	s16 =	simm.s32 $0x6800  }
0x190: {  	[tilespmem:s16], [sflag:$0x1] =	stream.indirect_vreg.gather [hbm4b:s6+s3], $0x80, v3, vm1, $0xb8;
	[tilespmem:$0x18400] =	vst v63  }
0x191: {  	v3 =	vld [tilespmem:$0x110];
	_ =	sdelay $0x4  }
0x192: {  	v17 =	vshrl.u32 v3, $0x3  }
0x193: {  	v4 =	vmul.u32 $0x28, v17  }
0x194: {  	v3 =	vand.u32 $0x7, v3  }
0x195: {  	v3 =	vor.u32 v3, v4  }
0x196: {  	v4 =	vperm.xlane v3, v0;
	_ =	sdelay $0x1  }
0x197: {  	v4 =	vadd.s32 v1, v4;
	_ =	sdelay $0x3  }
0x198: {  	s14 =	simm.s32 $0x6C00;
	v3 =	vperm.xlane v3, v2  }
0x199: {  	[tilespmem:s14], [sflag:$0x1] =	stream.indirect_vreg.gather [hbm4b:s4+s3], $0x80, v4, vm0, $0xb8;
	[tilespmem:$0x18400] =	vst v63  }
0x19a: {  	v3 =	vadd.s32 v1, v3  }
0x19b: {  	[tilespmem:s2], [sflag:$0x1] =	stream.indirect_vreg.gather [hbm4b:s5+s3], $0x80, v4, vm0, $0xb8;
	[tilespmem:$0x18400] =	vst v63  }
0x19c: {  	_ = 	snop  }
0x19d: {  	[tilespmem:s7], [sflag:$0x1] =	stream.indirect_vreg.gather [hbm4b:s6+s3], $0x80, v4, vm1, $0xb8;
	[tilespmem:$0x18400] =	vst v63  }
0x19e: {  	_ = 	snop  }
0x19f: {  	[tilespmem:s9], [sflag:$0x1] =	stream.indirect_vreg.gather [hbm4b:s4+s3], $0x80, v3, vm0, $0xb8;
	[tilespmem:$0x18400] =	vst v63  }
0x1a0: {  	_ = 	snop  }
0x1a1: {  	[tilespmem:s10], [sflag:$0x1] =	stream.indirect_vreg.gather [hbm4b:s5+s3], $0x80, v3, vm0, $0xb8;
	[tilespmem:$0x18400] =	vst v63  }
0x1a2: {  	s16 =	simm.s32 $0x9000  }
0x1a3: {  	[tilespmem:s16], [sflag:$0x1] =	stream.indirect_vreg.gather [hbm4b:s6+s3], $0x80, v3, vm1, $0xb8;
	[tilespmem:$0x18400] =	vst v63  }
0x1a4: {  	v3 =	vld [tilespmem:$0x120];
	_ =	sdelay $0x4  }
0x1a5: {  	v18 =	vshrl.u32 v3, $0x3  }
0x1a6: {  	v4 =	vmul.u32 $0x28, v18  }
0x1a7: {  	v3 =	vand.u32 $0x7, v3  }
0x1a8: {  	v3 =	vor.u32 v3, v4  }
0x1a9: {  	v4 =	vperm.xlane v3, v0;
	_ =	sdelay $0x1  }
0x1aa: {  	v4 =	vadd.s32 v1, v4;
	_ =	sdelay $0x3  }
0x1ab: {  	s14 =	simm.s32 $0x9400;
	v3 =	vperm.xlane v3, v2  }
0x1ac: {  	[tilespmem:s14], [sflag:$0x1] =	stream.indirect_vreg.gather [hbm4b:s4+s3], $0x80, v4, vm0, $0xb8;
	[tilespmem:$0x18400] =	vst v63  }
0x1ad: {  	s16 =	simm.s32 $0x9C00;
	v3 =	vadd.s32 v1, v3  }
0x1ae: {  	[tilespmem:s16], [sflag:$0x1] =	stream.indirect_vreg.gather [hbm4b:s5+s3], $0x80, v4, vm0, $0xb8;
	[tilespmem:$0x18400] =	vst v63  }
0x1af: {  	_ = 	snop  }
0x1b0: {  	[tilespmem:s29], [sflag:$0x1] =	stream.indirect_vreg.gather [hbm4b:s6+s3], $0x80, v4, vm1, $0xb8;
	[tilespmem:$0x18400] =	vst v63  }
0x1b1: {  	_ = 	snop  }
0x1b2: {  	[tilespmem:s31], [sflag:$0x1] =	stream.indirect_vreg.gather [hbm4b:s4+s3], $0x80, v3, vm0, $0xb8;
	[tilespmem:$0x18400] =	vst v63  }
0x1b3: {  	_ = 	snop  }
0x1b4: {  	[tilespmem:s30], [sflag:$0x1] =	stream.indirect_vreg.gather [hbm4b:s5+s3], $0x80, v3, vm0, $0xb8;
	[tilespmem:$0x18400] =	vst v63  }
0x1b5: {  	_ = 	snop  }
0x1b6: {  	[tilespmem:s13], [sflag:$0x1] =	stream.indirect_vreg.gather [hbm4b:s6+s3], $0x80, v3, vm1, $0xb8;
	[tilespmem:$0x18400] =	vst v63  }
0x1b7: {  	v3 =	vld [tilespmem:$0x130];
	_ =	sdelay $0x4  }
0x1b8: {  	v19 =	vshrl.u32 v3, $0x3  }
0x1b9: {  	v4 =	vmul.u32 $0x28, v19  }
0x1ba: {  	v3 =	vand.u32 $0x7, v3  }
0x1bb: {  	v3 =	vor.u32 v3, v4  }
0x1bc: {  	v4 =	vperm.xlane v3, v0;
	_ =	sdelay $0x1  }
0x1bd: {  	v4 =	vadd.s32 v1, v4;
	_ =	sdelay $0x3  }
0x1be: {  	v3 =	vperm.xlane v3, v2  }
0x1bf: {  	[tilespmem:s24], [sflag:$0x1] =	stream.indirect_vreg.gather [hbm4b:s4+s3], $0x80, v4, vm0, $0xb8;
	[tilespmem:$0x18400] =	vst v63  }
0x1c0: {  	s29 =	simm.s32 $0xC400;
	v3 =	vadd.s32 v1, v3  }
0x1c1: {  	[tilespmem:s29], [sflag:$0x1] =	stream.indirect_vreg.gather [hbm4b:s5+s3], $0x80, v4, vm0, $0xb8;
	[tilespmem:$0x18400] =	vst v63  }
0x1c2: {  	s0 =	simm.s32 $0xCC00  }
0x1c3: {  	[tilespmem:s0], [sflag:$0x1] =	stream.indirect_vreg.gather [hbm4b:s6+s3], $0x80, v4, vm1, $0xb8;
	[tilespmem:$0x18400] =	vst v63  }
0x1c4: {  	s16 =	simm.s32 $0xD000  }
0x1c5: {  	[tilespmem:s16], [sflag:$0x1] =	stream.indirect_vreg.gather [hbm4b:s4+s3], $0x80, v3, vm0, $0xb8;
	[tilespmem:$0x18400] =	vst v63  }
0x1c6: {  	s0 =	simm.s32 $0xD800  }
0x1c7: {  	[tilespmem:s0], [sflag:$0x1] =	stream.indirect_vreg.gather [hbm4b:s5+s3], $0x80, v3, vm0, $0xb8;
	[tilespmem:$0x18400] =	vst v63  }
0x1c8: {  	s16 =	simm.s32 $0xE000  }
0x1c9: {  	[tilespmem:s16], [sflag:$0x1] =	stream.indirect_vreg.gather [hbm4b:s6+s3], $0x80, v3, vm1, $0xb8;
	[tilespmem:$0x18400] =	vst v63  }
0x1ca: {  	v3 =	vld [tilespmem:$0x140];
	_ =	sdelay $0x4  }
0x1cb: {  	v20 =	vshrl.u32 v3, $0x3  }
0x1cc: {  	v4 =	vmul.u32 $0x28, v20  }
0x1cd: {  	v3 =	vand.u32 $0x7, v3  }
0x1ce: {  	v3 =	vor.u32 v3, v4  }
0x1cf: {  	v4 =	vperm.xlane v3, v0;
	_ =	sdelay $0x1  }
0x1d0: {  	v4 =	vadd.s32 v1, v4;
	_ =	sdelay $0x3  }
0x1d1: {  	s0 =	simm.s32 $0xE400;
	v3 =	vperm.xlane v3, v2  }
0x1d2: {  	[tilespmem:s0], [sflag:$0x1] =	stream.indirect_vreg.gather [hbm4b:s4+s3], $0x80, v4, vm0, $0xb8;
	[tilespmem:$0x18400] =	vst v63  }
0x1d3: {  	s16 =	simm.s32 $0xEC00;
	v3 =	vadd.s32 v1, v3  }
0x1d4: {  	[tilespmem:s16], [sflag:$0x1] =	stream.indirect_vreg.gather [hbm4b:s5+s3], $0x80, v4, vm0, $0xb8;
	[tilespmem:$0x18400] =	vst v63  }
0x1d5: {  	s15 =	simm.s32 $0xF400  }
0x1d6: {  	[tilespmem:s15], [sflag:$0x1] =	stream.indirect_vreg.gather [hbm4b:s6+s3], $0x80, v4, vm1, $0xb8;
	[tilespmem:$0x18400] =	vst v63  }
0x1d7: {  	s0 =	simm.s32 $0xF800  }
0x1d8: {  	[tilespmem:s0], [sflag:$0x1] =	stream.indirect_vreg.gather [hbm4b:s4+s3], $0x80, v3, vm0, $0xb8;
	[tilespmem:$0x18400] =	vst v63  }
0x1d9: {  	s0 =	simm.s32 $0x10000  }
0x1da: {  	[tilespmem:s0], [sflag:$0x1] =	stream.indirect_vreg.gather [hbm4b:s5+s3], $0x80, v3, vm0, $0xb8;
	[tilespmem:$0x18400] =	vst v63  }
0x1db: {  	s0 =	simm.s32 $0x10800  }
0x1dc: {  	[tilespmem:s0], [sflag:$0x1] =	stream.indirect_vreg.gather [hbm4b:s6+s3], $0x80, v3, vm1, $0xb8;
	[tilespmem:$0x18400] =	vst v63  }
0x1dd: {  	v3 =	vld [tilespmem:$0x150];
	_ =	sdelay $0x4  }
0x1de: {  	v21 =	vshrl.u32 v3, $0x3  }
0x1df: {  	v4 =	vmul.u32 $0x28, v21  }
0x1e0: {  	v3 =	vand.u32 $0x7, v3  }
0x1e1: {  	v3 =	vor.u32 v3, v4  }
0x1e2: {  	v4 =	vperm.xlane v3, v0;
	_ =	sdelay $0x1  }
0x1e3: {  	v4 =	vadd.s32 v1, v4;
	_ =	sdelay $0x3  }
0x1e4: {  	s0 =	simm.s32 $0x10C00;
	v3 =	vperm.xlane v3, v2  }
0x1e5: {  	[tilespmem:s0], [sflag:$0x1] =	stream.indirect_vreg.gather [hbm4b:s4+s3], $0x80, v4, vm0, $0xb8;
	[tilespmem:$0x18400] =	vst v63  }
0x1e6: {  	s17 =	simm.s32 $0x11400;
	v3 =	vadd.s32 v1, v3  }
0x1e7: {  	[tilespmem:s17], [sflag:$0x1] =	stream.indirect_vreg.gather [hbm4b:s5+s3], $0x80, v4, vm0, $0xb8;
	[tilespmem:$0x18400] =	vst v63  }
0x1e8: {  	s18 =	simm.s32 $0x11C00  }
0x1e9: {  	[tilespmem:s18], [sflag:$0x1] =	stream.indirect_vreg.gather [hbm4b:s6+s3], $0x80, v4, vm1, $0xb8;
	[tilespmem:$0x18400] =	vst v63  }
0x1ea: {  	s0 =	simm.s32 $0x12000  }
0x1eb: {  	[tilespmem:s0], [sflag:$0x1] =	stream.indirect_vreg.gather [hbm4b:s4+s3], $0x80, v3, vm0, $0xb8;
	[tilespmem:$0x18400] =	vst v63  }
0x1ec: {  	s0 =	simm.s32 $0x12800  }
0x1ed: {  	[tilespmem:s0], [sflag:$0x1] =	stream.indirect_vreg.gather [hbm4b:s5+s3], $0x80, v3, vm0, $0xb8;
	[tilespmem:$0x18400] =	vst v63  }
0x1ee: {  	s0 =	simm.s32 $0x13000  }
0x1ef: {  	[tilespmem:s0], [sflag:$0x1] =	stream.indirect_vreg.gather [hbm4b:s6+s3], $0x80, v3, vm1, $0xb8;
	[tilespmem:$0x18400] =	vst v63  }
0x1f0: {  	v3 =	vld [tilespmem:$0x160];
	_ =	sdelay $0x4  }
0x1f1: {  	v22 =	vshrl.u32 v3, $0x3  }
0x1f2: {  	v4 =	vmul.u32 $0x28, v22  }
0x1f3: {  	v3 =	vand.u32 $0x7, v3  }
0x1f4: {  	v3 =	vor.u32 v3, v4  }
0x1f5: {  	v4 =	vperm.xlane v3, v0;
	_ =	sdelay $0x1  }
0x1f6: {  	v4 =	vadd.s32 v1, v4;
	_ =	sdelay $0x3  }
0x1f7: {  	s0 =	simm.s32 $0x13400;
	v3 =	vperm.xlane v3, v2  }
0x1f8: {  	[tilespmem:s0], [sflag:$0x1] =	stream.indirect_vreg.gather [hbm4b:s4+s3], $0x80, v4, vm0, $0xb8;
	[tilespmem:$0x18400] =	vst v63  }
0x1f9: {  	s19 =	simm.s32 $0x13C00;
	v3 =	vadd.s32 v1, v3  }
0x1fa: {  	[tilespmem:s19], [sflag:$0x1] =	stream.indirect_vreg.gather [hbm4b:s5+s3], $0x80, v4, vm0, $0xb8;
	[tilespmem:$0x18400] =	vst v63  }
0x1fb: {  	s20 =	simm.s32 $0x14400  }
0x1fc: {  	[tilespmem:s20], [sflag:$0x1] =	stream.indirect_vreg.gather [hbm4b:s6+s3], $0x80, v4, vm1, $0xb8;
	[tilespmem:$0x18400] =	vst v63  }
0x1fd: {  	s0 =	simm.s32 $0x14800  }
0x1fe: {  	[tilespmem:s0], [sflag:$0x1] =	stream.indirect_vreg.gather [hbm4b:s4+s3], $0x80, v3, vm0, $0xb8;
	[tilespmem:$0x18400] =	vst v63  }
0x1ff: {  	s0 =	simm.s32 $0x15000  }
0x200: {  	[tilespmem:s0], [sflag:$0x1] =	stream.indirect_vreg.gather [hbm4b:s5+s3], $0x80, v3, vm0, $0xb8;
	[tilespmem:$0x18400] =	vst v63  }
0x201: {  	s0 =	simm.s32 $0x15800  }
0x202: {  	[tilespmem:s0], [sflag:$0x1] =	stream.indirect_vreg.gather [hbm4b:s6+s3], $0x80, v3, vm1, $0xb8;
	[tilespmem:$0x18400] =	vst v63  }
0x203: {  	v3 =	vld [tilespmem:$0x170];
	_ =	sdelay $0x4  }
0x204: {  	v23 =	vshrl.u32 v3, $0x3  }
0x205: {  	v4 =	vmul.u32 $0x28, v23  }
0x206: {  	v3 =	vand.u32 $0x7, v3  }
0x207: {  	v3 =	vor.u32 v3, v4  }
0x208: {  	v4 =	vperm.xlane v3, v0;
	_ =	sdelay $0x1  }
0x209: {  	v4 =	vadd.s32 v1, v4;
	_ =	sdelay $0x3  }
0x20a: {  	s0 =	simm.s32 $0x15C00;
	v3 =	vperm.xlane v3, v2  }
0x20b: {  	[tilespmem:s0], [sflag:$0x1] =	stream.indirect_vreg.gather [hbm4b:s4+s3], $0x80, v4, vm0, $0xb8;
	[tilespmem:$0x18400] =	vst v63  }
0x20c: {  	s21 =	simm.s32 $0x16400;
	v3 =	vadd.s32 v1, v3  }
0x20d: {  	[tilespmem:s21], [sflag:$0x1] =	stream.indirect_vreg.gather [hbm4b:s5+s3], $0x80, v4, vm0, $0xb8;
	[tilespmem:$0x18400] =	vst v63  }
0x20e: {  	s22 =	simm.s32 $0x16C00  }
0x20f: {  	[tilespmem:s22], [sflag:$0x1] =	stream.indirect_vreg.gather [hbm4b:s6+s3], $0x80, v4, vm1, $0xb8;
	[tilespmem:$0x18400] =	vst v63  }
0x210: {  	s0 =	simm.s32 $0x17000  }
0x211: {  	[tilespmem:s0], [sflag:$0x1] =	stream.indirect_vreg.gather [hbm4b:s4+s3], $0x80, v3, vm0, $0xb8;
	[tilespmem:$0x18400] =	vst v63  }
0x212: {  	s28 =	simm.s32 $0x17800  }
0x213: {  	[tilespmem:s28], [sflag:$0x1] =	stream.indirect_vreg.gather [hbm4b:s5+s3], $0x80, v3, vm0, $0xb8;
	[tilespmem:$0x18400] =	vst v63  }
0x214: {  	s23 =	simm.s32 $0x18000  }
0x215: {  	[tilespmem:s23], [sflag:$0x1] =	stream.indirect_vreg.gather [hbm4b:s6+s3], $0x80, v3, vm1, $0xb8;
	[tilespmem:$0x18400] =	vst v63  }
0x216: {  	_ =	swait.ge [sflag:s11], $0x14000  }
0x217: {  	[sflag:s11] =	ssyncset.done $0x0  }
0x218: {  	s0 =	rddreg [dreg:$0xa];
	[sflag:s11] =	ssyncadd.s32 $0xFFFEC000  }
0x219: {  	[hbm4b:s0+s3] =	stream.linear.scatter [tilespmem:s12], [sflag:$0x2], $0x14000, $0x38;
	[tilespmem:$0x18400] =	vst v63  }
0x21a: {  	_ =	swait.ge [sflag:s8], $0x14000  }
0x21b: {  	[sflag:s8] =	ssyncset.done $0x0  }
0x21c: {  	s0 =	simm.s32 $0x80;
	s16 =	rddreg [dreg:$0x16];
	[sflag:s8] =	ssyncadd.s32 $0xFFFEC000  }
0x21d: {  	[tilespmem:s26], [sflag:$0x1] =	stream.indirect.gather [hbm4b:s1+s0], $0x80, s16, s0, $0xb8;
	[tilespmem:$0x18400] =	vst v63  }
0x21e: {  	_ =	swait.ge [sflag:s11], $0x4000  }
0x21f: {  	[sflag:s11] =	ssyncset.done $0x0  }
0x220: {  	s0 =	rddreg [dreg:$0xb];
	[sflag:s11] =	ssyncadd.s32 $0xFFFFC000  }
0x221: {  	[hbm4b:s0+s3] =	stream.linear.scatter [tilespmem:s26], [sflag:$0x2], $0x4000, $0x38;
	[tilespmem:$0x18400] =	vst v63  }
0x222: {  	_ =	swait.ge [sflag:s8], $0x4000  }
0x223: {  	[sflag:s8] =	ssyncset.done $0x0  }
0x224: {  	[sflag:s8] =	ssyncadd.s32 $0xFFFFC000  }
0x225: {  	v3 =	vld [tilespmem:$0x180];
	_ =	sdelay $0x4  }
0x226: {  	v24 =	vshrl.u32 v3, $0x3  }
0x227: {  	v4 =	vmul.u32 $0x28, v24  }
0x228: {  	v3 =	vand.u32 $0x7, v3  }
0x229: {  	v3 =	vor.u32 v3, v4  }
0x22a: {  	v4 =	vperm.xlane v3, v0;
	_ =	sdelay $0x1  }
0x22b: {  	v4 =	vadd.s32 v1, v4;
	_ =	sdelay $0x3  }
0x22c: {  	v3 =	vperm.xlane v3, v2  }
0x22d: {  	[tilespmem:s12], [sflag:$0x1] =	stream.indirect_vreg.gather [hbm4b:s4+s3], $0x80, v4, vm0, $0xb8;
	[tilespmem:$0x18400] =	vst v63  }
0x22e: {  	s16 =	simm.s32 $0x4C00;
	v3 =	vadd.s32 v1, v3  }
0x22f: {  	[tilespmem:s16], [sflag:$0x1] =	stream.indirect_vreg.gather [hbm4b:s5+s3], $0x80, v4, vm0, $0xb8;
	[tilespmem:$0x18400] =	vst v63  }
0x230: {  	s16 =	simm.s32 $0x5400  }
0x231: {  	[tilespmem:s16], [sflag:$0x1] =	stream.indirect_vreg.gather [hbm4b:s6+s3], $0x80, v4, vm1, $0xb8;
	[tilespmem:$0x18400] =	vst v63  }
0x232: {  	s0 =	simm.s32 $0x5800  }
0x233: {  	[tilespmem:s0], [sflag:$0x1] =	stream.indirect_vreg.gather [hbm4b:s4+s3], $0x80, v3, vm0, $0xb8;
	[tilespmem:$0x18400] =	vst v63  }
0x234: {  	s25 =	simm.s32 $0x6000  }
0x235: {  	[tilespmem:s25], [sflag:$0x1] =	stream.indirect_vreg.gather [hbm4b:s5+s3], $0x80, v3, vm0, $0xb8;
	[tilespmem:$0x18400] =	vst v63  }
0x236: {  	s16 =	simm.s32 $0x6800  }
0x237: {  	[tilespmem:s16], [sflag:$0x1] =	stream.indirect_vreg.gather [hbm4b:s6+s3], $0x80, v3, vm1, $0xb8;
	[tilespmem:$0x18400] =	vst v63  }
0x238: {  	v3 =	vld [tilespmem:$0x190];
	_ =	sdelay $0x4  }
0x239: {  	v25 =	vshrl.u32 v3, $0x3  }
0x23a: {  	v4 =	vmul.u32 $0x28, v25  }
0x23b: {  	v3 =	vand.u32 $0x7, v3  }
0x23c: {  	v3 =	vor.u32 v3, v4  }
0x23d: {  	v4 =	vperm.xlane v3, v0;
	_ =	sdelay $0x1  }
0x23e: {  	v4 =	vadd.s32 v1, v4;
	_ =	sdelay $0x3  }
0x23f: {  	s16 =	simm.s32 $0x6C00;
	v3 =	vperm.xlane v3, v2  }
0x240: {  	[tilespmem:s16], [sflag:$0x1] =	stream.indirect_vreg.gather [hbm4b:s4+s3], $0x80, v4, vm0, $0xb8;
	[tilespmem:$0x18400] =	vst v63  }
0x241: {  	s2 =	simm.s32 $0x7400;
	v3 =	vadd.s32 v1, v3  }
0x242: {  	[tilespmem:s2], [sflag:$0x1] =	stream.indirect_vreg.gather [hbm4b:s5+s3], $0x80, v4, vm0, $0xb8;
	[tilespmem:$0x18400] =	vst v63  }
0x243: {  	s7 =	simm.s32 $0x7C00  }
0x244: {  	[tilespmem:s7], [sflag:$0x1] =	stream.indirect_vreg.gather [hbm4b:s6+s3], $0x80, v4, vm1, $0xb8;
	[tilespmem:$0x18400] =	vst v63  }
0x245: {  	s9 =	simm.s32 $0x8000  }
0x246: {  	[tilespmem:s9], [sflag:$0x1] =	stream.indirect_vreg.gather [hbm4b:s4+s3], $0x80, v3, vm0, $0xb8;
	[tilespmem:$0x18400] =	vst v63  }
0x247: {  	s10 =	simm.s32 $0x8800  }
0x248: {  	[tilespmem:s10], [sflag:$0x1] =	stream.indirect_vreg.gather [hbm4b:s5+s3], $0x80, v3, vm0, $0xb8;
	[tilespmem:$0x18400] =	vst v63  }
0x249: {  	s16 =	simm.s32 $0x9000  }
0x24a: {  	[tilespmem:s16], [sflag:$0x1] =	stream.indirect_vreg.gather [hbm4b:s6+s3], $0x80, v3, vm1, $0xb8;
	[tilespmem:$0x18400] =	vst v63  }
0x24b: {  	v3 =	vld [tilespmem:$0x1A0];
	_ =	sdelay $0x4  }
0x24c: {  	v26 =	vshrl.u32 v3, $0x3  }
0x24d: {  	v4 =	vmul.u32 $0x28, v26  }
0x24e: {  	v3 =	vand.u32 $0x7, v3  }
0x24f: {  	v3 =	vor.u32 v3, v4  }
0x250: {  	v4 =	vperm.xlane v3, v0;
	_ =	sdelay $0x1  }
0x251: {  	v4 =	vadd.s32 v1, v4;
	_ =	sdelay $0x3  }
0x252: {  	s16 =	simm.s32 $0x9400;
	v3 =	vperm.xlane v3, v2  }
0x253: {  	[tilespmem:s16], [sflag:$0x1] =	stream.indirect_vreg.gather [hbm4b:s4+s3], $0x80, v4, vm0, $0xb8;
	[tilespmem:$0x18400] =	vst v63  }
0x254: {  	s0 =	simm.s32 $0x9C00;
	v3 =	vadd.s32 v1, v3  }
0x255: {  	[tilespmem:s0], [sflag:$0x1] =	stream.indirect_vreg.gather [hbm4b:s5+s3], $0x80, v4, vm0, $0xb8;
	[tilespmem:$0x18400] =	vst v63  }
0x256: {  	s16 =	simm.s32 $0xA400  }
0x257: {  	[tilespmem:s16], [sflag:$0x1] =	stream.indirect_vreg.gather [hbm4b:s6+s3], $0x80, v4, vm1, $0xb8;
	[tilespmem:$0x18400] =	vst v63  }
0x258: {  	s31 =	simm.s32 $0xA800  }
0x259: {  	[tilespmem:s31], [sflag:$0x1] =	stream.indirect_vreg.gather [hbm4b:s4+s3], $0x80, v3, vm0, $0xb8;
	[tilespmem:$0x18400] =	vst v63  }
0x25a: {  	s30 =	simm.s32 $0xB000  }
0x25b: {  	[tilespmem:s30], [sflag:$0x1] =	stream.indirect_vreg.gather [hbm4b:s5+s3], $0x80, v3, vm0, $0xb8;
	[tilespmem:$0x18400] =	vst v63  }
0x25c: {  	s13 =	simm.s32 $0xB800  }
0x25d: {  	[tilespmem:s13], [sflag:$0x1] =	stream.indirect_vreg.gather [hbm4b:s6+s3], $0x80, v3, vm1, $0xb8;
	[tilespmem:$0x18400] =	vst v63  }
0x25e: {  	v3 =	vld [tilespmem:$0x1B0];
	_ =	sdelay $0x4  }
0x25f: {  	v27 =	vshrl.u32 v3, $0x3  }
0x260: {  	v4 =	vmul.u32 $0x28, v27  }
0x261: {  	v3 =	vand.u32 $0x7, v3  }
0x262: {  	v3 =	vor.u32 v3, v4  }
0x263: {  	v4 =	vperm.xlane v3, v0;
	_ =	sdelay $0x1  }
0x264: {  	v4 =	vadd.s32 v1, v4;
	_ =	sdelay $0x3  }
0x265: {  	s24 =	simm.s32 $0xBC00;
	v3 =	vperm.xlane v3, v2  }
0x266: {  	[tilespmem:s24], [sflag:$0x1] =	stream.indirect_vreg.gather [hbm4b:s4+s3], $0x80, v4, vm0, $0xb8;
	[tilespmem:$0x18400] =	vst v63  }
0x267: {  	s16 =	simm.s32 $0xC400;
	v3 =	vadd.s32 v1, v3  }
0x268: {  	[tilespmem:s16], [sflag:$0x1] =	stream.indirect_vreg.gather [hbm4b:s5+s3], $0x80, v4, vm0, $0xb8;
	[tilespmem:$0x18400] =	vst v63  }
0x269: {  	s29 =	simm.s32 $0xCC00  }
0x26a: {  	[tilespmem:s29], [sflag:$0x1] =	stream.indirect_vreg.gather [hbm4b:s6+s3], $0x80, v4, vm1, $0xb8;
	[tilespmem:$0x18400] =	vst v63  }
0x26b: {  	s16 =	simm.s32 $0xD000  }
0x26c: {  	[tilespmem:s16], [sflag:$0x1] =	stream.indirect_vreg.gather [hbm4b:s4+s3], $0x80, v3, vm0, $0xb8;
	[tilespmem:$0x18400] =	vst v63  }
0x26d: {  	s16 =	simm.s32 $0xD800  }
0x26e: {  	[tilespmem:s16], [sflag:$0x1] =	stream.indirect_vreg.gather [hbm4b:s5+s3], $0x80, v3, vm0, $0xb8;
	[tilespmem:$0x18400] =	vst v63  }
0x26f: {  	s16 =	simm.s32 $0xE000  }
0x270: {  	[tilespmem:s16], [sflag:$0x1] =	stream.indirect_vreg.gather [hbm4b:s6+s3], $0x80, v3, vm1, $0xb8;
	[tilespmem:$0x18400] =	vst v63  }
0x271: {  	v3 =	vld [tilespmem:$0x1C0];
	_ =	sdelay $0x4  }
0x272: {  	v28 =	vshrl.u32 v3, $0x3  }
0x273: {  	v4 =	vmul.u32 $0x28, v28  }
0x274: {  	v3 =	vand.u32 $0x7, v3  }
0x275: {  	v3 =	vor.u32 v3, v4  }
0x276: {  	v4 =	vperm.xlane v3, v0;
	_ =	sdelay $0x1  }
0x277: {  	v4 =	vadd.s32 v1, v4;
	_ =	sdelay $0x3  }
0x278: {  	s16 =	simm.s32 $0xE400;
	v3 =	vperm.xlane v3, v2  }
0x279: {  	[tilespmem:s16], [sflag:$0x1] =	stream.indirect_vreg.gather [hbm4b:s4+s3], $0x80, v4, vm0, $0xb8;
	[tilespmem:$0x18400] =	vst v63  }
0x27a: {  	s14 =	simm.s32 $0xEC00;
	v3 =	vadd.s32 v1, v3  }
0x27b: {  	[tilespmem:s14], [sflag:$0x1] =	stream.indirect_vreg.gather [hbm4b:s5+s3], $0x80, v4, vm0, $0xb8;
	[tilespmem:$0x18400] =	vst v63  }
0x27c: {  	s15 =	simm.s32 $0xF400  }
0x27d: {  	[tilespmem:s15], [sflag:$0x1] =	stream.indirect_vreg.gather [hbm4b:s6+s3], $0x80, v4, vm1, $0xb8;
	[tilespmem:$0x18400] =	vst v63  }
0x27e: {  	s16 =	simm.s32 $0xF800  }
0x27f: {  	[tilespmem:s16], [sflag:$0x1] =	stream.indirect_vreg.gather [hbm4b:s4+s3], $0x80, v3, vm0, $0xb8;
	[tilespmem:$0x18400] =	vst v63  }
0x280: {  	s16 =	simm.s32 $0x10000  }
0x281: {  	[tilespmem:s16], [sflag:$0x1] =	stream.indirect_vreg.gather [hbm4b:s5+s3], $0x80, v3, vm0, $0xb8;
	[tilespmem:$0x18400] =	vst v63  }
0x282: {  	s16 =	simm.s32 $0x10800  }
0x283: {  	[tilespmem:s16], [sflag:$0x1] =	stream.indirect_vreg.gather [hbm4b:s6+s3], $0x80, v3, vm1, $0xb8;
	[tilespmem:$0x18400] =	vst v63  }
0x284: {  	v3 =	vld [tilespmem:$0x1D0];
	_ =	sdelay $0x4  }
0x285: {  	v29 =	vshrl.u32 v3, $0x3  }
0x286: {  	v4 =	vmul.u32 $0x28, v29  }
0x287: {  	v3 =	vand.u32 $0x7, v3  }
0x288: {  	v3 =	vor.u32 v3, v4  }
0x289: {  	v4 =	vperm.xlane v3, v0;
	_ =	sdelay $0x1  }
0x28a: {  	v4 =	vadd.s32 v1, v4;
	_ =	sdelay $0x3  }
0x28b: {  	s16 =	simm.s32 $0x10C00;
	v3 =	vperm.xlane v3, v2  }
0x28c: {  	[tilespmem:s16], [sflag:$0x1] =	stream.indirect_vreg.gather [hbm4b:s4+s3], $0x80, v4, vm0, $0xb8;
	[tilespmem:$0x18400] =	vst v63  }
0x28d: {  	s17 =	simm.s32 $0x11400;
	v3 =	vadd.s32 v1, v3  }
0x28e: {  	[tilespmem:s17], [sflag:$0x1] =	stream.indirect_vreg.gather [hbm4b:s5+s3], $0x80, v4, vm0, $0xb8;
	[tilespmem:$0x18400] =	vst v63  }
0x28f: {  	s18 =	simm.s32 $0x11C00  }
0x290: {  	[tilespmem:s18], [sflag:$0x1] =	stream.indirect_vreg.gather [hbm4b:s6+s3], $0x80, v4, vm1, $0xb8;
	[tilespmem:$0x18400] =	vst v63  }
0x291: {  	s16 =	simm.s32 $0x12000  }
0x292: {  	[tilespmem:s16], [sflag:$0x1] =	stream.indirect_vreg.gather [hbm4b:s4+s3], $0x80, v3, vm0, $0xb8;
	[tilespmem:$0x18400] =	vst v63  }
0x293: {  	s16 =	simm.s32 $0x12800  }
0x294: {  	[tilespmem:s16], [sflag:$0x1] =	stream.indirect_vreg.gather [hbm4b:s5+s3], $0x80, v3, vm0, $0xb8;
	[tilespmem:$0x18400] =	vst v63  }
0x295: {  	s16 =	simm.s32 $0x13000  }
0x296: {  	[tilespmem:s16], [sflag:$0x1] =	stream.indirect_vreg.gather [hbm4b:s6+s3], $0x80, v3, vm1, $0xb8;
	[tilespmem:$0x18400] =	vst v63  }
0x297: {  	v3 =	vld [tilespmem:$0x1E0];
	_ =	sdelay $0x4  }
0x298: {  	v30 =	vshrl.u32 v3, $0x3  }
0x299: {  	v4 =	vmul.u32 $0x28, v30  }
0x29a: {  	v3 =	vand.u32 $0x7, v3  }
0x29b: {  	v3 =	vor.u32 v3, v4  }
0x29c: {  	v4 =	vperm.xlane v3, v0;
	_ =	sdelay $0x1  }
0x29d: {  	v4 =	vadd.s32 v1, v4;
	_ =	sdelay $0x3  }
0x29e: {  	s16 =	simm.s32 $0x13400;
	v3 =	vperm.xlane v3, v2  }
0x29f: {  	[tilespmem:s16], [sflag:$0x1] =	stream.indirect_vreg.gather [hbm4b:s4+s3], $0x80, v4, vm0, $0xb8;
	[tilespmem:$0x18400] =	vst v63  }
0x2a0: {  	s19 =	simm.s32 $0x13C00;
	v3 =	vadd.s32 v1, v3  }
0x2a1: {  	[tilespmem:s19], [sflag:$0x1] =	stream.indirect_vreg.gather [hbm4b:s5+s3], $0x80, v4, vm0, $0xb8;
	[tilespmem:$0x18400] =	vst v63  }
0x2a2: {  	s20 =	simm.s32 $0x14400  }
0x2a3: {  	[tilespmem:s20], [sflag:$0x1] =	stream.indirect_vreg.gather [hbm4b:s6+s3], $0x80, v4, vm1, $0xb8;
	[tilespmem:$0x18400] =	vst v63  }
0x2a4: {  	s16 =	simm.s32 $0x14800  }
0x2a5: {  	[tilespmem:s16], [sflag:$0x1] =	stream.indirect_vreg.gather [hbm4b:s4+s3], $0x80, v3, vm0, $0xb8;
	[tilespmem:$0x18400] =	vst v63  }
0x2a6: {  	s16 =	simm.s32 $0x15000  }
0x2a7: {  	[tilespmem:s16], [sflag:$0x1] =	stream.indirect_vreg.gather [hbm4b:s5+s3], $0x80, v3, vm0, $0xb8;
	[tilespmem:$0x18400] =	vst v63  }
0x2a8: {  	s16 =	simm.s32 $0x15800  }
0x2a9: {  	[tilespmem:s16], [sflag:$0x1] =	stream.indirect_vreg.gather [hbm4b:s6+s3], $0x80, v3, vm1, $0xb8;
	[tilespmem:$0x18400] =	vst v63  }
0x2aa: {  	v3 =	vld [tilespmem:$0x1F0];
	_ =	sdelay $0x4  }
0x2ab: {  	v31 =	vshrl.u32 v3, $0x3  }
0x2ac: {  	v4 =	vmul.u32 $0x28, v31  }
0x2ad: {  	v3 =	vand.u32 $0x7, v3  }
0x2ae: {  	v3 =	vor.u32 v3, v4  }
0x2af: {  	v4 =	vperm.xlane v3, v0;
	_ =	sdelay $0x1  }
0x2b0: {  	v4 =	vadd.s32 v1, v4;
	_ =	sdelay $0x3  }
0x2b1: {  	s16 =	simm.s32 $0x15C00;
	v3 =	vperm.xlane v3, v2  }
0x2b2: {  	[tilespmem:s16], [sflag:$0x1] =	stream.indirect_vreg.gather [hbm4b:s4+s3], $0x80, v4, vm0, $0xb8;
	[tilespmem:$0x18400] =	vst v63  }
0x2b3: {  	s21 =	simm.s32 $0x16400;
	v3 =	vadd.s32 v1, v3  }
0x2b4: {  	[tilespmem:s21], [sflag:$0x1] =	stream.indirect_vreg.gather [hbm4b:s5+s3], $0x80, v4, vm0, $0xb8;
	[tilespmem:$0x18400] =	vst v63  }
0x2b5: {  	s22 =	simm.s32 $0x16C00  }
0x2b6: {  	[tilespmem:s22], [sflag:$0x1] =	stream.indirect_vreg.gather [hbm4b:s6+s3], $0x80, v4, vm1, $0xb8;
	[tilespmem:$0x18400] =	vst v63  }
0x2b7: {  	s16 =	simm.s32 $0x17000  }
0x2b8: {  	[tilespmem:s16], [sflag:$0x1] =	stream.indirect_vreg.gather [hbm4b:s4+s3], $0x80, v3, vm0, $0xb8;
	[tilespmem:$0x18400] =	vst v63  }
0x2b9: {  	s28 =	simm.s32 $0x17800  }
0x2ba: {  	[tilespmem:s28], [sflag:$0x1] =	stream.indirect_vreg.gather [hbm4b:s5+s3], $0x80, v3, vm0, $0xb8;
	[tilespmem:$0x18400] =	vst v63  }
0x2bb: {  	s23 =	simm.s32 $0x18000  }
0x2bc: {  	[tilespmem:s23], [sflag:$0x1] =	stream.indirect_vreg.gather [hbm4b:s6+s3], $0x80, v3, vm1, $0xb8;
	[tilespmem:$0x18400] =	vst v63  }
0x2bd: {  	_ =	swait.ge [sflag:s11], $0x14000  }
0x2be: {  	[sflag:s11] =	ssyncset.done $0x0  }
0x2bf: {  	s0 =	rddreg [dreg:$0xc];
	[sflag:s11] =	ssyncadd.s32 $0xFFFEC000  }
0x2c0: {  	[hbm4b:s0+s3] =	stream.linear.scatter [tilespmem:s12], [sflag:$0x2], $0x14000, $0x38;
	[tilespmem:$0x18400] =	vst v63  }
0x2c1: {  	_ =	swait.ge [sflag:s8], $0x14000  }
0x2c2: {  	[sflag:s8] =	ssyncset.done $0x0  }
0x2c3: {  	s0 =	simm.s32 $0x80;
	s16 =	rddreg [dreg:$0x17];
	[sflag:s8] =	ssyncadd.s32 $0xFFFEC000  }
0x2c4: {  	[tilespmem:s26], [sflag:$0x1] =	stream.indirect.gather [hbm4b:s1+s0], $0x80, s16, s0, $0xb8;
	[tilespmem:$0x18400] =	vst v63  }
0x2c5: {  	_ =	swait.ge [sflag:s11], $0x4000  }
0x2c6: {  	[sflag:s11] =	ssyncset.done $0x0  }
0x2c7: {  	s0 =	rddreg [dreg:$0xd];
	[sflag:s11] =	ssyncadd.s32 $0xFFFFC000  }
0x2c8: {  	[hbm4b:s0+s3] =	stream.linear.scatter [tilespmem:s26], [sflag:$0x2], $0x4000, $0x38;
	[tilespmem:$0x18400] =	vst v63  }
0x2c9: {  	_ =	swait.ge [sflag:s8], $0x4000  }
0x2ca: {  	[sflag:s8] =	ssyncset.done $0x0  }
0x2cb: {  	[sflag:s8] =	ssyncadd.s32 $0xFFFFC000  }
0x2cc: {  	v3 =	vld [tilespmem:$0x200];
	_ =	sdelay $0x4  }
0x2cd: {  	v32 =	vshrl.u32 v3, $0x3  }
0x2ce: {  	v4 =	vmul.u32 $0x28, v32  }
0x2cf: {  	v3 =	vand.u32 $0x7, v3  }
0x2d0: {  	v3 =	vor.u32 v3, v4  }
0x2d1: {  	v4 =	vperm.xlane v3, v0;
	_ =	sdelay $0x1  }
0x2d2: {  	v4 =	vadd.s32 v1, v4;
	_ =	sdelay $0x3  }
0x2d3: {  	v3 =	vperm.xlane v3, v2  }
0x2d4: {  	[tilespmem:s12], [sflag:$0x1] =	stream.indirect_vreg.gather [hbm4b:s4+s3], $0x80, v4, vm0, $0xb8;
	[tilespmem:$0x18400] =	vst v63  }
0x2d5: {  	s16 =	simm.s32 $0x4C00;
	v3 =	vadd.s32 v1, v3  }
0x2d6: {  	[tilespmem:s16], [sflag:$0x1] =	stream.indirect_vreg.gather [hbm4b:s5+s3], $0x80, v4, vm0, $0xb8;
	[tilespmem:$0x18400] =	vst v63  }
0x2d7: {  	s16 =	simm.s32 $0x5400  }
0x2d8: {  	[tilespmem:s16], [sflag:$0x1] =	stream.indirect_vreg.gather [hbm4b:s6+s3], $0x80, v4, vm1, $0xb8;
	[tilespmem:$0x18400] =	vst v63  }
0x2d9: {  	s16 =	simm.s32 $0x5800  }
0x2da: {  	[tilespmem:s16], [sflag:$0x1] =	stream.indirect_vreg.gather [hbm4b:s4+s3], $0x80, v3, vm0, $0xb8;
	[tilespmem:$0x18400] =	vst v63  }
0x2db: {  	s25 =	simm.s32 $0x6000  }
0x2dc: {  	[tilespmem:s25], [sflag:$0x1] =	stream.indirect_vreg.gather [hbm4b:s5+s3], $0x80, v3, vm0, $0xb8;
	[tilespmem:$0x18400] =	vst v63  }
0x2dd: {  	s16 =	simm.s32 $0x6800  }
0x2de: {  	[tilespmem:s16], [sflag:$0x1] =	stream.indirect_vreg.gather [hbm4b:s6+s3], $0x80, v3, vm1, $0xb8;
	[tilespmem:$0x18400] =	vst v63  }
0x2df: {  	v3 =	vld [tilespmem:$0x210];
	_ =	sdelay $0x4  }
0x2e0: {  	v33 =	vshrl.u32 v3, $0x3  }
0x2e1: {  	v4 =	vmul.u32 $0x28, v33  }
0x2e2: {  	v3 =	vand.u32 $0x7, v3  }
0x2e3: {  	v3 =	vor.u32 v3, v4  }
0x2e4: {  	v4 =	vperm.xlane v3, v0;
	_ =	sdelay $0x1  }
0x2e5: {  	v4 =	vadd.s32 v1, v4;
	_ =	sdelay $0x3  }
0x2e6: {  	s16 =	simm.s32 $0x6C00;
	v3 =	vperm.xlane v3, v2  }
0x2e7: {  	[tilespmem:s16], [sflag:$0x1] =	stream.indirect_vreg.gather [hbm4b:s4+s3], $0x80, v4, vm0, $0xb8;
	[tilespmem:$0x18400] =	vst v63  }
0x2e8: {  	s2 =	simm.s32 $0x7400;
	v3 =	vadd.s32 v1, v3  }
0x2e9: {  	[tilespmem:s2], [sflag:$0x1] =	stream.indirect_vreg.gather [hbm4b:s5+s3], $0x80, v4, vm0, $0xb8;
	[tilespmem:$0x18400] =	vst v63  }
0x2ea: {  	s7 =	simm.s32 $0x7C00  }
0x2eb: {  	[tilespmem:s7], [sflag:$0x1] =	stream.indirect_vreg.gather [hbm4b:s6+s3], $0x80, v4, vm1, $0xb8;
	[tilespmem:$0x18400] =	vst v63  }
0x2ec: {  	s9 =	simm.s32 $0x8000  }
0x2ed: {  	[tilespmem:s9], [sflag:$0x1] =	stream.indirect_vreg.gather [hbm4b:s4+s3], $0x80, v3, vm0, $0xb8;
	[tilespmem:$0x18400] =	vst v63  }
0x2ee: {  	s10 =	simm.s32 $0x8800  }
0x2ef: {  	[tilespmem:s10], [sflag:$0x1] =	stream.indirect_vreg.gather [hbm4b:s5+s3], $0x80, v3, vm0, $0xb8;
	[tilespmem:$0x18400] =	vst v63  }
0x2f0: {  	s2 =	simm.s32 $0x9000  }
0x2f1: {  	[tilespmem:s2], [sflag:$0x1] =	stream.indirect_vreg.gather [hbm4b:s6+s3], $0x80, v3, vm1, $0xb8;
	[tilespmem:$0x18400] =	vst v63  }
0x2f2: {  	v3 =	vld [tilespmem:$0x220];
	_ =	sdelay $0x4  }
0x2f3: {  	v34 =	vshrl.u32 v3, $0x3  }
0x2f4: {  	v4 =	vmul.u32 $0x28, v34  }
0x2f5: {  	v3 =	vand.u32 $0x7, v3  }
0x2f6: {  	v3 =	vor.u32 v3, v4  }
0x2f7: {  	v4 =	vperm.xlane v3, v0;
	_ =	sdelay $0x1  }
0x2f8: {  	v4 =	vadd.s32 v1, v4;
	_ =	sdelay $0x3  }
0x2f9: {  	s16 =	simm.s32 $0x9400;
	v3 =	vperm.xlane v3, v2  }
0x2fa: {  	[tilespmem:s16], [sflag:$0x1] =	stream.indirect_vreg.gather [hbm4b:s4+s3], $0x80, v4, vm0, $0xb8;
	[tilespmem:$0x18400] =	vst v63  }
0x2fb: {  	s2 =	simm.s32 $0x9C00;
	v3 =	vadd.s32 v1, v3  }
0x2fc: {  	[tilespmem:s2], [sflag:$0x1] =	stream.indirect_vreg.gather [hbm4b:s5+s3], $0x80, v4, vm0, $0xb8;
	[tilespmem:$0x18400] =	vst v63  }
0x2fd: {  	s16 =	simm.s32 $0xA400  }
0x2fe: {  	[tilespmem:s16], [sflag:$0x1] =	stream.indirect_vreg.gather [hbm4b:s6+s3], $0x80, v4, vm1, $0xb8;
	[tilespmem:$0x18400] =	vst v63  }
0x2ff: {  	s31 =	simm.s32 $0xA800  }
0x300: {  	[tilespmem:s31], [sflag:$0x1] =	stream.indirect_vreg.gather [hbm4b:s4+s3], $0x80, v3, vm0, $0xb8;
	[tilespmem:$0x18400] =	vst v63  }
0x301: {  	s30 =	simm.s32 $0xB000  }
0x302: {  	[tilespmem:s30], [sflag:$0x1] =	stream.indirect_vreg.gather [hbm4b:s5+s3], $0x80, v3, vm0, $0xb8;
	[tilespmem:$0x18400] =	vst v63  }
0x303: {  	s13 =	simm.s32 $0xB800  }
0x304: {  	[tilespmem:s13], [sflag:$0x1] =	stream.indirect_vreg.gather [hbm4b:s6+s3], $0x80, v3, vm1, $0xb8;
	[tilespmem:$0x18400] =	vst v63  }
0x305: {  	v3 =	vld [tilespmem:$0x230];
	_ =	sdelay $0x4  }
0x306: {  	v35 =	vshrl.u32 v3, $0x3  }
0x307: {  	v4 =	vmul.u32 $0x28, v35  }
0x308: {  	v3 =	vand.u32 $0x7, v3  }
0x309: {  	v3 =	vor.u32 v3, v4  }
0x30a: {  	v4 =	vperm.xlane v3, v0;
	_ =	sdelay $0x1  }
0x30b: {  	v4 =	vadd.s32 v1, v4;
	_ =	sdelay $0x3  }
0x30c: {  	s24 =	simm.s32 $0xBC00;
	v3 =	vperm.xlane v3, v2  }
0x30d: {  	[tilespmem:s24], [sflag:$0x1] =	stream.indirect_vreg.gather [hbm4b:s4+s3], $0x80, v4, vm0, $0xb8;
	[tilespmem:$0x18400] =	vst v63  }
0x30e: {  	v3 =	vadd.s32 v1, v3;
	s24 =	simm.s32 $0xC400  }
0x30f: {  	[tilespmem:s24], [sflag:$0x1] =	stream.indirect_vreg.gather [hbm4b:s5+s3], $0x80, v4, vm0, $0xb8;
	[tilespmem:$0x18400] =	vst v63  }
0x310: {  	s29 =	simm.s32 $0xCC00  }
0x311: {  	[tilespmem:s29], [sflag:$0x1] =	stream.indirect_vreg.gather [hbm4b:s6+s3], $0x80, v4, vm1, $0xb8;
	[tilespmem:$0x18400] =	vst v63  }
0x312: {  	s0 =	simm.s32 $0xD000  }
0x313: {  	[tilespmem:s0], [sflag:$0x1] =	stream.indirect_vreg.gather [hbm4b:s4+s3], $0x80, v3, vm0, $0xb8;
	[tilespmem:$0x18400] =	vst v63  }
0x314: {  	s24 =	simm.s32 $0xD800  }
0x315: {  	[tilespmem:s24], [sflag:$0x1] =	stream.indirect_vreg.gather [hbm4b:s5+s3], $0x80, v3, vm0, $0xb8;
	[tilespmem:$0x18400] =	vst v63  }
0x316: {  	s0 =	simm.s32 $0xE000  }
0x317: {  	[tilespmem:s0], [sflag:$0x1] =	stream.indirect_vreg.gather [hbm4b:s6+s3], $0x80, v3, vm1, $0xb8;
	[tilespmem:$0x18400] =	vst v63  }
0x318: {  	v3 =	vld [tilespmem:$0x240];
	_ =	sdelay $0x4  }
0x319: {  	v36 =	vshrl.u32 v3, $0x3  }
0x31a: {  	v4 =	vmul.u32 $0x28, v36  }
0x31b: {  	v3 =	vand.u32 $0x7, v3  }
0x31c: {  	v3 =	vor.u32 v3, v4  }
0x31d: {  	v4 =	vperm.xlane v3, v0;
	_ =	sdelay $0x1  }
0x31e: {  	v4 =	vadd.s32 v1, v4;
	_ =	sdelay $0x3  }
0x31f: {  	s0 =	simm.s32 $0xE400;
	v3 =	vperm.xlane v3, v2  }
0x320: {  	[tilespmem:s0], [sflag:$0x1] =	stream.indirect_vreg.gather [hbm4b:s4+s3], $0x80, v4, vm0, $0xb8;
	[tilespmem:$0x18400] =	vst v63  }
0x321: {  	s14 =	simm.s32 $0xEC00;
	v3 =	vadd.s32 v1, v3  }
0x322: {  	[tilespmem:s14], [sflag:$0x1] =	stream.indirect_vreg.gather [hbm4b:s5+s3], $0x80, v4, vm0, $0xb8;
	[tilespmem:$0x18400] =	vst v63  }
0x323: {  	s15 =	simm.s32 $0xF400  }
0x324: {  	[tilespmem:s15], [sflag:$0x1] =	stream.indirect_vreg.gather [hbm4b:s6+s3], $0x80, v4, vm1, $0xb8;
	[tilespmem:$0x18400] =	vst v63  }
0x325: {  	s0 =	simm.s32 $0xF800  }
0x326: {  	[tilespmem:s0], [sflag:$0x1] =	stream.indirect_vreg.gather [hbm4b:s4+s3], $0x80, v3, vm0, $0xb8;
	[tilespmem:$0x18400] =	vst v63  }
0x327: {  	s0 =	simm.s32 $0x10000  }
0x328: {  	[tilespmem:s0], [sflag:$0x1] =	stream.indirect_vreg.gather [hbm4b:s5+s3], $0x80, v3, vm0, $0xb8;
	[tilespmem:$0x18400] =	vst v63  }
0x329: {  	s0 =	simm.s32 $0x10800  }
0x32a: {  	[tilespmem:s0], [sflag:$0x1] =	stream.indirect_vreg.gather [hbm4b:s6+s3], $0x80, v3, vm1, $0xb8;
	[tilespmem:$0x18400] =	vst v63  }
0x32b: {  	v3 =	vld [tilespmem:$0x250];
	_ =	sdelay $0x4  }
0x32c: {  	v37 =	vshrl.u32 v3, $0x3  }
0x32d: {  	v4 =	vmul.u32 $0x28, v37  }
0x32e: {  	v3 =	vand.u32 $0x7, v3  }
0x32f: {  	v3 =	vor.u32 v3, v4  }
0x330: {  	v4 =	vperm.xlane v3, v0;
	_ =	sdelay $0x1  }
0x331: {  	v4 =	vadd.s32 v1, v4;
	_ =	sdelay $0x3  }
0x332: {  	s0 =	simm.s32 $0x10C00;
	v3 =	vperm.xlane v3, v2  }
0x333: {  	[tilespmem:s0], [sflag:$0x1] =	stream.indirect_vreg.gather [hbm4b:s4+s3], $0x80, v4, vm0, $0xb8;
	[tilespmem:$0x18400] =	vst v63  }
0x334: {  	s17 =	simm.s32 $0x11400;
	v3 =	vadd.s32 v1, v3  }
0x335: {  	[tilespmem:s17], [sflag:$0x1] =	stream.indirect_vreg.gather [hbm4b:s5+s3], $0x80, v4, vm0, $0xb8;
	[tilespmem:$0x18400] =	vst v63  }
0x336: {  	s18 =	simm.s32 $0x11C00  }
0x337: {  	[tilespmem:s18], [sflag:$0x1] =	stream.indirect_vreg.gather [hbm4b:s6+s3], $0x80, v4, vm1, $0xb8;
	[tilespmem:$0x18400] =	vst v63  }
0x338: {  	s0 =	simm.s32 $0x12000  }
0x339: {  	[tilespmem:s0], [sflag:$0x1] =	stream.indirect_vreg.gather [hbm4b:s4+s3], $0x80, v3, vm0, $0xb8;
	[tilespmem:$0x18400] =	vst v63  }
0x33a: {  	s0 =	simm.s32 $0x12800  }
0x33b: {  	[tilespmem:s0], [sflag:$0x1] =	stream.indirect_vreg.gather [hbm4b:s5+s3], $0x80, v3, vm0, $0xb8;
	[tilespmem:$0x18400] =	vst v63  }
0x33c: {  	s0 =	simm.s32 $0x13000  }
0x33d: {  	[tilespmem:s0], [sflag:$0x1] =	stream.indirect_vreg.gather [hbm4b:s6+s3], $0x80, v3, vm1, $0xb8;
	[tilespmem:$0x18400] =	vst v63  }
0x33e: {  	v3 =	vld [tilespmem:$0x260];
	_ =	sdelay $0x4  }
0x33f: {  	v38 =	vshrl.u32 v3, $0x3  }
0x340: {  	v4 =	vmul.u32 $0x28, v38  }
0x341: {  	v3 =	vand.u32 $0x7, v3  }
0x342: {  	v3 =	vor.u32 v3, v4  }
0x343: {  	v4 =	vperm.xlane v3, v0;
	_ =	sdelay $0x1  }
0x344: {  	v4 =	vadd.s32 v1, v4;
	_ =	sdelay $0x3  }
0x345: {  	s0 =	simm.s32 $0x13400;
	v3 =	vperm.xlane v3, v2  }
0x346: {  	[tilespmem:s0], [sflag:$0x1] =	stream.indirect_vreg.gather [hbm4b:s4+s3], $0x80, v4, vm0, $0xb8;
	[tilespmem:$0x18400] =	vst v63  }
0x347: {  	s19 =	simm.s32 $0x13C00;
	v3 =	vadd.s32 v1, v3  }
0x348: {  	[tilespmem:s19], [sflag:$0x1] =	stream.indirect_vreg.gather [hbm4b:s5+s3], $0x80, v4, vm0, $0xb8;
	[tilespmem:$0x18400] =	vst v63  }
0x349: {  	s20 =	simm.s32 $0x14400  }
0x34a: {  	[tilespmem:s20], [sflag:$0x1] =	stream.indirect_vreg.gather [hbm4b:s6+s3], $0x80, v4, vm1, $0xb8;
	[tilespmem:$0x18400] =	vst v63  }
0x34b: {  	s0 =	simm.s32 $0x14800  }
0x34c: {  	[tilespmem:s0], [sflag:$0x1] =	stream.indirect_vreg.gather [hbm4b:s4+s3], $0x80, v3, vm0, $0xb8;
	[tilespmem:$0x18400] =	vst v63  }
0x34d: {  	s0 =	simm.s32 $0x15000  }
0x34e: {  	[tilespmem:s0], [sflag:$0x1] =	stream.indirect_vreg.gather [hbm4b:s5+s3], $0x80, v3, vm0, $0xb8;
	[tilespmem:$0x18400] =	vst v63  }
0x34f: {  	s0 =	simm.s32 $0x15800  }
0x350: {  	[tilespmem:s0], [sflag:$0x1] =	stream.indirect_vreg.gather [hbm4b:s6+s3], $0x80, v3, vm1, $0xb8;
	[tilespmem:$0x18400] =	vst v63  }
0x351: {  	v3 =	vld [tilespmem:$0x270];
	_ =	sdelay $0x4  }
0x352: {  	v39 =	vshrl.u32 v3, $0x3  }
0x353: {  	v4 =	vmul.u32 $0x28, v39  }
0x354: {  	v3 =	vand.u32 $0x7, v3  }
0x355: {  	v3 =	vor.u32 v3, v4  }
0x356: {  	v4 =	vperm.xlane v3, v0;
	_ =	sdelay $0x1  }
0x357: {  	v4 =	vadd.s32 v1, v4;
	_ =	sdelay $0x3  }
0x358: {  	s0 =	simm.s32 $0x15C00;
	v3 =	vperm.xlane v3, v2  }
0x359: {  	[tilespmem:s0], [sflag:$0x1] =	stream.indirect_vreg.gather [hbm4b:s4+s3], $0x80, v4, vm0, $0xb8;
	[tilespmem:$0x18400] =	vst v63  }
0x35a: {  	s21 =	simm.s32 $0x16400;
	v3 =	vadd.s32 v1, v3  }
0x35b: {  	[tilespmem:s21], [sflag:$0x1] =	stream.indirect_vreg.gather [hbm4b:s5+s3], $0x80, v4, vm0, $0xb8;
	[tilespmem:$0x18400] =	vst v63  }
0x35c: {  	s22 =	simm.s32 $0x16C00  }
0x35d: {  	[tilespmem:s22], [sflag:$0x1] =	stream.indirect_vreg.gather [hbm4b:s6+s3], $0x80, v4, vm1, $0xb8;
	[tilespmem:$0x18400] =	vst v63  }
0x35e: {  	s0 =	simm.s32 $0x17000  }
0x35f: {  	[tilespmem:s0], [sflag:$0x1] =	stream.indirect_vreg.gather [hbm4b:s4+s3], $0x80, v3, vm0, $0xb8;
	[tilespmem:$0x18400] =	vst v63  }
0x360: {  	s28 =	simm.s32 $0x17800  }
0x361: {  	[tilespmem:s28], [sflag:$0x1] =	stream.indirect_vreg.gather [hbm4b:s5+s3], $0x80, v3, vm0, $0xb8;
	[tilespmem:$0x18400] =	vst v63  }
0x362: {  	s23 =	simm.s32 $0x18000  }
0x363: {  	[tilespmem:s23], [sflag:$0x1] =	stream.indirect_vreg.gather [hbm4b:s6+s3], $0x80, v3, vm1, $0xb8;
	[tilespmem:$0x18400] =	vst v63  }
0x364: {  	_ =	swait.ge [sflag:s11], $0x14000  }
0x365: {  	[sflag:s11] =	ssyncset.done $0x0  }
0x366: {  	s0 =	rddreg [dreg:$0xe];
	[sflag:s11] =	ssyncadd.s32 $0xFFFEC000  }
0x367: {  	[hbm4b:s0+s3] =	stream.linear.scatter [tilespmem:s12], [sflag:$0x2], $0x14000, $0x38;
	[tilespmem:$0x18400] =	vst v63  }
0x368: {  	_ =	swait.ge [sflag:s8], $0x14000  }
0x369: {  	[sflag:s8] =	ssyncset.done $0x0  }
0x36a: {  	s0 =	simm.s32 $0x80;
	s16 =	rddreg [dreg:$0x18];
	[sflag:s8] =	ssyncadd.s32 $0xFFFEC000  }
0x36b: {  	[tilespmem:s26], [sflag:$0x1] =	stream.indirect.gather [hbm4b:s1+s0], $0x80, s16, s0, $0xb8;
	[tilespmem:$0x18400] =	vst v63  }
0x36c: {  	_ =	swait.ge [sflag:s11], $0x4000  }
0x36d: {  	[sflag:s11] =	ssyncset.done $0x0  }
0x36e: {  	s0 =	rddreg [dreg:$0xf];
	[sflag:s11] =	ssyncadd.s32 $0xFFFFC000  }
0x36f: {  	[hbm4b:s0+s3] =	stream.linear.scatter [tilespmem:s26], [sflag:$0x2], $0x4000, $0x38;
	[tilespmem:$0x18400] =	vst v63  }
0x370: {  	_ =	swait.ge [sflag:s8], $0x4000  }
0x371: {  	[sflag:s8] =	ssyncset.done $0x0  }
0x372: {  	[sflag:s8] =	ssyncadd.s32 $0xFFFFC000  }
0x373: {  	v3 =	vld [tilespmem:$0x280];
	_ =	sdelay $0x4  }
0x374: {  	v40 =	vshrl.u32 v3, $0x3  }
0x375: {  	v4 =	vmul.u32 $0x28, v40  }
0x376: {  	v3 =	vand.u32 $0x7, v3  }
0x377: {  	v3 =	vor.u32 v3, v4  }
0x378: {  	v4 =	vperm.xlane v3, v0;
	_ =	sdelay $0x1  }
0x379: {  	v4 =	vadd.s32 v1, v4;
	_ =	sdelay $0x3  }
0x37a: {  	v3 =	vperm.xlane v3, v2  }
0x37b: {  	[tilespmem:s12], [sflag:$0x1] =	stream.indirect_vreg.gather [hbm4b:s4+s3], $0x80, v4, vm0, $0xb8;
	[tilespmem:$0x18400] =	vst v63  }
0x37c: {  	s16 =	simm.s32 $0x4C00;
	v3 =	vadd.s32 v1, v3  }
0x37d: {  	[tilespmem:s16], [sflag:$0x1] =	stream.indirect_vreg.gather [hbm4b:s5+s3], $0x80, v4, vm0, $0xb8;
	[tilespmem:$0x18400] =	vst v63  }
0x37e: {  	s16 =	simm.s32 $0x5400  }
0x37f: {  	[tilespmem:s16], [sflag:$0x1] =	stream.indirect_vreg.gather [hbm4b:s6+s3], $0x80, v4, vm1, $0xb8;
	[tilespmem:$0x18400] =	vst v63  }
0x380: {  	s16 =	simm.s32 $0x5800  }
0x381: {  	[tilespmem:s16], [sflag:$0x1] =	stream.indirect_vreg.gather [hbm4b:s4+s3], $0x80, v3, vm0, $0xb8;
	[tilespmem:$0x18400] =	vst v63  }
0x382: {  	s25 =	simm.s32 $0x6000  }
0x383: {  	[tilespmem:s25], [sflag:$0x1] =	stream.indirect_vreg.gather [hbm4b:s5+s3], $0x80, v3, vm0, $0xb8;
	[tilespmem:$0x18400] =	vst v63  }
0x384: {  	s16 =	simm.s32 $0x6800  }
0x385: {  	[tilespmem:s16], [sflag:$0x1] =	stream.indirect_vreg.gather [hbm4b:s6+s3], $0x80, v3, vm1, $0xb8;
	[tilespmem:$0x18400] =	vst v63  }
0x386: {  	v3 =	vld [tilespmem:$0x290];
	_ =	sdelay $0x4  }
0x387: {  	v41 =	vshrl.u32 v3, $0x3  }
0x388: {  	v4 =	vmul.u32 $0x28, v41  }
0x389: {  	v3 =	vand.u32 $0x7, v3  }
0x38a: {  	v3 =	vor.u32 v3, v4  }
0x38b: {  	v4 =	vperm.xlane v3, v0;
	_ =	sdelay $0x1  }
0x38c: {  	v4 =	vadd.s32 v1, v4;
	_ =	sdelay $0x3  }
0x38d: {  	s16 =	simm.s32 $0x6C00;
	v3 =	vperm.xlane v3, v2  }
0x38e: {  	[tilespmem:s16], [sflag:$0x1] =	stream.indirect_vreg.gather [hbm4b:s4+s3], $0x80, v4, vm0, $0xb8;
	[tilespmem:$0x18400] =	vst v63  }
0x38f: {  	v3 =	vadd.s32 v1, v3;
	s16 =	simm.s32 $0x7400  }
0x390: {  	[tilespmem:s16], [sflag:$0x1] =	stream.indirect_vreg.gather [hbm4b:s5+s3], $0x80, v4, vm0, $0xb8;
	[tilespmem:$0x18400] =	vst v63  }
0x391: {  	s7 =	simm.s32 $0x7C00  }
0x392: {  	[tilespmem:s7], [sflag:$0x1] =	stream.indirect_vreg.gather [hbm4b:s6+s3], $0x80, v4, vm1, $0xb8;
	[tilespmem:$0x18400] =	vst v63  }
0x393: {  	s9 =	simm.s32 $0x8000  }
0x394: {  	[tilespmem:s9], [sflag:$0x1] =	stream.indirect_vreg.gather [hbm4b:s4+s3], $0x80, v3, vm0, $0xb8;
	[tilespmem:$0x18400] =	vst v63  }
0x395: {  	s10 =	simm.s32 $0x8800  }
0x396: {  	[tilespmem:s10], [sflag:$0x1] =	stream.indirect_vreg.gather [hbm4b:s5+s3], $0x80, v3, vm0, $0xb8;
	[tilespmem:$0x18400] =	vst v63  }
0x397: {  	s9 =	simm.s32 $0x9000  }
0x398: {  	[tilespmem:s9], [sflag:$0x1] =	stream.indirect_vreg.gather [hbm4b:s6+s3], $0x80, v3, vm1, $0xb8;
	[tilespmem:$0x18400] =	vst v63  }
0x399: {  	v3 =	vld [tilespmem:$0x2A0];
	_ =	sdelay $0x4  }
0x39a: {  	v42 =	vshrl.u32 v3, $0x3  }
0x39b: {  	v4 =	vmul.u32 $0x28, v42  }
0x39c: {  	v3 =	vand.u32 $0x7, v3  }
0x39d: {  	v3 =	vor.u32 v3, v4  }
0x39e: {  	v4 =	vperm.xlane v3, v0;
	_ =	sdelay $0x1  }
0x39f: {  	v4 =	vadd.s32 v1, v4;
	_ =	sdelay $0x3  }
0x3a0: {  	s10 =	simm.s32 $0x9400;
	v3 =	vperm.xlane v3, v2  }
0x3a1: {  	[tilespmem:s10], [sflag:$0x1] =	stream.indirect_vreg.gather [hbm4b:s4+s3], $0x80, v4, vm0, $0xb8;
	[tilespmem:$0x18400] =	vst v63  }
0x3a2: {  	s16 =	simm.s32 $0x9C00;
	v3 =	vadd.s32 v1, v3  }
0x3a3: {  	[tilespmem:s16], [sflag:$0x1] =	stream.indirect_vreg.gather [hbm4b:s5+s3], $0x80, v4, vm0, $0xb8;
	[tilespmem:$0x18400] =	vst v63  }
0x3a4: {  	s2 =	simm.s32 $0xA400  }
0x3a5: {  	[tilespmem:s2], [sflag:$0x1] =	stream.indirect_vreg.gather [hbm4b:s6+s3], $0x80, v4, vm1, $0xb8;
	[tilespmem:$0x18400] =	vst v63  }
0x3a6: {  	s31 =	simm.s32 $0xA800  }
0x3a7: {  	[tilespmem:s31], [sflag:$0x1] =	stream.indirect_vreg.gather [hbm4b:s4+s3], $0x80, v3, vm0, $0xb8;
	[tilespmem:$0x18400] =	vst v63  }
0x3a8: {  	s30 =	simm.s32 $0xB000  }
0x3a9: {  	[tilespmem:s30], [sflag:$0x1] =	stream.indirect_vreg.gather [hbm4b:s5+s3], $0x80, v3, vm0, $0xb8;
	[tilespmem:$0x18400] =	vst v63  }
0x3aa: {  	s31 =	simm.s32 $0xB800  }
0x3ab: {  	[tilespmem:s31], [sflag:$0x1] =	stream.indirect_vreg.gather [hbm4b:s6+s3], $0x80, v3, vm1, $0xb8;
	[tilespmem:$0x18400] =	vst v63  }
0x3ac: {  	v3 =	vld [tilespmem:$0x2B0];
	_ =	sdelay $0x4  }
0x3ad: {  	v43 =	vshrl.u32 v3, $0x3  }
0x3ae: {  	v4 =	vmul.u32 $0x28, v43  }
0x3af: {  	v3 =	vand.u32 $0x7, v3  }
0x3b0: {  	v3 =	vor.u32 v3, v4  }
0x3b1: {  	v4 =	vperm.xlane v3, v0;
	_ =	sdelay $0x1  }
0x3b2: {  	v4 =	vadd.s32 v1, v4;
	_ =	sdelay $0x3  }
0x3b3: {  	s13 =	simm.s32 $0xBC00;
	v3 =	vperm.xlane v3, v2  }
0x3b4: {  	[tilespmem:s13], [sflag:$0x1] =	stream.indirect_vreg.gather [hbm4b:s4+s3], $0x80, v4, vm0, $0xb8;
	[tilespmem:$0x18400] =	vst v63  }
0x3b5: {  	s2 =	simm.s32 $0xC400;
	v3 =	vadd.s32 v1, v3  }
0x3b6: {  	[tilespmem:s2], [sflag:$0x1] =	stream.indirect_vreg.gather [hbm4b:s5+s3], $0x80, v4, vm0, $0xb8;
	[tilespmem:$0x18400] =	vst v63  }
0x3b7: {  	s29 =	simm.s32 $0xCC00  }
0x3b8: {  	[tilespmem:s29], [sflag:$0x1] =	stream.indirect_vreg.gather [hbm4b:s6+s3], $0x80, v4, vm1, $0xb8;
	[tilespmem:$0x18400] =	vst v63  }
0x3b9: {  	s9 =	simm.s32 $0xD000  }
0x3ba: {  	[tilespmem:s9], [sflag:$0x1] =	stream.indirect_vreg.gather [hbm4b:s4+s3], $0x80, v3, vm0, $0xb8;
	[tilespmem:$0x18400] =	vst v63  }
0x3bb: {  	s24 =	simm.s32 $0xD800  }
0x3bc: {  	[tilespmem:s24], [sflag:$0x1] =	stream.indirect_vreg.gather [hbm4b:s5+s3], $0x80, v3, vm0, $0xb8;
	[tilespmem:$0x18400] =	vst v63  }
0x3bd: {  	s10 =	simm.s32 $0xE000  }
0x3be: {  	[tilespmem:s10], [sflag:$0x1] =	stream.indirect_vreg.gather [hbm4b:s6+s3], $0x80, v3, vm1, $0xb8;
	[tilespmem:$0x18400] =	vst v63  }
0x3bf: {  	v3 =	vld [tilespmem:$0x2C0];
	_ =	sdelay $0x4  }
0x3c0: {  	v44 =	vshrl.u32 v3, $0x3  }
0x3c1: {  	v4 =	vmul.u32 $0x28, v44  }
0x3c2: {  	v3 =	vand.u32 $0x7, v3  }
0x3c3: {  	v3 =	vor.u32 v3, v4  }
0x3c4: {  	v4 =	vperm.xlane v3, v0;
	_ =	sdelay $0x1  }
0x3c5: {  	v4 =	vadd.s32 v1, v4;
	_ =	sdelay $0x3  }
0x3c6: {  	s13 =	simm.s32 $0xE400;
	v3 =	vperm.xlane v3, v2  }
0x3c7: {  	[tilespmem:s13], [sflag:$0x1] =	stream.indirect_vreg.gather [hbm4b:s4+s3], $0x80, v4, vm0, $0xb8;
	[tilespmem:$0x18400] =	vst v63  }
0x3c8: {  	s14 =	simm.s32 $0xEC00;
	v3 =	vadd.s32 v1, v3  }
0x3c9: {  	[tilespmem:s14], [sflag:$0x1] =	stream.indirect_vreg.gather [hbm4b:s5+s3], $0x80, v4, vm0, $0xb8;
	[tilespmem:$0x18400] =	vst v63  }
0x3ca: {  	s15 =	simm.s32 $0xF400  }
0x3cb: {  	[tilespmem:s15], [sflag:$0x1] =	stream.indirect_vreg.gather [hbm4b:s6+s3], $0x80, v4, vm1, $0xb8;
	[tilespmem:$0x18400] =	vst v63  }
0x3cc: {  	s16 =	simm.s32 $0xF800  }
0x3cd: {  	[tilespmem:s16], [sflag:$0x1] =	stream.indirect_vreg.gather [hbm4b:s4+s3], $0x80, v3, vm0, $0xb8;
	[tilespmem:$0x18400] =	vst v63  }
0x3ce: {  	s2 =	simm.s32 $0x10000  }
0x3cf: {  	[tilespmem:s2], [sflag:$0x1] =	stream.indirect_vreg.gather [hbm4b:s5+s3], $0x80, v3, vm0, $0xb8;
	[tilespmem:$0x18400] =	vst v63  }
0x3d0: {  	s9 =	simm.s32 $0x10800  }
0x3d1: {  	[tilespmem:s9], [sflag:$0x1] =	stream.indirect_vreg.gather [hbm4b:s6+s3], $0x80, v3, vm1, $0xb8;
	[tilespmem:$0x18400] =	vst v63  }
0x3d2: {  	v3 =	vld [tilespmem:$0x2D0];
	_ =	sdelay $0x4  }
0x3d3: {  	v45 =	vshrl.u32 v3, $0x3  }
0x3d4: {  	v4 =	vmul.u32 $0x28, v45  }
0x3d5: {  	v3 =	vand.u32 $0x7, v3  }
0x3d6: {  	v3 =	vor.u32 v3, v4  }
0x3d7: {  	v4 =	vperm.xlane v3, v0;
	_ =	sdelay $0x1  }
0x3d8: {  	v4 =	vadd.s32 v1, v4;
	_ =	sdelay $0x3  }
0x3d9: {  	s10 =	simm.s32 $0x10C00;
	v3 =	vperm.xlane v3, v2  }
0x3da: {  	[tilespmem:s10], [sflag:$0x1] =	stream.indirect_vreg.gather [hbm4b:s4+s3], $0x80, v4, vm0, $0xb8;
	[tilespmem:$0x18400] =	vst v63  }
0x3db: {  	s17 =	simm.s32 $0x11400;
	v3 =	vadd.s32 v1, v3  }
0x3dc: {  	[tilespmem:s17], [sflag:$0x1] =	stream.indirect_vreg.gather [hbm4b:s5+s3], $0x80, v4, vm0, $0xb8;
	[tilespmem:$0x18400] =	vst v63  }
0x3dd: {  	s18 =	simm.s32 $0x11C00  }
0x3de: {  	[tilespmem:s18], [sflag:$0x1] =	stream.indirect_vreg.gather [hbm4b:s6+s3], $0x80, v4, vm1, $0xb8;
	[tilespmem:$0x18400] =	vst v63  }
0x3df: {  	s13 =	simm.s32 $0x12000  }
0x3e0: {  	[tilespmem:s13], [sflag:$0x1] =	stream.indirect_vreg.gather [hbm4b:s4+s3], $0x80, v3, vm0, $0xb8;
	[tilespmem:$0x18400] =	vst v63  }
0x3e1: {  	s14 =	simm.s32 $0x12800  }
0x3e2: {  	[tilespmem:s14], [sflag:$0x1] =	stream.indirect_vreg.gather [hbm4b:s5+s3], $0x80, v3, vm0, $0xb8;
	[tilespmem:$0x18400] =	vst v63  }
0x3e3: {  	s15 =	simm.s32 $0x13000  }
0x3e4: {  	[tilespmem:s15], [sflag:$0x1] =	stream.indirect_vreg.gather [hbm4b:s6+s3], $0x80, v3, vm1, $0xb8;
	[tilespmem:$0x18400] =	vst v63  }
0x3e5: {  	v3 =	vld [tilespmem:$0x2E0];
	_ =	sdelay $0x4  }
0x3e6: {  	v46 =	vshrl.u32 v3, $0x3  }
0x3e7: {  	v4 =	vmul.u32 $0x28, v46  }
0x3e8: {  	v3 =	vand.u32 $0x7, v3  }
0x3e9: {  	v3 =	vor.u32 v3, v4  }
0x3ea: {  	v4 =	vperm.xlane v3, v0;
	_ =	sdelay $0x1  }
0x3eb: {  	v4 =	vadd.s32 v1, v4;
	_ =	sdelay $0x3  }
0x3ec: {  	s16 =	simm.s32 $0x13400;
	v3 =	vperm.xlane v3, v2  }
0x3ed: {  	[tilespmem:s16], [sflag:$0x1] =	stream.indirect_vreg.gather [hbm4b:s4+s3], $0x80, v4, vm0, $0xb8;
	[tilespmem:$0x18400] =	vst v63  }
0x3ee: {  	s19 =	simm.s32 $0x13C00;
	v3 =	vadd.s32 v1, v3  }
0x3ef: {  	[tilespmem:s19], [sflag:$0x1] =	stream.indirect_vreg.gather [hbm4b:s5+s3], $0x80, v4, vm0, $0xb8;
	[tilespmem:$0x18400] =	vst v63  }
0x3f0: {  	s20 =	simm.s32 $0x14400  }
0x3f1: {  	[tilespmem:s20], [sflag:$0x1] =	stream.indirect_vreg.gather [hbm4b:s6+s3], $0x80, v4, vm1, $0xb8;
	[tilespmem:$0x18400] =	vst v63  }
0x3f2: {  	s17 =	simm.s32 $0x14800  }
0x3f3: {  	[tilespmem:s17], [sflag:$0x1] =	stream.indirect_vreg.gather [hbm4b:s4+s3], $0x80, v3, vm0, $0xb8;
	[tilespmem:$0x18400] =	vst v63  }
0x3f4: {  	s18 =	simm.s32 $0x15000  }
0x3f5: {  	[tilespmem:s18], [sflag:$0x1] =	stream.indirect_vreg.gather [hbm4b:s5+s3], $0x80, v3, vm0, $0xb8;
	[tilespmem:$0x18400] =	vst v63  }
0x3f6: {  	s19 =	simm.s32 $0x15800  }
0x3f7: {  	[tilespmem:s19], [sflag:$0x1] =	stream.indirect_vreg.gather [hbm4b:s6+s3], $0x80, v3, vm1, $0xb8;
	[tilespmem:$0x18400] =	vst v63  }
0x3f8: {  	v3 =	vld [tilespmem:$0x2F0];
	_ =	sdelay $0x4  }
0x3f9: {  	v47 =	vshrl.u32 v3, $0x3  }
0x3fa: {  	v4 =	vmul.u32 $0x28, v47  }
0x3fb: {  	v3 =	vand.u32 $0x7, v3  }
0x3fc: {  	v3 =	vor.u32 v3, v4  }
0x3fd: {  	v4 =	vperm.xlane v3, v0;
	_ =	sdelay $0x1  }
0x3fe: {  	v4 =	vadd.s32 v1, v4;
	_ =	sdelay $0x3  }
0x3ff: {  	s20 =	simm.s32 $0x15C00;
	v3 =	vperm.xlane v3, v2  }
0x400: {  	[tilespmem:s20], [sflag:$0x1] =	stream.indirect_vreg.gather [hbm4b:s4+s3], $0x80, v4, vm0, $0xb8;
	[tilespmem:$0x18400] =	vst v63  }
0x401: {  	s21 =	simm.s32 $0x16400;
	v3 =	vadd.s32 v1, v3  }
0x402: {  	[tilespmem:s21], [sflag:$0x1] =	stream.indirect_vreg.gather [hbm4b:s5+s3], $0x80, v4, vm0, $0xb8;
	[tilespmem:$0x18400] =	vst v63  }
0x403: {  	s22 =	simm.s32 $0x16C00  }
0x404: {  	[tilespmem:s22], [sflag:$0x1] =	stream.indirect_vreg.gather [hbm4b:s6+s3], $0x80, v4, vm1, $0xb8;
	[tilespmem:$0x18400] =	vst v63  }
0x405: {  	s2 =	simm.s32 $0x17000  }
0x406: {  	[tilespmem:s2], [sflag:$0x1] =	stream.indirect_vreg.gather [hbm4b:s4+s3], $0x80, v3, vm0, $0xb8;
	[tilespmem:$0x18400] =	vst v63  }
0x407: {  	s28 =	simm.s32 $0x17800  }
0x408: {  	[tilespmem:s28], [sflag:$0x1] =	stream.indirect_vreg.gather [hbm4b:s5+s3], $0x80, v3, vm0, $0xb8;
	[tilespmem:$0x18400] =	vst v63  }
0x409: {  	s23 =	simm.s32 $0x18000  }
0x40a: {  	[tilespmem:s23], [sflag:$0x1] =	stream.indirect_vreg.gather [hbm4b:s6+s3], $0x80, v3, vm1, $0xb8;
	[tilespmem:$0x18400] =	vst v63  }
0x40b: {  	_ =	swait.ge [sflag:s11], $0x14000  }
0x40c: {  	[sflag:s11] =	ssyncset.done $0x0  }
0x40d: {  	s9 =	rddreg [dreg:$0x10];
	[sflag:s11] =	ssyncadd.s32 $0xFFFEC000  }
0x40e: {  	[hbm4b:s9+s3] =	stream.linear.scatter [tilespmem:s12], [sflag:$0x2], $0x14000, $0x38;
	[tilespmem:$0x18400] =	vst v63  }
0x40f: {  	_ =	swait.ge [sflag:s8], $0x14000  }
0x410: {  	[sflag:s8] =	ssyncset.done $0x0  }
0x411: {  	s13 =	simm.s32 $0x80;
	s10 =	rddreg [dreg:$0x19];
	[sflag:s8] =	ssyncadd.s32 $0xFFFEC000  }
0x412: {  	[tilespmem:s26], [sflag:$0x1] =	stream.indirect.gather [hbm4b:s1+s13], $0x80, s10, s13, $0xb8;
	[tilespmem:$0x18400] =	vst v63  }
0x413: {  	_ =	swait.ge [sflag:s11], $0x4000  }
0x414: {  	[sflag:s11] =	ssyncset.done $0x0  }
0x415: {  	s14 =	rddreg [dreg:$0x11];
	[sflag:s11] =	ssyncadd.s32 $0xFFFFC000  }
0x416: {  	[hbm4b:s14+s3] =	stream.linear.scatter [tilespmem:s26], [sflag:$0x2], $0x4000, $0x38;
	[tilespmem:$0x18400] =	vst v63  }
0x417: {  	_ =	swait.ge [sflag:s8], $0x4000  }
0x418: {  	[sflag:s8] =	ssyncset.done $0x0  }
0x419: {  	[sflag:s8] =	ssyncadd.s32 $0xFFFFC000  }
0x41a: {  	v3 =	vld [tilespmem:$0x300];
	_ =	sdelay $0x4  }
0x41b: {  	v48 =	vshrl.u32 v3, $0x3  }
0x41c: {  	v4 =	vmul.u32 $0x28, v48  }
0x41d: {  	v3 =	vand.u32 $0x7, v3  }
0x41e: {  	v3 =	vor.u32 v3, v4  }
0x41f: {  	v4 =	vperm.xlane v3, v0;
	_ =	sdelay $0x1  }
0x420: {  	v4 =	vadd.s32 v1, v4;
	_ =	sdelay $0x3  }
0x421: {  	v3 =	vperm.xlane v3, v2  }
0x422: {  	[tilespmem:s12], [sflag:$0x1] =	stream.indirect_vreg.gather [hbm4b:s4+s3], $0x80, v4, vm0, $0xb8;
	[tilespmem:$0x18400] =	vst v63  }
0x423: {  	s15 =	simm.s32 $0x4C00;
	v3 =	vadd.s32 v1, v3  }
0x424: {  	[tilespmem:s15], [sflag:$0x1] =	stream.indirect_vreg.gather [hbm4b:s5+s3], $0x80, v4, vm0, $0xb8;
	[tilespmem:$0x18400] =	vst v63  }
0x425: {  	s16 =	simm.s32 $0x5400  }
0x426: {  	[tilespmem:s16], [sflag:$0x1] =	stream.indirect_vreg.gather [hbm4b:s6+s3], $0x80, v4, vm1, $0xb8;
	[tilespmem:$0x18400] =	vst v63  }
0x427: {  	s17 =	simm.s32 $0x5800  }
0x428: {  	[tilespmem:s17], [sflag:$0x1] =	stream.indirect_vreg.gather [hbm4b:s4+s3], $0x80, v3, vm0, $0xb8;
	[tilespmem:$0x18400] =	vst v63  }
0x429: {  	s25 =	simm.s32 $0x6000  }
0x42a: {  	[tilespmem:s25], [sflag:$0x1] =	stream.indirect_vreg.gather [hbm4b:s5+s3], $0x80, v3, vm0, $0xb8;
	[tilespmem:$0x18400] =	vst v63  }
0x42b: {  	s18 =	simm.s32 $0x6800  }
0x42c: {  	[tilespmem:s18], [sflag:$0x1] =	stream.indirect_vreg.gather [hbm4b:s6+s3], $0x80, v3, vm1, $0xb8;
	[tilespmem:$0x18400] =	vst v63  }
0x42d: {  	v3 =	vld [tilespmem:$0x310];
	_ =	sdelay $0x4  }
0x42e: {  	v49 =	vshrl.u32 v3, $0x3  }
0x42f: {  	v4 =	vmul.u32 $0x28, v49  }
0x430: {  	v3 =	vand.u32 $0x7, v3  }
0x431: {  	v3 =	vor.u32 v3, v4  }
0x432: {  	v4 =	vperm.xlane v3, v0;
	_ =	sdelay $0x1  }
0x433: {  	v4 =	vadd.s32 v1, v4;
	_ =	sdelay $0x3  }
0x434: {  	s19 =	simm.s32 $0x6C00;
	v3 =	vperm.xlane v3, v2  }
0x435: {  	[tilespmem:s19], [sflag:$0x1] =	stream.indirect_vreg.gather [hbm4b:s4+s3], $0x80, v4, vm0, $0xb8;
	[tilespmem:$0x18400] =	vst v63  }
0x436: {  	s20 =	simm.s32 $0x7400;
	v3 =	vadd.s32 v1, v3  }
0x437: {  	[tilespmem:s20], [sflag:$0x1] =	stream.indirect_vreg.gather [hbm4b:s5+s3], $0x80, v4, vm0, $0xb8;
	[tilespmem:$0x18400] =	vst v63  }
0x438: {  	s21 =	simm.s32 $0x7C00  }
0x439: {  	[tilespmem:s21], [sflag:$0x1] =	stream.indirect_vreg.gather [hbm4b:s6+s3], $0x80, v4, vm1, $0xb8;
	[tilespmem:$0x18400] =	vst v63  }
0x43a: {  	s22 =	simm.s32 $0x8000  }
0x43b: {  	[tilespmem:s22], [sflag:$0x1] =	stream.indirect_vreg.gather [hbm4b:s4+s3], $0x80, v3, vm0, $0xb8;
	[tilespmem:$0x18400] =	vst v63  }
0x43c: {  	s25 =	simm.s32 $0x8800  }
0x43d: {  	[tilespmem:s25], [sflag:$0x1] =	stream.indirect_vreg.gather [hbm4b:s5+s3], $0x80, v3, vm0, $0xb8;
	[tilespmem:$0x18400] =	vst v63  }
0x43e: {  	s28 =	simm.s32 $0x9000  }
0x43f: {  	[tilespmem:s28], [sflag:$0x1] =	stream.indirect_vreg.gather [hbm4b:s6+s3], $0x80, v3, vm1, $0xb8;
	[tilespmem:$0x18400] =	vst v63  }
0x440: {  	v3 =	vld [tilespmem:$0x320];
	_ =	sdelay $0x4  }
0x441: {  	v50 =	vshrl.u32 v3, $0x3  }
0x442: {  	v4 =	vmul.u32 $0x28, v50  }
0x443: {  	v3 =	vand.u32 $0x7, v3  }
0x444: {  	v3 =	vor.u32 v3, v4  }
0x445: {  	v4 =	vperm.xlane v3, v0;
	_ =	sdelay $0x1  }
0x446: {  	v4 =	vadd.s32 v1, v4;
	_ =	sdelay $0x3  }
0x447: {  	s16 =	simm.s32 $0x9400;
	v3 =	vperm.xlane v3, v2  }
0x448: {  	[tilespmem:s16], [sflag:$0x1] =	stream.indirect_vreg.gather [hbm4b:s4+s3], $0x80, v4, vm0, $0xb8;
	[tilespmem:$0x18400] =	vst v63  }
0x449: {  	s17 =	simm.s32 $0x9C00;
	v3 =	vadd.s32 v1, v3  }
0x44a: {  	[tilespmem:s17], [sflag:$0x1] =	stream.indirect_vreg.gather [hbm4b:s5+s3], $0x80, v4, vm0, $0xb8;
	[tilespmem:$0x18400] =	vst v63  }
0x44b: {  	s7 =	simm.s32 $0xA400  }
0x44c: {  	[tilespmem:s7], [sflag:$0x1] =	stream.indirect_vreg.gather [hbm4b:s6+s3], $0x80, v4, vm1, $0xb8;
	[tilespmem:$0x18400] =	vst v63  }
0x44d: {  	s18 =	simm.s32 $0xA800  }
0x44e: {  	[tilespmem:s18], [sflag:$0x1] =	stream.indirect_vreg.gather [hbm4b:s4+s3], $0x80, v3, vm0, $0xb8;
	[tilespmem:$0x18400] =	vst v63  }
0x44f: {  	s19 =	simm.s32 $0xB000  }
0x450: {  	[tilespmem:s19], [sflag:$0x1] =	stream.indirect_vreg.gather [hbm4b:s5+s3], $0x80, v3, vm0, $0xb8;
	[tilespmem:$0x18400] =	vst v63  }
0x451: {  	s30 =	simm.s32 $0xB800  }
0x452: {  	[tilespmem:s30], [sflag:$0x1] =	stream.indirect_vreg.gather [hbm4b:s6+s3], $0x80, v3, vm1, $0xb8;
	[tilespmem:$0x18400] =	vst v63  }
0x453: {  	v3 =	vld [tilespmem:$0x330];
	_ =	sdelay $0x4  }
0x454: {  	v51 =	vshrl.u32 v3, $0x3  }
0x455: {  	v4 =	vmul.u32 $0x28, v51  }
0x456: {  	v3 =	vand.u32 $0x7, v3  }
0x457: {  	v3 =	vor.u32 v3, v4  }
0x458: {  	v4 =	vperm.xlane v3, v0;
	_ =	sdelay $0x1  }
0x459: {  	v4 =	vadd.s32 v1, v4;
	_ =	sdelay $0x3  }
0x45a: {  	s31 =	simm.s32 $0xBC00;
	v3 =	vperm.xlane v3, v2  }
0x45b: {  	[tilespmem:s31], [sflag:$0x1] =	stream.indirect_vreg.gather [hbm4b:s4+s3], $0x80, v4, vm0, $0xb8;
	[tilespmem:$0x18400] =	vst v63  }
0x45c: {  	s20 =	simm.s32 $0xC400;
	v3 =	vadd.s32 v1, v3  }
0x45d: {  	[tilespmem:s20], [sflag:$0x1] =	stream.indirect_vreg.gather [hbm4b:s5+s3], $0x80, v4, vm0, $0xb8;
	[tilespmem:$0x18400] =	vst v63  }
0x45e: {  	s29 =	simm.s32 $0xCC00  }
0x45f: {  	[tilespmem:s29], [sflag:$0x1] =	stream.indirect_vreg.gather [hbm4b:s6+s3], $0x80, v4, vm1, $0xb8;
	[tilespmem:$0x18400] =	vst v63  }
0x460: {  	s21 =	simm.s32 $0xD000  }
0x461: {  	[tilespmem:s21], [sflag:$0x1] =	stream.indirect_vreg.gather [hbm4b:s4+s3], $0x80, v3, vm0, $0xb8;
	[tilespmem:$0x18400] =	vst v63  }
0x462: {  	s24 =	simm.s32 $0xD800  }
0x463: {  	[tilespmem:s24], [sflag:$0x1] =	stream.indirect_vreg.gather [hbm4b:s5+s3], $0x80, v3, vm0, $0xb8;
	[tilespmem:$0x18400] =	vst v63  }
0x464: {  	s22 =	simm.s32 $0xE000  }
0x465: {  	[tilespmem:s22], [sflag:$0x1] =	stream.indirect_vreg.gather [hbm4b:s6+s3], $0x80, v3, vm1, $0xb8;
	[tilespmem:$0x18400] =	vst v63  }
0x466: {  	v3 =	vld [tilespmem:$0x340];
	_ =	sdelay $0x4  }
0x467: {  	v52 =	vshrl.u32 v3, $0x3  }
0x468: {  	v4 =	vmul.u32 $0x28, v52  }
0x469: {  	v3 =	vand.u32 $0x7, v3  }
0x46a: {  	v3 =	vor.u32 v3, v4  }
0x46b: {  	v4 =	vperm.xlane v3, v0;
	_ =	sdelay $0x1  }
0x46c: {  	v4 =	vadd.s32 v1, v4;
	_ =	sdelay $0x3  }
0x46d: {  	s24 =	simm.s32 $0xE400;
	v3 =	vperm.xlane v3, v2  }
0x46e: {  	[tilespmem:s24], [sflag:$0x1] =	stream.indirect_vreg.gather [hbm4b:s4+s3], $0x80, v4, vm0, $0xb8;
	[tilespmem:$0x18400] =	vst v63  }
0x46f: {  	s28 =	simm.s32 $0xEC00;
	v3 =	vadd.s32 v1, v3  }
0x470: {  	[tilespmem:s28], [sflag:$0x1] =	stream.indirect_vreg.gather [hbm4b:s5+s3], $0x80, v4, vm0, $0xb8;
	[tilespmem:$0x18400] =	vst v63  }
0x471: {  	s20 =	simm.s32 $0xF400  }
0x472: {  	[tilespmem:s20], [sflag:$0x1] =	stream.indirect_vreg.gather [hbm4b:s6+s3], $0x80, v4, vm1, $0xb8;
	[tilespmem:$0x18400] =	vst v63  }
0x473: {  	s21 =	simm.s32 $0xF800  }
0x474: {  	[tilespmem:s21], [sflag:$0x1] =	stream.indirect_vreg.gather [hbm4b:s4+s3], $0x80, v3, vm0, $0xb8;
	[tilespmem:$0x18400] =	vst v63  }
0x475: {  	s22 =	simm.s32 $0x10000  }
0x476: {  	[tilespmem:s22], [sflag:$0x1] =	stream.indirect_vreg.gather [hbm4b:s5+s3], $0x80, v3, vm0, $0xb8;
	[tilespmem:$0x18400] =	vst v63  }
0x477: {  	s28 =	simm.s32 $0x10800  }
0x478: {  	[tilespmem:s28], [sflag:$0x1] =	stream.indirect_vreg.gather [hbm4b:s6+s3], $0x80, v3, vm1, $0xb8;
	[tilespmem:$0x18400] =	vst v63  }
0x479: {  	v3 =	vld [tilespmem:$0x350];
	_ =	sdelay $0x4  }
0x47a: {  	v53 =	vshrl.u32 v3, $0x3  }
0x47b: {  	v4 =	vmul.u32 $0x28, v53  }
0x47c: {  	v3 =	vand.u32 $0x7, v3  }
0x47d: {  	v3 =	vor.u32 v3, v4  }
0x47e: {  	v4 =	vperm.xlane v3, v0;
	_ =	sdelay $0x1  }
0x47f: {  	v4 =	vadd.s32 v1, v4;
	_ =	sdelay $0x3  }
0x480: {  	s28 =	simm.s32 $0x10C00;
	v3 =	vperm.xlane v3, v2  }
0x481: {  	[tilespmem:s28], [sflag:$0x1] =	stream.indirect_vreg.gather [hbm4b:s4+s3], $0x80, v4, vm0, $0xb8;
	[tilespmem:$0x18400] =	vst v63  }
0x482: {  	v3 =	vadd.s32 v1, v3;
	s28 =	simm.s32 $0x11400  }
0x483: {  	[tilespmem:s28], [sflag:$0x1] =	stream.indirect_vreg.gather [hbm4b:s5+s3], $0x80, v4, vm0, $0xb8;
	[tilespmem:$0x18400] =	vst v63  }
0x484: {  	s16 =	simm.s32 $0x11C00  }
0x485: {  	[tilespmem:s16], [sflag:$0x1] =	stream.indirect_vreg.gather [hbm4b:s6+s3], $0x80, v4, vm1, $0xb8;
	[tilespmem:$0x18400] =	vst v63  }
0x486: {  	s16 =	simm.s32 $0x12000  }
0x487: {  	[tilespmem:s16], [sflag:$0x1] =	stream.indirect_vreg.gather [hbm4b:s4+s3], $0x80, v3, vm0, $0xb8;
	[tilespmem:$0x18400] =	vst v63  }
0x488: {  	s16 =	simm.s32 $0x12800  }
0x489: {  	[tilespmem:s16], [sflag:$0x1] =	stream.indirect_vreg.gather [hbm4b:s5+s3], $0x80, v3, vm0, $0xb8;
	[tilespmem:$0x18400] =	vst v63  }
0x48a: {  	s16 =	simm.s32 $0x13000  }
0x48b: {  	[tilespmem:s16], [sflag:$0x1] =	stream.indirect_vreg.gather [hbm4b:s6+s3], $0x80, v3, vm1, $0xb8;
	[tilespmem:$0x18400] =	vst v63  }
0x48c: {  	v3 =	vld [tilespmem:$0x360];
	_ =	sdelay $0x4  }
0x48d: {  	v54 =	vshrl.u32 v3, $0x3  }
0x48e: {  	v4 =	vmul.u32 $0x28, v54  }
0x48f: {  	v3 =	vand.u32 $0x7, v3  }
0x490: {  	v3 =	vor.u32 v3, v4  }
0x491: {  	v4 =	vperm.xlane v3, v0;
	_ =	sdelay $0x1  }
0x492: {  	v4 =	vadd.s32 v1, v4;
	_ =	sdelay $0x3  }
0x493: {  	s16 =	simm.s32 $0x13400;
	v3 =	vperm.xlane v3, v2  }
0x494: {  	[tilespmem:s16], [sflag:$0x1] =	stream.indirect_vreg.gather [hbm4b:s4+s3], $0x80, v4, vm0, $0xb8;
	[tilespmem:$0x18400] =	vst v63  }
0x495: {  	v3 =	vadd.s32 v1, v3;
	s16 =	simm.s32 $0x13C00  }
0x496: {  	[tilespmem:s16], [sflag:$0x1] =	stream.indirect_vreg.gather [hbm4b:s5+s3], $0x80, v4, vm0, $0xb8;
	[tilespmem:$0x18400] =	vst v63  }
0x497: {  	s16 =	simm.s32 $0x14400  }
0x498: {  	[tilespmem:s16], [sflag:$0x1] =	stream.indirect_vreg.gather [hbm4b:s6+s3], $0x80, v4, vm1, $0xb8;
	[tilespmem:$0x18400] =	vst v63  }
0x499: {  	s16 =	simm.s32 $0x14800  }
0x49a: {  	[tilespmem:s16], [sflag:$0x1] =	stream.indirect_vreg.gather [hbm4b:s4+s3], $0x80, v3, vm0, $0xb8;
	[tilespmem:$0x18400] =	vst v63  }
0x49b: {  	s16 =	simm.s32 $0x15000  }
0x49c: {  	[tilespmem:s16], [sflag:$0x1] =	stream.indirect_vreg.gather [hbm4b:s5+s3], $0x80, v3, vm0, $0xb8;
	[tilespmem:$0x18400] =	vst v63  }
0x49d: {  	s16 =	simm.s32 $0x15800  }
0x49e: {  	[tilespmem:s16], [sflag:$0x1] =	stream.indirect_vreg.gather [hbm4b:s6+s3], $0x80, v3, vm1, $0xb8;
	[tilespmem:$0x18400] =	vst v63  }
0x49f: {  	v3 =	vld [tilespmem:$0x370];
	_ =	sdelay $0x4  }
0x4a0: {  	v55 =	vshrl.u32 v3, $0x3  }
0x4a1: {  	v4 =	vmul.u32 $0x28, v55  }
0x4a2: {  	v3 =	vand.u32 $0x7, v3  }
0x4a3: {  	v3 =	vor.u32 v3, v4  }
0x4a4: {  	v4 =	vperm.xlane v3, v0;
	_ =	sdelay $0x1  }
0x4a5: {  	v4 =	vadd.s32 v1, v4;
	_ =	sdelay $0x3  }
0x4a6: {  	s16 =	simm.s32 $0x15C00;
	v3 =	vperm.xlane v3, v2  }
0x4a7: {  	[tilespmem:s16], [sflag:$0x1] =	stream.indirect_vreg.gather [hbm4b:s4+s3], $0x80, v4, vm0, $0xb8;
	[tilespmem:$0x18400] =	vst v63  }
0x4a8: {  	v3 =	vadd.s32 v1, v3;
	s16 =	simm.s32 $0x16400  }
0x4a9: {  	[tilespmem:s16], [sflag:$0x1] =	stream.indirect_vreg.gather [hbm4b:s5+s3], $0x80, v4, vm0, $0xb8;
	[tilespmem:$0x18400] =	vst v63  }
0x4aa: {  	s16 =	simm.s32 $0x16C00  }
0x4ab: {  	[tilespmem:s16], [sflag:$0x1] =	stream.indirect_vreg.gather [hbm4b:s6+s3], $0x80, v4, vm1, $0xb8;
	[tilespmem:$0x18400] =	vst v63  }
0x4ac: {  	s16 =	simm.s32 $0x17000  }
0x4ad: {  	[tilespmem:s16], [sflag:$0x1] =	stream.indirect_vreg.gather [hbm4b:s4+s3], $0x80, v3, vm0, $0xb8;
	[tilespmem:$0x18400] =	vst v63  }
0x4ae: {  	s16 =	simm.s32 $0x17800  }
0x4af: {  	[tilespmem:s16], [sflag:$0x1] =	stream.indirect_vreg.gather [hbm4b:s5+s3], $0x80, v3, vm0, $0xb8;
	[tilespmem:$0x18400] =	vst v63  }
0x4b0: {  	s16 =	simm.s32 $0x18000  }
0x4b1: {  	[tilespmem:s16], [sflag:$0x1] =	stream.indirect_vreg.gather [hbm4b:s6+s3], $0x80, v3, vm1, $0xb8;
	[tilespmem:$0x18400] =	vst v63  }
0x4b2: {  	_ =	swait.ge [sflag:s11], $0x14000  }
0x4b3: {  	[sflag:s11] =	ssyncset.done $0x0  }
0x4b4: {  	s16 =	rddreg [dreg:$0x12];
	[sflag:s11] =	ssyncadd.s32 $0xFFFEC000  }
0x4b5: {  	[hbm4b:s16+s3] =	stream.linear.scatter [tilespmem:s12], [sflag:$0x2], $0x14000, $0x38;
	[tilespmem:$0x18400] =	vst v63  }
0x4b6: {  	_ =	swait.ge [sflag:s8], $0x14000  }
0x4b7: {  	[sflag:s8] =	ssyncset.done $0x0  }
0x4b8: {  	s23 =	simm.s32 $0x80;
	s16 =	rddreg [dreg:$0x1a];
	[sflag:s8] =	ssyncadd.s32 $0xFFFEC000  }
0x4b9: {  	[tilespmem:s26], [sflag:$0x1] =	stream.indirect.gather [hbm4b:s1+s23], $0x80, s16, s23, $0xb8;
	[tilespmem:$0x18400] =	vst v63  }
0x4ba: {  	_ =	swait.ge [sflag:s11], $0x4000  }
0x4bb: {  	[sflag:s11] =	ssyncset.done $0x0  }
0x4bc: {  	s1 =	rddreg [dreg:$0x13];
	[sflag:s11] =	ssyncadd.s32 $0xFFFFC000  }
0x4bd: {  	[hbm4b:s1+s3] =	stream.linear.scatter [tilespmem:s26], [sflag:$0x2], $0x4000, $0x38;
	[tilespmem:$0x18400] =	vst v63  }
0x4be: {  	_ =	swait.ge [sflag:s8], $0x4000  }
0x4bf: {  	[sflag:s8] =	ssyncset.done $0x0  }
0x4c0: {  	[sflag:s8] =	ssyncadd.s32 $0xFFFFC000  }
0x4c1: {  	v3 =	vld [tilespmem:$0x380];
	_ =	sdelay $0x4  }
0x4c2: {  	v56 =	vshrl.u32 v3, $0x3  }
0x4c3: {  	v4 =	vmul.u32 $0x28, v56  }
0x4c4: {  	v3 =	vand.u32 $0x7, v3  }
0x4c5: {  	v3 =	vor.u32 v3, v4  }
0x4c6: {  	v4 =	vperm.xlane v3, v0;
	_ =	sdelay $0x1  }
0x4c7: {  	v4 =	vadd.s32 v1, v4;
	_ =	sdelay $0x3  }
0x4c8: {  	v3 =	vperm.xlane v3, v2  }
0x4c9: {  	[tilespmem:s12], [sflag:$0x1] =	stream.indirect_vreg.gather [hbm4b:s4+s3], $0x80, v4, vm0, $0xb8;
	[tilespmem:$0x18400] =	vst v63  }
0x4ca: {  	s16 =	simm.s32 $0x4C00;
	v3 =	vadd.s32 v1, v3  }
0x4cb: {  	[tilespmem:s16], [sflag:$0x1] =	stream.indirect_vreg.gather [hbm4b:s5+s3], $0x80, v4, vm0, $0xb8;
	[tilespmem:$0x18400] =	vst v63  }
0x4cc: {  	s23 =	simm.s32 $0x5400  }
0x4cd: {  	[tilespmem:s23], [sflag:$0x1] =	stream.indirect_vreg.gather [hbm4b:s6+s3], $0x80, v4, vm1, $0xb8;
	[tilespmem:$0x18400] =	vst v63  }
0x4ce: {  	s0 =	simm.s32 $0x5800  }
0x4cf: {  	[tilespmem:s0], [sflag:$0x1] =	stream.indirect_vreg.gather [hbm4b:s4+s3], $0x80, v3, vm0, $0xb8;
	[tilespmem:$0x18400] =	vst v63  }
0x4d0: {  	s2 =	simm.s32 $0x6000  }
0x4d1: {  	[tilespmem:s2], [sflag:$0x1] =	stream.indirect_vreg.gather [hbm4b:s5+s3], $0x80, v3, vm0, $0xb8;
	[tilespmem:$0x18400] =	vst v63  }
0x4d2: {  	s1 =	simm.s32 $0x6800  }
0x4d3: {  	[tilespmem:s1], [sflag:$0x1] =	stream.indirect_vreg.gather [hbm4b:s6+s3], $0x80, v3, vm1, $0xb8;
	[tilespmem:$0x18400] =	vst v63  }
0x4d4: {  	v3 =	vld [tilespmem:$0x390];
	_ =	sdelay $0x4  }
0x4d5: {  	v57 =	vshrl.u32 v3, $0x3  }
0x4d6: {  	v4 =	vmul.u32 $0x28, v57  }
0x4d7: {  	v3 =	vand.u32 $0x7, v3  }
0x4d8: {  	v3 =	vor.u32 v3, v4  }
0x4d9: {  	v4 =	vperm.xlane v3, v0;
	_ =	sdelay $0x1  }
0x4da: {  	v4 =	vadd.s32 v1, v4;
	_ =	sdelay $0x3  }
0x4db: {  	s2 =	simm.s32 $0x6C00;
	v3 =	vperm.xlane v3, v2  }
0x4dc: {  	[tilespmem:s2], [sflag:$0x1] =	stream.indirect_vreg.gather [hbm4b:s4+s3], $0x80, v4, vm0, $0xb8;
	[tilespmem:$0x18400] =	vst v63  }
0x4dd: {  	s9 =	simm.s32 $0x7400;
	v3 =	vadd.s32 v1, v3  }
0x4de: {  	[tilespmem:s9], [sflag:$0x1] =	stream.indirect_vreg.gather [hbm4b:s5+s3], $0x80, v4, vm0, $0xb8;
	[tilespmem:$0x18400] =	vst v63  }
0x4df: {  	s10 =	simm.s32 $0x7C00  }
0x4e0: {  	[tilespmem:s10], [sflag:$0x1] =	stream.indirect_vreg.gather [hbm4b:s6+s3], $0x80, v4, vm1, $0xb8;
	[tilespmem:$0x18400] =	vst v63  }
0x4e1: {  	s13 =	simm.s32 $0x8000  }
0x4e2: {  	[tilespmem:s13], [sflag:$0x1] =	stream.indirect_vreg.gather [hbm4b:s4+s3], $0x80, v3, vm0, $0xb8;
	[tilespmem:$0x18400] =	vst v63  }
0x4e3: {  	s14 =	simm.s32 $0x8800  }
0x4e4: {  	[tilespmem:s14], [sflag:$0x1] =	stream.indirect_vreg.gather [hbm4b:s5+s3], $0x80, v3, vm0, $0xb8;
	[tilespmem:$0x18400] =	vst v63  }
0x4e5: {  	s16 =	simm.s32 $0x9000  }
0x4e6: {  	[tilespmem:s16], [sflag:$0x1] =	stream.indirect_vreg.gather [hbm4b:s6+s3], $0x80, v3, vm1, $0xb8;
	[tilespmem:$0x18400] =	vst v63  }
0x4e7: {  	v3 =	vld [tilespmem:$0x3A0];
	_ =	sdelay $0x4  }
0x4e8: {  	v58 =	vshrl.u32 v3, $0x3  }
0x4e9: {  	v4 =	vmul.u32 $0x28, v58  }
0x4ea: {  	v3 =	vand.u32 $0x7, v3  }
0x4eb: {  	v3 =	vor.u32 v3, v4  }
0x4ec: {  	v4 =	vperm.xlane v3, v0;
	_ =	sdelay $0x1  }
0x4ed: {  	v4 =	vadd.s32 v1, v4;
	_ =	sdelay $0x3  }
0x4ee: {  	s23 =	simm.s32 $0x9400;
	v3 =	vperm.xlane v3, v2  }
0x4ef: {  	[tilespmem:s23], [sflag:$0x1] =	stream.indirect_vreg.gather [hbm4b:s4+s3], $0x80, v4, vm0, $0xb8;
	[tilespmem:$0x18400] =	vst v63  }
0x4f0: {  	s15 =	simm.s32 $0x9C00;
	v3 =	vadd.s32 v1, v3  }
0x4f1: {  	[tilespmem:s15], [sflag:$0x1] =	stream.indirect_vreg.gather [hbm4b:s5+s3], $0x80, v4, vm0, $0xb8;
	[tilespmem:$0x18400] =	vst v63  }
0x4f2: {  	s25 =	simm.s32 $0xA400  }
0x4f3: {  	[tilespmem:s25], [sflag:$0x1] =	stream.indirect_vreg.gather [hbm4b:s6+s3], $0x80, v4, vm1, $0xb8;
	[tilespmem:$0x18400] =	vst v63  }
0x4f4: {  	s17 =	simm.s32 $0xA800  }
0x4f5: {  	[tilespmem:s17], [sflag:$0x1] =	stream.indirect_vreg.gather [hbm4b:s4+s3], $0x80, v3, vm0, $0xb8;
	[tilespmem:$0x18400] =	vst v63  }
0x4f6: {  	s18 =	simm.s32 $0xB000  }
0x4f7: {  	[tilespmem:s18], [sflag:$0x1] =	stream.indirect_vreg.gather [hbm4b:s5+s3], $0x80, v3, vm0, $0xb8;
	[tilespmem:$0x18400] =	vst v63  }
0x4f8: {  	s7 =	simm.s32 $0xB800  }
0x4f9: {  	[tilespmem:s7], [sflag:$0x1] =	stream.indirect_vreg.gather [hbm4b:s6+s3], $0x80, v3, vm1, $0xb8;
	[tilespmem:$0x18400] =	vst v63  }
0x4fa: {  	v3 =	vld [tilespmem:$0x3B0];
	_ =	sdelay $0x4  }
0x4fb: {  	v59 =	vshrl.u32 v3, $0x3  }
0x4fc: {  	v4 =	vmul.u32 $0x28, v59  }
0x4fd: {  	v3 =	vand.u32 $0x7, v3  }
0x4fe: {  	v3 =	vor.u32 v3, v4  }
0x4ff: {  	v4 =	vperm.xlane v3, v0;
	_ =	sdelay $0x1  }
0x500: {  	v4 =	vadd.s32 v1, v4;
	_ =	sdelay $0x3  }
0x501: {  	s30 =	simm.s32 $0xBC00;
	v3 =	vperm.xlane v3, v2  }
0x502: {  	[tilespmem:s30], [sflag:$0x1] =	stream.indirect_vreg.gather [hbm4b:s4+s3], $0x80, v4, vm0, $0xb8;
	[tilespmem:$0x18400] =	vst v63  }
0x503: {  	s1 =	simm.s32 $0xC400;
	v3 =	vadd.s32 v1, v3  }
0x504: {  	[tilespmem:s1], [sflag:$0x1] =	stream.indirect_vreg.gather [hbm4b:s5+s3], $0x80, v4, vm0, $0xb8;
	[tilespmem:$0x18400] =	vst v63  }
0x505: {  	s19 =	simm.s32 $0xCC00  }
0x506: {  	[tilespmem:s19], [sflag:$0x1] =	stream.indirect_vreg.gather [hbm4b:s6+s3], $0x80, v4, vm1, $0xb8;
	[tilespmem:$0x18400] =	vst v63  }
0x507: {  	s29 =	simm.s32 $0xD000  }
0x508: {  	[tilespmem:s29], [sflag:$0x1] =	stream.indirect_vreg.gather [hbm4b:s4+s3], $0x80, v3, vm0, $0xb8;
	[tilespmem:$0x18400] =	vst v63  }
0x509: {  	s31 =	simm.s32 $0xD800  }
0x50a: {  	[tilespmem:s31], [sflag:$0x1] =	stream.indirect_vreg.gather [hbm4b:s5+s3], $0x80, v3, vm0, $0xb8;
	[tilespmem:$0x18400] =	vst v63  }
0x50b: {  	s2 =	simm.s32 $0xE000  }
0x50c: {  	[tilespmem:s2], [sflag:$0x1] =	stream.indirect_vreg.gather [hbm4b:s6+s3], $0x80, v3, vm1, $0xb8;
	[tilespmem:$0x18400] =	vst v63  }
0x50d: {  	v3 =	vld [tilespmem:$0x3C0];
	_ =	sdelay $0x4  }
0x50e: {  	v60 =	vshrl.u32 v3, $0x3  }
0x50f: {  	v4 =	vmul.u32 $0x28, v60  }
0x510: {  	v3 =	vand.u32 $0x7, v3  }
0x511: {  	v3 =	vor.u32 v3, v4  }
0x512: {  	v4 =	vperm.xlane v3, v0;
	_ =	sdelay $0x1  }
0x513: {  	v4 =	vadd.s32 v1, v4;
	_ =	sdelay $0x3  }
0x514: {  	s7 =	simm.s32 $0xE400;
	v3 =	vperm.xlane v3, v2  }
0x515: {  	[tilespmem:s7], [sflag:$0x1] =	stream.indirect_vreg.gather [hbm4b:s4+s3], $0x80, v4, vm0, $0xb8;
	[tilespmem:$0x18400] =	vst v63  }
0x516: {  	s24 =	simm.s32 $0xEC00;
	v3 =	vadd.s32 v1, v3  }
0x517: {  	[tilespmem:s24], [sflag:$0x1] =	stream.indirect_vreg.gather [hbm4b:s5+s3], $0x80, v4, vm0, $0xb8;
	[tilespmem:$0x18400] =	vst v63  }
0x518: {  	s20 =	simm.s32 $0xF400  }
0x519: {  	[tilespmem:s20], [sflag:$0x1] =	stream.indirect_vreg.gather [hbm4b:s6+s3], $0x80, v4, vm1, $0xb8;
	[tilespmem:$0x18400] =	vst v63  }
0x51a: {  	s21 =	simm.s32 $0xF800  }
0x51b: {  	[tilespmem:s21], [sflag:$0x1] =	stream.indirect_vreg.gather [hbm4b:s4+s3], $0x80, v3, vm0, $0xb8;
	[tilespmem:$0x18400] =	vst v63  }
0x51c: {  	s22 =	simm.s32 $0x10000  }
0x51d: {  	[tilespmem:s22], [sflag:$0x1] =	stream.indirect_vreg.gather [hbm4b:s5+s3], $0x80, v3, vm0, $0xb8;
	[tilespmem:$0x18400] =	vst v63  }
0x51e: {  	s9 =	simm.s32 $0x10800  }
0x51f: {  	[tilespmem:s9], [sflag:$0x1] =	stream.indirect_vreg.gather [hbm4b:s6+s3], $0x80, v3, vm1, $0xb8;
	[tilespmem:$0x18400] =	vst v63  }
0x520: {  	v3 =	vld [tilespmem:$0x3D0];
	_ =	sdelay $0x4  }
0x521: {  	v61 =	vshrl.u32 v3, $0x3  }
0x522: {  	v4 =	vmul.u32 $0x28, v61  }
0x523: {  	v3 =	vand.u32 $0x7, v3  }
0x524: {  	v3 =	vor.u32 v3, v4  }
0x525: {  	v4 =	vperm.xlane v3, v0;
	_ =	sdelay $0x1  }
0x526: {  	v4 =	vadd.s32 v1, v4;
	_ =	sdelay $0x3  }
0x527: {  	s10 =	simm.s32 $0x10C00;
	v3 =	vperm.xlane v3, v2  }
0x528: {  	[tilespmem:s10], [sflag:$0x1] =	stream.indirect_vreg.gather [hbm4b:s4+s3], $0x80, v4, vm0, $0xb8;
	[tilespmem:$0x18400] =	vst v63  }
0x529: {  	s28 =	simm.s32 $0x11400;
	v3 =	vadd.s32 v1, v3  }
0x52a: {  	[tilespmem:s28], [sflag:$0x1] =	stream.indirect_vreg.gather [hbm4b:s5+s3], $0x80, v4, vm0, $0xb8;
	[tilespmem:$0x18400] =	vst v63  }
0x52b: {  	s13 =	simm.s32 $0x11C00  }
0x52c: {  	[tilespmem:s13], [sflag:$0x1] =	stream.indirect_vreg.gather [hbm4b:s6+s3], $0x80, v4, vm1, $0xb8;
	[tilespmem:$0x18400] =	vst v63  }
0x52d: {  	s14 =	simm.s32 $0x12000  }
0x52e: {  	[tilespmem:s14], [sflag:$0x1] =	stream.indirect_vreg.gather [hbm4b:s4+s3], $0x80, v3, vm0, $0xb8;
	[tilespmem:$0x18400] =	vst v63  }
0x52f: {  	s15 =	simm.s32 $0x12800  }
0x530: {  	[tilespmem:s15], [sflag:$0x1] =	stream.indirect_vreg.gather [hbm4b:s5+s3], $0x80, v3, vm0, $0xb8;
	[tilespmem:$0x18400] =	vst v63  }
0x531: {  	s16 =	simm.s32 $0x13000  }
0x532: {  	[tilespmem:s16], [sflag:$0x1] =	stream.indirect_vreg.gather [hbm4b:s6+s3], $0x80, v3, vm1, $0xb8;
	[tilespmem:$0x18400] =	vst v63  }
0x533: {  	v3 =	vld [tilespmem:$0x3E0];
	_ =	sdelay $0x4  }
0x534: {  	v62 =	vshrl.u32 v3, $0x3  }
0x535: {  	v4 =	vmul.u32 $0x28, v62  }
0x536: {  	v3 =	vand.u32 $0x7, v3  }
0x537: {  	v3 =	vor.u32 v3, v4  }
0x538: {  	v4 =	vperm.xlane v3, v0;
	_ =	sdelay $0x1  }
0x539: {  	v4 =	vadd.s32 v1, v4;
	_ =	sdelay $0x3  }
0x53a: {  	s17 =	simm.s32 $0x13400;
	v3 =	vperm.xlane v3, v2  }
0x53b: {  	[tilespmem:s17], [sflag:$0x1] =	stream.indirect_vreg.gather [hbm4b:s4+s3], $0x80, v4, vm0, $0xb8;
	[tilespmem:$0x18400] =	vst v63  }
0x53c: {  	s18 =	simm.s32 $0x13C00;
	v3 =	vadd.s32 v1, v3  }
0x53d: {  	[tilespmem:s18], [sflag:$0x1] =	stream.indirect_vreg.gather [hbm4b:s5+s3], $0x80, v4, vm0, $0xb8;
	[tilespmem:$0x18400] =	vst v63  }
0x53e: {  	s19 =	simm.s32 $0x14400  }
0x53f: {  	[tilespmem:s19], [sflag:$0x1] =	stream.indirect_vreg.gather [hbm4b:s6+s3], $0x80, v4, vm1, $0xb8;
	[tilespmem:$0x18400] =	vst v63  }
0x540: {  	s20 =	simm.s32 $0x14800  }
0x541: {  	[tilespmem:s20], [sflag:$0x1] =	stream.indirect_vreg.gather [hbm4b:s4+s3], $0x80, v3, vm0, $0xb8;
	[tilespmem:$0x18400] =	vst v63  }
0x542: {  	s21 =	simm.s32 $0x15000  }
0x543: {  	[tilespmem:s21], [sflag:$0x1] =	stream.indirect_vreg.gather [hbm4b:s5+s3], $0x80, v3, vm0, $0xb8;
	[tilespmem:$0x18400] =	vst v63  }
0x544: {  	s22 =	simm.s32 $0x15800  }
0x545: {  	[tilespmem:s22], [sflag:$0x1] =	stream.indirect_vreg.gather [hbm4b:s6+s3], $0x80, v3, vm1, $0xb8;
	[tilespmem:$0x18400] =	vst v63  }
0x546: {  	v3 =	vld [tilespmem:$0x3F0];
	_ =	sdelay $0x4  }
0x547: {  	v63 =	vshrl.u32 v3, $0x3  }
0x548: {  	v4 =	vmul.u32 $0x28, v63  }
0x549: {  	v3 =	vand.u32 $0x7, v3  }
0x54a: {  	v3 =	vor.u32 v3, v4  }
0x54b: {  	v4 =	vperm.xlane v3, v0;
	_ =	sdelay $0x1  }
0x54c: {  	v4 =	vadd.s32 v1, v4;
	_ =	sdelay $0x3  }
0x54d: {  	s23 =	simm.s32 $0x15C00;
	v3 =	vperm.xlane v3, v2  }
0x54e: {  	[tilespmem:s23], [sflag:$0x1] =	stream.indirect_vreg.gather [hbm4b:s4+s3], $0x80, v4, vm0, $0xb8;
	[tilespmem:$0x18400] =	vst v63  }
0x54f: {  	s24 =	simm.s32 $0x16400;
	v3 =	vadd.s32 v1, v3  }
0x550: {  	[tilespmem:s24], [sflag:$0x1] =	stream.indirect_vreg.gather [hbm4b:s5+s3], $0x80, v4, vm0, $0xb8;
	[tilespmem:$0x18400] =	vst v63  }
0x551: {  	s25 =	simm.s32 $0x16C00  }
0x552: {  	[tilespmem:s25], [sflag:$0x1] =	stream.indirect_vreg.gather [hbm4b:s6+s3], $0x80, v4, vm1, $0xb8;
	[tilespmem:$0x18400] =	vst v63  }
0x553: {  	s28 =	simm.s32 $0x17000  }
0x554: {  	[tilespmem:s28], [sflag:$0x1] =	stream.indirect_vreg.gather [hbm4b:s4+s3], $0x80, v3, vm0, $0xb8;
	[tilespmem:$0x18400] =	vst v63  }
0x555: {  	s29 =	simm.s32 $0x17800  }
0x556: {  	[tilespmem:s29], [sflag:$0x1] =	stream.indirect_vreg.gather [hbm4b:s5+s3], $0x80, v3, vm0, $0xb8;
	[tilespmem:$0x18400] =	vst v63  }
0x557: {  	s30 =	simm.s32 $0x18000  }
0x558: {  	[tilespmem:s30], [sflag:$0x1] =	stream.indirect_vreg.gather [hbm4b:s6+s3], $0x80, v3, vm1, $0xb8;
	[tilespmem:$0x18400] =	vst v63  }
0x559: {  	s1 =	rddreg [dreg:$0x1b];
	_ =	swait.ge [sflag:s11], $0x14000  }
0x55a: {  	p0 =	sne.s32 s1, $0x1;
	[sflag:s11] =	ssyncset.done $0x0  }
.Ltmp0:
0x55b: {  	s31 =	rddreg [dreg:$0x14];
	[sflag:s11] =	ssyncadd.s32 $0xFFFEC000;
	(pc) =	sbr.rel @p0 .LBB2_1-.Ltmp0, $4  }
0x55c: {  	[hbm4b:s31+s3] =	stream.linear.scatter [tilespmem:s12], [sflag:$0x2], $0x14000, $0x38;
	[tilespmem:$0x18400] =	vst v63  }
0x55d: {  	_ =	swait.ge [sflag:s8], $0x14000  }
0x55e: {  	[sflag:s8] =	ssyncset.done $0x0  }
0x55f: {  	s1 =	sadd.s32 $0xFFFFFFFF, s1;
	[sflag:s8] =	ssyncadd.s32 $0xFFFEC000  }
0x560: {  	_ =	sfence.sel $0x180000  }
0x561: {  	[bflag:$0x0] =	sbarrier.arrive $0xFFFF  }
0x562: {  	_ =	strace $0x9000004A  }
0x563: {  	s0 =	stileid.u32;
	[bflag:$0x2] =	sbarrier.arrive $0xFFFF  }
0x564: {  	p0 =	sne.s32 s0, $0x0;
	s0 =	rddreg [dreg:$0x3]  }
0x565: {  	s0 =	sadd.s32 @!p0 $0x100000, s0  }
0x566: {  	[sflag:s0] =	ssyncadd.tile.s32 @!p0 $0x1;
	_ =	shalt  }
.Lfunc_end2:
_tile_overlayer_lowered:
.L_overlay_start_2:
0x567: {  	(tag) =	ssettag $0x2  }
0x568: {  	s0 =	rddreg [dreg:$0x0];
	s2 =	stileid.u32  }
0x569: {  	s1 =	rddreg [dreg:$0x1];
	p0 =	sne.s32 s2, $0x0  }
0x56a: {  	s3 =	rddreg [dreg:$0x2];
	[bflag:$0x3] =	sbarrier.arrive $0xFFFF;
	s2 =	simm.s32 @!p0 $0x1C02  }
0x56b: {  	[timem:s3], [sflag:s2] =	dma.local @!p0 [hbm:s0], s1  }
0x56c: {  	s0 =	simm.s32 @!p0 $0x2  }
0x56d: {  	_ =	swait.ge @!p0 [sflag:s0], s1  }
0x56e: {  	s1 =	ssub.s32 @!p0 $0x0, s1;
	[sflag:s0] =	ssyncset.done @!p0 $0x0  }
0x56f: {  	[sflag:s0] =	ssyncadd.s32 @!p0 s1  }
0x570: {  	[bflag:$0x3] =	sbarrier.arrive $0xFFFF  }
0x571: {  	_ =	shalt  }

// kernel: scscatter.3.cloned.1.call-start
scs
__scs_entry_jumppad:
0x0: {  	(pc) =	sbr.rel $0x88, $3  }
0x1: {  	(tag) =	ssettag $0x0;
	lr =	simm.s32 $0x1  }
0x2: {  	[smem:$0x3F8E] =	sst lr;
	_ =	strace $0xD0000000  }
0x3: {  	_ = 	snop  }
0x4: {  	_ = 	snop  }
0x5: {  	_ = 	snop  }
0x6: {  	_ = 	snop  }
0x7: {  	_ = 	snop  }
__scs_overlays_trampoline_lowered:
0x8: {  	[smem:$0x3F9D] =	sst s0  }
0x9: {  	[smem:$0x3F9E] =	sst s1  }
0xa: {  	[smem:$0x3F9F] =	sst s2  }
0xb: {  	[smem:$0x3FA0] =	sst s3  }
0xc: {  	[smem:$0x3FA1] =	sst s4  }
0xd: {  	[smem:$0x3FA2] =	sst s5  }
0xe: {  	[smem:$0x3FA3] =	sst s6  }
0xf: {  	[smem:$0x3FA4] =	sst s7  }
0x10: {  	[smem:$0x3FA5] =	sst s8  }
0x11: {  	[smem:$0x3FA6] =	sst s9;
	s0 =	simm.s32 @!p0 $0x0  }
0x12: {  	s1 =	sld [smem:$0x3F8C];
	s0 =	simm.s32 @p0 $0x1  }
0x13: {  	[smem:$0x3FA7] =	sst s0;
	s0 =	simm.s32 @!p1 $0x0  }
0x14: {  	s2 =	sld [smem:$0x3F8B];
	s0 =	simm.s32 @p1 $0x1  }
0x15: {  	[smem:$0x3FA8] =	sst s0;
	s0 =	simm.s32 @!p2 $0x0  }
0x16: {  	s3 =	sld [smem:$0x3FDB];
	s0 =	simm.s32 @p2 $0x1  }
0x17: {  	s4 =	simm.s32 $0x1BF5;
	[smem:$0x3FAA] =	sst s0  }
0x18: {  	s0 =	sld [smem:$0x3F8D];
	_ =	swait.ge [sflag:s4], $0x0  }
0x19: {  	s7 =	sld [smem:$0x3F8E]  }
0x1a: {  	s8 =	sadd.s32 $0xFFFFE003, lr  }
0x1b: {  	s9 =	sadd.s32 $0xFFFFFEF7, lr;
	s5 =	simm.s32 $0xFFFFFFFF;
	p2 =	slt.u32 s8, $0xFFFFF086  }
0x1c: {  	p1 =	slt.u32 s9, $0xF7A;
	s5 =	simm.s32 @!p2 $0x0  }
0x1d: {  	s5 =	simm.s32 @p1 $0x1;
	p0 =	seq.s32 s7, s2  }
0x1e: {  	s7 =	smul.u32 @!p0 $0xF7A, s2;
	p2 =	seq.s32 @!p0 s5, $0x0  }
0x1f: {  	s9 =	smul.u32 $0xF7A, s1;
	s8 =	simm.s32 @!p0 $0x1BF5;
	p2 =	por !p2, p0  }
0x20: {  	[sflag:s8] =	ssyncset.s32 @!p0 $0xFFFFF086;
	s6 =	sadd.s32 @!p0 s3, s7;
	s7 =	simm.s32 @!p0 $0x108  }
0x21: {  	s3 =	sadd.s32 s3, s9;
	s6 =	sadd.s32 @!p0 $0x88, s6;
	s7 =	simm.s32 @p2 $0x1082  }
0x22: {  	[simem:s7], [sflag:s8] =	dma.local @!p0 [hbm:s6], $0xF7A  }
0x23: {  	s9 =	sor.u32 $0xD0000000, s2;
	s6 =	simm.s32 $0x108;
	_ =	swait.ge @!p0 [sflag:s8], $0x0  }
0x24: {  	s3 =	sadd.s32 $0x88, s3;
	s6 =	simm.s32 @!p1 $0x1082;
	[sflag:s4] =	ssyncset.s32 $0xFFFFF086  }
0x25: {  	[simem:s6], [sflag:s4] =	dma.local [hbm:s3], $0xF7A  }
0x26: {  	[smem:$0x3F8E] =	sst s1;
	(tag) =	ssettag s2;
	_ =	strace s9  }
0x27: {  	s1 =	sld [smem:$0x3F9E]  }
0x28: {  	s2 =	sld [smem:$0x3F9F]  }
0x29: {  	s4 =	sld [smem:$0x3FA1]  }
0x2a: {  	p0 =	seq.s32 s5, $0x0;
	s5 =	sld [smem:$0x3FA2]  }
0x2b: {  	s6 =	sld [smem:$0x3FA3]  }
0x2c: {  	s7 =	sld [smem:$0x3FA4]  }
0x2d: {  	s3 =	simm.s32 $0x108;
	s8 =	sld [smem:$0x3FA5]  }
0x2e: {  	s3 =	simm.s32 @!p0 $0x1082;
	s9 =	sld [smem:$0x3FA6]  }
0x2f: {  	lr =	sadd.s32 s0, s3;
	s0 =	sld [smem:$0x3F9D]  }
0x30: {  	s3 =	sld [smem:$0x3FA0]  }
0x31: {  	[smem:$0x3FA9] =	sst s10  }
0x32: {  	s10 =	sld [smem:$0x3FA7];
	_ =	sdelay $0x3  }
0x33: {  	p0 =	seq.s32 s10, $0x1;
	s10 =	sld [smem:$0x3FA9];
	_ =	sdelay $0x3  }
0x34: {  	[smem:$0x3FA9] =	sst s10  }
0x35: {  	s10 =	sld [smem:$0x3FA8];
	_ =	sdelay $0x3  }
0x36: {  	p1 =	seq.s32 s10, $0x1;
	s10 =	sld [smem:$0x3FA9];
	_ =	sdelay $0x3  }
0x37: {  	[smem:$0x3FA9] =	sst s10  }
0x38: {  	s10 =	sld [smem:$0x3FAA]  }
0x39: {  	_ = 	snop;
	(pc) =	sbr.ind lr, $3  }
0x3a: {  	_ = 	snop  }
0x3b: {  	_ = 	snop  }
0x3c: {  	p2 =	seq.s32 s10, $0x1;
	s10 =	sld [smem:$0x3FA9]  }
0x3d: {  	_ =	shalt  }
0x3e: {  	_ =	shalt  }
0x3f: {  	_ =	shalt  }
0x40: {  	_ =	shalt  }
0x41: {  	_ =	shalt  }
0x42: {  	_ =	shalt  }
0x43: {  	_ =	shalt  }
0x44: {  	_ =	shalt  }
0x45: {  	_ =	shalt  }
0x46: {  	_ =	shalt  }
0x47: {  	_ =	shalt  }
0x48: {  	_ =	shalt  }
0x49: {  	_ =	shalt  }
0x4a: {  	_ =	shalt  }
0x4b: {  	_ =	shalt  }
0x4c: {  	_ =	shalt  }
0x4d: {  	_ =	shalt  }
0x4e: {  	_ =	shalt  }
0x4f: {  	_ =	shalt  }
0x50: {  	_ =	shalt  }
0x51: {  	_ =	shalt  }
0x52: {  	_ =	shalt  }
0x53: {  	_ =	shalt  }
0x54: {  	_ =	shalt  }
0x55: {  	_ =	shalt  }
0x56: {  	_ =	shalt  }
0x57: {  	_ =	shalt  }
0x58: {  	_ =	shalt  }
0x59: {  	_ =	shalt  }
0x5a: {  	_ =	shalt  }
0x5b: {  	_ =	shalt  }
0x5c: {  	_ =	shalt  }
0x5d: {  	_ =	shalt  }
0x5e: {  	_ =	shalt  }
0x5f: {  	_ =	shalt  }
0x60: {  	_ =	shalt  }
0x61: {  	_ =	shalt  }
0x62: {  	_ =	shalt  }
0x63: {  	_ =	shalt  }
0x64: {  	_ =	shalt  }
0x65: {  	_ =	shalt  }
0x66: {  	_ =	shalt  }
0x67: {  	_ =	shalt  }
0x68: {  	_ =	shalt  }
0x69: {  	_ =	shalt  }
0x6a: {  	_ =	shalt  }
0x6b: {  	_ =	shalt  }
0x6c: {  	_ =	shalt  }
0x6d: {  	_ =	shalt  }
0x6e: {  	_ =	shalt  }
0x6f: {  	_ =	shalt  }
0x70: {  	_ =	shalt  }
0x71: {  	_ =	shalt  }
0x72: {  	_ =	shalt  }
0x73: {  	_ =	shalt  }
0x74: {  	_ =	shalt  }
0x75: {  	_ =	shalt  }
0x76: {  	_ =	shalt  }
0x77: {  	_ =	shalt  }
0x78: {  	_ =	shalt  }
0x79: {  	_ =	shalt  }
0x7a: {  	_ =	shalt  }
0x7b: {  	_ =	shalt  }
0x7c: {  	_ =	shalt  }
0x7d: {  	_ =	shalt  }
0x7e: {  	_ =	shalt  }
0x7f: {  	_ =	shalt  }
0x80: {  	_ =	shalt  }
0x81: {  	_ =	shalt  }
0x82: {  	_ =	shalt  }
0x83: {  	_ =	shalt  }
0x84: {  	_ =	shalt  }
0x85: {  	_ =	shalt  }
0x86: {  	_ =	shalt  }
0x87: {  	_ =	shalt  }
.Lfunc_end0:
.L_simem_size_0:
called_computation.3_lowered:
.L_overlay_start_0:
0x88: {  	s2 =	sld [smem:$0x3FD9]  }
0x89: {  	s3 =	sld [smem:$0x3FFE];
	_ =	sdelay $0x1  }
0x8a: {  	s1 =	srdreg.scid  }
0x8b: {  	s0 =	sand.u32 $0x1, s1  }
0x8c: {  	s17 =	sshll.u32 s0, $0xA;
	s2 =	sadd.s32 s3, s2  }
0x8d: {  	s2 =	sadd.s32 s2, s17  }
0x8e: {  	[smem:$0x3FB5] =	sst s2  }
0x8f: {  	_ = 	snop  }
0x90: {  	s2 =	sld [smem:$0x3FC5]  }
0x91: {  	s18 =	sld [smem:$0x3FD0];
	(tm) =	ssettm $0x1  }
0x92: {  	s4 =	sld [smem:$0x3FFB];
	_ =	sdelay $0x3  }
0x93: {  	_ =	strace s4  }
0x94: {  	s4 =	sld [smem:$0x3FFC];
	_ =	sdelay $0x3  }
0x95: {  	_ =	strace s4  }
0x96: {  	s4 =	sld [smem:$0x3FFD];
	_ =	sdelay $0x3  }
0x97: {  	_ =	strace s4  }
0x98: {  	_ =	strace $0x8FFFFFFF  }
0x99: {  	s19 =	sld [smem:$0x3FDB];
	_ =	sdelay $0x1  }
0x9a: {  	s5 =	simm.s32 $_scs_section_size  }
0x9b: {  	s6 =	simm.s32 $_size__tile_overlayer_lowered;
	s7 =	simm.s32 $_tile_overlayer_lowered  }
0x9c: {  	s22 =	simm.s32 $0x1BFF;
	s21 =	sshll.u32 s7, $0x1;
	s4 =	sadd.s32 s5, s19  }
0x9d: {  	s8 =	simm.s32 $0x0;
	s20 =	sshll.u32 s6, $0x1;
	s6 =	sadd.s32 s21, s4  }
0x9e: {  	[timem:s8], [sflag:s22] =	dma.local [hbm:s6], s20  }
0x9f: {  	_ =	swait.ge [sflag:s22], s20  }
0xa0: {  	s5 =	ssub.s32 $0x0, s20;
	[sflag:s22] =	ssyncset.done $0x0  }
0xa1: {  	[sflag:s22] =	ssyncadd.s32 s5;
	_ =	sdelay $0x1  }
0xa2: {  	s23 =	simm.s32 $0x1B8B  }
0xa3: {  	_ =	swait.ge [sflag:s23], $0x1  }
0xa4: {  	[sflag:s23] =	ssyncset.done $0x0  }
0xa5: {  	s25 =	simm.s32 $0x1B8E;
	s24 =	sld [smem:$0x3FFE];
	[sflag:s23] =	ssyncadd.s32 $0xFFFFFFFF  }
0xa6: {  	s26 =	simm.s32 $execute0_lowered;
	[smem:$0x3FD2] =	sst s25  }
0xa7: {  	s6 =	sshll.u32 s26, $0x1;
	_ =	strace $0x8000004F;
	[dreg:$0x1] =	wrdreg $0xFFFFFFFF  }
0xa8: {  	s28 =	simm.s32 $_size_execute0_lowered;
	s4 =	sadd.s32 s4, s6;
	[dreg:$0x0] =	wrdreg $0x0  }
0xa9: {  	s6 =	sshll.u32 s28, $0x1;
	[dreg:$0x2] =	wrdreg s4  }
0xaa: {  	[dreg:$0x3] =	wrdreg s6  }
0xab: {  	[dreg:$0x4] =	wrdreg $0xC0  }
0xac: {  	_ =	task [dreg:s8], $0x5FFFF  }
0xad: {  	[dreg:$0x1] =	wrdreg $0xFFFFFFFF  }
0xae: {  	[dreg:$0x0] =	wrdreg $0x60  }
0xaf: {  	[dreg:$0x2] =	wrdreg s2  }
0xb0: {  	[dreg:$0x3] =	wrdreg s24  }
0xb1: {  	[dreg:$0x4] =	wrdreg s18  }
0xb2: {  	[dreg:$0x5] =	wrdreg $0x9  }
0xb3: {  	_ =	task.clear_ibuf [dreg:s8], $0x6FFFF;
	_ =	strace $0x9000004F  }
0xb4: {  	s29 =	simm.s32 $0x9;
	_ =	strace $0x80000051  }
0xb5: {  	_ =	swait.ge [sflag:s29], $0x1  }
0xb6: {  	[sflag:s29] =	ssyncadd.s32 $0xFFFFFFFF  }
0xb7: {  	_ =	strace $0x90000051  }
0xb8: {  	_ =	sfence  }
0xb9: {  	s30 =	sld [smem:$0x0];
	_ =	sdelay $0x2  }
0xba: {  	s31 =	sshll.u32 s1, $0xD;
	s1 =	sshrl.u32 s1, $0x2  }
0xbb: {  	s3 =	sand.u32 $0x4000, s31;
	s1 =	sadd.s32 s1, s30  }
0xbc: {  	s0 =	sor.u32 s3, s0;
	s1 =	sshll.u32 s1, $0x11  }
0xbd: {  	s0 =	sor.u32 s1, s0  }
0xbe: {  	s0 =	sadd.s32 $0x8F2B, s0  }
0xbf: {  	[sflag:s0] =	ssyncadd.remote.s32 $0x1  }
0xc0: {  	_ =	sfence.sel $0xFFFF  }
0xc1: {  	[dreg:$0x0] =	wrdreg $0xFFFFFFFF;
	(pc) =	sbr.abs _section_cstart, $3  }
0xc2: {  	[dreg:$0x1] =	wrdreg $0xFFFFFFFF  }
0xc3: {  	_ =	task.clear_ibuf [dreg:s8], $0x2FFFF;
	_ =	strace $0x9FFFFFFF  }
0xc4: {  	(tm) =	ssettm $0x7FFFFFFF  }
0xc5: {  	_ =	shalt  }
tec
execute0_lowered:
.L_overlay_start_1:
0x0: {  	(tag) =	ssettag $0x1  }
0x1: {  	s0 =	rddreg [dreg:$0x0]  }
0x2: {  	s2 =	rddreg [dreg:$0x1]  }
0x3: {  	s1 =	rddreg [dreg:$0x2]  }
0x4: {  	s3 =	srdreg.scid;
	s11 =	stileid.u32;
	s30 =	simm.s32 $0x80  }
0x5: {  	s31 =	simm.s32 $0x11180;
	s28 =	simm.s32 $0x11100;
	s29 =	simm.s32 $0x0  }
0x6: {  	s5 =	sand.u32 $0x1, s3;
	s3 =	simm.s32 $0x0;
	s7 =	smul.u32 $0xC8, s11  }
0x7: {  	s4 =	sadd.s32 $0x288C00, s2;
	s8 =	sshll.u32 s11, $0x8;
	s6 =	smul.u32 $0x61A8, s5  }
0x8: {  	s17 =	sshll.u32 s11, $0x6;
	p0 =	sgt.u32 s11, $0xC;
	[smem:$0x7FF] =	sst s3  }
0x9: {  	s5 =	ssub.s32 $0x2, s5;
	s2 =	sadd.s32 s8, s2;
	s7 =	sadd.s32 s7, s6  }
0xa: {  	_ =	strace $0x80000050;
	s9 =	sshrl.u32 s5, $0x1;
	s10 =	sshll.u32 s7, $0x4  }
0xb: {  	s5 =	ssub.s32 s5, s9;
	s13 =	sadd.s32 $0x61A8, s6;
	s7 =	sadd.s32 s0, s10  }
0xc: {  	s16 =	sadd.s32 s1, s10;
	s18 =	sadd.s32 $0xC800, s10;
	s20 =	sadd.s32 $0x19000, s10  }
0xd: {  	s22 =	sadd.s32 $0x25800, s10;
	s24 =	sadd.s32 $0x32000, s10;
	s25 =	sadd.s32 $0x3E800, s10  }
0xe: {  	s26 =	sadd.s32 $0x4B000, s10;
	s12 =	sadd.s32 $0x57800, s10;
	[dreg:$0x4] =	wrdreg s7  }
0xf: {  	[dreg:$0x5] =	wrdreg s16;
	s7 =	sor.u32 $0x1C02, s17;
	s19 =	sadd.s32 s0, s18  }
0x10: {  	s8 =	sadd.s32 s1, s18;
	s21 =	sadd.s32 s0, s20;
	s9 =	sadd.s32 s1, s20  }
0x11: {  	s23 =	sadd.s32 s0, s22;
	s14 =	sadd.s32 s0, s24;
	s15 =	sadd.s32 s1, s24  }
0x12: {  	s16 =	sadd.s32 s0, s25;
	s17 =	sadd.s32 s1, s25;
	[dreg:$0x6] =	wrdreg s19  }
0x13: {  	s18 =	sadd.s32 s0, s26;
	s20 =	sadd.s32 s0, s12;
	[dreg:$0x7] =	wrdreg s8  }
.Ltmp0:
0x14: {  	s24 =	sadd.s32 $0x4E00, s2;
	[dreg:$0x8] =	wrdreg s21;
	(pc) =	sbr.rel .LBB2_1-.Ltmp0, $4  }
0x15: {  	s25 =	smax.u32 s5, $0x1;
	s0 =	simm.s32 $0x11200;
	[dreg:$0x9] =	wrdreg s9  }
0x16: {  	[dreg:$0xa] =	wrdreg s23;
	s8 =	sadd.s32 s1, s22;
	s19 =	sadd.s32 s1, s26  }
0x17: {  	v2 =	vimm.s32 $0x0;
	s21 =	sadd.s32 s1, s12;
	s22 =	sadd.s32 $0x2E00, s2;
	s23 =	sadd.s32 $0x2E80, s2  }
0x18: {  	v3 =	vlaneseq.u32;
	v0 =	vmov s6;
	v1 =	vmov s13;
	s26 =	simm.s32 $0x2;
	s2 =	simm.s32 $0x1;
	[dreg:$0xb] =	wrdreg s8  }
.LBB2_6:
0x19: {  	[tilespmem:s0], [sflag:$0x1] =	stream.indirect.gather [hbm4b:s4+s30], $0x80, s31, s30, $0xb8;
	[tilespmem:$0x15200] =	vst v63  }
0x1a: {  	_ =	swait.ge [sflag:s2], $0x4000  }
0x1b: {  	[sflag:s2] =	ssyncset.done $0x0  }
0x1c: {  	[sflag:s2] =	ssyncadd.s32 $0xFFFFC000  }
0x1d: {  	[hbm4b:s1+s30] =	stream.indirect.scatter [tilespmem:s0], [sflag:$0x1], $0x80, s28, s30, $0xb8;
	[tilespmem:$0x15200] =	vst v63  }
0x1e: {  	_ =	swait.ge [sflag:s2], $0x4000  }
0x1f: {  	[sflag:s2] =	ssyncset.done $0x0  }
0x20: {  	[sflag:s2] =	ssyncadd.s32 $0xFFFFC000  }
.LBB2_7:
0x21: {  	s29 =	sadd.s32 $0x1, s29  }
0x22: {  	p1 =	sne.s32 s29, s25  }
.Ltmp1:
0x23: {  	_ = 	snop;
	(pc) =	sbr.rel @!p1 .LBB2_8-.Ltmp1, $1  }
0x24: {  	_ =	sdelay $0x3  }
.LBB2_1:
0x25: {  	s5 =	rddreg [dreg:$0x4]  }
0x26: {  	s6 =	rddreg [dreg:$0x5]  }
0x27: {  	[hbm:s6], [sflag:s7] =	dma.local [hbm:s5], $0xC80  }
0x28: {  	_ =	swait.ge [sflag:s26], $0xC80  }
0x29: {  	[sflag:s26] =	ssyncset.done $0x0;
	s8 =	rddreg [dreg:$0x6]  }
0x2a: {  	s9 =	rddreg [dreg:$0x7];
	[sflag:s26] =	ssyncadd.s32 $0xFFFFF380  }
0x2b: {  	[hbm:s9], [sflag:s7] =	dma.local [hbm:s8], $0xC80  }
0x2c: {  	_ =	swait.ge [sflag:s26], $0xC80  }
0x2d: {  	[sflag:s26] =	ssyncset.done $0x0;
	s10 =	rddreg [dreg:$0x8]  }
0x2e: {  	s11 =	rddreg [dreg:$0x9];
	[sflag:s26] =	ssyncadd.s32 $0xFFFFF380  }
0x2f: {  	[hbm:s11], [sflag:s7] =	dma.local [hbm:s10], $0xC80  }
0x30: {  	_ =	swait.ge [sflag:s26], $0xC80  }
0x31: {  	[sflag:s26] =	ssyncset.done $0x0;
	s12 =	rddreg [dreg:$0xa]  }
0x32: {  	s13 =	rddreg [dreg:$0xb];
	[sflag:s26] =	ssyncadd.s32 $0xFFFFF380  }
0x33: {  	[hbm:s13], [sflag:s7] =	dma.local [hbm:s12], $0xC80  }
0x34: {  	_ =	swait.ge [sflag:s26], $0xC80  }
0x35: {  	[sflag:s26] =	ssyncset.done $0x0  }
0x36: {  	[sflag:s26] =	ssyncadd.s32 $0xFFFFF380  }
0x37: {  	[hbm:s15], [sflag:s7] =	dma.local [hbm:s14], $0xC80  }
0x38: {  	_ =	swait.ge [sflag:s26], $0xC80  }
0x39: {  	[sflag:s26] =	ssyncset.done $0x0  }
0x3a: {  	[sflag:s26] =	ssyncadd.s32 $0xFFFFF380  }
0x3b: {  	[hbm:s17], [sflag:s7] =	dma.local [hbm:s16], $0xC80  }
0x3c: {  	_ =	swait.ge [sflag:s26], $0xC80  }
0x3d: {  	[sflag:s26] =	ssyncset.done $0x0  }
0x3e: {  	[sflag:s26] =	ssyncadd.s32 $0xFFFFF380  }
0x3f: {  	[hbm:s19], [sflag:s7] =	dma.local [hbm:s18], $0xC80  }
0x40: {  	_ =	swait.ge [sflag:s26], $0xC80  }
0x41: {  	[sflag:s26] =	ssyncset.done $0x0  }
0x42: {  	s5 =	simm.s32 @!p0 $0x2;
	[sflag:s26] =	ssyncadd.s32 $0xFFFFF380  }
0x43: {  	[hbm:s21], [sflag:s7] =	dma.local @!p0 [hbm:s20], $0xC80  }
0x44: {  	_ =	swait.ge @!p0 [sflag:s5], $0xC80  }
0x45: {  	[sflag:s5] =	ssyncset.done @!p0 $0x0  }
0x46: {  	[sflag:s5] =	ssyncadd.s32 @!p0 $0xFFFFF380  }
0x47: {  	[bflag:$0x0] =	sbarrier.arrive $0xFFFF  }
0x48: {  	[tilespmem:s3], [sflag:$0x2] =	stream.linear.gather [hbm4b:s22+s3], $0x400, $0x38;
	[tilespmem:$0x15200] =	vst v63  }
0x49: {  	_ =	swait.ge [sflag:s26], $0x400  }
0x4a: {  	[sflag:s26] =	ssyncset.done $0x0  }
0x4b: {  	s8 =	simm.s32 $0x400;
	[sflag:s26] =	ssyncadd.s32 $0xFFFFFC00  }
0x4c: {  	[tilespmem:s8], [sflag:$0x2] =	stream.linear.gather [hbm4b:s23+s3], $0x400, $0x38;
	[tilespmem:$0x15200] =	vst v63  }
0x4d: {  	_ =	swait.ge [sflag:s26], $0x400  }
0x4e: {  	s10 =	simm.s32 $0x0;
	[sflag:s26] =	ssyncset.done $0x0  }
0x4f: {  	s9 =	simm.s32 $0x800;
	s6 =	sand.u32 $0x380, s10;
	[sflag:s26] =	ssyncadd.s32 $0xFFFFFC00  }
0x50: {  	[tilespmem:s9], [sflag:$0x2] =	stream.linear.gather [hbm4b:s24+s3], $0x800, $0x38;
	[tilespmem:$0x15200] =	vst v63  }
0x51: {  	p1 =	por $0x1, $0x1;
	s8 =	sor.u32 $0x400, s6;
	_ =	swait.ge [sflag:s26], $0x800  }
0x52: {  	s8 =	smov.u32 @p1 s6;
	s9 =	sand.u32 $0x70, s3;
	[sflag:s26] =	ssyncset.done $0x0  }
0x53: {  	s6 =	sor.u32 s9, s8;
	[sflag:s26] =	ssyncadd.s32 $0xFFFFF800  }
0x54: {  	v4 =	vld [tilespmem:s6+$0x0]  }
0x55: {  	s5 =	sand.u32 $0x3FFFFF80, s10  }
0x56: {  	s5 =	sor.u32 s9, s5  }
0x57: {  	v5 =	vld [tilespmem:s5+$0x800];
	_ =	sdelay $0x1  }
0x58: {  	vm0 =	vge.s32 v4, v0;
	vm1 =	vlt.s32 v4, v1  }
0x59: {  	vm0 =	vmand vm0, vm1  }
0x5a: {  	[tilespmem:s3+$0x1000] =	vst.msk vm0, v4  }
0x5b: {  	[tilespmem:s3+$0x9080] =	vst.msk vm0, v5;
	v5 =	vsel vm0, $0x1, v2  }
0x5c: {  	(xrf0) =	vadd.scan.msk.s32 $0xffff, v5;
	_ =	sdelay $0x3  }
0x5d: {  	s11 =	simm.s32 $0x10  }
0x5e: {  	s6 =	sand.u32 $0x380, s11  }
0x5f: {  	s12 =	simm.s32 $0x10;
	p1 =	por $0x1, $0x1;
	s9 =	sor.u32 $0x400, s6;
	v5, _, _ =	vpop (xrf0)  }
0x60: {  	s8 =	sand.u32 $0x70, s12;
	s9 =	smov.u32 @p1 s6;
	(v2sf) =	vpush v5, $0xF  }
0x61: {  	s6 =	sor.u32 s8, s9  }
0x62: {  	v4 =	vld [tilespmem:s6+$0x0];
	_ =	sdelay $0x4  }
0x63: {  	vm0 =	vge.s32 v4, v0;
	vm1 =	vlt.s32 v4, v1  }
0x64: {  	vm0 =	vmand vm0, vm1  }
0x65: {  	v6 =	vsel vm0, $0x1, v2  }
0x66: {  	(xrf0) =	vadd.scan.msk.s32 $0xffff, v6  }
0x67: {  	s5 =	sand.u32 $0x3FFFFF80, s11  }
0x68: {  	s13 =	sor.u32 s8, s5  }
0x69: {  	s10 =	simm.s32 $0x3;
	s5 =	simm.s32 $0x20;
	v5 =	vld [tilespmem:s13+$0x800]  }
0x6a: {  	s9 =	simm.s32 $0x2;
	s8 =	simm.s32 $0x0;
	s6 =	simm.s32 $0x20  }
.LBB2_2:
0x6b: {  	p1 =	sne.s32 s10, $0x7F;
	s11 =	sand.u32 $0x380, s5;
	s12 =	spop (v2sf)  }
0x6c: {  	p2 =	slt.u32 s9, $0x40;
	s13 =	sor.u32 $0x400, s11;
	v6, _, _ =	vpop (xrf0);
	s8 =	sadd.s32 s8, s12  }
0x6d: {  	s9 =	smov.u32 s10;
	s12 =	sand.u32 $0x70, s6;
	s13 =	smov.u32 @p2 s11;
	[tilespmem:s8+$0x1000] =	vst.msk vm0, v4;
	(v2sf) =	vpush v6, $0xF  }
0x6e: {  	s11 =	sor.u32 s12, s13;
	[tilespmem:s8+$0x9080] =	vst.msk vm0, v5  }
0x6f: {  	v4 =	vld [tilespmem:s11+$0x0];
	_ =	sdelay $0x4  }
0x70: {  	vm0 =	vge.s32 v4, v0;
	vm1 =	vlt.s32 v4, v1  }
0x71: {  	vm0 =	vmand vm0, vm1  }
0x72: {  	v5 =	vsel vm0, $0x1, v2  }
.Ltmp2:
0x73: {  	(xrf0) =	vadd.scan.msk.s32 $0xffff, v5;
	(pc) =	sbr.rel @p1 .LBB2_2-.Ltmp2, $4  }
0x74: {  	s5 =	sand.u32 $0x3FFFFF80, s5  }
0x75: {  	s5 =	sor.u32 s12, s5  }
0x76: {  	v5 =	vld [tilespmem:s5+$0x800]  }
0x77: {  	s10 =	sadd.s32 $0x1, s10;
	s6 =	sadd.s32 $0x10, s6;
	s5 =	sshll.u32 s9, $0x4  }
0x78: {  	s10 =	sand.u32 $0x380, s5;
	s11 =	spop (v2sf)  }
0x79: {  	p1 =	slt.u32 s9, $0x40;
	s9 =	sor.u32 $0x400, s10;
	s8 =	sadd.s32 s8, s11  }
0x7a: {  	s6 =	sand.u32 $0x70, s6;
	s9 =	smov.u32 @p1 s10;
	[tilespmem:s8+$0x1000] =	vst.msk vm0, v4  }
0x7b: {  	s9 =	sor.u32 s6, s9;
	[tilespmem:s8+$0x9080] =	vst.msk vm0, v5  }
0x7c: {  	v4 =	vld [tilespmem:s9+$0x0];
	_ =	sdelay $0x4  }
0x7d: {  	vm15 =	vge.s32 v4, v0;
	vm1 =	vlt.s32 v4, v1  }
0x7e: {  	vm0 =	vmand vm15, vm1  }
0x7f: {  	v5 =	vsel vm0, $0x1, v2  }
0x80: {  	(xrf0) =	vadd.scan.msk.s32 $0xffff, v5;
	_ =	sdelay $0x4  }
0x81: {  	v5, _, _ =	vpop (xrf0)  }
0x82: {  	(v2sf) =	vpush v5, $0xF;
	v5, _, _ =	vpop (xrf0)  }
0x83: {  	(v2sf) =	vpush v5, $0xF;
	_ =	sdelay $0xd  }
0x84: {  	s11 =	spop (v2sf)  }
0x85: {  	s8 =	sadd.s32 s8, s11;
	s12 =	spop (v2sf)  }
0x86: {  	s9 =	sadd.s32 s8, s12  }
0x87: {  	p1 =	slt.s32 s9, $0x1  }
0x88: {  	s10 =	sadd.s32 @!p1 $0x7F, s9  }
0x89: {  	s11 =	sand.u32 @!p1 $0x7F, s10  }
0x8a: {  	p2 =	slt.s32 @!p1 s10, $0x0;
	p3 =	sne.s32 @!p1 s11, $0x0  }
0x8b: {  	s13 =	sand.u32 $0x3FFFFF80, s5;
	s11 =	sshra.s32 @!p1 s10, $0x1F;
	p2 =	por @!p1 !p2, !p3  }
0x8c: {  	s5 =	sor.u32 s6, s13;
	s6 =	sshrl.u32 @!p1 s11, $0x19;
	p2 =	por @!p1 !p2, !p2  }
0x8d: {  	v5 =	vld [tilespmem:s5+$0x800];
	s5 =	sadd.s32 @!p1 s6, s10;
	s6 =	simm.s32 @!p1 $0x1;
	p2 =	por !p2, p1  }
0x8e: {  	s5 =	sshra.s32 @!p1 s5, $0x7;
	s6 =	simm.s32 @p2 $0x0  }
0x8f: {  	s5 =	ssub.s32 @!p1 s5, s6  }
0x90: {  	p2 =	slt.s32 @!p1 s5, $0x1  }
0x91: {  	p2 =	por p1, p2  }
.Ltmp3:
0x92: {  	_ = 	snop;
	(pc) =	sbr.rel @p2 .LBB2_7-.Ltmp3, $3  }
0x93: {  	_ =	sdelay $0x1  }
0x94: {  	[tilespmem:s8+$0x1000] =	vst.msk vm0, v4  }
0x95: {  	[tilespmem:s8+$0x9080] =	vst.msk vm0, v5  }
0x96: {  	v4 =	vld @!p1 [tilespmem:$0x9080]  }
0x97: {  	v6 =	vld @!p1 [tilespmem:$0x1000];
	s6 =	simm.s32 $0x90C0  }
0x98: {  	s8 =	simm.s32 $0x1040;
	v7 =	vld [tilespmem:s6+$0xFFFFFFC0]  }
0x99: {  	v8 =	vld [tilespmem:s8+$0xFFFFFFC0]  }
0x9a: {  	v9 =	vimm.s32 @!p1 $0x0;
	s10 =	simm.s32 $0x0  }
0x9b: {  	v5 =	vmov s9;
	v10 =	vor.u32 s10, v3;
	v4 =	vperm.xlane @!p1 v4, v9  }
0x9c: {  	vm0 =	vlt.s32 v10, v5;
	v6 =	vperm.xlane @!p1 v6, v9  }
0x9d: {  	v7 =	vsel vm0, v7, v4  }
0x9e: {  	v8 =	vsel vm0, v8, v6;
	[tilespmem:$0x11180] =	vst v7  }
0x9f: {  	[tilespmem:$0x11100] =	vst v8  }
0xa0: {  	v7 =	vld [tilespmem:s8+$0xFFFFFFD0]  }
0xa1: {  	v8 =	vld [tilespmem:s6+$0xFFFFFFD0]  }
0xa2: {  	s11 =	simm.s32 $0x10  }
0xa3: {  	v57 =	vor.u32 s11, v3  }
0xa4: {  	vm9 =	vlt.s32 v57, v5  }
0xa5: {  	v7 =	vsel vm9, v7, v6  }
0xa6: {  	v8 =	vsel vm9, v8, v4;
	[tilespmem:$0x11110] =	vst v7  }
0xa7: {  	[tilespmem:$0x11190] =	vst v8  }
0xa8: {  	v7 =	vld [tilespmem:s8+$0xFFFFFFE0]  }
0xa9: {  	v8 =	vld [tilespmem:s6+$0xFFFFFFE0]  }
0xaa: {  	s12 =	simm.s32 $0x20  }
0xab: {  	v58 =	vor.u32 s12, v3  }
0xac: {  	vm10 =	vlt.s32 v58, v5  }
0xad: {  	v7 =	vsel vm10, v7, v6  }
0xae: {  	v8 =	vsel vm10, v8, v4;
	[tilespmem:$0x11120] =	vst v7  }
0xaf: {  	[tilespmem:$0x111A0] =	vst v8  }
0xb0: {  	v7 =	vld [tilespmem:s8+$0xFFFFFFF0]  }
0xb1: {  	v8 =	vld [tilespmem:s6+$0xFFFFFFF0]  }
0xb2: {  	s13 =	simm.s32 $0x30  }
0xb3: {  	v59 =	vor.u32 s13, v3  }
0xb4: {  	vm11 =	vlt.s32 v59, v5  }
0xb5: {  	v7 =	vsel vm11, v7, v6  }
0xb6: {  	v8 =	vsel vm11, v8, v4;
	[tilespmem:$0x11130] =	vst v7  }
0xb7: {  	[tilespmem:$0x111B0] =	vst v8  }
0xb8: {  	v7 =	vld [tilespmem:s8+$0x0]  }
0xb9: {  	v8 =	vld [tilespmem:s6+$0x0]  }
0xba: {  	s10 =	simm.s32 $0x40  }
0xbb: {  	v60 =	vor.u32 s10, v3  }
0xbc: {  	vm12 =	vlt.s32 v60, v5  }
0xbd: {  	v7 =	vsel vm12, v7, v6  }
0xbe: {  	v8 =	vsel vm12, v8, v4;
	[tilespmem:$0x11140] =	vst v7  }
0xbf: {  	[tilespmem:$0x111C0] =	vst v8  }
0xc0: {  	v7 =	vld [tilespmem:s8+$0x10]  }
0xc1: {  	v8 =	vld [tilespmem:s6+$0x10]  }
0xc2: {  	s11 =	simm.s32 $0x50  }
0xc3: {  	v61 =	vor.u32 s11, v3  }
0xc4: {  	vm13 =	vlt.s32 v61, v5  }
0xc5: {  	v7 =	vsel vm13, v7, v6  }
0xc6: {  	v8 =	vsel vm13, v8, v4;
	[tilespmem:$0x11150] =	vst v7  }
0xc7: {  	[tilespmem:$0x111D0] =	vst v8  }
0xc8: {  	v7 =	vld [tilespmem:s8+$0x20]  }
0xc9: {  	v8 =	vld [tilespmem:s6+$0x20]  }
0xca: {  	s12 =	simm.s32 $0x60  }
0xcb: {  	v62 =	vor.u32 s12, v3  }
0xcc: {  	vm14 =	vlt.s32 v62, v5  }
0xcd: {  	v7 =	vsel vm14, v7, v6  }
0xce: {  	v8 =	vsel vm14, v8, v4;
	[tilespmem:$0x11160] =	vst v7  }
0xcf: {  	[tilespmem:$0x111E0] =	vst v8  }
0xd0: {  	v7 =	vld [tilespmem:s8+$0x30]  }
0xd1: {  	v8 =	vld [tilespmem:s6+$0x30]  }
0xd2: {  	s13 =	simm.s32 $0x70;
	p1 =	sne.s32 s5, $0x1  }
.Ltmp4:
0xd3: {  	v63 =	vor.u32 s13, v3;
	(pc) =	sbr.rel @!p1 .LBB2_6-.Ltmp4, $4  }
0xd4: {  	vm15 =	vlt.s32 v63, v5  }
0xd5: {  	v7 =	vsel vm15, v7, v6  }
0xd6: {  	s9 =	simm.s32 $0x9140;
	v8 =	vsel vm15, v8, v4;
	[tilespmem:$0x11170] =	vst v7  }
0xd7: {  	s5 =	sadd.s32 $0xFFFFFFFF, s5;
	s6 =	simm.s32 $0xF0;
	s8 =	simm.s32 $0x10C0;
	[tilespmem:$0x111F0] =	vst v8  }
.LBB2_5:
0xd8: {  	[tilespmem:s0], [sflag:$0x1] =	stream.indirect.gather [hbm4b:s4+s30], $0x80, s31, s30, $0xb8;
	[tilespmem:$0x15200] =	vst v63  }
0xd9: {  	p1 =	sne.s32 s5, $0x1;
	s5 =	sadd.s32 $0xFFFFFFFF, s5;
	_ =	swait.ge [sflag:s2], $0x4000  }
0xda: {  	[sflag:s2] =	ssyncset.done $0x0  }
0xdb: {  	[sflag:s2] =	ssyncadd.s32 $0xFFFFC000  }
0xdc: {  	[hbm4b:s1+s30] =	stream.indirect.scatter [tilespmem:s0], [sflag:$0x1], $0x80, s28, s30, $0xb8;
	[tilespmem:$0x15200] =	vst v63  }
0xdd: {  	_ =	swait.ge [sflag:s2], $0x4000  }
0xde: {  	[sflag:s2] =	ssyncset.done $0x0  }
0xdf: {  	[sflag:s2] =	ssyncadd.s32 $0xFFFFC000  }
0xe0: {  	v7 =	vld [tilespmem:s9+$0xFFFFFFC0]  }
0xe1: {  	v8 =	vld [tilespmem:s8+$0xFFFFFFC0]  }
0xe2: {  	s10 =	sadd.s32 $0xFFFFFF90, s6  }
0xe3: {  	v9 =	vor.u32 s10, v3  }
0xe4: {  	vm0 =	vlt.s32 v9, v5  }
0xe5: {  	v7 =	vsel vm0, v7, v4  }
0xe6: {  	v8 =	vsel vm0, v8, v6;
	[tilespmem:$0x11180] =	vst v7  }
0xe7: {  	[tilespmem:$0x11100] =	vst v8  }
0xe8: {  	v7 =	vld [tilespmem:s8+$0xFFFFFFD0]  }
0xe9: {  	v8 =	vld [tilespmem:s9+$0xFFFFFFD0]  }
0xea: {  	s10 =	sadd.s32 $0xFFFFFFA0, s6  }
0xeb: {  	v9 =	vor.u32 s10, v3  }
0xec: {  	vm0 =	vlt.s32 v9, v5  }
0xed: {  	v7 =	vsel vm0, v7, v6  }
0xee: {  	v8 =	vsel vm0, v8, v4;
	[tilespmem:$0x11110] =	vst v7  }
0xef: {  	[tilespmem:$0x11190] =	vst v8  }
0xf0: {  	v7 =	vld [tilespmem:s8+$0xFFFFFFE0]  }
0xf1: {  	s10 =	sadd.s32 $0xFFFFFFB0, s6;
	v8 =	vld [tilespmem:s9+$0xFFFFFFE0]  }
0xf2: {  	v9 =	vor.u32 s10, v3  }
0xf3: {  	vm0 =	vlt.s32 v9, v5;
	_ =	sdelay $0x1  }
0xf4: {  	v7 =	vsel vm0, v7, v6  }
0xf5: {  	v8 =	vsel vm0, v8, v4;
	[tilespmem:$0x11120] =	vst v7  }
0xf6: {  	[tilespmem:$0x111A0] =	vst v8  }
0xf7: {  	s10 =	sadd.s32 $0xFFFFFFC0, s6;
	v7 =	vld [tilespmem:s8+$0xFFFFFFF0]  }
0xf8: {  	v8 =	vor.u32 s10, v3;
	v9 =	vld [tilespmem:s9+$0xFFFFFFF0]  }
0xf9: {  	vm0 =	vlt.s32 v8, v5;
	_ =	sdelay $0x2  }
0xfa: {  	v7 =	vsel vm0, v7, v6  }
0xfb: {  	v8 =	vsel vm0, v9, v4;
	[tilespmem:$0x11130] =	vst v7  }
0xfc: {  	s10 =	sadd.s32 $0xFFFFFFD0, s6;
	[tilespmem:$0x111B0] =	vst v8  }
0xfd: {  	v7 =	vor.u32 s10, v3;
	v8 =	vld [tilespmem:s8+$0x0]  }
0xfe: {  	vm0 =	vlt.s32 v7, v5;
	v7 =	vld [tilespmem:s9+$0x0];
	_ =	sdelay $0x3  }
0xff: {  	v8 =	vsel vm0, v8, v6  }
0x100: {  	s10 =	sadd.s32 $0xFFFFFFE0, s6;
	v7 =	vsel vm0, v7, v4;
	[tilespmem:$0x11140] =	vst v8  }
0x101: {  	[tilespmem:$0x111C0] =	vst v7;
	v7 =	vor.u32 s10, v3  }
0x102: {  	vm0 =	vlt.s32 v7, v5;
	v7 =	vld [tilespmem:s8+$0x10]  }
0x103: {  	v8 =	vld [tilespmem:s9+$0x10];
	_ =	sdelay $0x3  }
0x104: {  	s10 =	sadd.s32 $0xFFFFFFF0, s6;
	v7 =	vsel vm0, v7, v6  }
0x105: {  	v8 =	vsel vm0, v8, v4;
	[tilespmem:$0x11150] =	vst v7;
	v7 =	vor.u32 s10, v3  }
0x106: {  	[tilespmem:$0x111D0] =	vst v8;
	vm0 =	vlt.s32 v7, v5  }
0x107: {  	v7 =	vld [tilespmem:s8+$0x20]  }
0x108: {  	v8 =	vld [tilespmem:s9+$0x20];
	_ =	sdelay $0x3  }
0x109: {  	v9 =	vor.u32 s6, v3;
	v7 =	vsel vm0, v7, v6  }
0x10a: {  	v8 =	vsel vm0, v8, v4;
	[tilespmem:$0x11160] =	vst v7;
	vm0 =	vlt.s32 v9, v5  }
0x10b: {  	[tilespmem:$0x111E0] =	vst v8  }
0x10c: {  	v7 =	vld [tilespmem:s8+$0x30]  }
0x10d: {  	v8 =	vld [tilespmem:s9+$0x30];
	_ =	sdelay $0x1  }
.Ltmp5:
0x10e: {  	(pc) =	sbr.rel @p1 .LBB2_5-.Ltmp5, $4  }
0x10f: {  	_ = 	snop  }
0x110: {  	v7 =	vsel vm0, v7, v6  }
0x111: {  	v8 =	vsel vm0, v8, v4;
	[tilespmem:$0x11170] =	vst v7  }
0x112: {  	s6 =	sadd.s32 $0x80, s6;
	s8 =	sadd.s32 $0x80, s8;
	s9 =	sadd.s32 $0x80, s9;
	[tilespmem:$0x111F0] =	vst v8  }
.Ltmp6:
0x113: {  	_ = 	snop;
	(pc) =	sbr.rel .LBB2_6-.Ltmp6, $1  }
0x114: {  	_ =	sdelay $0x3  }
.LBB2_8:
0x115: {  	_ =	sfence.sel $0x180000  }
0x116: {  	[bflag:$0x0] =	sbarrier.arrive $0xFFFF  }
0x117: {  	_ =	strace $0x90000050  }
0x118: {  	s0 =	stileid.u32;
	[bflag:$0x2] =	sbarrier.arrive $0xFFFF  }
0x119: {  	p0 =	sne.s32 s0, $0x0;
	s0 =	rddreg [dreg:$0x3]  }
0x11a: {  	s0 =	sadd.s32 @!p0 $0x100000, s0  }
0x11b: {  	[sflag:s0] =	ssyncadd.tile.s32 @!p0 $0x1;
	_ =	shalt  }
.Lfunc_end2:
_tile_overlayer_lowered:
.L_overlay_start_2:
0x11c: {  	(tag) =	ssettag $0x2  }
0x11d: {  	s0 =	rddreg [dreg:$0x0];
	s2 =	stileid.u32  }
0x11e: {  	s1 =	rddreg [dreg:$0x1];
	p0 =	sne.s32 s2, $0x0  }
0x11f: {  	s3 =	rddreg [dreg:$0x2];
	[bflag:$0x3] =	sbarrier.arrive $0xFFFF;
	s2 =	simm.s32 @!p0 $0x1C02  }
0x120: {  	[timem:s3], [sflag:s2] =	dma.local @!p0 [hbm:s0], s1  }
0x121: {  	s0 =	simm.s32 @!p0 $0x2  }
0x122: {  	_ =	swait.ge @!p0 [sflag:s0], s1  }
0x123: {  	s1 =	ssub.s32 @!p0 $0x0, s1;
	[sflag:s0] =	ssyncset.done @!p0 $0x0  }
0x124: {  	[sflag:s0] =	ssyncadd.s32 @!p0 s1  }
0x125: {  	[bflag:$0x3] =	sbarrier.arrive $0xFFFF  }
0x126: {  	_ =	shalt  }

</sc_bundles>
